<compile_context>
chip_gen: v7x
topology: tpu7x:2x2x1
jax: 0.10.2.dev20260603
libtpu: 0.0.44.dev20260713+nightly
codegen_flags: <defaults>
</compile_context>

<pallas_src>
import jax
import jax.numpy as jnp
from jax import lax
from jax.experimental import pallas as pl
from jax.experimental.pallas import tpu as pltpu
from jax.experimental.pallas import tpu_sc as plsc

B, S, D = 1, 2048, 1024
H, DH = 16, 64
CHUNK_LEN = 128
N_HASHES = 2
N_BUCKETS = 32
NCH = (N_HASHES * S) // CHUNK_LEN
NC, NS, L = 2, 16, 16
PK = 2 * DH

_F32 = jnp.float32
_I32 = jnp.int32
_SC_PARAMS = pltpu.CompilerParams(needs_layout_passes=False)


_HPT = 4


def _proj_body(x_ref, w_ref, rotT_ref, out_ref, bkt_ref):
    qkv = jnp.dot(x_ref[...], w_ref[...], preferred_element_type=_F32)
    out_ref[...] = qkv
    iota = lax.broadcasted_iota(_I32, (N_BUCKETS, S), 0)
    for j in range(_HPT):
        qkT = qkv[:, j * PK:j * PK + DH].T
        rrT = jnp.dot(rotT_ref[j], qkT, preferred_element_type=_F32)
        for hh in range(N_HASHES):
            r = rrT[hh * 16:(hh + 1) * 16, :]
            full = jnp.concatenate([r, -r], axis=0)
            m = jnp.max(full, axis=0, keepdims=True)
            idx = jnp.min(jnp.where(full == m, iota, N_BUCKETS), axis=0,
                          keepdims=True)
            bkt_ref[j, hh:hh + 1, :] = idx


def _proj_hash(x2, Wcat, rotT):
    ntile = H // _HPT
    tile = _HPT * PK
    return pl.pallas_call(
        _proj_body,
        grid=(ntile,),
        in_specs=[
            pl.BlockSpec((S, D), lambda t: (0, 0)),
            pl.BlockSpec((D, tile), lambda t: (0, t)),
            pl.BlockSpec((_HPT, N_BUCKETS, DH), lambda t: (t, 0, 0)),
        ],
        out_specs=[
            pl.BlockSpec((S, tile), lambda t: (0, t)),
            pl.BlockSpec((_HPT, N_HASHES, S), lambda t: (t, 0, 0)),
        ],
        out_shape=[
            jax.ShapeDtypeStruct((S, H * PK), _F32),
            jax.ShapeDtypeStruct((H, N_HASHES, S), _I32),
        ],
    )(x2, Wcat, rotT)


_NG = 8
_GR = S // _NG


def _sort_gather_body(bkt_hbm, qkv_hbm,
                      sqkv_hbm, st_hbm, pos_hbm,
                      b_v, st_v, pos_v, rank_v, cnt_v,
                      buf0, buf1, gsem0, gsem1):
    c = lax.axis_index("c")
    s = lax.axis_index("s")
    w = c * NS + s
    h = w // N_HASHES
    hh = w % N_HASHES
    pltpu.sync_copy(bkt_hbm.at[h, hh], b_v)
    iota16 = lax.broadcasted_iota(_I32, (L,), 0)
    zero16 = jnp.zeros((L,), _I32)
    cnt_v[pl.ds(0, L)] = zero16
    cnt_v[pl.ds(L, L)] = zero16

    def rank_body(ci, carry):
        bv = b_v[pl.ds(ci * L, L)]
        base = plsc.load_gather(cnt_v, [bv])
        run, last = plsc.scan_count(bv)
        rank_v[pl.ds(ci * L, L)] = base + run - 1
        plsc.store_scatter(cnt_v, [bv], base + run, mask=last)
        return carry

    lax.fori_loop(0, S // L, rank_body, 0)

    c0 = cnt_v[pl.ds(0, L)]
    c1 = cnt_v[pl.ds(L, L)]
    e0 = plsc.cumsum(c0) - c0
    e1 = plsc.cumsum(c1) - c1 + jnp.sum(c0)
    cnt_v[pl.ds(0, L)] = e0
    cnt_v[pl.ds(L, L)] = e1

    def pos_body(ci, carry):
        bv = b_v[pl.ds(ci * L, L)]
        off = plsc.load_gather(cnt_v, [bv])
        p = off + rank_v[pl.ds(ci * L, L)]
        pos_v[pl.ds(ci * L, L)] = p
        plsc.store_scatter(st_v, [p], ci * L + iota16)
        return carry

    lax.fori_loop(0, S // L, pos_body, 0)

    pltpu.sync_copy(st_v, st_hbm.at[h, hh])
    pltpu.sync_copy(pos_v, pos_hbm.at[h, hh])

    bufs = (buf0, buf1)
    sems = (gsem0, gsem1)
    gh = [None] * _NG
    for k in range(_NG):
        gh[k] = pltpu.async_copy(
            qkv_hbm.at[st_v.at[pl.ds(k * _GR, _GR)], pl.ds(h, 1)],
            bufs[k % 2], sems[k % 2])
        if k >= 1:
            gh[k - 1].wait()
            pltpu.sync_copy(
                bufs[(k - 1) % 2],
                sqkv_hbm.at[h, pl.ds(hh * S + (k - 1) * _GR, _GR)])
    gh[_NG - 1].wait()
    pltpu.sync_copy(bufs[(_NG - 1) % 2],
                    sqkv_hbm.at[h, pl.ds(hh * S + (_NG - 1) * _GR, _GR)])


def _sort_gather(bkt, qkvflat):
    mesh = plsc.VectorSubcoreMesh(core_axis_name="c", subcore_axis_name="s",
                                  num_cores=NC, num_subcores=NS)
    fn = pl.kernel(
        _sort_gather_body,
        out_type=[
            jax.ShapeDtypeStruct((H, N_HASHES * S, 1, PK), _F32),
            jax.ShapeDtypeStruct((H, N_HASHES, S), _I32),
            jax.ShapeDtypeStruct((H, N_HASHES, S), _I32),
        ],
        mesh=mesh,
        scratch_types=[
            pltpu.VMEM((S,), _I32),
            pltpu.VMEM((S,), _I32),
            pltpu.VMEM((S,), _I32),
            pltpu.VMEM((S,), _I32),
            pltpu.VMEM((N_BUCKETS,), _I32),
            pltpu.VMEM((_GR, 1, PK), _F32),
            pltpu.VMEM((_GR, 1, PK), _F32),
            pltpu.SemaphoreType.DMA,
            pltpu.SemaphoreType.DMA,
        ],
        compiler_params=_SC_PARAMS,
    )
    return fn(bkt, qkvflat)


_CPB = 8


def _attn_body(*refs):
    qrefs = refs[0:_CPB + 1]
    rrefs = refs[_CPB + 1:2 * _CPB + 2]
    crefs = refs[2 * _CPB + 2:3 * _CPB + 2]
    sol_ref = refs[-1]
    inv_sqrt_dh = 1.0 / (DH ** 0.5)

    def norm(t):
        return t * lax.rsqrt(jnp.mean(t * t, axis=1, keepdims=True) + 1e-6) \
            * inv_sqrt_dh

    nrm = [norm(r[0][:, 0:DH]) for r in qrefs]
    for j in range(_CPB):
        q = qrefs[j + 1][0][:, 0:DH]
        kv = jnp.concatenate([nrm[j], nrm[j + 1]], axis=0)
        bv = jnp.concatenate([qrefs[j][0][:, DH:PK],
                              qrefs[j + 1][0][:, DH:PK]], axis=0)
        dots = lax.dot_general(q, kv, (((1,), (1,)), ((), ())),
                               preferred_element_type=_F32)
        qi = crefs[j][0, 0]
        ki = jnp.concatenate([rrefs[j][0, 0], rrefs[j + 1][0, 0]],
                             axis=1)
        dots = dots + jnp.where(qi < ki, _F32(-1e9),
                                jnp.where(qi == ki, _F32(-1e5), _F32(0.0)))
        m = jnp.max(dots, axis=1, keepdims=True)
        expd = jnp.exp(dots - m)
        ssum = jnp.sum(expd, axis=1, keepdims=True)
        recip = 1.0 / ssum
        so = jnp.dot(expd, bv, preferred_element_type=_F32) * recip
        lse = m + jnp.log(ssum)
        sol_ref[0, j, :, 0:DH] = so
        sol_ref[0, j, :, DH:DH + 8] = jnp.broadcast_to(lse, (CHUNK_LEN, 8))


def _attention(sqkv, st_row, st_col):
    def at3(off):
        return lambda h, g: (h, (_CPB * g + off) % NCH, 0)

    def at4(off):
        return lambda h, g: (h, (_CPB * g + off) % NCH, 0, 0)

    qspecs = [pl.BlockSpec((1, CHUNK_LEN, PK), at3(off))
              for off in range(-1, _CPB)]
    rspecs = [pl.BlockSpec((1, 1, 1, CHUNK_LEN), at4(off))
              for off in range(-1, _CPB)]
    cspecs = [pl.BlockSpec((1, 1, CHUNK_LEN, 1), at4(off))
              for off in range(_CPB)]
    return pl.pallas_call(
        _attn_body,
        grid=(H, NCH // _CPB),
        in_specs=qspecs + rspecs + cspecs,
        out_specs=[
            pl.BlockSpec((1, _CPB, CHUNK_LEN, PK), lambda h, g: (h, g, 0, 0)),
        ],
        out_shape=[
            jax.ShapeDtypeStruct((H, NCH, CHUNK_LEN, PK), _F32),
        ],
    )(*([sqkv] * (_CPB + 1) + [st_row] * (_CPB + 1) + [st_col] * _CPB))[0]


def _unsort_body(sol_hbm, pos_hbm, o_hbm,
                 pos_v, idx_v, buf0, buf1, gsem0, gsem1):
    c = lax.axis_index("c")
    s = lax.axis_index("s")
    w = c * NS + s
    h = w // N_HASHES
    hh = w % N_HASHES
    pltpu.sync_copy(pos_hbm.at[h, hh], pos_v)
    base = h * (N_HASHES * S) + hh * S

    def idx_body(ci, carry):
        idx_v[pl.ds(ci * L, L)] = pos_v[pl.ds(ci * L, L)] + base
        return carry

    lax.fori_loop(0, S // L, idx_body, 0)

    bufs = (buf0, buf1)
    sems = (gsem0, gsem1)
    gh = [None] * _NG
    for k in range(_NG):
        gh[k] = pltpu.async_copy(
            sol_hbm.at[idx_v.at[pl.ds(k * _GR, _GR)]], bufs[k % 2],
            sems[k % 2])
        if k >= 1:
            gh[k - 1].wait()
            pltpu.sync_copy(bufs[(k - 1) % 2],
                            o_hbm.at[h, hh, pl.ds((k - 1) * _GR, _GR)])
    gh[_NG - 1].wait()
    pltpu.sync_copy(bufs[(_NG - 1) % 2],
                    o_hbm.at[h, hh, pl.ds((_NG - 1) * _GR, _GR)])


def _unsort(solflat, pos):
    mesh = plsc.VectorSubcoreMesh(core_axis_name="c", subcore_axis_name="s",
                                  num_cores=NC, num_subcores=NS)
    fn = pl.kernel(
        _unsort_body,
        out_type=[
            jax.ShapeDtypeStruct((H, N_HASHES, S, PK), _F32),
        ],
        mesh=mesh,
        scratch_types=[
            pltpu.VMEM((S,), _I32),
            pltpu.VMEM((S,), _I32),
            pltpu.VMEM((_GR, PK), _F32),
            pltpu.VMEM((_GR, PK), _F32),
            pltpu.SemaphoreType.DMA,
            pltpu.SemaphoreType.DMA,
        ],
        compiler_params=_SC_PARAMS,
    )
    return fn(solflat, pos)[0]


def _combine_body(o_ref, wout_ref, out_ref):
    h = pl.program_id(0)
    l0 = o_ref[0, 0, :, DH:DH + 1]
    l1 = o_ref[0, 1, :, DH:DH + 1]
    m = jnp.maximum(l0, l1)
    lse = m + jnp.log(jnp.exp(l0 - m) + jnp.exp(l1 - m))
    p0 = jnp.exp(l0 - lse)
    p1 = jnp.exp(l1 - lse)
    wsum = o_ref[0, 0, :, 0:DH] * p0 + o_ref[0, 1, :, 0:DH] * p1
    contrib = jnp.dot(wsum, wout_ref[0], preferred_element_type=_F32)

    @pl.when(h == 0)
    def _():
        out_ref[...] = jnp.zeros_like(out_ref)

    out_ref[...] += contrib


def _combine(o, Wout):
    return pl.pallas_call(
        _combine_body,
        grid=(H,),
        in_specs=[
            pl.BlockSpec((1, N_HASHES, S, PK), lambda h: (h, 0, 0, 0)),
            pl.BlockSpec((1, DH, D), lambda h: (h, 0, 0)),
        ],
        out_specs=pl.BlockSpec((S, D), lambda h: (0, 0)),
        out_shape=jax.ShapeDtypeStruct((S, D), _F32),
    )(o, Wout)


def kernel(x, Wqk, Wv, Wout):
    rot = jax.random.normal(jax.random.key(1),
                            (H, DH, N_HASHES, N_BUCKETS // 2),
                            dtype=_F32).reshape(H, DH, N_HASHES * 16)
    rotT = jnp.transpose(rot, (0, 2, 1))
    x2 = x[0]
    Wcat = jnp.concatenate([Wqk, Wv], axis=-1)
    Wcat = jnp.transpose(Wcat, (1, 0, 2)).reshape(D, H * PK)
    qkv_sh, bkt_t = _proj_hash(x2, Wcat, rotT)
    sqkv, st, pos = _sort_gather(bkt_t, qkv_sh.reshape(S, H, PK))
    sqkv = sqkv.reshape(H, N_HASHES * S, PK)
    stf = st.astype(_F32)
    st_row = stf.reshape(H, NCH, 1, CHUNK_LEN)
    st_col = stf.reshape(H, NCH, CHUNK_LEN, 1)
    sol = _attention(sqkv, st_row, st_col)
    o = _unsort(sol.reshape(H * N_HASHES * S, PK), pos)
    out = _combine(o, Wout)
    return out.reshape(B, S, D)

# --- scband reference (transcript-rebuilt; emitter-appended) ---
"""Pipeline reference for scband-lshself-attention-37512244363939 (READ-ONLY COPY).

The authoritative reference and input builder live on the scoring server;
editing this copy changes nothing except your own understanding.
"""

import jax, jax.numpy as jnp
import numpy as np
from jax.scipy.special import logsumexp

B, S, D = 1, 2048, 1024
H, DH = 16, 64
CHUNK_LEN = 128
N_HASHES = 2
N_BUCKETS = 32


def setup_inputs(seed: int = 0) -> dict:
    key = jax.random.key(seed)
    k1, k2, k3, k4 = jax.random.split(key, 4)
    x = jax.random.normal(k1, (B, S, D), dtype=jnp.float32)
    Wqk = jax.random.normal(k2, (H, D, DH), dtype=jnp.float32) / np.sqrt(D)
    Wv = jax.random.normal(k3, (H, D, DH), dtype=jnp.float32) / np.sqrt(D)
    Wout = jax.random.normal(k4, (H, DH, D), dtype=jnp.float32) / np.sqrt(DH)
    return {"x": x, "Wqk": Wqk, "Wv": Wv, "Wout": Wout}


def length_normalized(x, epsilon=1e-6):
    variance = jnp.mean(x ** 2, axis=-1, keepdims=True)
    return x / jnp.sqrt(variance + epsilon)


def look_adjacent(x, n_chunks_before, n_chunks_after):
    if n_chunks_before == 0 and n_chunks_after == 0:
        return x
    slices = []
    for i in range(-n_chunks_before, n_chunks_after + 1):
        if i == 0:
            slices.append(x)
        else:
            slices.append(jnp.concatenate([x[i:, ...], x[:i, ...]], axis=0))
    return jnp.concatenate(slices, axis=1)


def mask_self_attention(dots, q_info, kv_info, causal=True, exclude_self=True):
    if causal:
        mask = (q_info < kv_info).astype(jnp.float32)
        dots = dots - 1e9 * mask
    if exclude_self:
        mask = (q_info == kv_info).astype(jnp.float32)
        dots = dots - 1e5 * mask
    return dots


def hash_vectors(vecs, rot):
    # vecs: [S, DH], rot: [DH, N_HASHES, N_BUCKETS//2]
    rotated = jnp.einsum('sd,dhb->hsb', vecs, rot)
    rotated = jnp.concatenate([rotated, -rotated], axis=-1)
    buckets = jnp.argmax(rotated, axis=-1)  # [N_HASHES, S]
    offsets = (jnp.arange(N_HASHES) * N_BUCKETS)[:, None]
    return jnp.reshape(buckets + offsets, (-1,))


def single_head(x, wqk, wv, wo, rot):
    qk = x @ wqk  # [S, DH]  (shared q/k per Reformer)
    v = x @ wv
    buckets = hash_vectors(jax.lax.stop_gradient(qk), rot)  # [N_HASHES*S]
    ticker = jnp.arange(N_HASHES * S, dtype=jnp.int32)
    buckets_and_t = S * buckets.astype(jnp.int32) + (ticker % S)
    _, sticker = jax.lax.sort_key_val(buckets_and_t, ticker)
    _, undo_sort = jax.lax.sort_key_val(sticker, ticker)
    st = sticker % S
    sqk = jnp.take(qk, st, axis=0)
    sv = jnp.take(v, st, axis=0)
    n_chunks = (N_HASHES * S) // CHUNK_LEN
    bq = jnp.reshape(sqk, (n_chunks, CHUNK_LEN, DH))
    bk = length_normalized(bq) / jnp.sqrt(DH)
    bv = jnp.reshape(sv, (n_chunks, CHUNK_LEN, DH))
    q_info = jnp.reshape(st, (n_chunks, CHUNK_LEN))
    kv_info = q_info
    bk = look_adjacent(bk, 1, 0)
    bv = look_adjacent(bv, 1, 0)
    kv_info = look_adjacent(kv_info, 1, 0)
    dots = jnp.matmul(bq, jnp.swapaxes(bk, -1, -2))
    dots = mask_self_attention(dots, q_info[..., :, None], kv_info[..., None, :])
    dots_lse = logsumexp(dots, axis=-1, keepdims=True)
    dots = jnp.exp(dots - dots_lse)
    so = jnp.reshape(jnp.matmul(dots, bv), (-1, DH))
    slogits = jnp.reshape(dots_lse, (-1,))
    o = jnp.take(so, undo_sort, axis=0)
    logits = jnp.take(slogits, undo_sort, axis=0)
    o = jnp.reshape(o, (N_HASHES, S, DH))
    logits = jnp.reshape(logits, (N_HASHES, S, 1))
    probs = jnp.exp(logits - logsumexp(logits, axis=0, keepdims=True))
    out = jnp.sum(o * probs, axis=0)  # [S, DH]
    return out @ wo  # [S, D]


def reference(x, Wqk, Wv, Wout):
    rot = jax.random.normal(jax.random.key(1), (H, DH, N_HASHES, N_BUCKETS // 2), dtype=jnp.float32)
    def per_example(xe):
        outs = jax.vmap(lambda wqk, wv, wo, r: single_head(xe, wqk, wv, wo, r))(Wqk, Wv, Wout, rot)
        return jnp.sum(outs, axis=0)
    return jax.vmap(per_example)(x)

if __name__ == "__main__":
    import jax
    _d = setup_inputs()
    print(jax.jit(kernel)(*tuple(_d.values())))

</pallas_src>

<mosaic_0001>
#map = affine_map<(d0, d1) -> (0, 0, 0)>
#map1 = affine_map<(d0, d1) -> (0, 0, 0, 0)>
module attributes {stable_mosaic.version = 14 : i64} {
  func.func @_sort_gather_body(%arg0: i32, %arg1: i32, %arg2: memref<16x2x2048xi32, #tpu.memory_space<hbm>>, %arg3: memref<2048x16x128xf32, #tpu.memory_space<hbm>>, %arg4: memref<16x4096x1x128xf32, #tpu.memory_space<hbm>>, %arg5: memref<16x2x2048xi32, #tpu.memory_space<hbm>>, %arg6: memref<16x2x2048xi32, #tpu.memory_space<hbm>>, %arg7: memref<2048xi32, #tpu.memory_space<vmem>>, %arg8: memref<2048xi32, #tpu.memory_space<vmem>>, %arg9: memref<2048xi32, #tpu.memory_space<vmem>>, %arg10: memref<2048xi32, #tpu.memory_space<vmem>>, %arg11: memref<32xi32, #tpu.memory_space<vmem>>, %arg12: memref<256x1x128xf32, #tpu.memory_space<vmem>>, %arg13: memref<256x1x128xf32, #tpu.memory_space<vmem>>, %arg14: memref<!tpu.dma_semaphore, #tpu.memory_space<semaphore_mem>>, %arg15: memref<!tpu.dma_semaphore, #tpu.memory_space<semaphore_mem>>) attributes {dimension_semantics = [#tpu.dimension_semantics<core_parallel>, #tpu.dimension_semantics<subcore_parallel>], iteration_bounds = array<i64: 2, 16>, scalar_prefetch = 0 : i64, scratch_operands = 9 : i64, tpu.core_type = #tpu.core_type<sc_vector_subcore>, window_params = [{transform_indices = #map}, {transform_indices = #map}, {transform_indices = #map1}, {transform_indices = #map}, {transform_indices = #map}]} {
    %mul3A = arith.constant 16 : i32
    %mul3A_0 = arith.muli %arg0, %mul3A : i32
    %add3A = arith.addi %mul3A_0, %arg1 : i32
    %jit3A = arith.constant 2 : i32
    %div3A = arith.divsi %add3A, %jit3A : i32
    %sign3A = arith.constant 0 : i32
    %sign3A_1 = arith.cmpi sgt, %add3A, %sign3A : i32
    %sign3A_2 = arith.extui %sign3A_1 : i1 to i32
    %sign3A_3 = arith.constant 0 : i32
    %sign3A_4 = arith.cmpi slt, %add3A, %sign3A_3 : i32
    %sign3A_5 = arith.extui %sign3A_4 : i1 to i32
    %sign3A_6 = arith.subi %sign3A_2, %sign3A_5 : i32
    %sign3A_7 = arith.constant 0 : i32
    %sign3A_8 = arith.cmpi sgt, %jit3A, %sign3A_7 : i32
    %sign3A_9 = arith.extui %sign3A_8 : i1 to i32
    %sign3A_10 = arith.constant 0 : i32
    %sign3A_11 = arith.cmpi slt, %jit3A, %sign3A_10 : i32
    %sign3A_12 = arith.extui %sign3A_11 : i1 to i32
    %sign3A_13 = arith.subi %sign3A_9, %sign3A_12 : i32
    %ne3A = arith.cmpi ne, %sign3A_6, %sign3A_13 : i32
    %rem3A = arith.remsi %add3A, %jit3A : i32
    %ne3A_14 = arith.constant 0 : i32
    %ne3A_15 = arith.cmpi ne, %rem3A, %ne3A_14 : i32
    %and3A = arith.andi %ne3A, %ne3A_15 : i1
    %sub3A = arith.constant 1 : i32
    %sub3A_16 = arith.subi %div3A, %sub3A : i32
    %select_n3A = arith.select %and3A, %sub3A_16, %div3A : i32
    %jit3A_17 = arith.constant 2 : i32
    %eq3A = arith.constant 0 : i32
    %eq3A_18 = arith.cmpi eq, %jit3A_17, %eq3A : i32
    %jit3A_19 = arith.constant 1 : i32
    %select_n3A_20 = arith.select %eq3A_18, %jit3A_19, %jit3A_17 : i32
    %rem3A_21 = arith.remsi %add3A, %select_n3A_20 : i32
    %ne3A_22 = arith.constant 0 : i32
    %ne3A_23 = arith.cmpi ne, %rem3A_21, %ne3A_22 : i32
    %lt3A = arith.constant 0 : i32
    %lt3A_24 = arith.cmpi slt, %rem3A_21, %lt3A : i32
    %lt3A_25 = arith.constant 0 : i32
    %lt3A_26 = arith.cmpi slt, %select_n3A_20, %lt3A_25 : i32
    %ne3A_27 = arith.xori %lt3A_24, %lt3A_26 : i1
    %and3A_28 = arith.andi %ne3A_27, %ne3A_23 : i1
    %add3A_29 = arith.addi %rem3A_21, %select_n3A_20 : i32
    %select_n3A_30 = arith.select %and3A_28, %add3A_29, %rem3A_21 : i32
    "tpu.region"() ({
      %run_scoped3A = tpu.sem_alloc : memref<!tpu.dma_semaphore, #tpu.memory_space<semaphore_mem>>
      %dma_start3A_175 = arith.constant 0 : i32
      %dma_start3A_176 = tpu.memref_slice %arg2[%select_n3A, %select_n3A_30, %dma_start3A_175] : memref<16x2x2048xi32, #tpu.memory_space<hbm>> -> memref<1x1x2048xi32, #tpu.memory_space<hbm>>
      %dma_start3A_177 = tpu.memref_squeeze %dma_start3A_176 : memref<1x1x2048xi32, #tpu.memory_space<hbm>> -> memref<2048xi32, #tpu.memory_space<hbm>>
      %dma_start3A_178 = arith.constant 0 : i32
      %dma_start3A_179 = tpu.memref_slice %arg2[%select_n3A, %select_n3A_30, %dma_start3A_178] : memref<16x2x2048xi32, #tpu.memory_space<hbm>> -> memref<1x1x2048xi32, #tpu.memory_space<hbm>>
      %dma_start3A_180 = tpu.memref_squeeze %dma_start3A_179 : memref<1x1x2048xi32, #tpu.memory_space<hbm>> -> memref<2048xi32, #tpu.memory_space<hbm>>
      tpu.enqueue_dma source(%dma_start3A_180 : memref<2048xi32, #tpu.memory_space<hbm>>) target(%arg7 : memref<2048xi32, #tpu.memory_space<vmem>>) target_semaphore(%run_scoped3A : memref<!tpu.dma_semaphore, #tpu.memory_space<semaphore_mem>>)
      %dma_wait3A_181 = arith.constant 0 : i32
      %dma_wait3A_182 = tpu.memref_slice %arg2[%select_n3A, %select_n3A_30, %dma_wait3A_181] : memref<16x2x2048xi32, #tpu.memory_space<hbm>> -> memref<1x1x2048xi32, #tpu.memory_space<hbm>>
      %dma_wait3A_183 = tpu.memref_squeeze %dma_wait3A_182 : memref<1x1x2048xi32, #tpu.memory_space<hbm>> -> memref<2048xi32, #tpu.memory_space<hbm>>
      %dma_wait3A_184 = arith.constant 0 : i32
      %dma_wait3A_185 = tpu.memref_slice %arg2[%select_n3A, %select_n3A_30, %dma_wait3A_184] : memref<16x2x2048xi32, #tpu.memory_space<hbm>> -> memref<1x1x2048xi32, #tpu.memory_space<hbm>>
      %dma_wait3A_186 = tpu.memref_squeeze %dma_wait3A_185 : memref<1x1x2048xi32, #tpu.memory_space<hbm>> -> memref<2048xi32, #tpu.memory_space<hbm>>
      tpu.wait_dma2 semaphore(%run_scoped3A : memref<!tpu.dma_semaphore, #tpu.memory_space<semaphore_mem>>) src(%dma_wait3A_186 : memref<2048xi32, #tpu.memory_space<hbm>>) dst(%arg7 : memref<2048xi32, #tpu.memory_space<vmem>>)
      tpu.yield
    }) : () -> ()
    %iota3A = tpu.iota {dimensions = array<i32: 0>} : vector<16xi32>
    %broadcast_in_dim3A = arith.constant 0 : i32
    %broadcast_in_dim3A_31 = vector.broadcast %broadcast_in_dim3A : i32 to vector<16xi32>
    %swap3A = arith.constant 0 : index
    %swap3A_32 = tpu.vector_load %arg11[%swap3A] {strides = array<i32>} : memref<32xi32, #tpu.memory_space<vmem>>, vector<16xi32>,
    tpu.vector_store %arg11[%swap3A], %broadcast_in_dim3A_31 {strides = array<i32>} : memref<32xi32, #tpu.memory_space<vmem>>, vector<16xi32>,
    %swap3A_33 = arith.constant 16 : index
    %swap3A_34 = tpu.vector_load %arg11[%swap3A_33] {strides = array<i32>} : memref<32xi32, #tpu.memory_space<vmem>>, vector<16xi32>,
    tpu.vector_store %arg11[%swap3A_33], %broadcast_in_dim3A_31 {strides = array<i32>} : memref<32xi32, #tpu.memory_space<vmem>>, vector<16xi32>,
    %scan3A = arith.constant 0 : i32
    %scan3A_35 = arith.constant 0 : i32
    %scan3A_36 = arith.constant 128 : i32
    %scan3A_37 = arith.addi %scan3A_35, %scan3A_36 : i32
    %scan3A_38 = arith.constant 1 : i32
    scf.for %scan3A_175 = %scan3A_35 to %scan3A_37 step %scan3A_38  : i32 {
      %mul3A_176 = arith.constant 16 : i32
      %mul3A_177 = arith.muli %scan3A_175, %mul3A_176 : i32
      %get3A_178 = arith.index_cast %mul3A_177 : i32 to index
      %get3A_179 = tpu.vector_load %arg7[%get3A_178] {strides = array<i32>} : memref<2048xi32, #tpu.memory_space<vmem>>, vector<16xi32>,
      %gather3A = tpu.vector_load_idx %arg11[%get3A_179] : memref<32xi32, #tpu.memory_space<vmem>>[vector<16xi32>], vector<16xi32>,
      %broadcast_in_dim3A_180 = arith.constant true
      %broadcast_in_dim3A_181 = vector.broadcast %broadcast_in_dim3A_180 : i1 to vector<16xi1>
      %unique3A, %unique3A_182 = tpu.scan_count mask(%broadcast_in_dim3A_181 : vector<16xi1>) value(%get3A_179 : vector<16xi32>) : vector<16xi1>, vector<16xi32>
      %add3A_183 = arith.addi %gather3A, %unique3A_182 : vector<16xi32>
      %sub3A_184 = arith.constant 1 : i32
      %sub3A_185 = vector.broadcast %sub3A_184 : i32 to vector<16xi32>
      %sub3A_186 = arith.subi %add3A_183, %sub3A_185 : vector<16xi32>
      %mul3A_187 = arith.constant 16 : i32
      %mul3A_188 = arith.muli %scan3A_175, %mul3A_187 : i32
      %swap3A_189 = arith.index_cast %mul3A_188 : i32 to index
      %swap3A_190 = tpu.vector_load %arg10[%swap3A_189] {strides = array<i32>} : memref<2048xi32, #tpu.memory_space<vmem>>, vector<16xi32>,
      tpu.vector_store %arg10[%swap3A_189], %sub3A_186 {strides = array<i32>} : memref<2048xi32, #tpu.memory_space<vmem>>, vector<16xi32>,
      %add3A_191 = arith.addi %gather3A, %unique3A_182 : vector<16xi32>
      tpu.vector_store_idx %arg11[%get3A_179], %add3A_191 masked %unique3A : memref<32xi32, #tpu.memory_space<vmem>>[vector<16xi32>], vector<16xi32>, vector<16xi1>
    }
    %scan3A_39 = arith.constant 128 : i32
    %get3A = arith.constant 0 : index
    %get3A_40 = tpu.vector_load %arg11[%get3A] {strides = array<i32>} : memref<32xi32, #tpu.memory_space<vmem>>, vector<16xi32>,
    %get3A_41 = arith.constant 16 : index
    %get3A_42 = tpu.vector_load %arg11[%get3A_41] {strides = array<i32>} : memref<32xi32, #tpu.memory_space<vmem>>, vector<16xi32>,
    %broadcast_in_dim3A_43 = arith.constant true
    %broadcast_in_dim3A_44 = vector.broadcast %broadcast_in_dim3A_43 : i1 to vector<16xi1>
    %masked_cumsum3A = tpu.scan <sum>, %get3A_40 masked %broadcast_in_dim3A_44 : vector<16xi32>, vector<16xi1> -> vector<16xi32>
    %sub3A_45 = arith.subi %masked_cumsum3A, %get3A_40 : vector<16xi32>
    %broadcast_in_dim3A_46 = arith.constant true
    %broadcast_in_dim3A_47 = vector.broadcast %broadcast_in_dim3A_46 : i1 to vector<16xi1>
    %masked_cumsum3A_48 = tpu.scan <sum>, %get3A_42 masked %broadcast_in_dim3A_47 : vector<16xi32>, vector<16xi1> -> vector<16xi32>
    %sub3A_49 = arith.subi %masked_cumsum3A_48, %get3A_42 : vector<16xi32>
    %reduce_sum3A = arith.constant true
    %reduce_sum3A_50 = vector.broadcast %reduce_sum3A : i1 to vector<16xi1>
    %reduce_sum3A_51 = tpu.scan <sum>, %get3A_40 masked %reduce_sum3A_50 : vector<16xi32>, vector<16xi1> -> vector<16xi32>
    %reduce_sum3A_52 = vector.extract %reduce_sum3A_51[15] : i32 from vector<16xi32>
    %add3A_53 = vector.broadcast %reduce_sum3A_52 : i32 to vector<16xi32>
    %add3A_54 = arith.addi %sub3A_49, %add3A_53 : vector<16xi32>
    %swap3A_55 = arith.constant 0 : index
    %swap3A_56 = tpu.vector_load %arg11[%swap3A_55] {strides = array<i32>} : memref<32xi32, #tpu.memory_space<vmem>>, vector<16xi32>,
    tpu.vector_store %arg11[%swap3A_55], %sub3A_45 {strides = array<i32>} : memref<32xi32, #tpu.memory_space<vmem>>, vector<16xi32>,
    %swap3A_57 = arith.constant 16 : index
    %swap3A_58 = tpu.vector_load %arg11[%swap3A_57] {strides = array<i32>} : memref<32xi32, #tpu.memory_space<vmem>>, vector<16xi32>,
    tpu.vector_store %arg11[%swap3A_57], %add3A_54 {strides = array<i32>} : memref<32xi32, #tpu.memory_space<vmem>>, vector<16xi32>,
    %scan3A_59 = arith.constant 0 : i32
    %scan3A_60 = arith.constant 0 : i32
    %scan3A_61 = arith.constant 128 : i32
    %scan3A_62 = arith.addi %scan3A_60, %scan3A_61 : i32
    %scan3A_63 = arith.constant 1 : i32
    scf.for %scan3A_175 = %scan3A_60 to %scan3A_62 step %scan3A_63  : i32 {
      %mul3A_176 = arith.constant 16 : i32
      %mul3A_177 = arith.muli %scan3A_175, %mul3A_176 : i32
      %get3A_178 = arith.index_cast %mul3A_177 : i32 to index
      %get3A_179 = tpu.vector_load %arg7[%get3A_178] {strides = array<i32>} : memref<2048xi32, #tpu.memory_space<vmem>>, vector<16xi32>,
      %gather3A = tpu.vector_load_idx %arg11[%get3A_179] : memref<32xi32, #tpu.memory_space<vmem>>[vector<16xi32>], vector<16xi32>,
      %mul3A_180 = arith.constant 16 : i32
      %mul3A_181 = arith.muli %scan3A_175, %mul3A_180 : i32
      %get3A_182 = arith.index_cast %mul3A_181 : i32 to index
      %get3A_183 = tpu.vector_load %arg10[%get3A_182] {strides = array<i32>} : memref<2048xi32, #tpu.memory_space<vmem>>, vector<16xi32>,
      %add3A_184 = arith.addi %gather3A, %get3A_183 : vector<16xi32>
      %mul3A_185 = arith.constant 16 : i32
      %mul3A_186 = arith.muli %scan3A_175, %mul3A_185 : i32
      %swap3A_187 = arith.index_cast %mul3A_186 : i32 to index
      %swap3A_188 = tpu.vector_load %arg9[%swap3A_187] {strides = array<i32>} : memref<2048xi32, #tpu.memory_space<vmem>>, vector<16xi32>,
      tpu.vector_store %arg9[%swap3A_187], %add3A_184 {strides = array<i32>} : memref<2048xi32, #tpu.memory_space<vmem>>, vector<16xi32>,
      %mul3A_189 = arith.constant 16 : i32
      %mul3A_190 = arith.muli %scan3A_175, %mul3A_189 : i32
      %add3A_191 = vector.broadcast %mul3A_190 : i32 to vector<16xi32>
      %add3A_192 = arith.addi %add3A_191, %iota3A : vector<16xi32>
      tpu.vector_store_idx %arg8[%add3A_184], %add3A_192 : memref<2048xi32, #tpu.memory_space<vmem>>[vector<16xi32>], vector<16xi32>,
    }
    %scan3A_64 = arith.constant 128 : i32
    "tpu.region"() ({
      %run_scoped3A = tpu.sem_alloc : memref<!tpu.dma_semaphore, #tpu.memory_space<semaphore_mem>>
      %dma_start3A_175 = arith.constant 0 : i32
      %dma_start3A_176 = tpu.memref_slice %arg5[%select_n3A, %select_n3A_30, %dma_start3A_175] : memref<16x2x2048xi32, #tpu.memory_space<hbm>> -> memref<1x1x2048xi32, #tpu.memory_space<hbm>>
      %dma_start3A_177 = tpu.memref_squeeze %dma_start3A_176 : memref<1x1x2048xi32, #tpu.memory_space<hbm>> -> memref<2048xi32, #tpu.memory_space<hbm>>
      %dma_start3A_178 = arith.constant 0 : i32
      %dma_start3A_179 = tpu.memref_slice %arg5[%select_n3A, %select_n3A_30, %dma_start3A_178] : memref<16x2x2048xi32, #tpu.memory_space<hbm>> -> memref<1x1x2048xi32, #tpu.memory_space<hbm>>
      %dma_start3A_180 = tpu.memref_squeeze %dma_start3A_179 : memref<1x1x2048xi32, #tpu.memory_space<hbm>> -> memref<2048xi32, #tpu.memory_space<hbm>>
      tpu.enqueue_dma source(%arg8 : memref<2048xi32, #tpu.memory_space<vmem>>) target(%dma_start3A_180 : memref<2048xi32, #tpu.memory_space<hbm>>) target_semaphore(%run_scoped3A : memref<!tpu.dma_semaphore, #tpu.memory_space<semaphore_mem>>)
      %dma_wait3A_181 = arith.constant 0 : i32
      %dma_wait3A_182 = tpu.memref_slice %arg5[%select_n3A, %select_n3A_30, %dma_wait3A_181] : memref<16x2x2048xi32, #tpu.memory_space<hbm>> -> memref<1x1x2048xi32, #tpu.memory_space<hbm>>
      %dma_wait3A_183 = tpu.memref_squeeze %dma_wait3A_182 : memref<1x1x2048xi32, #tpu.memory_space<hbm>> -> memref<2048xi32, #tpu.memory_space<hbm>>
      %dma_wait3A_184 = arith.constant 0 : i32
      %dma_wait3A_185 = tpu.memref_slice %arg5[%select_n3A, %select_n3A_30, %dma_wait3A_184] : memref<16x2x2048xi32, #tpu.memory_space<hbm>> -> memref<1x1x2048xi32, #tpu.memory_space<hbm>>
      %dma_wait3A_186 = tpu.memref_squeeze %dma_wait3A_185 : memref<1x1x2048xi32, #tpu.memory_space<hbm>> -> memref<2048xi32, #tpu.memory_space<hbm>>
      tpu.wait_dma2 semaphore(%run_scoped3A : memref<!tpu.dma_semaphore, #tpu.memory_space<semaphore_mem>>) src(%arg8 : memref<2048xi32, #tpu.memory_space<vmem>>) dst(%dma_wait3A_186 : memref<2048xi32, #tpu.memory_space<hbm>>)
      tpu.yield
    }) : () -> ()
    "tpu.region"() ({
      %run_scoped3A = tpu.sem_alloc : memref<!tpu.dma_semaphore, #tpu.memory_space<semaphore_mem>>
      %dma_start3A_175 = arith.constant 0 : i32
      %dma_start3A_176 = tpu.memref_slice %arg6[%select_n3A, %select_n3A_30, %dma_start3A_175] : memref<16x2x2048xi32, #tpu.memory_space<hbm>> -> memref<1x1x2048xi32, #tpu.memory_space<hbm>>
      %dma_start3A_177 = tpu.memref_squeeze %dma_start3A_176 : memref<1x1x2048xi32, #tpu.memory_space<hbm>> -> memref<2048xi32, #tpu.memory_space<hbm>>
      %dma_start3A_178 = arith.constant 0 : i32
      %dma_start3A_179 = tpu.memref_slice %arg6[%select_n3A, %select_n3A_30, %dma_start3A_178] : memref<16x2x2048xi32, #tpu.memory_space<hbm>> -> memref<1x1x2048xi32, #tpu.memory_space<hbm>>
      %dma_start3A_180 = tpu.memref_squeeze %dma_start3A_179 : memref<1x1x2048xi32, #tpu.memory_space<hbm>> -> memref<2048xi32, #tpu.memory_space<hbm>>
      tpu.enqueue_dma source(%arg9 : memref<2048xi32, #tpu.memory_space<vmem>>) target(%dma_start3A_180 : memref<2048xi32, #tpu.memory_space<hbm>>) target_semaphore(%run_scoped3A : memref<!tpu.dma_semaphore, #tpu.memory_space<semaphore_mem>>)
      %dma_wait3A_181 = arith.constant 0 : i32
      %dma_wait3A_182 = tpu.memref_slice %arg6[%select_n3A, %select_n3A_30, %dma_wait3A_181] : memref<16x2x2048xi32, #tpu.memory_space<hbm>> -> memref<1x1x2048xi32, #tpu.memory_space<hbm>>
      %dma_wait3A_183 = tpu.memref_squeeze %dma_wait3A_182 : memref<1x1x2048xi32, #tpu.memory_space<hbm>> -> memref<2048xi32, #tpu.memory_space<hbm>>
      %dma_wait3A_184 = arith.constant 0 : i32
      %dma_wait3A_185 = tpu.memref_slice %arg6[%select_n3A, %select_n3A_30, %dma_wait3A_184] : memref<16x2x2048xi32, #tpu.memory_space<hbm>> -> memref<1x1x2048xi32, #tpu.memory_space<hbm>>
      %dma_wait3A_186 = tpu.memref_squeeze %dma_wait3A_185 : memref<1x1x2048xi32, #tpu.memory_space<hbm>> -> memref<2048xi32, #tpu.memory_space<hbm>>
      tpu.wait_dma2 semaphore(%run_scoped3A : memref<!tpu.dma_semaphore, #tpu.memory_space<semaphore_mem>>) src(%arg9 : memref<2048xi32, #tpu.memory_space<vmem>>) dst(%dma_wait3A_186 : memref<2048xi32, #tpu.memory_space<hbm>>)
      tpu.yield
    }) : () -> ()
    %dma_start3A = arith.constant 0 : i32
    %dma_start3A_65 = tpu.memref_slice %arg8[%dma_start3A] : memref<2048xi32, #tpu.memory_space<vmem>> -> memref<256xi32, #tpu.memory_space<vmem>>
    %dma_start3A_66 = arith.constant 0 : i32
    %dma_start3A_67 = arith.constant 0 : i32
    %dma_start3A_68 = tpu.memref_slice %arg3[%dma_start3A_66, %select_n3A, %dma_start3A_67] : memref<2048x16x128xf32, #tpu.memory_space<hbm>> -> memref<2048x1x128xf32, #tpu.memory_space<hbm>>
    tpu.enqueue_indirect_dma source(%dma_start3A_68 : memref<2048x1x128xf32, #tpu.memory_space<hbm>>) target(%arg12 : memref<256x1x128xf32, #tpu.memory_space<vmem>>) offsets(%dma_start3A_65 : memref<256xi32, #tpu.memory_space<vmem>>) semaphore(%arg14 : memref<!tpu.dma_semaphore, #tpu.memory_space<semaphore_mem>>)
    %dma_start3A_69 = arith.constant 256 : i32
    %dma_start3A_70 = tpu.memref_slice %arg8[%dma_start3A_69] : memref<2048xi32, #tpu.memory_space<vmem>> -> memref<256xi32, #tpu.memory_space<vmem>>
    %dma_start3A_71 = arith.constant 0 : i32
    %dma_start3A_72 = arith.constant 0 : i32
    %dma_start3A_73 = tpu.memref_slice %arg3[%dma_start3A_71, %select_n3A, %dma_start3A_72] : memref<2048x16x128xf32, #tpu.memory_space<hbm>> -> memref<2048x1x128xf32, #tpu.memory_space<hbm>>
    tpu.enqueue_indirect_dma source(%dma_start3A_73 : memref<2048x1x128xf32, #tpu.memory_space<hbm>>) target(%arg13 : memref<256x1x128xf32, #tpu.memory_space<vmem>>) offsets(%dma_start3A_70 : memref<256xi32, #tpu.memory_space<vmem>>) semaphore(%arg15 : memref<!tpu.dma_semaphore, #tpu.memory_space<semaphore_mem>>)
    %dma_wait3A = arith.constant 0 : i32
    %dma_wait3A_74 = tpu.memref_slice %arg8[%dma_wait3A] : memref<2048xi32, #tpu.memory_space<vmem>> -> memref<256xi32, #tpu.memory_space<vmem>>
    %dma_wait3A_75 = arith.constant 0 : i32
    %dma_wait3A_76 = arith.constant 0 : i32
    %dma_wait3A_77 = tpu.memref_slice %arg3[%dma_wait3A_75, %select_n3A, %dma_wait3A_76] : memref<2048x16x128xf32, #tpu.memory_space<hbm>> -> memref<2048x1x128xf32, #tpu.memory_space<hbm>>
    tpu.wait_indirect_dma semaphore(%arg14 : memref<!tpu.dma_semaphore, #tpu.memory_space<semaphore_mem>>) src(%dma_wait3A_77 : memref<2048x1x128xf32, #tpu.memory_space<hbm>>) dst(%arg12 : memref<256x1x128xf32, #tpu.memory_space<vmem>>)
    %mul3A_78 = arith.constant 2048 : i32
    %mul3A_79 = arith.muli %select_n3A_30, %mul3A_78 : i32
    %add3A_80 = arith.constant 0 : i32
    %add3A_81 = arith.addi %mul3A_79, %add3A_80 : i32
    "tpu.region"() ({
      %run_scoped3A = tpu.sem_alloc : memref<!tpu.dma_semaphore, #tpu.memory_space<semaphore_mem>>
      %dma_start3A_175 = arith.constant 0 : i32
      %dma_start3A_176 = arith.constant 0 : i32
      %dma_start3A_177 = tpu.memref_slice %arg4[%select_n3A, %add3A_81, %dma_start3A_175, %dma_start3A_176] : memref<16x4096x1x128xf32, #tpu.memory_space<hbm>> -> memref<1x256x1x128xf32, #tpu.memory_space<hbm>>
      %dma_start3A_178 = tpu.memref_squeeze %dma_start3A_177 : memref<1x256x1x128xf32, #tpu.memory_space<hbm>> -> memref<256x1x128xf32, #tpu.memory_space<hbm>>
      %dma_start3A_179 = arith.constant 0 : i32
      %dma_start3A_180 = arith.constant 0 : i32
      %dma_start3A_181 = tpu.memref_slice %arg4[%select_n3A, %add3A_81, %dma_start3A_179, %dma_start3A_180] : memref<16x4096x1x128xf32, #tpu.memory_space<hbm>> -> memref<1x256x1x128xf32, #tpu.memory_space<hbm>>
      %dma_start3A_182 = tpu.memref_squeeze %dma_start3A_181 : memref<1x256x1x128xf32, #tpu.memory_space<hbm>> -> memref<256x1x128xf32, #tpu.memory_space<hbm>>
      tpu.enqueue_dma source(%arg12 : memref<256x1x128xf32, #tpu.memory_space<vmem>>) target(%dma_start3A_182 : memref<256x1x128xf32, #tpu.memory_space<hbm>>) target_semaphore(%run_scoped3A : memref<!tpu.dma_semaphore, #tpu.memory_space<semaphore_mem>>)
      %dma_wait3A_183 = arith.constant 0 : i32
      %dma_wait3A_184 = arith.constant 0 : i32
      %dma_wait3A_185 = tpu.memref_slice %arg4[%select_n3A, %add3A_81, %dma_wait3A_183, %dma_wait3A_184] : memref<16x4096x1x128xf32, #tpu.memory_space<hbm>> -> memref<1x256x1x128xf32, #tpu.memory_space<hbm>>
      %dma_wait3A_186 = tpu.memref_squeeze %dma_wait3A_185 : memref<1x256x1x128xf32, #tpu.memory_space<hbm>> -> memref<256x1x128xf32, #tpu.memory_space<hbm>>
      %dma_wait3A_187 = arith.constant 0 : i32
      %dma_wait3A_188 = arith.constant 0 : i32
      %dma_wait3A_189 = tpu.memref_slice %arg4[%select_n3A, %add3A_81, %dma_wait3A_187, %dma_wait3A_188] : memref<16x4096x1x128xf32, #tpu.memory_space<hbm>> -> memref<1x256x1x128xf32, #tpu.memory_space<hbm>>
      %dma_wait3A_190 = tpu.memref_squeeze %dma_wait3A_189 : memref<1x256x1x128xf32, #tpu.memory_space<hbm>> -> memref<256x1x128xf32, #tpu.memory_space<hbm>>
      tpu.wait_dma2 semaphore(%run_scoped3A : memref<!tpu.dma_semaphore, #tpu.memory_space<semaphore_mem>>) src(%arg12 : memref<256x1x128xf32, #tpu.memory_space<vmem>>) dst(%dma_wait3A_190 : memref<256x1x128xf32, #tpu.memory_space<hbm>>)
      tpu.yield
    }) : () -> ()
    %dma_start3A_82 = arith.constant 512 : i32
    %dma_start3A_83 = tpu.memref_slice %arg8[%dma_start3A_82] : memref<2048xi32, #tpu.memory_space<vmem>> -> memref<256xi32, #tpu.memory_space<vmem>>
    %dma_start3A_84 = arith.constant 0 : i32
    %dma_start3A_85 = arith.constant 0 : i32
    %dma_start3A_86 = tpu.memref_slice %arg3[%dma_start3A_84, %select_n3A, %dma_start3A_85] : memref<2048x16x128xf32, #tpu.memory_space<hbm>> -> memref<2048x1x128xf32, #tpu.memory_space<hbm>>
    tpu.enqueue_indirect_dma source(%dma_start3A_86 : memref<2048x1x128xf32, #tpu.memory_space<hbm>>) target(%arg12 : memref<256x1x128xf32, #tpu.memory_space<vmem>>) offsets(%dma_start3A_83 : memref<256xi32, #tpu.memory_space<vmem>>) semaphore(%arg14 : memref<!tpu.dma_semaphore, #tpu.memory_space<semaphore_mem>>)
    %dma_wait3A_87 = arith.constant 256 : i32
    %dma_wait3A_88 = tpu.memref_slice %arg8[%dma_wait3A_87] : memref<2048xi32, #tpu.memory_space<vmem>> -> memref<256xi32, #tpu.memory_space<vmem>>
    %dma_wait3A_89 = arith.constant 0 : i32
    %dma_wait3A_90 = arith.constant 0 : i32
    %dma_wait3A_91 = tpu.memref_slice %arg3[%dma_wait3A_89, %select_n3A, %dma_wait3A_90] : memref<2048x16x128xf32, #tpu.memory_space<hbm>> -> memref<2048x1x128xf32, #tpu.memory_space<hbm>>
    tpu.wait_indirect_dma semaphore(%arg15 : memref<!tpu.dma_semaphore, #tpu.memory_space<semaphore_mem>>) src(%dma_wait3A_91 : memref<2048x1x128xf32, #tpu.memory_space<hbm>>) dst(%arg13 : memref<256x1x128xf32, #tpu.memory_space<vmem>>)
    %mul3A_92 = arith.constant 2048 : i32
    %mul3A_93 = arith.muli %select_n3A_30, %mul3A_92 : i32
    %add3A_94 = arith.constant 256 : i32
    %add3A_95 = arith.addi %mul3A_93, %add3A_94 : i32
    "tpu.region"() ({
      %run_scoped3A = tpu.sem_alloc : memref<!tpu.dma_semaphore, #tpu.memory_space<semaphore_mem>>
      %dma_start3A_175 = arith.constant 0 : i32
      %dma_start3A_176 = arith.constant 0 : i32
      %dma_start3A_177 = tpu.memref_slice %arg4[%select_n3A, %add3A_95, %dma_start3A_175, %dma_start3A_176] : memref<16x4096x1x128xf32, #tpu.memory_space<hbm>> -> memref<1x256x1x128xf32, #tpu.memory_space<hbm>>
      %dma_start3A_178 = tpu.memref_squeeze %dma_start3A_177 : memref<1x256x1x128xf32, #tpu.memory_space<hbm>> -> memref<256x1x128xf32, #tpu.memory_space<hbm>>
      %dma_start3A_179 = arith.constant 0 : i32
      %dma_start3A_180 = arith.constant 0 : i32
      %dma_start3A_181 = tpu.memref_slice %arg4[%select_n3A, %add3A_95, %dma_start3A_179, %dma_start3A_180] : memref<16x4096x1x128xf32, #tpu.memory_space<hbm>> -> memref<1x256x1x128xf32, #tpu.memory_space<hbm>>
      %dma_start3A_182 = tpu.memref_squeeze %dma_start3A_181 : memref<1x256x1x128xf32, #tpu.memory_space<hbm>> -> memref<256x1x128xf32, #tpu.memory_space<hbm>>
      tpu.enqueue_dma source(%arg13 : memref<256x1x128xf32, #tpu.memory_space<vmem>>) target(%dma_start3A_182 : memref<256x1x128xf32, #tpu.memory_space<hbm>>) target_semaphore(%run_scoped3A : memref<!tpu.dma_semaphore, #tpu.memory_space<semaphore_mem>>)
      %dma_wait3A_183 = arith.constant 0 : i32
      %dma_wait3A_184 = arith.constant 0 : i32
      %dma_wait3A_185 = tpu.memref_slice %arg4[%select_n3A, %add3A_95, %dma_wait3A_183, %dma_wait3A_184] : memref<16x4096x1x128xf32, #tpu.memory_space<hbm>> -> memref<1x256x1x128xf32, #tpu.memory_space<hbm>>
      %dma_wait3A_186 = tpu.memref_squeeze %dma_wait3A_185 : memref<1x256x1x128xf32, #tpu.memory_space<hbm>> -> memref<256x1x128xf32, #tpu.memory_space<hbm>>
      %dma_wait3A_187 = arith.constant 0 : i32
      %dma_wait3A_188 = arith.constant 0 : i32
      %dma_wait3A_189 = tpu.memref_slice %arg4[%select_n3A, %add3A_95, %dma_wait3A_187, %dma_wait3A_188] : memref<16x4096x1x128xf32, #tpu.memory_space<hbm>> -> memref<1x256x1x128xf32, #tpu.memory_space<hbm>>
      %dma_wait3A_190 = tpu.memref_squeeze %dma_wait3A_189 : memref<1x256x1x128xf32, #tpu.memory_space<hbm>> -> memref<256x1x128xf32, #tpu.memory_space<hbm>>
      tpu.wait_dma2 semaphore(%run_scoped3A : memref<!tpu.dma_semaphore, #tpu.memory_space<semaphore_mem>>) src(%arg13 : memref<256x1x128xf32, #tpu.memory_space<vmem>>) dst(%dma_wait3A_190 : memref<256x1x128xf32, #tpu.memory_space<hbm>>)
      tpu.yield
    }) : () -> ()
    %dma_start3A_96 = arith.constant 768 : i32
    %dma_start3A_97 = tpu.memref_slice %arg8[%dma_start3A_96] : memref<2048xi32, #tpu.memory_space<vmem>> -> memref<256xi32, #tpu.memory_space<vmem>>
    %dma_start3A_98 = arith.constant 0 : i32
    %dma_start3A_99 = arith.constant 0 : i32
    %dma_start3A_100 = tpu.memref_slice %arg3[%dma_start3A_98, %select_n3A, %dma_start3A_99] : memref<2048x16x128xf32, #tpu.memory_space<hbm>> -> memref<2048x1x128xf32, #tpu.memory_space<hbm>>
    tpu.enqueue_indirect_dma source(%dma_start3A_100 : memref<2048x1x128xf32, #tpu.memory_space<hbm>>) target(%arg13 : memref<256x1x128xf32, #tpu.memory_space<vmem>>) offsets(%dma_start3A_97 : memref<256xi32, #tpu.memory_space<vmem>>) semaphore(%arg15 : memref<!tpu.dma_semaphore, #tpu.memory_space<semaphore_mem>>)
    %dma_wait3A_101 = arith.constant 512 : i32
    %dma_wait3A_102 = tpu.memref_slice %arg8[%dma_wait3A_101] : memref<2048xi32, #tpu.memory_space<vmem>> -> memref<256xi32, #tpu.memory_space<vmem>>
    %dma_wait3A_103 = arith.constant 0 : i32
    %dma_wait3A_104 = arith.constant 0 : i32
    %dma_wait3A_105 = tpu.memref_slice %arg3[%dma_wait3A_103, %select_n3A, %dma_wait3A_104] : memref<2048x16x128xf32, #tpu.memory_space<hbm>> -> memref<2048x1x128xf32, #tpu.memory_space<hbm>>
    tpu.wait_indirect_dma semaphore(%arg14 : memref<!tpu.dma_semaphore, #tpu.memory_space<semaphore_mem>>) src(%dma_wait3A_105 : memref<2048x1x128xf32, #tpu.memory_space<hbm>>) dst(%arg12 : memref<256x1x128xf32, #tpu.memory_space<vmem>>)
    %mul3A_106 = arith.constant 2048 : i32
    %mul3A_107 = arith.muli %select_n3A_30, %mul3A_106 : i32
    %add3A_108 = arith.constant 512 : i32
    %add3A_109 = arith.addi %mul3A_107, %add3A_108 : i32
    "tpu.region"() ({
      %run_scoped3A = tpu.sem_alloc : memref<!tpu.dma_semaphore, #tpu.memory_space<semaphore_mem>>
      %dma_start3A_175 = arith.constant 0 : i32
      %dma_start3A_176 = arith.constant 0 : i32
      %dma_start3A_177 = tpu.memref_slice %arg4[%select_n3A, %add3A_109, %dma_start3A_175, %dma_start3A_176] : memref<16x4096x1x128xf32, #tpu.memory_space<hbm>> -> memref<1x256x1x128xf32, #tpu.memory_space<hbm>>
      %dma_start3A_178 = tpu.memref_squeeze %dma_start3A_177 : memref<1x256x1x128xf32, #tpu.memory_space<hbm>> -> memref<256x1x128xf32, #tpu.memory_space<hbm>>
      %dma_start3A_179 = arith.constant 0 : i32
      %dma_start3A_180 = arith.constant 0 : i32
      %dma_start3A_181 = tpu.memref_slice %arg4[%select_n3A, %add3A_109, %dma_start3A_179, %dma_start3A_180] : memref<16x4096x1x128xf32, #tpu.memory_space<hbm>> -> memref<1x256x1x128xf32, #tpu.memory_space<hbm>>
      %dma_start3A_182 = tpu.memref_squeeze %dma_start3A_181 : memref<1x256x1x128xf32, #tpu.memory_space<hbm>> -> memref<256x1x128xf32, #tpu.memory_space<hbm>>
      tpu.enqueue_dma source(%arg12 : memref<256x1x128xf32, #tpu.memory_space<vmem>>) target(%dma_start3A_182 : memref<256x1x128xf32, #tpu.memory_space<hbm>>) target_semaphore(%run_scoped3A : memref<!tpu.dma_semaphore, #tpu.memory_space<semaphore_mem>>)
      %dma_wait3A_183 = arith.constant 0 : i32
      %dma_wait3A_184 = arith.constant 0 : i32
      %dma_wait3A_185 = tpu.memref_slice %arg4[%select_n3A, %add3A_109, %dma_wait3A_183, %dma_wait3A_184] : memref<16x4096x1x128xf32, #tpu.memory_space<hbm>> -> memref<1x256x1x128xf32, #tpu.memory_space<hbm>>
      %dma_wait3A_186 = tpu.memref_squeeze %dma_wait3A_185 : memref<1x256x1x128xf32, #tpu.memory_space<hbm>> -> memref<256x1x128xf32, #tpu.memory_space<hbm>>
      %dma_wait3A_187 = arith.constant 0 : i32
      %dma_wait3A_188 = arith.constant 0 : i32
      %dma_wait3A_189 = tpu.memref_slice %arg4[%select_n3A, %add3A_109, %dma_wait3A_187, %dma_wait3A_188] : memref<16x4096x1x128xf32, #tpu.memory_space<hbm>> -> memref<1x256x1x128xf32, #tpu.memory_space<hbm>>
      %dma_wait3A_190 = tpu.memref_squeeze %dma_wait3A_189 : memref<1x256x1x128xf32, #tpu.memory_space<hbm>> -> memref<256x1x128xf32, #tpu.memory_space<hbm>>
      tpu.wait_dma2 semaphore(%run_scoped3A : memref<!tpu.dma_semaphore, #tpu.memory_space<semaphore_mem>>) src(%arg12 : memref<256x1x128xf32, #tpu.memory_space<vmem>>) dst(%dma_wait3A_190 : memref<256x1x128xf32, #tpu.memory_space<hbm>>)
      tpu.yield
    }) : () -> ()
    %dma_start3A_110 = arith.constant 1024 : i32
    %dma_start3A_111 = tpu.memref_slice %arg8[%dma_start3A_110] : memref<2048xi32, #tpu.memory_space<vmem>> -> memref<256xi32, #tpu.memory_space<vmem>>
    %dma_start3A_112 = arith.constant 0 : i32
    %dma_start3A_113 = arith.constant 0 : i32
    %dma_start3A_114 = tpu.memref_slice %arg3[%dma_start3A_112, %select_n3A, %dma_start3A_113] : memref<2048x16x128xf32, #tpu.memory_space<hbm>> -> memref<2048x1x128xf32, #tpu.memory_space<hbm>>
    tpu.enqueue_indirect_dma source(%dma_start3A_114 : memref<2048x1x128xf32, #tpu.memory_space<hbm>>) target(%arg12 : memref<256x1x128xf32, #tpu.memory_space<vmem>>) offsets(%dma_start3A_111 : memref<256xi32, #tpu.memory_space<vmem>>) semaphore(%arg14 : memref<!tpu.dma_semaphore, #tpu.memory_space<semaphore_mem>>)
    %dma_wait3A_115 = arith.constant 768 : i32
    %dma_wait3A_116 = tpu.memref_slice %arg8[%dma_wait3A_115] : memref<2048xi32, #tpu.memory_space<vmem>> -> memref<256xi32, #tpu.memory_space<vmem>>
    %dma_wait3A_117 = arith.constant 0 : i32
    %dma_wait3A_118 = arith.constant 0 : i32
    %dma_wait3A_119 = tpu.memref_slice %arg3[%dma_wait3A_117, %select_n3A, %dma_wait3A_118] : memref<2048x16x128xf32, #tpu.memory_space<hbm>> -> memref<2048x1x128xf32, #tpu.memory_space<hbm>>
    tpu.wait_indirect_dma semaphore(%arg15 : memref<!tpu.dma_semaphore, #tpu.memory_space<semaphore_mem>>) src(%dma_wait3A_119 : memref<2048x1x128xf32, #tpu.memory_space<hbm>>) dst(%arg13 : memref<256x1x128xf32, #tpu.memory_space<vmem>>)
    %mul3A_120 = arith.constant 2048 : i32
    %mul3A_121 = arith.muli %select_n3A_30, %mul3A_120 : i32
    %add3A_122 = arith.constant 768 : i32
    %add3A_123 = arith.addi %mul3A_121, %add3A_122 : i32
    "tpu.region"() ({
      %run_scoped3A = tpu.sem_alloc : memref<!tpu.dma_semaphore, #tpu.memory_space<semaphore_mem>>
      %dma_start3A_175 = arith.constant 0 : i32
      %dma_start3A_176 = arith.constant 0 : i32
      %dma_start3A_177 = tpu.memref_slice %arg4[%select_n3A, %add3A_123, %dma_start3A_175, %dma_start3A_176] : memref<16x4096x1x128xf32, #tpu.memory_space<hbm>> -> memref<1x256x1x128xf32, #tpu.memory_space<hbm>>
      %dma_start3A_178 = tpu.memref_squeeze %dma_start3A_177 : memref<1x256x1x128xf32, #tpu.memory_space<hbm>> -> memref<256x1x128xf32, #tpu.memory_space<hbm>>
      %dma_start3A_179 = arith.constant 0 : i32
      %dma_start3A_180 = arith.constant 0 : i32
      %dma_start3A_181 = tpu.memref_slice %arg4[%select_n3A, %add3A_123, %dma_start3A_179, %dma_start3A_180] : memref<16x4096x1x128xf32, #tpu.memory_space<hbm>> -> memref<1x256x1x128xf32, #tpu.memory_space<hbm>>
      %dma_start3A_182 = tpu.memref_squeeze %dma_start3A_181 : memref<1x256x1x128xf32, #tpu.memory_space<hbm>> -> memref<256x1x128xf32, #tpu.memory_space<hbm>>
      tpu.enqueue_dma source(%arg13 : memref<256x1x128xf32, #tpu.memory_space<vmem>>) target(%dma_start3A_182 : memref<256x1x128xf32, #tpu.memory_space<hbm>>) target_semaphore(%run_scoped3A : memref<!tpu.dma_semaphore, #tpu.memory_space<semaphore_mem>>)
      %dma_wait3A_183 = arith.constant 0 : i32
      %dma_wait3A_184 = arith.constant 0 : i32
      %dma_wait3A_185 = tpu.memref_slice %arg4[%select_n3A, %add3A_123, %dma_wait3A_183, %dma_wait3A_184] : memref<16x4096x1x128xf32, #tpu.memory_space<hbm>> -> memref<1x256x1x128xf32, #tpu.memory_space<hbm>>
      %dma_wait3A_186 = tpu.memref_squeeze %dma_wait3A_185 : memref<1x256x1x128xf32, #tpu.memory_space<hbm>> -> memref<256x1x128xf32, #tpu.memory_space<hbm>>
      %dma_wait3A_187 = arith.constant 0 : i32
      %dma_wait3A_188 = arith.constant 0 : i32
      %dma_wait3A_189 = tpu.memref_slice %arg4[%select_n3A, %add3A_123, %dma_wait3A_187, %dma_wait3A_188] : memref<16x4096x1x128xf32, #tpu.memory_space<hbm>> -> memref<1x256x1x128xf32, #tpu.memory_space<hbm>>
      %dma_wait3A_190 = tpu.memref_squeeze %dma_wait3A_189 : memref<1x256x1x128xf32, #tpu.memory_space<hbm>> -> memref<256x1x128xf32, #tpu.memory_space<hbm>>
      tpu.wait_dma2 semaphore(%run_scoped3A : memref<!tpu.dma_semaphore, #tpu.memory_space<semaphore_mem>>) src(%arg13 : memref<256x1x128xf32, #tpu.memory_space<vmem>>) dst(%dma_wait3A_190 : memref<256x1x128xf32, #tpu.memory_space<hbm>>)
      tpu.yield
    }) : () -> ()
    %dma_start3A_124 = arith.constant 1280 : i32
    %dma_start3A_125 = tpu.memref_slice %arg8[%dma_start3A_124] : memref<2048xi32, #tpu.memory_space<vmem>> -> memref<256xi32, #tpu.memory_space<vmem>>
    %dma_start3A_126 = arith.constant 0 : i32
    %dma_start3A_127 = arith.constant 0 : i32
    %dma_start3A_128 = tpu.memref_slice %arg3[%dma_start3A_126, %select_n3A, %dma_start3A_127] : memref<2048x16x128xf32, #tpu.memory_space<hbm>> -> memref<2048x1x128xf32, #tpu.memory_space<hbm>>
    tpu.enqueue_indirect_dma source(%dma_start3A_128 : memref<2048x1x128xf32, #tpu.memory_space<hbm>>) target(%arg13 : memref<256x1x128xf32, #tpu.memory_space<vmem>>) offsets(%dma_start3A_125 : memref<256xi32, #tpu.memory_space<vmem>>) semaphore(%arg15 : memref<!tpu.dma_semaphore, #tpu.memory_space<semaphore_mem>>)
    %dma_wait3A_129 = arith.constant 1024 : i32
    %dma_wait3A_130 = tpu.memref_slice %arg8[%dma_wait3A_129] : memref<2048xi32, #tpu.memory_space<vmem>> -> memref<256xi32, #tpu.memory_space<vmem>>
    %dma_wait3A_131 = arith.constant 0 : i32
    %dma_wait3A_132 = arith.constant 0 : i32
    %dma_wait3A_133 = tpu.memref_slice %arg3[%dma_wait3A_131, %select_n3A, %dma_wait3A_132] : memref<2048x16x128xf32, #tpu.memory_space<hbm>> -> memref<2048x1x128xf32, #tpu.memory_space<hbm>>
    tpu.wait_indirect_dma semaphore(%arg14 : memref<!tpu.dma_semaphore, #tpu.memory_space<semaphore_mem>>) src(%dma_wait3A_133 : memref<2048x1x128xf32, #tpu.memory_space<hbm>>) dst(%arg12 : memref<256x1x128xf32, #tpu.memory_space<vmem>>)
    %mul3A_134 = arith.constant 2048 : i32
    %mul3A_135 = arith.muli %select_n3A_30, %mul3A_134 : i32
    %add3A_136 = arith.constant 1024 : i32
    %add3A_137 = arith.addi %mul3A_135, %add3A_136 : i32
    "tpu.region"() ({
      %run_scoped3A = tpu.sem_alloc : memref<!tpu.dma_semaphore, #tpu.memory_space<semaphore_mem>>
      %dma_start3A_175 = arith.constant 0 : i32
      %dma_start3A_176 = arith.constant 0 : i32
      %dma_start3A_177 = tpu.memref_slice %arg4[%select_n3A, %add3A_137, %dma_start3A_175, %dma_start3A_176] : memref<16x4096x1x128xf32, #tpu.memory_space<hbm>> -> memref<1x256x1x128xf32, #tpu.memory_space<hbm>>
      %dma_start3A_178 = tpu.memref_squeeze %dma_start3A_177 : memref<1x256x1x128xf32, #tpu.memory_space<hbm>> -> memref<256x1x128xf32, #tpu.memory_space<hbm>>
      %dma_start3A_179 = arith.constant 0 : i32
      %dma_start3A_180 = arith.constant 0 : i32
      %dma_start3A_181 = tpu.memref_slice %arg4[%select_n3A, %add3A_137, %dma_start3A_179, %dma_start3A_180] : memref<16x4096x1x128xf32, #tpu.memory_space<hbm>> -> memref<1x256x1x128xf32, #tpu.memory_space<hbm>>
      %dma_start3A_182 = tpu.memref_squeeze %dma_start3A_181 : memref<1x256x1x128xf32, #tpu.memory_space<hbm>> -> memref<256x1x128xf32, #tpu.memory_space<hbm>>
      tpu.enqueue_dma source(%arg12 : memref<256x1x128xf32, #tpu.memory_space<vmem>>) target(%dma_start3A_182 : memref<256x1x128xf32, #tpu.memory_space<hbm>>) target_semaphore(%run_scoped3A : memref<!tpu.dma_semaphore, #tpu.memory_space<semaphore_mem>>)
      %dma_wait3A_183 = arith.constant 0 : i32
      %dma_wait3A_184 = arith.constant 0 : i32
      %dma_wait3A_185 = tpu.memref_slice %arg4[%select_n3A, %add3A_137, %dma_wait3A_183, %dma_wait3A_184] : memref<16x4096x1x128xf32, #tpu.memory_space<hbm>> -> memref<1x256x1x128xf32, #tpu.memory_space<hbm>>
      %dma_wait3A_186 = tpu.memref_squeeze %dma_wait3A_185 : memref<1x256x1x128xf32, #tpu.memory_space<hbm>> -> memref<256x1x128xf32, #tpu.memory_space<hbm>>
      %dma_wait3A_187 = arith.constant 0 : i32
      %dma_wait3A_188 = arith.constant 0 : i32
      %dma_wait3A_189 = tpu.memref_slice %arg4[%select_n3A, %add3A_137, %dma_wait3A_187, %dma_wait3A_188] : memref<16x4096x1x128xf32, #tpu.memory_space<hbm>> -> memref<1x256x1x128xf32, #tpu.memory_space<hbm>>
      %dma_wait3A_190 = tpu.memref_squeeze %dma_wait3A_189 : memref<1x256x1x128xf32, #tpu.memory_space<hbm>> -> memref<256x1x128xf32, #tpu.memory_space<hbm>>
      tpu.wait_dma2 semaphore(%run_scoped3A : memref<!tpu.dma_semaphore, #tpu.memory_space<semaphore_mem>>) src(%arg12 : memref<256x1x128xf32, #tpu.memory_space<vmem>>) dst(%dma_wait3A_190 : memref<256x1x128xf32, #tpu.memory_space<hbm>>)
      tpu.yield
    }) : () -> ()
    %dma_start3A_138 = arith.constant 1536 : i32
    %dma_start3A_139 = tpu.memref_slice %arg8[%dma_start3A_138] : memref<2048xi32, #tpu.memory_space<vmem>> -> memref<256xi32, #tpu.memory_space<vmem>>
    %dma_start3A_140 = arith.constant 0 : i32
    %dma_start3A_141 = arith.constant 0 : i32
    %dma_start3A_142 = tpu.memref_slice %arg3[%dma_start3A_140, %select_n3A, %dma_start3A_141] : memref<2048x16x128xf32, #tpu.memory_space<hbm>> -> memref<2048x1x128xf32, #tpu.memory_space<hbm>>
    tpu.enqueue_indirect_dma source(%dma_start3A_142 : memref<2048x1x128xf32, #tpu.memory_space<hbm>>) target(%arg12 : memref<256x1x128xf32, #tpu.memory_space<vmem>>) offsets(%dma_start3A_139 : memref<256xi32, #tpu.memory_space<vmem>>) semaphore(%arg14 : memref<!tpu.dma_semaphore, #tpu.memory_space<semaphore_mem>>)
    %dma_wait3A_143 = arith.constant 1280 : i32
    %dma_wait3A_144 = tpu.memref_slice %arg8[%dma_wait3A_143] : memref<2048xi32, #tpu.memory_space<vmem>> -> memref<256xi32, #tpu.memory_space<vmem>>
    %dma_wait3A_145 = arith.constant 0 : i32
    %dma_wait3A_146 = arith.constant 0 : i32
    %dma_wait3A_147 = tpu.memref_slice %arg3[%dma_wait3A_145, %select_n3A, %dma_wait3A_146] : memref<2048x16x128xf32, #tpu.memory_space<hbm>> -> memref<2048x1x128xf32, #tpu.memory_space<hbm>>
    tpu.wait_indirect_dma semaphore(%arg15 : memref<!tpu.dma_semaphore, #tpu.memory_space<semaphore_mem>>) src(%dma_wait3A_147 : memref<2048x1x128xf32, #tpu.memory_space<hbm>>) dst(%arg13 : memref<256x1x128xf32, #tpu.memory_space<vmem>>)
    %mul3A_148 = arith.constant 2048 : i32
    %mul3A_149 = arith.muli %select_n3A_30, %mul3A_148 : i32
    %add3A_150 = arith.constant 1280 : i32
    %add3A_151 = arith.addi %mul3A_149, %add3A_150 : i32
    "tpu.region"() ({
      %run_scoped3A = tpu.sem_alloc : memref<!tpu.dma_semaphore, #tpu.memory_space<semaphore_mem>>
      %dma_start3A_175 = arith.constant 0 : i32
      %dma_start3A_176 = arith.constant 0 : i32
      %dma_start3A_177 = tpu.memref_slice %arg4[%select_n3A, %add3A_151, %dma_start3A_175, %dma_start3A_176] : memref<16x4096x1x128xf32, #tpu.memory_space<hbm>> -> memref<1x256x1x128xf32, #tpu.memory_space<hbm>>
      %dma_start3A_178 = tpu.memref_squeeze %dma_start3A_177 : memref<1x256x1x128xf32, #tpu.memory_space<hbm>> -> memref<256x1x128xf32, #tpu.memory_space<hbm>>
      %dma_start3A_179 = arith.constant 0 : i32
      %dma_start3A_180 = arith.constant 0 : i32
      %dma_start3A_181 = tpu.memref_slice %arg4[%select_n3A, %add3A_151, %dma_start3A_179, %dma_start3A_180] : memref<16x4096x1x128xf32, #tpu.memory_space<hbm>> -> memref<1x256x1x128xf32, #tpu.memory_space<hbm>>
      %dma_start3A_182 = tpu.memref_squeeze %dma_start3A_181 : memref<1x256x1x128xf32, #tpu.memory_space<hbm>> -> memref<256x1x128xf32, #tpu.memory_space<hbm>>
      tpu.enqueue_dma source(%arg13 : memref<256x1x128xf32, #tpu.memory_space<vmem>>) target(%dma_start3A_182 : memref<256x1x128xf32, #tpu.memory_space<hbm>>) target_semaphore(%run_scoped3A : memref<!tpu.dma_semaphore, #tpu.memory_space<semaphore_mem>>)
      %dma_wait3A_183 = arith.constant 0 : i32
      %dma_wait3A_184 = arith.constant 0 : i32
      %dma_wait3A_185 = tpu.memref_slice %arg4[%select_n3A, %add3A_151, %dma_wait3A_183, %dma_wait3A_184] : memref<16x4096x1x128xf32, #tpu.memory_space<hbm>> -> memref<1x256x1x128xf32, #tpu.memory_space<hbm>>
      %dma_wait3A_186 = tpu.memref_squeeze %dma_wait3A_185 : memref<1x256x1x128xf32, #tpu.memory_space<hbm>> -> memref<256x1x128xf32, #tpu.memory_space<hbm>>
      %dma_wait3A_187 = arith.constant 0 : i32
      %dma_wait3A_188 = arith.constant 0 : i32
      %dma_wait3A_189 = tpu.memref_slice %arg4[%select_n3A, %add3A_151, %dma_wait3A_187, %dma_wait3A_188] : memref<16x4096x1x128xf32, #tpu.memory_space<hbm>> -> memref<1x256x1x128xf32, #tpu.memory_space<hbm>>
      %dma_wait3A_190 = tpu.memref_squeeze %dma_wait3A_189 : memref<1x256x1x128xf32, #tpu.memory_space<hbm>> -> memref<256x1x128xf32, #tpu.memory_space<hbm>>
      tpu.wait_dma2 semaphore(%run_scoped3A : memref<!tpu.dma_semaphore, #tpu.memory_space<semaphore_mem>>) src(%arg13 : memref<256x1x128xf32, #tpu.memory_space<vmem>>) dst(%dma_wait3A_190 : memref<256x1x128xf32, #tpu.memory_space<hbm>>)
      tpu.yield
    }) : () -> ()
    %dma_start3A_152 = arith.constant 1792 : i32
    %dma_start3A_153 = tpu.memref_slice %arg8[%dma_start3A_152] : memref<2048xi32, #tpu.memory_space<vmem>> -> memref<256xi32, #tpu.memory_space<vmem>>
    %dma_start3A_154 = arith.constant 0 : i32
    %dma_start3A_155 = arith.constant 0 : i32
    %dma_start3A_156 = tpu.memref_slice %arg3[%dma_start3A_154, %select_n3A, %dma_start3A_155] : memref<2048x16x128xf32, #tpu.memory_space<hbm>> -> memref<2048x1x128xf32, #tpu.memory_space<hbm>>
    tpu.enqueue_indirect_dma source(%dma_start3A_156 : memref<2048x1x128xf32, #tpu.memory_space<hbm>>) target(%arg13 : memref<256x1x128xf32, #tpu.memory_space<vmem>>) offsets(%dma_start3A_153 : memref<256xi32, #tpu.memory_space<vmem>>) semaphore(%arg15 : memref<!tpu.dma_semaphore, #tpu.memory_space<semaphore_mem>>)
    %dma_wait3A_157 = arith.constant 1536 : i32
    %dma_wait3A_158 = tpu.memref_slice %arg8[%dma_wait3A_157] : memref<2048xi32, #tpu.memory_space<vmem>> -> memref<256xi32, #tpu.memory_space<vmem>>
    %dma_wait3A_159 = arith.constant 0 : i32
    %dma_wait3A_160 = arith.constant 0 : i32
    %dma_wait3A_161 = tpu.memref_slice %arg3[%dma_wait3A_159, %select_n3A, %dma_wait3A_160] : memref<2048x16x128xf32, #tpu.memory_space<hbm>> -> memref<2048x1x128xf32, #tpu.memory_space<hbm>>
    tpu.wait_indirect_dma semaphore(%arg14 : memref<!tpu.dma_semaphore, #tpu.memory_space<semaphore_mem>>) src(%dma_wait3A_161 : memref<2048x1x128xf32, #tpu.memory_space<hbm>>) dst(%arg12 : memref<256x1x128xf32, #tpu.memory_space<vmem>>)
    %mul3A_162 = arith.constant 2048 : i32
    %mul3A_163 = arith.muli %select_n3A_30, %mul3A_162 : i32
    %add3A_164 = arith.constant 1536 : i32
    %add3A_165 = arith.addi %mul3A_163, %add3A_164 : i32
    "tpu.region"() ({
      %run_scoped3A = tpu.sem_alloc : memref<!tpu.dma_semaphore, #tpu.memory_space<semaphore_mem>>
      %dma_start3A_175 = arith.constant 0 : i32
      %dma_start3A_176 = arith.constant 0 : i32
      %dma_start3A_177 = tpu.memref_slice %arg4[%select_n3A, %add3A_165, %dma_start3A_175, %dma_start3A_176] : memref<16x4096x1x128xf32, #tpu.memory_space<hbm>> -> memref<1x256x1x128xf32, #tpu.memory_space<hbm>>
      %dma_start3A_178 = tpu.memref_squeeze %dma_start3A_177 : memref<1x256x1x128xf32, #tpu.memory_space<hbm>> -> memref<256x1x128xf32, #tpu.memory_space<hbm>>
      %dma_start3A_179 = arith.constant 0 : i32
      %dma_start3A_180 = arith.constant 0 : i32
      %dma_start3A_181 = tpu.memref_slice %arg4[%select_n3A, %add3A_165, %dma_start3A_179, %dma_start3A_180] : memref<16x4096x1x128xf32, #tpu.memory_space<hbm>> -> memref<1x256x1x128xf32, #tpu.memory_space<hbm>>
      %dma_start3A_182 = tpu.memref_squeeze %dma_start3A_181 : memref<1x256x1x128xf32, #tpu.memory_space<hbm>> -> memref<256x1x128xf32, #tpu.memory_space<hbm>>
      tpu.enqueue_dma source(%arg12 : memref<256x1x128xf32, #tpu.memory_space<vmem>>) target(%dma_start3A_182 : memref<256x1x128xf32, #tpu.memory_space<hbm>>) target_semaphore(%run_scoped3A : memref<!tpu.dma_semaphore, #tpu.memory_space<semaphore_mem>>)
      %dma_wait3A_183 = arith.constant 0 : i32
      %dma_wait3A_184 = arith.constant 0 : i32
      %dma_wait3A_185 = tpu.memref_slice %arg4[%select_n3A, %add3A_165, %dma_wait3A_183, %dma_wait3A_184] : memref<16x4096x1x128xf32, #tpu.memory_space<hbm>> -> memref<1x256x1x128xf32, #tpu.memory_space<hbm>>
      %dma_wait3A_186 = tpu.memref_squeeze %dma_wait3A_185 : memref<1x256x1x128xf32, #tpu.memory_space<hbm>> -> memref<256x1x128xf32, #tpu.memory_space<hbm>>
      %dma_wait3A_187 = arith.constant 0 : i32
      %dma_wait3A_188 = arith.constant 0 : i32
      %dma_wait3A_189 = tpu.memref_slice %arg4[%select_n3A, %add3A_165, %dma_wait3A_187, %dma_wait3A_188] : memref<16x4096x1x128xf32, #tpu.memory_space<hbm>> -> memref<1x256x1x128xf32, #tpu.memory_space<hbm>>
      %dma_wait3A_190 = tpu.memref_squeeze %dma_wait3A_189 : memref<1x256x1x128xf32, #tpu.memory_space<hbm>> -> memref<256x1x128xf32, #tpu.memory_space<hbm>>
      tpu.wait_dma2 semaphore(%run_scoped3A : memref<!tpu.dma_semaphore, #tpu.memory_space<semaphore_mem>>) src(%arg12 : memref<256x1x128xf32, #tpu.memory_space<vmem>>) dst(%dma_wait3A_190 : memref<256x1x128xf32, #tpu.memory_space<hbm>>)
      tpu.yield
    }) : () -> ()
    %dma_wait3A_166 = arith.constant 1792 : i32
    %dma_wait3A_167 = tpu.memref_slice %arg8[%dma_wait3A_166] : memref<2048xi32, #tpu.memory_space<vmem>> -> memref<256xi32, #tpu.memory_space<vmem>>
    %dma_wait3A_168 = arith.constant 0 : i32
    %dma_wait3A_169 = arith.constant 0 : i32
    %dma_wait3A_170 = tpu.memref_slice %arg3[%dma_wait3A_168, %select_n3A, %dma_wait3A_169] : memref<2048x16x128xf32, #tpu.memory_space<hbm>> -> memref<2048x1x128xf32, #tpu.memory_space<hbm>>
    tpu.wait_indirect_dma semaphore(%arg15 : memref<!tpu.dma_semaphore, #tpu.memory_space<semaphore_mem>>) src(%dma_wait3A_170 : memref<2048x1x128xf32, #tpu.memory_space<hbm>>) dst(%arg13 : memref<256x1x128xf32, #tpu.memory_space<vmem>>)
    %mul3A_171 = arith.constant 2048 : i32
    %mul3A_172 = arith.muli %select_n3A_30, %mul3A_171 : i32
    %add3A_173 = arith.constant 1792 : i32
    %add3A_174 = arith.addi %mul3A_172, %add3A_173 : i32
    "tpu.region"() ({
      %run_scoped3A = tpu.sem_alloc : memref<!tpu.dma_semaphore, #tpu.memory_space<semaphore_mem>>
      %dma_start3A_175 = arith.constant 0 : i32
      %dma_start3A_176 = arith.constant 0 : i32
      %dma_start3A_177 = tpu.memref_slice %arg4[%select_n3A, %add3A_174, %dma_start3A_175, %dma_start3A_176] : memref<16x4096x1x128xf32, #tpu.memory_space<hbm>> -> memref<1x256x1x128xf32, #tpu.memory_space<hbm>>
      %dma_start3A_178 = tpu.memref_squeeze %dma_start3A_177 : memref<1x256x1x128xf32, #tpu.memory_space<hbm>> -> memref<256x1x128xf32, #tpu.memory_space<hbm>>
      %dma_start3A_179 = arith.constant 0 : i32
      %dma_start3A_180 = arith.constant 0 : i32
      %dma_start3A_181 = tpu.memref_slice %arg4[%select_n3A, %add3A_174, %dma_start3A_179, %dma_start3A_180] : memref<16x4096x1x128xf32, #tpu.memory_space<hbm>> -> memref<1x256x1x128xf32, #tpu.memory_space<hbm>>
      %dma_start3A_182 = tpu.memref_squeeze %dma_start3A_181 : memref<1x256x1x128xf32, #tpu.memory_space<hbm>> -> memref<256x1x128xf32, #tpu.memory_space<hbm>>
      tpu.enqueue_dma source(%arg13 : memref<256x1x128xf32, #tpu.memory_space<vmem>>) target(%dma_start3A_182 : memref<256x1x128xf32, #tpu.memory_space<hbm>>) target_semaphore(%run_scoped3A : memref<!tpu.dma_semaphore, #tpu.memory_space<semaphore_mem>>)
      %dma_wait3A_183 = arith.constant 0 : i32
      %dma_wait3A_184 = arith.constant 0 : i32
      %dma_wait3A_185 = tpu.memref_slice %arg4[%select_n3A, %add3A_174, %dma_wait3A_183, %dma_wait3A_184] : memref<16x4096x1x128xf32, #tpu.memory_space<hbm>> -> memref<1x256x1x128xf32, #tpu.memory_space<hbm>>
      %dma_wait3A_186 = tpu.memref_squeeze %dma_wait3A_185 : memref<1x256x1x128xf32, #tpu.memory_space<hbm>> -> memref<256x1x128xf32, #tpu.memory_space<hbm>>
      %dma_wait3A_187 = arith.constant 0 : i32
      %dma_wait3A_188 = arith.constant 0 : i32
      %dma_wait3A_189 = tpu.memref_slice %arg4[%select_n3A, %add3A_174, %dma_wait3A_187, %dma_wait3A_188] : memref<16x4096x1x128xf32, #tpu.memory_space<hbm>> -> memref<1x256x1x128xf32, #tpu.memory_space<hbm>>
      %dma_wait3A_190 = tpu.memref_squeeze %dma_wait3A_189 : memref<1x256x1x128xf32, #tpu.memory_space<hbm>> -> memref<256x1x128xf32, #tpu.memory_space<hbm>>
      tpu.wait_dma2 semaphore(%run_scoped3A : memref<!tpu.dma_semaphore, #tpu.memory_space<semaphore_mem>>) src(%arg13 : memref<256x1x128xf32, #tpu.memory_space<vmem>>) dst(%dma_wait3A_190 : memref<256x1x128xf32, #tpu.memory_space<hbm>>)
      tpu.yield
    }) : () -> ()
    return
  }
}

#map = affine_map<(d0, d1) -> (0, 0)>
#map1 = affine_map<(d0, d1) -> (0, 0, 0)>
#map2 = affine_map<(d0, d1) -> (0, 0, 0, 0)>
module attributes {stable_mosaic.version = 14 : i64} {
  func.func @_unsort_body(%arg0: i32, %arg1: i32, %arg2: memref<65536x128xf32, #tpu.memory_space<hbm>>, %arg3: memref<16x2x2048xi32, #tpu.memory_space<hbm>>, %arg4: memref<16x2x2048x128xf32, #tpu.memory_space<hbm>>, %arg5: memref<2048xi32, #tpu.memory_space<vmem>>, %arg6: memref<2048xi32, #tpu.memory_space<vmem>>, %arg7: memref<256x128xf32, #tpu.memory_space<vmem>>, %arg8: memref<256x128xf32, #tpu.memory_space<vmem>>, %arg9: memref<!tpu.dma_semaphore, #tpu.memory_space<semaphore_mem>>, %arg10: memref<!tpu.dma_semaphore, #tpu.memory_space<semaphore_mem>>) attributes {dimension_semantics = [#tpu.dimension_semantics<core_parallel>, #tpu.dimension_semantics<subcore_parallel>], iteration_bounds = array<i64: 2, 16>, scalar_prefetch = 0 : i64, scratch_operands = 6 : i64, tpu.core_type = #tpu.core_type<sc_vector_subcore>, window_params = [{transform_indices = #map}, {transform_indices = #map1}, {transform_indices = #map2}]} {
    %mul3A = arith.constant 16 : i32
    %mul3A_0 = arith.muli %arg0, %mul3A : i32
    %add3A = arith.addi %mul3A_0, %arg1 : i32
    %jit3A = arith.constant 2 : i32
    %div3A = arith.divsi %add3A, %jit3A : i32
    %sign3A = arith.constant 0 : i32
    %sign3A_1 = arith.cmpi sgt, %add3A, %sign3A : i32
    %sign3A_2 = arith.extui %sign3A_1 : i1 to i32
    %sign3A_3 = arith.constant 0 : i32
    %sign3A_4 = arith.cmpi slt, %add3A, %sign3A_3 : i32
    %sign3A_5 = arith.extui %sign3A_4 : i1 to i32
    %sign3A_6 = arith.subi %sign3A_2, %sign3A_5 : i32
    %sign3A_7 = arith.constant 0 : i32
    %sign3A_8 = arith.cmpi sgt, %jit3A, %sign3A_7 : i32
    %sign3A_9 = arith.extui %sign3A_8 : i1 to i32
    %sign3A_10 = arith.constant 0 : i32
    %sign3A_11 = arith.cmpi slt, %jit3A, %sign3A_10 : i32
    %sign3A_12 = arith.extui %sign3A_11 : i1 to i32
    %sign3A_13 = arith.subi %sign3A_9, %sign3A_12 : i32
    %ne3A = arith.cmpi ne, %sign3A_6, %sign3A_13 : i32
    %rem3A = arith.remsi %add3A, %jit3A : i32
    %ne3A_14 = arith.constant 0 : i32
    %ne3A_15 = arith.cmpi ne, %rem3A, %ne3A_14 : i32
    %and3A = arith.andi %ne3A, %ne3A_15 : i1
    %sub3A = arith.constant 1 : i32
    %sub3A_16 = arith.subi %div3A, %sub3A : i32
    %select_n3A = arith.select %and3A, %sub3A_16, %div3A : i32
    %jit3A_17 = arith.constant 2 : i32
    %eq3A = arith.constant 0 : i32
    %eq3A_18 = arith.cmpi eq, %jit3A_17, %eq3A : i32
    %jit3A_19 = arith.constant 1 : i32
    %select_n3A_20 = arith.select %eq3A_18, %jit3A_19, %jit3A_17 : i32
    %rem3A_21 = arith.remsi %add3A, %select_n3A_20 : i32
    %ne3A_22 = arith.constant 0 : i32
    %ne3A_23 = arith.cmpi ne, %rem3A_21, %ne3A_22 : i32
    %lt3A = arith.constant 0 : i32
    %lt3A_24 = arith.cmpi slt, %rem3A_21, %lt3A : i32
    %lt3A_25 = arith.constant 0 : i32
    %lt3A_26 = arith.cmpi slt, %select_n3A_20, %lt3A_25 : i32
    %ne3A_27 = arith.xori %lt3A_24, %lt3A_26 : i1
    %and3A_28 = arith.andi %ne3A_27, %ne3A_23 : i1
    %add3A_29 = arith.addi %rem3A_21, %select_n3A_20 : i32
    %select_n3A_30 = arith.select %and3A_28, %add3A_29, %rem3A_21 : i32
    "tpu.region"() ({
      %run_scoped3A = tpu.sem_alloc : memref<!tpu.dma_semaphore, #tpu.memory_space<semaphore_mem>>
      %dma_start3A_119 = arith.constant 0 : i32
      %dma_start3A_120 = tpu.memref_slice %arg3[%select_n3A, %select_n3A_30, %dma_start3A_119] : memref<16x2x2048xi32, #tpu.memory_space<hbm>> -> memref<1x1x2048xi32, #tpu.memory_space<hbm>>
      %dma_start3A_121 = tpu.memref_squeeze %dma_start3A_120 : memref<1x1x2048xi32, #tpu.memory_space<hbm>> -> memref<2048xi32, #tpu.memory_space<hbm>>
      %dma_start3A_122 = arith.constant 0 : i32
      %dma_start3A_123 = tpu.memref_slice %arg3[%select_n3A, %select_n3A_30, %dma_start3A_122] : memref<16x2x2048xi32, #tpu.memory_space<hbm>> -> memref<1x1x2048xi32, #tpu.memory_space<hbm>>
      %dma_start3A_124 = tpu.memref_squeeze %dma_start3A_123 : memref<1x1x2048xi32, #tpu.memory_space<hbm>> -> memref<2048xi32, #tpu.memory_space<hbm>>
      tpu.enqueue_dma source(%dma_start3A_124 : memref<2048xi32, #tpu.memory_space<hbm>>) target(%arg5 : memref<2048xi32, #tpu.memory_space<vmem>>) target_semaphore(%run_scoped3A : memref<!tpu.dma_semaphore, #tpu.memory_space<semaphore_mem>>)
      %dma_wait3A_125 = arith.constant 0 : i32
      %dma_wait3A_126 = tpu.memref_slice %arg3[%select_n3A, %select_n3A_30, %dma_wait3A_125] : memref<16x2x2048xi32, #tpu.memory_space<hbm>> -> memref<1x1x2048xi32, #tpu.memory_space<hbm>>
      %dma_wait3A_127 = tpu.memref_squeeze %dma_wait3A_126 : memref<1x1x2048xi32, #tpu.memory_space<hbm>> -> memref<2048xi32, #tpu.memory_space<hbm>>
      %dma_wait3A_128 = arith.constant 0 : i32
      %dma_wait3A_129 = tpu.memref_slice %arg3[%select_n3A, %select_n3A_30, %dma_wait3A_128] : memref<16x2x2048xi32, #tpu.memory_space<hbm>> -> memref<1x1x2048xi32, #tpu.memory_space<hbm>>
      %dma_wait3A_130 = tpu.memref_squeeze %dma_wait3A_129 : memref<1x1x2048xi32, #tpu.memory_space<hbm>> -> memref<2048xi32, #tpu.memory_space<hbm>>
      tpu.wait_dma2 semaphore(%run_scoped3A : memref<!tpu.dma_semaphore, #tpu.memory_space<semaphore_mem>>) src(%dma_wait3A_130 : memref<2048xi32, #tpu.memory_space<hbm>>) dst(%arg5 : memref<2048xi32, #tpu.memory_space<vmem>>)
      tpu.yield
    }) : () -> ()
    %mul3A_31 = arith.constant 4096 : i32
    %mul3A_32 = arith.muli %select_n3A, %mul3A_31 : i32
    %mul3A_33 = arith.constant 2048 : i32
    %mul3A_34 = arith.muli %select_n3A_30, %mul3A_33 : i32
    %add3A_35 = arith.addi %mul3A_32, %mul3A_34 : i32
    %scan3A = arith.constant 0 : i32
    %scan3A_36 = arith.constant 0 : i32
    %scan3A_37 = arith.constant 128 : i32
    %scan3A_38 = arith.addi %scan3A_36, %scan3A_37 : i32
    %scan3A_39 = arith.constant 1 : i32
    scf.for %scan3A_119 = %scan3A_36 to %scan3A_38 step %scan3A_39  : i32 {
      %mul3A_120 = arith.constant 16 : i32
      %mul3A_121 = arith.muli %scan3A_119, %mul3A_120 : i32
      %get3A = arith.index_cast %mul3A_121 : i32 to index
      %get3A_122 = tpu.vector_load %arg5[%get3A] {strides = array<i32>} : memref<2048xi32, #tpu.memory_space<vmem>>, vector<16xi32>,
      %add3A_123 = vector.broadcast %add3A_35 : i32 to vector<16xi32>
      %add3A_124 = arith.addi %get3A_122, %add3A_123 : vector<16xi32>
      %mul3A_125 = arith.constant 16 : i32
      %mul3A_126 = arith.muli %scan3A_119, %mul3A_125 : i32
      %swap3A = arith.index_cast %mul3A_126 : i32 to index
      %swap3A_127 = tpu.vector_load %arg6[%swap3A] {strides = array<i32>} : memref<2048xi32, #tpu.memory_space<vmem>>, vector<16xi32>,
      tpu.vector_store %arg6[%swap3A], %add3A_124 {strides = array<i32>} : memref<2048xi32, #tpu.memory_space<vmem>>, vector<16xi32>,
    }
    %scan3A_40 = arith.constant 128 : i32
    %dma_start3A = arith.constant 0 : i32
    %dma_start3A_41 = tpu.memref_slice %arg6[%dma_start3A] : memref<2048xi32, #tpu.memory_space<vmem>> -> memref<256xi32, #tpu.memory_space<vmem>>
    %dma_start3A_42 = arith.constant 0 : i32
    %dma_start3A_43 = arith.constant 0 : i32
    %dma_start3A_44 = tpu.memref_slice %arg2[%dma_start3A_42, %dma_start3A_43] : memref<65536x128xf32, #tpu.memory_space<hbm>> -> memref<65536x128xf32, #tpu.memory_space<hbm>>
    tpu.enqueue_indirect_dma source(%dma_start3A_44 : memref<65536x128xf32, #tpu.memory_space<hbm>>) target(%arg7 : memref<256x128xf32, #tpu.memory_space<vmem>>) offsets(%dma_start3A_41 : memref<256xi32, #tpu.memory_space<vmem>>) semaphore(%arg9 : memref<!tpu.dma_semaphore, #tpu.memory_space<semaphore_mem>>)
    %dma_start3A_45 = arith.constant 256 : i32
    %dma_start3A_46 = tpu.memref_slice %arg6[%dma_start3A_45] : memref<2048xi32, #tpu.memory_space<vmem>> -> memref<256xi32, #tpu.memory_space<vmem>>
    %dma_start3A_47 = arith.constant 0 : i32
    %dma_start3A_48 = arith.constant 0 : i32
    %dma_start3A_49 = tpu.memref_slice %arg2[%dma_start3A_47, %dma_start3A_48] : memref<65536x128xf32, #tpu.memory_space<hbm>> -> memref<65536x128xf32, #tpu.memory_space<hbm>>
    tpu.enqueue_indirect_dma source(%dma_start3A_49 : memref<65536x128xf32, #tpu.memory_space<hbm>>) target(%arg8 : memref<256x128xf32, #tpu.memory_space<vmem>>) offsets(%dma_start3A_46 : memref<256xi32, #tpu.memory_space<vmem>>) semaphore(%arg10 : memref<!tpu.dma_semaphore, #tpu.memory_space<semaphore_mem>>)
    %dma_wait3A = arith.constant 0 : i32
    %dma_wait3A_50 = tpu.memref_slice %arg6[%dma_wait3A] : memref<2048xi32, #tpu.memory_space<vmem>> -> memref<256xi32, #tpu.memory_space<vmem>>
    %dma_wait3A_51 = arith.constant 0 : i32
    %dma_wait3A_52 = arith.constant 0 : i32
    %dma_wait3A_53 = tpu.memref_slice %arg2[%dma_wait3A_51, %dma_wait3A_52] : memref<65536x128xf32, #tpu.memory_space<hbm>> -> memref<65536x128xf32, #tpu.memory_space<hbm>>
    tpu.wait_indirect_dma semaphore(%arg9 : memref<!tpu.dma_semaphore, #tpu.memory_space<semaphore_mem>>) src(%dma_wait3A_53 : memref<65536x128xf32, #tpu.memory_space<hbm>>) dst(%arg7 : memref<256x128xf32, #tpu.memory_space<vmem>>)
    "tpu.region"() ({
      %run_scoped3A = tpu.sem_alloc : memref<!tpu.dma_semaphore, #tpu.memory_space<semaphore_mem>>
      %dma_start3A_119 = arith.constant 0 : i32
      %dma_start3A_120 = arith.constant 0 : i32
      %dma_start3A_121 = tpu.memref_slice %arg4[%select_n3A, %select_n3A_30, %dma_start3A_119, %dma_start3A_120] : memref<16x2x2048x128xf32, #tpu.memory_space<hbm>> -> memref<1x1x256x128xf32, #tpu.memory_space<hbm>>
      %dma_start3A_122 = tpu.memref_squeeze %dma_start3A_121 : memref<1x1x256x128xf32, #tpu.memory_space<hbm>> -> memref<256x128xf32, #tpu.memory_space<hbm>>
      %dma_start3A_123 = arith.constant 0 : i32
      %dma_start3A_124 = arith.constant 0 : i32
      %dma_start3A_125 = tpu.memref_slice %arg4[%select_n3A, %select_n3A_30, %dma_start3A_123, %dma_start3A_124] : memref<16x2x2048x128xf32, #tpu.memory_space<hbm>> -> memref<1x1x256x128xf32, #tpu.memory_space<hbm>>
      %dma_start3A_126 = tpu.memref_squeeze %dma_start3A_125 : memref<1x1x256x128xf32, #tpu.memory_space<hbm>> -> memref<256x128xf32, #tpu.memory_space<hbm>>
      tpu.enqueue_dma source(%arg7 : memref<256x128xf32, #tpu.memory_space<vmem>>) target(%dma_start3A_126 : memref<256x128xf32, #tpu.memory_space<hbm>>) target_semaphore(%run_scoped3A : memref<!tpu.dma_semaphore, #tpu.memory_space<semaphore_mem>>)
      %dma_wait3A_127 = arith.constant 0 : i32
      %dma_wait3A_128 = arith.constant 0 : i32
      %dma_wait3A_129 = tpu.memref_slice %arg4[%select_n3A, %select_n3A_30, %dma_wait3A_127, %dma_wait3A_128] : memref<16x2x2048x128xf32, #tpu.memory_space<hbm>> -> memref<1x1x256x128xf32, #tpu.memory_space<hbm>>
      %dma_wait3A_130 = tpu.memref_squeeze %dma_wait3A_129 : memref<1x1x256x128xf32, #tpu.memory_space<hbm>> -> memref<256x128xf32, #tpu.memory_space<hbm>>
      %dma_wait3A_131 = arith.constant 0 : i32
      %dma_wait3A_132 = arith.constant 0 : i32
      %dma_wait3A_133 = tpu.memref_slice %arg4[%select_n3A, %select_n3A_30, %dma_wait3A_131, %dma_wait3A_132] : memref<16x2x2048x128xf32, #tpu.memory_space<hbm>> -> memref<1x1x256x128xf32, #tpu.memory_space<hbm>>
      %dma_wait3A_134 = tpu.memref_squeeze %dma_wait3A_133 : memref<1x1x256x128xf32, #tpu.memory_space<hbm>> -> memref<256x128xf32, #tpu.memory_space<hbm>>
      tpu.wait_dma2 semaphore(%run_scoped3A : memref<!tpu.dma_semaphore, #tpu.memory_space<semaphore_mem>>) src(%arg7 : memref<256x128xf32, #tpu.memory_space<vmem>>) dst(%dma_wait3A_134 : memref<256x128xf32, #tpu.memory_space<hbm>>)
      tpu.yield
    }) : () -> ()
    %dma_start3A_54 = arith.constant 512 : i32
    %dma_start3A_55 = tpu.memref_slice %arg6[%dma_start3A_54] : memref<2048xi32, #tpu.memory_space<vmem>> -> memref<256xi32, #tpu.memory_space<vmem>>
    %dma_start3A_56 = arith.constant 0 : i32
    %dma_start3A_57 = arith.constant 0 : i32
    %dma_start3A_58 = tpu.memref_slice %arg2[%dma_start3A_56, %dma_start3A_57] : memref<65536x128xf32, #tpu.memory_space<hbm>> -> memref<65536x128xf32, #tpu.memory_space<hbm>>
    tpu.enqueue_indirect_dma source(%dma_start3A_58 : memref<65536x128xf32, #tpu.memory_space<hbm>>) target(%arg7 : memref<256x128xf32, #tpu.memory_space<vmem>>) offsets(%dma_start3A_55 : memref<256xi32, #tpu.memory_space<vmem>>) semaphore(%arg9 : memref<!tpu.dma_semaphore, #tpu.memory_space<semaphore_mem>>)
    %dma_wait3A_59 = arith.constant 256 : i32
    %dma_wait3A_60 = tpu.memref_slice %arg6[%dma_wait3A_59] : memref<2048xi32, #tpu.memory_space<vmem>> -> memref<256xi32, #tpu.memory_space<vmem>>
    %dma_wait3A_61 = arith.constant 0 : i32
    %dma_wait3A_62 = arith.constant 0 : i32
    %dma_wait3A_63 = tpu.memref_slice %arg2[%dma_wait3A_61, %dma_wait3A_62] : memref<65536x128xf32, #tpu.memory_space<hbm>> -> memref<65536x128xf32, #tpu.memory_space<hbm>>
    tpu.wait_indirect_dma semaphore(%arg10 : memref<!tpu.dma_semaphore, #tpu.memory_space<semaphore_mem>>) src(%dma_wait3A_63 : memref<65536x128xf32, #tpu.memory_space<hbm>>) dst(%arg8 : memref<256x128xf32, #tpu.memory_space<vmem>>)
    "tpu.region"() ({
      %run_scoped3A = tpu.sem_alloc : memref<!tpu.dma_semaphore, #tpu.memory_space<semaphore_mem>>
      %dma_start3A_119 = arith.constant 256 : i32
      %dma_start3A_120 = arith.constant 0 : i32
      %dma_start3A_121 = tpu.memref_slice %arg4[%select_n3A, %select_n3A_30, %dma_start3A_119, %dma_start3A_120] : memref<16x2x2048x128xf32, #tpu.memory_space<hbm>> -> memref<1x1x256x128xf32, #tpu.memory_space<hbm>>
      %dma_start3A_122 = tpu.memref_squeeze %dma_start3A_121 : memref<1x1x256x128xf32, #tpu.memory_space<hbm>> -> memref<256x128xf32, #tpu.memory_space<hbm>>
      %dma_start3A_123 = arith.constant 256 : i32
      %dma_start3A_124 = arith.constant 0 : i32
      %dma_start3A_125 = tpu.memref_slice %arg4[%select_n3A, %select_n3A_30, %dma_start3A_123, %dma_start3A_124] : memref<16x2x2048x128xf32, #tpu.memory_space<hbm>> -> memref<1x1x256x128xf32, #tpu.memory_space<hbm>>
      %dma_start3A_126 = tpu.memref_squeeze %dma_start3A_125 : memref<1x1x256x128xf32, #tpu.memory_space<hbm>> -> memref<256x128xf32, #tpu.memory_space<hbm>>
      tpu.enqueue_dma source(%arg8 : memref<256x128xf32, #tpu.memory_space<vmem>>) target(%dma_start3A_126 : memref<256x128xf32, #tpu.memory_space<hbm>>) target_semaphore(%run_scoped3A : memref<!tpu.dma_semaphore, #tpu.memory_space<semaphore_mem>>)
      %dma_wait3A_127 = arith.constant 256 : i32
      %dma_wait3A_128 = arith.constant 0 : i32
      %dma_wait3A_129 = tpu.memref_slice %arg4[%select_n3A, %select_n3A_30, %dma_wait3A_127, %dma_wait3A_128] : memref<16x2x2048x128xf32, #tpu.memory_space<hbm>> -> memref<1x1x256x128xf32, #tpu.memory_space<hbm>>
      %dma_wait3A_130 = tpu.memref_squeeze %dma_wait3A_129 : memref<1x1x256x128xf32, #tpu.memory_space<hbm>> -> memref<256x128xf32, #tpu.memory_space<hbm>>
      %dma_wait3A_131 = arith.constant 256 : i32
      %dma_wait3A_132 = arith.constant 0 : i32
      %dma_wait3A_133 = tpu.memref_slice %arg4[%select_n3A, %select_n3A_30, %dma_wait3A_131, %dma_wait3A_132] : memref<16x2x2048x128xf32, #tpu.memory_space<hbm>> -> memref<1x1x256x128xf32, #tpu.memory_space<hbm>>
      %dma_wait3A_134 = tpu.memref_squeeze %dma_wait3A_133 : memref<1x1x256x128xf32, #tpu.memory_space<hbm>> -> memref<256x128xf32, #tpu.memory_space<hbm>>
      tpu.wait_dma2 semaphore(%run_scoped3A : memref<!tpu.dma_semaphore, #tpu.memory_space<semaphore_mem>>) src(%arg8 : memref<256x128xf32, #tpu.memory_space<vmem>>) dst(%dma_wait3A_134 : memref<256x128xf32, #tpu.memory_space<hbm>>)
      tpu.yield
    }) : () -> ()
    %dma_start3A_64 = arith.constant 768 : i32
    %dma_start3A_65 = tpu.memref_slice %arg6[%dma_start3A_64] : memref<2048xi32, #tpu.memory_space<vmem>> -> memref<256xi32, #tpu.memory_space<vmem>>
    %dma_start3A_66 = arith.constant 0 : i32
    %dma_start3A_67 = arith.constant 0 : i32
    %dma_start3A_68 = tpu.memref_slice %arg2[%dma_start3A_66, %dma_start3A_67] : memref<65536x128xf32, #tpu.memory_space<hbm>> -> memref<65536x128xf32, #tpu.memory_space<hbm>>
    tpu.enqueue_indirect_dma source(%dma_start3A_68 : memref<65536x128xf32, #tpu.memory_space<hbm>>) target(%arg8 : memref<256x128xf32, #tpu.memory_space<vmem>>) offsets(%dma_start3A_65 : memref<256xi32, #tpu.memory_space<vmem>>) semaphore(%arg10 : memref<!tpu.dma_semaphore, #tpu.memory_space<semaphore_mem>>)
    %dma_wait3A_69 = arith.constant 512 : i32
    %dma_wait3A_70 = tpu.memref_slice %arg6[%dma_wait3A_69] : memref<2048xi32, #tpu.memory_space<vmem>> -> memref<256xi32, #tpu.memory_space<vmem>>
    %dma_wait3A_71 = arith.constant 0 : i32
    %dma_wait3A_72 = arith.constant 0 : i32
    %dma_wait3A_73 = tpu.memref_slice %arg2[%dma_wait3A_71, %dma_wait3A_72] : memref<65536x128xf32, #tpu.memory_space<hbm>> -> memref<65536x128xf32, #tpu.memory_space<hbm>>
    tpu.wait_indirect_dma semaphore(%arg9 : memref<!tpu.dma_semaphore, #tpu.memory_space<semaphore_mem>>) src(%dma_wait3A_73 : memref<65536x128xf32, #tpu.memory_space<hbm>>) dst(%arg7 : memref<256x128xf32, #tpu.memory_space<vmem>>)
    "tpu.region"() ({
      %run_scoped3A = tpu.sem_alloc : memref<!tpu.dma_semaphore, #tpu.memory_space<semaphore_mem>>
      %dma_start3A_119 = arith.constant 512 : i32
      %dma_start3A_120 = arith.constant 0 : i32
      %dma_start3A_121 = tpu.memref_slice %arg4[%select_n3A, %select_n3A_30, %dma_start3A_119, %dma_start3A_120] : memref<16x2x2048x128xf32, #tpu.memory_space<hbm>> -> memref<1x1x256x128xf32, #tpu.memory_space<hbm>>
      %dma_start3A_122 = tpu.memref_squeeze %dma_start3A_121 : memref<1x1x256x128xf32, #tpu.memory_space<hbm>> -> memref<256x128xf32, #tpu.memory_space<hbm>>
      %dma_start3A_123 = arith.constant 512 : i32
      %dma_start3A_124 = arith.constant 0 : i32
      %dma_start3A_125 = tpu.memref_slice %arg4[%select_n3A, %select_n3A_30, %dma_start3A_123, %dma_start3A_124] : memref<16x2x2048x128xf32, #tpu.memory_space<hbm>> -> memref<1x1x256x128xf32, #tpu.memory_space<hbm>>
      %dma_start3A_126 = tpu.memref_squeeze %dma_start3A_125 : memref<1x1x256x128xf32, #tpu.memory_space<hbm>> -> memref<256x128xf32, #tpu.memory_space<hbm>>
      tpu.enqueue_dma source(%arg7 : memref<256x128xf32, #tpu.memory_space<vmem>>) target(%dma_start3A_126 : memref<256x128xf32, #tpu.memory_space<hbm>>) target_semaphore(%run_scoped3A : memref<!tpu.dma_semaphore, #tpu.memory_space<semaphore_mem>>)
      %dma_wait3A_127 = arith.constant 512 : i32
      %dma_wait3A_128 = arith.constant 0 : i32
      %dma_wait3A_129 = tpu.memref_slice %arg4[%select_n3A, %select_n3A_30, %dma_wait3A_127, %dma_wait3A_128] : memref<16x2x2048x128xf32, #tpu.memory_space<hbm>> -> memref<1x1x256x128xf32, #tpu.memory_space<hbm>>
      %dma_wait3A_130 = tpu.memref_squeeze %dma_wait3A_129 : memref<1x1x256x128xf32, #tpu.memory_space<hbm>> -> memref<256x128xf32, #tpu.memory_space<hbm>>
      %dma_wait3A_131 = arith.constant 512 : i32
      %dma_wait3A_132 = arith.constant 0 : i32
      %dma_wait3A_133 = tpu.memref_slice %arg4[%select_n3A, %select_n3A_30, %dma_wait3A_131, %dma_wait3A_132] : memref<16x2x2048x128xf32, #tpu.memory_space<hbm>> -> memref<1x1x256x128xf32, #tpu.memory_space<hbm>>
      %dma_wait3A_134 = tpu.memref_squeeze %dma_wait3A_133 : memref<1x1x256x128xf32, #tpu.memory_space<hbm>> -> memref<256x128xf32, #tpu.memory_space<hbm>>
      tpu.wait_dma2 semaphore(%run_scoped3A : memref<!tpu.dma_semaphore, #tpu.memory_space<semaphore_mem>>) src(%arg7 : memref<256x128xf32, #tpu.memory_space<vmem>>) dst(%dma_wait3A_134 : memref<256x128xf32, #tpu.memory_space<hbm>>)
      tpu.yield
    }) : () -> ()
    %dma_start3A_74 = arith.constant 1024 : i32
    %dma_start3A_75 = tpu.memref_slice %arg6[%dma_start3A_74] : memref<2048xi32, #tpu.memory_space<vmem>> -> memref<256xi32, #tpu.memory_space<vmem>>
    %dma_start3A_76 = arith.constant 0 : i32
    %dma_start3A_77 = arith.constant 0 : i32
    %dma_start3A_78 = tpu.memref_slice %arg2[%dma_start3A_76, %dma_start3A_77] : memref<65536x128xf32, #tpu.memory_space<hbm>> -> memref<65536x128xf32, #tpu.memory_space<hbm>>
    tpu.enqueue_indirect_dma source(%dma_start3A_78 : memref<65536x128xf32, #tpu.memory_space<hbm>>) target(%arg7 : memref<256x128xf32, #tpu.memory_space<vmem>>) offsets(%dma_start3A_75 : memref<256xi32, #tpu.memory_space<vmem>>) semaphore(%arg9 : memref<!tpu.dma_semaphore, #tpu.memory_space<semaphore_mem>>)
    %dma_wait3A_79 = arith.constant 768 : i32
    %dma_wait3A_80 = tpu.memref_slice %arg6[%dma_wait3A_79] : memref<2048xi32, #tpu.memory_space<vmem>> -> memref<256xi32, #tpu.memory_space<vmem>>
    %dma_wait3A_81 = arith.constant 0 : i32
    %dma_wait3A_82 = arith.constant 0 : i32
    %dma_wait3A_83 = tpu.memref_slice %arg2[%dma_wait3A_81, %dma_wait3A_82] : memref<65536x128xf32, #tpu.memory_space<hbm>> -> memref<65536x128xf32, #tpu.memory_space<hbm>>
    tpu.wait_indirect_dma semaphore(%arg10 : memref<!tpu.dma_semaphore, #tpu.memory_space<semaphore_mem>>) src(%dma_wait3A_83 : memref<65536x128xf32, #tpu.memory_space<hbm>>) dst(%arg8 : memref<256x128xf32, #tpu.memory_space<vmem>>)
    "tpu.region"() ({
      %run_scoped3A = tpu.sem_alloc : memref<!tpu.dma_semaphore, #tpu.memory_space<semaphore_mem>>
      %dma_start3A_119 = arith.constant 768 : i32
      %dma_start3A_120 = arith.constant 0 : i32
      %dma_start3A_121 = tpu.memref_slice %arg4[%select_n3A, %select_n3A_30, %dma_start3A_119, %dma_start3A_120] : memref<16x2x2048x128xf32, #tpu.memory_space<hbm>> -> memref<1x1x256x128xf32, #tpu.memory_space<hbm>>
      %dma_start3A_122 = tpu.memref_squeeze %dma_start3A_121 : memref<1x1x256x128xf32, #tpu.memory_space<hbm>> -> memref<256x128xf32, #tpu.memory_space<hbm>>
      %dma_start3A_123 = arith.constant 768 : i32
      %dma_start3A_124 = arith.constant 0 : i32
      %dma_start3A_125 = tpu.memref_slice %arg4[%select_n3A, %select_n3A_30, %dma_start3A_123, %dma_start3A_124] : memref<16x2x2048x128xf32, #tpu.memory_space<hbm>> -> memref<1x1x256x128xf32, #tpu.memory_space<hbm>>
      %dma_start3A_126 = tpu.memref_squeeze %dma_start3A_125 : memref<1x1x256x128xf32, #tpu.memory_space<hbm>> -> memref<256x128xf32, #tpu.memory_space<hbm>>
      tpu.enqueue_dma source(%arg8 : memref<256x128xf32, #tpu.memory_space<vmem>>) target(%dma_start3A_126 : memref<256x128xf32, #tpu.memory_space<hbm>>) target_semaphore(%run_scoped3A : memref<!tpu.dma_semaphore, #tpu.memory_space<semaphore_mem>>)
      %dma_wait3A_127 = arith.constant 768 : i32
      %dma_wait3A_128 = arith.constant 0 : i32
      %dma_wait3A_129 = tpu.memref_slice %arg4[%select_n3A, %select_n3A_30, %dma_wait3A_127, %dma_wait3A_128] : memref<16x2x2048x128xf32, #tpu.memory_space<hbm>> -> memref<1x1x256x128xf32, #tpu.memory_space<hbm>>
      %dma_wait3A_130 = tpu.memref_squeeze %dma_wait3A_129 : memref<1x1x256x128xf32, #tpu.memory_space<hbm>> -> memref<256x128xf32, #tpu.memory_space<hbm>>
      %dma_wait3A_131 = arith.constant 768 : i32
      %dma_wait3A_132 = arith.constant 0 : i32
      %dma_wait3A_133 = tpu.memref_slice %arg4[%select_n3A, %select_n3A_30, %dma_wait3A_131, %dma_wait3A_132] : memref<16x2x2048x128xf32, #tpu.memory_space<hbm>> -> memref<1x1x256x128xf32, #tpu.memory_space<hbm>>
      %dma_wait3A_134 = tpu.memref_squeeze %dma_wait3A_133 : memref<1x1x256x128xf32, #tpu.memory_space<hbm>> -> memref<256x128xf32, #tpu.memory_space<hbm>>
      tpu.wait_dma2 semaphore(%run_scoped3A : memref<!tpu.dma_semaphore, #tpu.memory_space<semaphore_mem>>) src(%arg8 : memref<256x128xf32, #tpu.memory_space<vmem>>) dst(%dma_wait3A_134 : memref<256x128xf32, #tpu.memory_space<hbm>>)
      tpu.yield
    }) : () -> ()
    %dma_start3A_84 = arith.constant 1280 : i32
    %dma_start3A_85 = tpu.memref_slice %arg6[%dma_start3A_84] : memref<2048xi32, #tpu.memory_space<vmem>> -> memref<256xi32, #tpu.memory_space<vmem>>
    %dma_start3A_86 = arith.constant 0 : i32
    %dma_start3A_87 = arith.constant 0 : i32
    %dma_start3A_88 = tpu.memref_slice %arg2[%dma_start3A_86, %dma_start3A_87] : memref<65536x128xf32, #tpu.memory_space<hbm>> -> memref<65536x128xf32, #tpu.memory_space<hbm>>
    tpu.enqueue_indirect_dma source(%dma_start3A_88 : memref<65536x128xf32, #tpu.memory_space<hbm>>) target(%arg8 : memref<256x128xf32, #tpu.memory_space<vmem>>) offsets(%dma_start3A_85 : memref<256xi32, #tpu.memory_space<vmem>>) semaphore(%arg10 : memref<!tpu.dma_semaphore, #tpu.memory_space<semaphore_mem>>)
    %dma_wait3A_89 = arith.constant 1024 : i32
    %dma_wait3A_90 = tpu.memref_slice %arg6[%dma_wait3A_89] : memref<2048xi32, #tpu.memory_space<vmem>> -> memref<256xi32, #tpu.memory_space<vmem>>
    %dma_wait3A_91 = arith.constant 0 : i32
    %dma_wait3A_92 = arith.constant 0 : i32
    %dma_wait3A_93 = tpu.memref_slice %arg2[%dma_wait3A_91, %dma_wait3A_92] : memref<65536x128xf32, #tpu.memory_space<hbm>> -> memref<65536x128xf32, #tpu.memory_space<hbm>>
    tpu.wait_indirect_dma semaphore(%arg9 : memref<!tpu.dma_semaphore, #tpu.memory_space<semaphore_mem>>) src(%dma_wait3A_93 : memref<65536x128xf32, #tpu.memory_space<hbm>>) dst(%arg7 : memref<256x128xf32, #tpu.memory_space<vmem>>)
    "tpu.region"() ({
      %run_scoped3A = tpu.sem_alloc : memref<!tpu.dma_semaphore, #tpu.memory_space<semaphore_mem>>
      %dma_start3A_119 = arith.constant 1024 : i32
      %dma_start3A_120 = arith.constant 0 : i32
      %dma_start3A_121 = tpu.memref_slice %arg4[%select_n3A, %select_n3A_30, %dma_start3A_119, %dma_start3A_120] : memref<16x2x2048x128xf32, #tpu.memory_space<hbm>> -> memref<1x1x256x128xf32, #tpu.memory_space<hbm>>
      %dma_start3A_122 = tpu.memref_squeeze %dma_start3A_121 : memref<1x1x256x128xf32, #tpu.memory_space<hbm>> -> memref<256x128xf32, #tpu.memory_space<hbm>>
      %dma_start3A_123 = arith.constant 1024 : i32
      %dma_start3A_124 = arith.constant 0 : i32
      %dma_start3A_125 = tpu.memref_slice %arg4[%select_n3A, %select_n3A_30, %dma_start3A_123, %dma_start3A_124] : memref<16x2x2048x128xf32, #tpu.memory_space<hbm>> -> memref<1x1x256x128xf32, #tpu.memory_space<hbm>>
      %dma_start3A_126 = tpu.memref_squeeze %dma_start3A_125 : memref<1x1x256x128xf32, #tpu.memory_space<hbm>> -> memref<256x128xf32, #tpu.memory_space<hbm>>
      tpu.enqueue_dma source(%arg7 : memref<256x128xf32, #tpu.memory_space<vmem>>) target(%dma_start3A_126 : memref<256x128xf32, #tpu.memory_space<hbm>>) target_semaphore(%run_scoped3A : memref<!tpu.dma_semaphore, #tpu.memory_space<semaphore_mem>>)
      %dma_wait3A_127 = arith.constant 1024 : i32
      %dma_wait3A_128 = arith.constant 0 : i32
      %dma_wait3A_129 = tpu.memref_slice %arg4[%select_n3A, %select_n3A_30, %dma_wait3A_127, %dma_wait3A_128] : memref<16x2x2048x128xf32, #tpu.memory_space<hbm>> -> memref<1x1x256x128xf32, #tpu.memory_space<hbm>>
      %dma_wait3A_130 = tpu.memref_squeeze %dma_wait3A_129 : memref<1x1x256x128xf32, #tpu.memory_space<hbm>> -> memref<256x128xf32, #tpu.memory_space<hbm>>
      %dma_wait3A_131 = arith.constant 1024 : i32
      %dma_wait3A_132 = arith.constant 0 : i32
      %dma_wait3A_133 = tpu.memref_slice %arg4[%select_n3A, %select_n3A_30, %dma_wait3A_131, %dma_wait3A_132] : memref<16x2x2048x128xf32, #tpu.memory_space<hbm>> -> memref<1x1x256x128xf32, #tpu.memory_space<hbm>>
      %dma_wait3A_134 = tpu.memref_squeeze %dma_wait3A_133 : memref<1x1x256x128xf32, #tpu.memory_space<hbm>> -> memref<256x128xf32, #tpu.memory_space<hbm>>
      tpu.wait_dma2 semaphore(%run_scoped3A : memref<!tpu.dma_semaphore, #tpu.memory_space<semaphore_mem>>) src(%arg7 : memref<256x128xf32, #tpu.memory_space<vmem>>) dst(%dma_wait3A_134 : memref<256x128xf32, #tpu.memory_space<hbm>>)
      tpu.yield
    }) : () -> ()
    %dma_start3A_94 = arith.constant 1536 : i32
    %dma_start3A_95 = tpu.memref_slice %arg6[%dma_start3A_94] : memref<2048xi32, #tpu.memory_space<vmem>> -> memref<256xi32, #tpu.memory_space<vmem>>
    %dma_start3A_96 = arith.constant 0 : i32
    %dma_start3A_97 = arith.constant 0 : i32
    %dma_start3A_98 = tpu.memref_slice %arg2[%dma_start3A_96, %dma_start3A_97] : memref<65536x128xf32, #tpu.memory_space<hbm>> -> memref<65536x128xf32, #tpu.memory_space<hbm>>
    tpu.enqueue_indirect_dma source(%dma_start3A_98 : memref<65536x128xf32, #tpu.memory_space<hbm>>) target(%arg7 : memref<256x128xf32, #tpu.memory_space<vmem>>) offsets(%dma_start3A_95 : memref<256xi32, #tpu.memory_space<vmem>>) semaphore(%arg9 : memref<!tpu.dma_semaphore, #tpu.memory_space<semaphore_mem>>)
    %dma_wait3A_99 = arith.constant 1280 : i32
    %dma_wait3A_100 = tpu.memref_slice %arg6[%dma_wait3A_99] : memref<2048xi32, #tpu.memory_space<vmem>> -> memref<256xi32, #tpu.memory_space<vmem>>
    %dma_wait3A_101 = arith.constant 0 : i32
    %dma_wait3A_102 = arith.constant 0 : i32
    %dma_wait3A_103 = tpu.memref_slice %arg2[%dma_wait3A_101, %dma_wait3A_102] : memref<65536x128xf32, #tpu.memory_space<hbm>> -> memref<65536x128xf32, #tpu.memory_space<hbm>>
    tpu.wait_indirect_dma semaphore(%arg10 : memref<!tpu.dma_semaphore, #tpu.memory_space<semaphore_mem>>) src(%dma_wait3A_103 : memref<65536x128xf32, #tpu.memory_space<hbm>>) dst(%arg8 : memref<256x128xf32, #tpu.memory_space<vmem>>)
    "tpu.region"() ({
      %run_scoped3A = tpu.sem_alloc : memref<!tpu.dma_semaphore, #tpu.memory_space<semaphore_mem>>
      %dma_start3A_119 = arith.constant 1280 : i32
      %dma_start3A_120 = arith.constant 0 : i32
      %dma_start3A_121 = tpu.memref_slice %arg4[%select_n3A, %select_n3A_30, %dma_start3A_119, %dma_start3A_120] : memref<16x2x2048x128xf32, #tpu.memory_space<hbm>> -> memref<1x1x256x128xf32, #tpu.memory_space<hbm>>
      %dma_start3A_122 = tpu.memref_squeeze %dma_start3A_121 : memref<1x1x256x128xf32, #tpu.memory_space<hbm>> -> memref<256x128xf32, #tpu.memory_space<hbm>>
      %dma_start3A_123 = arith.constant 1280 : i32
      %dma_start3A_124 = arith.constant 0 : i32
      %dma_start3A_125 = tpu.memref_slice %arg4[%select_n3A, %select_n3A_30, %dma_start3A_123, %dma_start3A_124] : memref<16x2x2048x128xf32, #tpu.memory_space<hbm>> -> memref<1x1x256x128xf32, #tpu.memory_space<hbm>>
      %dma_start3A_126 = tpu.memref_squeeze %dma_start3A_125 : memref<1x1x256x128xf32, #tpu.memory_space<hbm>> -> memref<256x128xf32, #tpu.memory_space<hbm>>
      tpu.enqueue_dma source(%arg8 : memref<256x128xf32, #tpu.memory_space<vmem>>) target(%dma_start3A_126 : memref<256x128xf32, #tpu.memory_space<hbm>>) target_semaphore(%run_scoped3A : memref<!tpu.dma_semaphore, #tpu.memory_space<semaphore_mem>>)
      %dma_wait3A_127 = arith.constant 1280 : i32
      %dma_wait3A_128 = arith.constant 0 : i32
      %dma_wait3A_129 = tpu.memref_slice %arg4[%select_n3A, %select_n3A_30, %dma_wait3A_127, %dma_wait3A_128] : memref<16x2x2048x128xf32, #tpu.memory_space<hbm>> -> memref<1x1x256x128xf32, #tpu.memory_space<hbm>>
      %dma_wait3A_130 = tpu.memref_squeeze %dma_wait3A_129 : memref<1x1x256x128xf32, #tpu.memory_space<hbm>> -> memref<256x128xf32, #tpu.memory_space<hbm>>
      %dma_wait3A_131 = arith.constant 1280 : i32
      %dma_wait3A_132 = arith.constant 0 : i32
      %dma_wait3A_133 = tpu.memref_slice %arg4[%select_n3A, %select_n3A_30, %dma_wait3A_131, %dma_wait3A_132] : memref<16x2x2048x128xf32, #tpu.memory_space<hbm>> -> memref<1x1x256x128xf32, #tpu.memory_space<hbm>>
      %dma_wait3A_134 = tpu.memref_squeeze %dma_wait3A_133 : memref<1x1x256x128xf32, #tpu.memory_space<hbm>> -> memref<256x128xf32, #tpu.memory_space<hbm>>
      tpu.wait_dma2 semaphore(%run_scoped3A : memref<!tpu.dma_semaphore, #tpu.memory_space<semaphore_mem>>) src(%arg8 : memref<256x128xf32, #tpu.memory_space<vmem>>) dst(%dma_wait3A_134 : memref<256x128xf32, #tpu.memory_space<hbm>>)
      tpu.yield
    }) : () -> ()
    %dma_start3A_104 = arith.constant 1792 : i32
    %dma_start3A_105 = tpu.memref_slice %arg6[%dma_start3A_104] : memref<2048xi32, #tpu.memory_space<vmem>> -> memref<256xi32, #tpu.memory_space<vmem>>
    %dma_start3A_106 = arith.constant 0 : i32
    %dma_start3A_107 = arith.constant 0 : i32
    %dma_start3A_108 = tpu.memref_slice %arg2[%dma_start3A_106, %dma_start3A_107] : memref<65536x128xf32, #tpu.memory_space<hbm>> -> memref<65536x128xf32, #tpu.memory_space<hbm>>
    tpu.enqueue_indirect_dma source(%dma_start3A_108 : memref<65536x128xf32, #tpu.memory_space<hbm>>) target(%arg8 : memref<256x128xf32, #tpu.memory_space<vmem>>) offsets(%dma_start3A_105 : memref<256xi32, #tpu.memory_space<vmem>>) semaphore(%arg10 : memref<!tpu.dma_semaphore, #tpu.memory_space<semaphore_mem>>)
    %dma_wait3A_109 = arith.constant 1536 : i32
    %dma_wait3A_110 = tpu.memref_slice %arg6[%dma_wait3A_109] : memref<2048xi32, #tpu.memory_space<vmem>> -> memref<256xi32, #tpu.memory_space<vmem>>
    %dma_wait3A_111 = arith.constant 0 : i32
    %dma_wait3A_112 = arith.constant 0 : i32
    %dma_wait3A_113 = tpu.memref_slice %arg2[%dma_wait3A_111, %dma_wait3A_112] : memref<65536x128xf32, #tpu.memory_space<hbm>> -> memref<65536x128xf32, #tpu.memory_space<hbm>>
    tpu.wait_indirect_dma semaphore(%arg9 : memref<!tpu.dma_semaphore, #tpu.memory_space<semaphore_mem>>) src(%dma_wait3A_113 : memref<65536x128xf32, #tpu.memory_space<hbm>>) dst(%arg7 : memref<256x128xf32, #tpu.memory_space<vmem>>)
    "tpu.region"() ({
      %run_scoped3A = tpu.sem_alloc : memref<!tpu.dma_semaphore, #tpu.memory_space<semaphore_mem>>
      %dma_start3A_119 = arith.constant 1536 : i32
      %dma_start3A_120 = arith.constant 0 : i32
      %dma_start3A_121 = tpu.memref_slice %arg4[%select_n3A, %select_n3A_30, %dma_start3A_119, %dma_start3A_120] : memref<16x2x2048x128xf32, #tpu.memory_space<hbm>> -> memref<1x1x256x128xf32, #tpu.memory_space<hbm>>
      %dma_start3A_122 = tpu.memref_squeeze %dma_start3A_121 : memref<1x1x256x128xf32, #tpu.memory_space<hbm>> -> memref<256x128xf32, #tpu.memory_space<hbm>>
      %dma_start3A_123 = arith.constant 1536 : i32
      %dma_start3A_124 = arith.constant 0 : i32
      %dma_start3A_125 = tpu.memref_slice %arg4[%select_n3A, %select_n3A_30, %dma_start3A_123, %dma_start3A_124] : memref<16x2x2048x128xf32, #tpu.memory_space<hbm>> -> memref<1x1x256x128xf32, #tpu.memory_space<hbm>>
      %dma_start3A_126 = tpu.memref_squeeze %dma_start3A_125 : memref<1x1x256x128xf32, #tpu.memory_space<hbm>> -> memref<256x128xf32, #tpu.memory_space<hbm>>
      tpu.enqueue_dma source(%arg7 : memref<256x128xf32, #tpu.memory_space<vmem>>) target(%dma_start3A_126 : memref<256x128xf32, #tpu.memory_space<hbm>>) target_semaphore(%run_scoped3A : memref<!tpu.dma_semaphore, #tpu.memory_space<semaphore_mem>>)
      %dma_wait3A_127 = arith.constant 1536 : i32
      %dma_wait3A_128 = arith.constant 0 : i32
      %dma_wait3A_129 = tpu.memref_slice %arg4[%select_n3A, %select_n3A_30, %dma_wait3A_127, %dma_wait3A_128] : memref<16x2x2048x128xf32, #tpu.memory_space<hbm>> -> memref<1x1x256x128xf32, #tpu.memory_space<hbm>>
      %dma_wait3A_130 = tpu.memref_squeeze %dma_wait3A_129 : memref<1x1x256x128xf32, #tpu.memory_space<hbm>> -> memref<256x128xf32, #tpu.memory_space<hbm>>
      %dma_wait3A_131 = arith.constant 1536 : i32
      %dma_wait3A_132 = arith.constant 0 : i32
      %dma_wait3A_133 = tpu.memref_slice %arg4[%select_n3A, %select_n3A_30, %dma_wait3A_131, %dma_wait3A_132] : memref<16x2x2048x128xf32, #tpu.memory_space<hbm>> -> memref<1x1x256x128xf32, #tpu.memory_space<hbm>>
      %dma_wait3A_134 = tpu.memref_squeeze %dma_wait3A_133 : memref<1x1x256x128xf32, #tpu.memory_space<hbm>> -> memref<256x128xf32, #tpu.memory_space<hbm>>
      tpu.wait_dma2 semaphore(%run_scoped3A : memref<!tpu.dma_semaphore, #tpu.memory_space<semaphore_mem>>) src(%arg7 : memref<256x128xf32, #tpu.memory_space<vmem>>) dst(%dma_wait3A_134 : memref<256x128xf32, #tpu.memory_space<hbm>>)
      tpu.yield
    }) : () -> ()
    %dma_wait3A_114 = arith.constant 1792 : i32
    %dma_wait3A_115 = tpu.memref_slice %arg6[%dma_wait3A_114] : memref<2048xi32, #tpu.memory_space<vmem>> -> memref<256xi32, #tpu.memory_space<vmem>>
    %dma_wait3A_116 = arith.constant 0 : i32
    %dma_wait3A_117 = arith.constant 0 : i32
    %dma_wait3A_118 = tpu.memref_slice %arg2[%dma_wait3A_116, %dma_wait3A_117] : memref<65536x128xf32, #tpu.memory_space<hbm>> -> memref<65536x128xf32, #tpu.memory_space<hbm>>
    tpu.wait_indirect_dma semaphore(%arg10 : memref<!tpu.dma_semaphore, #tpu.memory_space<semaphore_mem>>) src(%dma_wait3A_118 : memref<65536x128xf32, #tpu.memory_space<hbm>>) dst(%arg8 : memref<256x128xf32, #tpu.memory_space<vmem>>)
    "tpu.region"() ({
      %run_scoped3A = tpu.sem_alloc : memref<!tpu.dma_semaphore, #tpu.memory_space<semaphore_mem>>
      %dma_start3A_119 = arith.constant 1792 : i32
      %dma_start3A_120 = arith.constant 0 : i32
      %dma_start3A_121 = tpu.memref_slice %arg4[%select_n3A, %select_n3A_30, %dma_start3A_119, %dma_start3A_120] : memref<16x2x2048x128xf32, #tpu.memory_space<hbm>> -> memref<1x1x256x128xf32, #tpu.memory_space<hbm>>
      %dma_start3A_122 = tpu.memref_squeeze %dma_start3A_121 : memref<1x1x256x128xf32, #tpu.memory_space<hbm>> -> memref<256x128xf32, #tpu.memory_space<hbm>>
      %dma_start3A_123 = arith.constant 1792 : i32
      %dma_start3A_124 = arith.constant 0 : i32
      %dma_start3A_125 = tpu.memref_slice %arg4[%select_n3A, %select_n3A_30, %dma_start3A_123, %dma_start3A_124] : memref<16x2x2048x128xf32, #tpu.memory_space<hbm>> -> memref<1x1x256x128xf32, #tpu.memory_space<hbm>>
      %dma_start3A_126 = tpu.memref_squeeze %dma_start3A_125 : memref<1x1x256x128xf32, #tpu.memory_space<hbm>> -> memref<256x128xf32, #tpu.memory_space<hbm>>
      tpu.enqueue_dma source(%arg8 : memref<256x128xf32, #tpu.memory_space<vmem>>) target(%dma_start3A_126 : memref<256x128xf32, #tpu.memory_space<hbm>>) target_semaphore(%run_scoped3A : memref<!tpu.dma_semaphore, #tpu.memory_space<semaphore_mem>>)
      %dma_wait3A_127 = arith.constant 1792 : i32
      %dma_wait3A_128 = arith.constant 0 : i32
      %dma_wait3A_129 = tpu.memref_slice %arg4[%select_n3A, %select_n3A_30, %dma_wait3A_127, %dma_wait3A_128] : memref<16x2x2048x128xf32, #tpu.memory_space<hbm>> -> memref<1x1x256x128xf32, #tpu.memory_space<hbm>>
      %dma_wait3A_130 = tpu.memref_squeeze %dma_wait3A_129 : memref<1x1x256x128xf32, #tpu.memory_space<hbm>> -> memref<256x128xf32, #tpu.memory_space<hbm>>
      %dma_wait3A_131 = arith.constant 1792 : i32
      %dma_wait3A_132 = arith.constant 0 : i32
      %dma_wait3A_133 = tpu.memref_slice %arg4[%select_n3A, %select_n3A_30, %dma_wait3A_131, %dma_wait3A_132] : memref<16x2x2048x128xf32, #tpu.memory_space<hbm>> -> memref<1x1x256x128xf32, #tpu.memory_space<hbm>>
      %dma_wait3A_134 = tpu.memref_squeeze %dma_wait3A_133 : memref<1x1x256x128xf32, #tpu.memory_space<hbm>> -> memref<256x128xf32, #tpu.memory_space<hbm>>
      tpu.wait_dma2 semaphore(%run_scoped3A : memref<!tpu.dma_semaphore, #tpu.memory_space<semaphore_mem>>) src(%arg8 : memref<256x128xf32, #tpu.memory_space<vmem>>) dst(%dma_wait3A_134 : memref<256x128xf32, #tpu.memory_space<hbm>>)
      tpu.yield
    }) : () -> ()
    return
  }
}

module attributes {stable_mosaic.version = 14 : i64} {
  func.func @_proj_body(%arg0: i32, %arg1: memref<2048x1024xf32, #tpu.memory_space<vmem>>, %arg2: memref<1024x512xf32, #tpu.memory_space<vmem>>, %arg3: memref<4x32x64xf32, #tpu.memory_space<vmem>>, %arg4: memref<2048x512xf32, #tpu.memory_space<vmem>>, %arg5: memref<4x2x2048xi32, #tpu.memory_space<vmem>>) attributes {dimension_semantics = [#tpu.dimension_semantics<arbitrary>], iteration_bounds = array<i64: 4>, scalar_prefetch = 0 : i64, scratch_operands = 0 : i64, tpu.core_type = #tpu.core_type<tc>, window_params = [{pipeline_mode = #tpu.pipeline_mode<synchronous>, transform_indices = @transform_0, window_bounds = array<i64: 2048, 1024>}, {transform_indices = @transform_1, window_bounds = array<i64: 1024, 512>}, {transform_indices = @transform_2, window_bounds = array<i64: 4, 32, 64>}, {transform_indices = @transform_3, window_bounds = array<i64: 2048, 512>}, {transform_indices = @transform_4, window_bounds = array<i64: 4, 2, 2048>}]} {
    %get3A = arith.constant 0 : index
    %get3A_0 = arith.constant 0 : index
    %get3A_1 = vector.load %arg1[%get3A, %get3A_0] : memref<2048x1024xf32, #tpu.memory_space<vmem>>, vector<2048x1024xf32>
    %get3A_2 = arith.constant 0 : index
    %get3A_3 = arith.constant 0 : index
    %get3A_4 = vector.load %arg2[%get3A_2, %get3A_3] : memref<1024x512xf32, #tpu.memory_space<vmem>>, vector<1024x512xf32>
    %dot_general3A = arith.constant dense<0.000000e+00> : vector<2048x512xf32>
    %dot_general3A_5 = tpu.matmul %get3A_1, %get3A_4, %dot_general3A {dimension_numbers = #tpu.dot_dimension_numbers<[1], [0], [0], [1], [0, 0, 1, 1], [], []>, transpose_lhs_hint = false} : vector<2048x1024xf32>, vector<1024x512xf32>, vector<2048x512xf32> -> vector<2048x512xf32>
    %swap3A = arith.constant 0 : index
    %swap3A_6 = arith.constant 0 : index
    %swap3A_7 = vector.load %arg4[%swap3A, %swap3A_6] : memref<2048x512xf32, #tpu.memory_space<vmem>>, vector<2048x512xf32>
    tpu.vector_store %arg4[%swap3A, %swap3A_6], %dot_general3A_5 {strides = array<i32>} : memref<2048x512xf32, #tpu.memory_space<vmem>>, vector<2048x512xf32>,
    %iota3A = tpu.iota {dimensions = array<i32: 0>} : vector<32x2048xi32>
    %slice3A = vector.extract_strided_slice %dot_general3A_5 {offsets = [0, 0], sizes = [2048, 64], strides = [1, 1]} : vector<2048x512xf32> to vector<2048x64xf32>
    %transpose3A = tpu.transpose %slice3A, [1, 0] : vector<2048x64xf32> -> vector<64x2048xf32>
    %get3A_8 = arith.constant 0 : index
    %get3A_9 = arith.constant 0 : index
    %get3A_10 = arith.constant 0 : index
    %get3A_11 = vector.load %arg3[%get3A_8, %get3A_9, %get3A_10] : memref<4x32x64xf32, #tpu.memory_space<vmem>>, vector<1x32x64xf32>
    %get3A_12 = vector.shape_cast %get3A_11 : vector<1x32x64xf32> to vector<32x64xf32>
    %dot_general3A_13 = arith.constant dense<0.000000e+00> : vector<32x2048xf32>
    %dot_general3A_14 = tpu.matmul %get3A_12, %transpose3A, %dot_general3A_13 {dimension_numbers = #tpu.dot_dimension_numbers<[1], [0], [0], [1], [0, 0, 1, 1], [], []>, transpose_lhs_hint = false} : vector<32x64xf32>, vector<64x2048xf32>, vector<32x2048xf32> -> vector<32x2048xf32>
    %slice3A_15 = vector.extract_strided_slice %dot_general3A_14 {offsets = [0, 0], sizes = [16, 2048], strides = [1, 1]} : vector<32x2048xf32> to vector<16x2048xf32>
    %neg3A = arith.constant 0.000000e+00 : f32
    %neg3A_16 = vector.broadcast %neg3A : f32 to vector<16x2048xf32>
    %neg3A_17 = arith.subf %neg3A_16, %slice3A_15 : vector<16x2048xf32>
    %concatenate3A = tpu.concatenate %slice3A_15, %neg3A_17 in 0 : vector<16x2048xf32>, vector<16x2048xf32> -> vector<32x2048xf32>
    %reduce_max3A = arith.constant dense<0xFF800000> : vector<2048xf32>
    %reduce_max3A_18 = vector.multi_reduction <maximumf>, %concatenate3A, %reduce_max3A [0] : vector<32x2048xf32> to vector<2048xf32>
    %broadcast_in_dim3A = vector.shape_cast %reduce_max3A_18 : vector<2048xf32> to vector<1x2048xf32>
    %eq3A = vector.broadcast %broadcast_in_dim3A : vector<1x2048xf32> to vector<32x2048xf32>
    %eq3A_19 = arith.cmpf oeq, %concatenate3A, %eq3A : vector<32x2048xf32>
    %jit3A = arith.constant 32 : i32
    %broadcast_in_dim3A_20 = vector.broadcast %jit3A : i32 to vector<32x2048xi32>
    %select_n3A = arith.select %eq3A_19, %iota3A, %broadcast_in_dim3A_20 : vector<32x2048xi1>, vector<32x2048xi32>
    %reduce_min3A = arith.constant dense<2147483647> : vector<2048xi32>
    %reduce_min3A_21 = vector.multi_reduction <minsi>, %select_n3A, %reduce_min3A [0] : vector<32x2048xi32> to vector<2048xi32>
    %broadcast_in_dim3A_22 = vector.shape_cast %reduce_min3A_21 : vector<2048xi32> to vector<1x2048xi32>
    %swap3A_23 = arith.constant 0 : index
    %swap3A_24 = arith.constant 0 : index
    %swap3A_25 = arith.constant 0 : index
    %swap3A_26 = vector.load %arg5[%swap3A_23, %swap3A_24, %swap3A_25] : memref<4x2x2048xi32, #tpu.memory_space<vmem>>, vector<1x1x2048xi32>
    %swap3A_27 = vector.shape_cast %swap3A_26 : vector<1x1x2048xi32> to vector<1x2048xi32>
    %swap3A_28 = vector.shape_cast %broadcast_in_dim3A_22 : vector<1x2048xi32> to vector<1x1x2048xi32>
    tpu.vector_store %arg5[%swap3A_23, %swap3A_24, %swap3A_25], %swap3A_28 {strides = array<i32>} : memref<4x2x2048xi32, #tpu.memory_space<vmem>>, vector<1x1x2048xi32>,
    %slice3A_29 = vector.extract_strided_slice %dot_general3A_14 {offsets = [16, 0], sizes = [16, 2048], strides = [1, 1]} : vector<32x2048xf32> to vector<16x2048xf32>
    %neg3A_30 = arith.constant 0.000000e+00 : f32
    %neg3A_31 = vector.broadcast %neg3A_30 : f32 to vector<16x2048xf32>
    %neg3A_32 = arith.subf %neg3A_31, %slice3A_29 : vector<16x2048xf32>
    %concatenate3A_33 = tpu.concatenate %slice3A_29, %neg3A_32 in 0 : vector<16x2048xf32>, vector<16x2048xf32> -> vector<32x2048xf32>
    %reduce_max3A_34 = arith.constant dense<0xFF800000> : vector<2048xf32>
    %reduce_max3A_35 = vector.multi_reduction <maximumf>, %concatenate3A_33, %reduce_max3A_34 [0] : vector<32x2048xf32> to vector<2048xf32>
    %broadcast_in_dim3A_36 = vector.shape_cast %reduce_max3A_35 : vector<2048xf32> to vector<1x2048xf32>
    %eq3A_37 = vector.broadcast %broadcast_in_dim3A_36 : vector<1x2048xf32> to vector<32x2048xf32>
    %eq3A_38 = arith.cmpf oeq, %concatenate3A_33, %eq3A_37 : vector<32x2048xf32>
    %jit3A_39 = arith.constant 32 : i32
    %broadcast_in_dim3A_40 = vector.broadcast %jit3A_39 : i32 to vector<32x2048xi32>
    %select_n3A_41 = arith.select %eq3A_38, %iota3A, %broadcast_in_dim3A_40 : vector<32x2048xi1>, vector<32x2048xi32>
    %reduce_min3A_42 = arith.constant dense<2147483647> : vector<2048xi32>
    %reduce_min3A_43 = vector.multi_reduction <minsi>, %select_n3A_41, %reduce_min3A_42 [0] : vector<32x2048xi32> to vector<2048xi32>
    %broadcast_in_dim3A_44 = vector.shape_cast %reduce_min3A_43 : vector<2048xi32> to vector<1x2048xi32>
    %swap3A_45 = arith.constant 0 : index
    %swap3A_46 = arith.constant 1 : index
    %swap3A_47 = arith.constant 0 : index
    %swap3A_48 = vector.load %arg5[%swap3A_45, %swap3A_46, %swap3A_47] : memref<4x2x2048xi32, #tpu.memory_space<vmem>>, vector<1x1x2048xi32>
    %swap3A_49 = vector.shape_cast %swap3A_48 : vector<1x1x2048xi32> to vector<1x2048xi32>
    %swap3A_50 = vector.shape_cast %broadcast_in_dim3A_44 : vector<1x2048xi32> to vector<1x1x2048xi32>
    tpu.vector_store %arg5[%swap3A_45, %swap3A_46, %swap3A_47], %swap3A_50 {strides = array<i32>} : memref<4x2x2048xi32, #tpu.memory_space<vmem>>, vector<1x1x2048xi32>,
    %slice3A_51 = vector.extract_strided_slice %dot_general3A_5 {offsets = [0, 128], sizes = [2048, 64], strides = [1, 1]} : vector<2048x512xf32> to vector<2048x64xf32>
    %transpose3A_52 = tpu.transpose %slice3A_51, [1, 0] : vector<2048x64xf32> -> vector<64x2048xf32>
    %get3A_53 = arith.constant 1 : index
    %get3A_54 = arith.constant 0 : index
    %get3A_55 = arith.constant 0 : index
    %get3A_56 = vector.load %arg3[%get3A_53, %get3A_54, %get3A_55] : memref<4x32x64xf32, #tpu.memory_space<vmem>>, vector<1x32x64xf32>
    %get3A_57 = vector.shape_cast %get3A_56 : vector<1x32x64xf32> to vector<32x64xf32>
    %dot_general3A_58 = arith.constant dense<0.000000e+00> : vector<32x2048xf32>
    %dot_general3A_59 = tpu.matmul %get3A_57, %transpose3A_52, %dot_general3A_58 {dimension_numbers = #tpu.dot_dimension_numbers<[1], [0], [0], [1], [0, 0, 1, 1], [], []>, transpose_lhs_hint = false} : vector<32x64xf32>, vector<64x2048xf32>, vector<32x2048xf32> -> vector<32x2048xf32>
    %slice3A_60 = vector.extract_strided_slice %dot_general3A_59 {offsets = [0, 0], sizes = [16, 2048], strides = [1, 1]} : vector<32x2048xf32> to vector<16x2048xf32>
    %neg3A_61 = arith.constant 0.000000e+00 : f32
    %neg3A_62 = vector.broadcast %neg3A_61 : f32 to vector<16x2048xf32>
    %neg3A_63 = arith.subf %neg3A_62, %slice3A_60 : vector<16x2048xf32>
    %concatenate3A_64 = tpu.concatenate %slice3A_60, %neg3A_63 in 0 : vector<16x2048xf32>, vector<16x2048xf32> -> vector<32x2048xf32>
    %reduce_max3A_65 = arith.constant dense<0xFF800000> : vector<2048xf32>
    %reduce_max3A_66 = vector.multi_reduction <maximumf>, %concatenate3A_64, %reduce_max3A_65 [0] : vector<32x2048xf32> to vector<2048xf32>
    %broadcast_in_dim3A_67 = vector.shape_cast %reduce_max3A_66 : vector<2048xf32> to vector<1x2048xf32>
    %eq3A_68 = vector.broadcast %broadcast_in_dim3A_67 : vector<1x2048xf32> to vector<32x2048xf32>
    %eq3A_69 = arith.cmpf oeq, %concatenate3A_64, %eq3A_68 : vector<32x2048xf32>
    %jit3A_70 = arith.constant 32 : i32
    %broadcast_in_dim3A_71 = vector.broadcast %jit3A_70 : i32 to vector<32x2048xi32>
    %select_n3A_72 = arith.select %eq3A_69, %iota3A, %broadcast_in_dim3A_71 : vector<32x2048xi1>, vector<32x2048xi32>
    %reduce_min3A_73 = arith.constant dense<2147483647> : vector<2048xi32>
    %reduce_min3A_74 = vector.multi_reduction <minsi>, %select_n3A_72, %reduce_min3A_73 [0] : vector<32x2048xi32> to vector<2048xi32>
    %broadcast_in_dim3A_75 = vector.shape_cast %reduce_min3A_74 : vector<2048xi32> to vector<1x2048xi32>
    %swap3A_76 = arith.constant 1 : index
    %swap3A_77 = arith.constant 0 : index
    %swap3A_78 = arith.constant 0 : index
    %swap3A_79 = vector.load %arg5[%swap3A_76, %swap3A_77, %swap3A_78] : memref<4x2x2048xi32, #tpu.memory_space<vmem>>, vector<1x1x2048xi32>
    %swap3A_80 = vector.shape_cast %swap3A_79 : vector<1x1x2048xi32> to vector<1x2048xi32>
    %swap3A_81 = vector.shape_cast %broadcast_in_dim3A_75 : vector<1x2048xi32> to vector<1x1x2048xi32>
    tpu.vector_store %arg5[%swap3A_76, %swap3A_77, %swap3A_78], %swap3A_81 {strides = array<i32>} : memref<4x2x2048xi32, #tpu.memory_space<vmem>>, vector<1x1x2048xi32>,
    %slice3A_82 = vector.extract_strided_slice %dot_general3A_59 {offsets = [16, 0], sizes = [16, 2048], strides = [1, 1]} : vector<32x2048xf32> to vector<16x2048xf32>
    %neg3A_83 = arith.constant 0.000000e+00 : f32
    %neg3A_84 = vector.broadcast %neg3A_83 : f32 to vector<16x2048xf32>
    %neg3A_85 = arith.subf %neg3A_84, %slice3A_82 : vector<16x2048xf32>
    %concatenate3A_86 = tpu.concatenate %slice3A_82, %neg3A_85 in 0 : vector<16x2048xf32>, vector<16x2048xf32> -> vector<32x2048xf32>
    %reduce_max3A_87 = arith.constant dense<0xFF800000> : vector<2048xf32>
    %reduce_max3A_88 = vector.multi_reduction <maximumf>, %concatenate3A_86, %reduce_max3A_87 [0] : vector<32x2048xf32> to vector<2048xf32>
    %broadcast_in_dim3A_89 = vector.shape_cast %reduce_max3A_88 : vector<2048xf32> to vector<1x2048xf32>
    %eq3A_90 = vector.broadcast %broadcast_in_dim3A_89 : vector<1x2048xf32> to vector<32x2048xf32>
    %eq3A_91 = arith.cmpf oeq, %concatenate3A_86, %eq3A_90 : vector<32x2048xf32>
    %jit3A_92 = arith.constant 32 : i32
    %broadcast_in_dim3A_93 = vector.broadcast %jit3A_92 : i32 to vector<32x2048xi32>
    %select_n3A_94 = arith.select %eq3A_91, %iota3A, %broadcast_in_dim3A_93 : vector<32x2048xi1>, vector<32x2048xi32>
    %reduce_min3A_95 = arith.constant dense<2147483647> : vector<2048xi32>
    %reduce_min3A_96 = vector.multi_reduction <minsi>, %select_n3A_94, %reduce_min3A_95 [0] : vector<32x2048xi32> to vector<2048xi32>
    %broadcast_in_dim3A_97 = vector.shape_cast %reduce_min3A_96 : vector<2048xi32> to vector<1x2048xi32>
    %swap3A_98 = arith.constant 1 : index
    %swap3A_99 = arith.constant 1 : index
    %swap3A_100 = arith.constant 0 : index
    %swap3A_101 = vector.load %arg5[%swap3A_98, %swap3A_99, %swap3A_100] : memref<4x2x2048xi32, #tpu.memory_space<vmem>>, vector<1x1x2048xi32>
    %swap3A_102 = vector.shape_cast %swap3A_101 : vector<1x1x2048xi32> to vector<1x2048xi32>
    %swap3A_103 = vector.shape_cast %broadcast_in_dim3A_97 : vector<1x2048xi32> to vector<1x1x2048xi32>
    tpu.vector_store %arg5[%swap3A_98, %swap3A_99, %swap3A_100], %swap3A_103 {strides = array<i32>} : memref<4x2x2048xi32, #tpu.memory_space<vmem>>, vector<1x1x2048xi32>,
    %slice3A_104 = vector.extract_strided_slice %dot_general3A_5 {offsets = [0, 256], sizes = [2048, 64], strides = [1, 1]} : vector<2048x512xf32> to vector<2048x64xf32>
    %transpose3A_105 = tpu.transpose %slice3A_104, [1, 0] : vector<2048x64xf32> -> vector<64x2048xf32>
    %get3A_106 = arith.constant 2 : index
    %get3A_107 = arith.constant 0 : index
    %get3A_108 = arith.constant 0 : index
    %get3A_109 = vector.load %arg3[%get3A_106, %get3A_107, %get3A_108] : memref<4x32x64xf32, #tpu.memory_space<vmem>>, vector<1x32x64xf32>
    %get3A_110 = vector.shape_cast %get3A_109 : vector<1x32x64xf32> to vector<32x64xf32>
    %dot_general3A_111 = arith.constant dense<0.000000e+00> : vector<32x2048xf32>
    %dot_general3A_112 = tpu.matmul %get3A_110, %transpose3A_105, %dot_general3A_111 {dimension_numbers = #tpu.dot_dimension_numbers<[1], [0], [0], [1], [0, 0, 1, 1], [], []>, transpose_lhs_hint = false} : vector<32x64xf32>, vector<64x2048xf32>, vector<32x2048xf32> -> vector<32x2048xf32>
    %slice3A_113 = vector.extract_strided_slice %dot_general3A_112 {offsets = [0, 0], sizes = [16, 2048], strides = [1, 1]} : vector<32x2048xf32> to vector<16x2048xf32>
    %neg3A_114 = arith.constant 0.000000e+00 : f32
    %neg3A_115 = vector.broadcast %neg3A_114 : f32 to vector<16x2048xf32>
    %neg3A_116 = arith.subf %neg3A_115, %slice3A_113 : vector<16x2048xf32>
    %concatenate3A_117 = tpu.concatenate %slice3A_113, %neg3A_116 in 0 : vector<16x2048xf32>, vector<16x2048xf32> -> vector<32x2048xf32>
    %reduce_max3A_118 = arith.constant dense<0xFF800000> : vector<2048xf32>
    %reduce_max3A_119 = vector.multi_reduction <maximumf>, %concatenate3A_117, %reduce_max3A_118 [0] : vector<32x2048xf32> to vector<2048xf32>
    %broadcast_in_dim3A_120 = vector.shape_cast %reduce_max3A_119 : vector<2048xf32> to vector<1x2048xf32>
    %eq3A_121 = vector.broadcast %broadcast_in_dim3A_120 : vector<1x2048xf32> to vector<32x2048xf32>
    %eq3A_122 = arith.cmpf oeq, %concatenate3A_117, %eq3A_121 : vector<32x2048xf32>
    %jit3A_123 = arith.constant 32 : i32
    %broadcast_in_dim3A_124 = vector.broadcast %jit3A_123 : i32 to vector<32x2048xi32>
    %select_n3A_125 = arith.select %eq3A_122, %iota3A, %broadcast_in_dim3A_124 : vector<32x2048xi1>, vector<32x2048xi32>
    %reduce_min3A_126 = arith.constant dense<2147483647> : vector<2048xi32>
    %reduce_min3A_127 = vector.multi_reduction <minsi>, %select_n3A_125, %reduce_min3A_126 [0] : vector<32x2048xi32> to vector<2048xi32>
    %broadcast_in_dim3A_128 = vector.shape_cast %reduce_min3A_127 : vector<2048xi32> to vector<1x2048xi32>
    %swap3A_129 = arith.constant 2 : index
    %swap3A_130 = arith.constant 0 : index
    %swap3A_131 = arith.constant 0 : index
    %swap3A_132 = vector.load %arg5[%swap3A_129, %swap3A_130, %swap3A_131] : memref<4x2x2048xi32, #tpu.memory_space<vmem>>, vector<1x1x2048xi32>
    %swap3A_133 = vector.shape_cast %swap3A_132 : vector<1x1x2048xi32> to vector<1x2048xi32>
    %swap3A_134 = vector.shape_cast %broadcast_in_dim3A_128 : vector<1x2048xi32> to vector<1x1x2048xi32>
    tpu.vector_store %arg5[%swap3A_129, %swap3A_130, %swap3A_131], %swap3A_134 {strides = array<i32>} : memref<4x2x2048xi32, #tpu.memory_space<vmem>>, vector<1x1x2048xi32>,
    %slice3A_135 = vector.extract_strided_slice %dot_general3A_112 {offsets = [16, 0], sizes = [16, 2048], strides = [1, 1]} : vector<32x2048xf32> to vector<16x2048xf32>
    %neg3A_136 = arith.constant 0.000000e+00 : f32
    %neg3A_137 = vector.broadcast %neg3A_136 : f32 to vector<16x2048xf32>
    %neg3A_138 = arith.subf %neg3A_137, %slice3A_135 : vector<16x2048xf32>
    %concatenate3A_139 = tpu.concatenate %slice3A_135, %neg3A_138 in 0 : vector<16x2048xf32>, vector<16x2048xf32> -> vector<32x2048xf32>
    %reduce_max3A_140 = arith.constant dense<0xFF800000> : vector<2048xf32>
    %reduce_max3A_141 = vector.multi_reduction <maximumf>, %concatenate3A_139, %reduce_max3A_140 [0] : vector<32x2048xf32> to vector<2048xf32>
    %broadcast_in_dim3A_142 = vector.shape_cast %reduce_max3A_141 : vector<2048xf32> to vector<1x2048xf32>
    %eq3A_143 = vector.broadcast %broadcast_in_dim3A_142 : vector<1x2048xf32> to vector<32x2048xf32>
    %eq3A_144 = arith.cmpf oeq, %concatenate3A_139, %eq3A_143 : vector<32x2048xf32>
    %jit3A_145 = arith.constant 32 : i32
    %broadcast_in_dim3A_146 = vector.broadcast %jit3A_145 : i32 to vector<32x2048xi32>
    %select_n3A_147 = arith.select %eq3A_144, %iota3A, %broadcast_in_dim3A_146 : vector<32x2048xi1>, vector<32x2048xi32>
    %reduce_min3A_148 = arith.constant dense<2147483647> : vector<2048xi32>
    %reduce_min3A_149 = vector.multi_reduction <minsi>, %select_n3A_147, %reduce_min3A_148 [0] : vector<32x2048xi32> to vector<2048xi32>
    %broadcast_in_dim3A_150 = vector.shape_cast %reduce_min3A_149 : vector<2048xi32> to vector<1x2048xi32>
    %swap3A_151 = arith.constant 2 : index
    %swap3A_152 = arith.constant 1 : index
    %swap3A_153 = arith.constant 0 : index
    %swap3A_154 = vector.load %arg5[%swap3A_151, %swap3A_152, %swap3A_153] : memref<4x2x2048xi32, #tpu.memory_space<vmem>>, vector<1x1x2048xi32>
    %swap3A_155 = vector.shape_cast %swap3A_154 : vector<1x1x2048xi32> to vector<1x2048xi32>
    %swap3A_156 = vector.shape_cast %broadcast_in_dim3A_150 : vector<1x2048xi32> to vector<1x1x2048xi32>
    tpu.vector_store %arg5[%swap3A_151, %swap3A_152, %swap3A_153], %swap3A_156 {strides = array<i32>} : memref<4x2x2048xi32, #tpu.memory_space<vmem>>, vector<1x1x2048xi32>,
    %slice3A_157 = vector.extract_strided_slice %dot_general3A_5 {offsets = [0, 384], sizes = [2048, 64], strides = [1, 1]} : vector<2048x512xf32> to vector<2048x64xf32>
    %transpose3A_158 = tpu.transpose %slice3A_157, [1, 0] : vector<2048x64xf32> -> vector<64x2048xf32>
    %get3A_159 = arith.constant 3 : index
    %get3A_160 = arith.constant 0 : index
    %get3A_161 = arith.constant 0 : index
    %get3A_162 = vector.load %arg3[%get3A_159, %get3A_160, %get3A_161] : memref<4x32x64xf32, #tpu.memory_space<vmem>>, vector<1x32x64xf32>
    %get3A_163 = vector.shape_cast %get3A_162 : vector<1x32x64xf32> to vector<32x64xf32>
    %dot_general3A_164 = arith.constant dense<0.000000e+00> : vector<32x2048xf32>
    %dot_general3A_165 = tpu.matmul %get3A_163, %transpose3A_158, %dot_general3A_164 {dimension_numbers = #tpu.dot_dimension_numbers<[1], [0], [0], [1], [0, 0, 1, 1], [], []>, transpose_lhs_hint = false} : vector<32x64xf32>, vector<64x2048xf32>, vector<32x2048xf32> -> vector<32x2048xf32>
    %slice3A_166 = vector.extract_strided_slice %dot_general3A_165 {offsets = [0, 0], sizes = [16, 2048], strides = [1, 1]} : vector<32x2048xf32> to vector<16x2048xf32>
    %neg3A_167 = arith.constant 0.000000e+00 : f32
    %neg3A_168 = vector.broadcast %neg3A_167 : f32 to vector<16x2048xf32>
    %neg3A_169 = arith.subf %neg3A_168, %slice3A_166 : vector<16x2048xf32>
    %concatenate3A_170 = tpu.concatenate %slice3A_166, %neg3A_169 in 0 : vector<16x2048xf32>, vector<16x2048xf32> -> vector<32x2048xf32>
    %reduce_max3A_171 = arith.constant dense<0xFF800000> : vector<2048xf32>
    %reduce_max3A_172 = vector.multi_reduction <maximumf>, %concatenate3A_170, %reduce_max3A_171 [0] : vector<32x2048xf32> to vector<2048xf32>
    %broadcast_in_dim3A_173 = vector.shape_cast %reduce_max3A_172 : vector<2048xf32> to vector<1x2048xf32>
    %eq3A_174 = vector.broadcast %broadcast_in_dim3A_173 : vector<1x2048xf32> to vector<32x2048xf32>
    %eq3A_175 = arith.cmpf oeq, %concatenate3A_170, %eq3A_174 : vector<32x2048xf32>
    %jit3A_176 = arith.constant 32 : i32
    %broadcast_in_dim3A_177 = vector.broadcast %jit3A_176 : i32 to vector<32x2048xi32>
    %select_n3A_178 = arith.select %eq3A_175, %iota3A, %broadcast_in_dim3A_177 : vector<32x2048xi1>, vector<32x2048xi32>
    %reduce_min3A_179 = arith.constant dense<2147483647> : vector<2048xi32>
    %reduce_min3A_180 = vector.multi_reduction <minsi>, %select_n3A_178, %reduce_min3A_179 [0] : vector<32x2048xi32> to vector<2048xi32>
    %broadcast_in_dim3A_181 = vector.shape_cast %reduce_min3A_180 : vector<2048xi32> to vector<1x2048xi32>
    %swap3A_182 = arith.constant 3 : index
    %swap3A_183 = arith.constant 0 : index
    %swap3A_184 = arith.constant 0 : index
    %swap3A_185 = vector.load %arg5[%swap3A_182, %swap3A_183, %swap3A_184] : memref<4x2x2048xi32, #tpu.memory_space<vmem>>, vector<1x1x2048xi32>
    %swap3A_186 = vector.shape_cast %swap3A_185 : vector<1x1x2048xi32> to vector<1x2048xi32>
    %swap3A_187 = vector.shape_cast %broadcast_in_dim3A_181 : vector<1x2048xi32> to vector<1x1x2048xi32>
    tpu.vector_store %arg5[%swap3A_182, %swap3A_183, %swap3A_184], %swap3A_187 {strides = array<i32>} : memref<4x2x2048xi32, #tpu.memory_space<vmem>>, vector<1x1x2048xi32>,
    %slice3A_188 = vector.extract_strided_slice %dot_general3A_165 {offsets = [16, 0], sizes = [16, 2048], strides = [1, 1]} : vector<32x2048xf32> to vector<16x2048xf32>
    %neg3A_189 = arith.constant 0.000000e+00 : f32
    %neg3A_190 = vector.broadcast %neg3A_189 : f32 to vector<16x2048xf32>
    %neg3A_191 = arith.subf %neg3A_190, %slice3A_188 : vector<16x2048xf32>
    %concatenate3A_192 = tpu.concatenate %slice3A_188, %neg3A_191 in 0 : vector<16x2048xf32>, vector<16x2048xf32> -> vector<32x2048xf32>
    %reduce_max3A_193 = arith.constant dense<0xFF800000> : vector<2048xf32>
    %reduce_max3A_194 = vector.multi_reduction <maximumf>, %concatenate3A_192, %reduce_max3A_193 [0] : vector<32x2048xf32> to vector<2048xf32>
    %broadcast_in_dim3A_195 = vector.shape_cast %reduce_max3A_194 : vector<2048xf32> to vector<1x2048xf32>
    %eq3A_196 = vector.broadcast %broadcast_in_dim3A_195 : vector<1x2048xf32> to vector<32x2048xf32>
    %eq3A_197 = arith.cmpf oeq, %concatenate3A_192, %eq3A_196 : vector<32x2048xf32>
    %jit3A_198 = arith.constant 32 : i32
    %broadcast_in_dim3A_199 = vector.broadcast %jit3A_198 : i32 to vector<32x2048xi32>
    %select_n3A_200 = arith.select %eq3A_197, %iota3A, %broadcast_in_dim3A_199 : vector<32x2048xi1>, vector<32x2048xi32>
    %reduce_min3A_201 = arith.constant dense<2147483647> : vector<2048xi32>
    %reduce_min3A_202 = vector.multi_reduction <minsi>, %select_n3A_200, %reduce_min3A_201 [0] : vector<32x2048xi32> to vector<2048xi32>
    %broadcast_in_dim3A_203 = vector.shape_cast %reduce_min3A_202 : vector<2048xi32> to vector<1x2048xi32>
    %swap3A_204 = arith.constant 3 : index
    %swap3A_205 = arith.constant 1 : index
    %swap3A_206 = arith.constant 0 : index
    %swap3A_207 = vector.load %arg5[%swap3A_204, %swap3A_205, %swap3A_206] : memref<4x2x2048xi32, #tpu.memory_space<vmem>>, vector<1x1x2048xi32>
    %swap3A_208 = vector.shape_cast %swap3A_207 : vector<1x1x2048xi32> to vector<1x2048xi32>
    %swap3A_209 = vector.shape_cast %broadcast_in_dim3A_203 : vector<1x2048xi32> to vector<1x1x2048xi32>
    tpu.vector_store %arg5[%swap3A_204, %swap3A_205, %swap3A_206], %swap3A_209 {strides = array<i32>} : memref<4x2x2048xi32, #tpu.memory_space<vmem>>, vector<1x1x2048xi32>,
    return
  }
  func.func @transform_0(%arg0: i32) -> (i32, i32) {
    %c0_i32 = arith.constant 0 : i32
    %c0_i32_0 = arith.constant 0 : i32
    %c0_i32_1 = arith.constant 0 : i32
    return %c0_i32, %c0_i32_0 : i32, i32
  }
  func.func @transform_1(%arg0: i32) -> (i32, i32) {
    %c0_i32 = arith.constant 0 : i32
    %c0_i32_0 = arith.constant 0 : i32
    return %c0_i32, %arg0 : i32, i32
  }
  func.func @transform_2(%arg0: i32) -> (i32, i32, i32) {
    %c0_i32 = arith.constant 0 : i32
    %c0_i32_0 = arith.constant 0 : i32
    %c0_i32_1 = arith.constant 0 : i32
    return %arg0, %c0_i32, %c0_i32_0 : i32, i32, i32
  }
  func.func @transform_3(%arg0: i32) -> (i32, i32) {
    %c0_i32 = arith.constant 0 : i32
    %c0_i32_0 = arith.constant 0 : i32
    return %c0_i32, %arg0 : i32, i32
  }
  func.func @transform_4(%arg0: i32) -> (i32, i32, i32) {
    %c0_i32 = arith.constant 0 : i32
    %c0_i32_0 = arith.constant 0 : i32
    %c0_i32_1 = arith.constant 0 : i32
    return %arg0, %c0_i32, %c0_i32_0 : i32, i32, i32
  }
}

module attributes {stable_mosaic.version = 14 : i64} {
  func.func @_attn_body(%arg0: i32, %arg1: i32, %arg2: memref<1x128x128xf32, #tpu.memory_space<vmem>>, %arg3: memref<1x128x128xf32, #tpu.memory_space<vmem>>, %arg4: memref<1x128x128xf32, #tpu.memory_space<vmem>>, %arg5: memref<1x128x128xf32, #tpu.memory_space<vmem>>, %arg6: memref<1x128x128xf32, #tpu.memory_space<vmem>>, %arg7: memref<1x128x128xf32, #tpu.memory_space<vmem>>, %arg8: memref<1x128x128xf32, #tpu.memory_space<vmem>>, %arg9: memref<1x128x128xf32, #tpu.memory_space<vmem>>, %arg10: memref<1x128x128xf32, #tpu.memory_space<vmem>>, %arg11: memref<1x1x1x128xf32, #tpu.memory_space<vmem>>, %arg12: memref<1x1x1x128xf32, #tpu.memory_space<vmem>>, %arg13: memref<1x1x1x128xf32, #tpu.memory_space<vmem>>, %arg14: memref<1x1x1x128xf32, #tpu.memory_space<vmem>>, %arg15: memref<1x1x1x128xf32, #tpu.memory_space<vmem>>, %arg16: memref<1x1x1x128xf32, #tpu.memory_space<vmem>>, %arg17: memref<1x1x1x128xf32, #tpu.memory_space<vmem>>, %arg18: memref<1x1x1x128xf32, #tpu.memory_space<vmem>>, %arg19: memref<1x1x1x128xf32, #tpu.memory_space<vmem>>, %arg20: memref<1x1x128x1xf32, #tpu.memory_space<vmem>>, %arg21: memref<1x1x128x1xf32, #tpu.memory_space<vmem>>, %arg22: memref<1x1x128x1xf32, #tpu.memory_space<vmem>>, %arg23: memref<1x1x128x1xf32, #tpu.memory_space<vmem>>, %arg24: memref<1x1x128x1xf32, #tpu.memory_space<vmem>>, %arg25: memref<1x1x128x1xf32, #tpu.memory_space<vmem>>, %arg26: memref<1x1x128x1xf32, #tpu.memory_space<vmem>>, %arg27: memref<1x1x128x1xf32, #tpu.memory_space<vmem>>, %arg28: memref<1x8x128x128xf32, #tpu.memory_space<vmem>>) attributes {dimension_semantics = [#tpu.dimension_semantics<arbitrary>, #tpu.dimension_semantics<arbitrary>], iteration_bounds = array<i64: 16, 4>, scalar_prefetch = 0 : i64, scratch_operands = 0 : i64, tpu.core_type = #tpu.core_type<tc>, window_params = [{transform_indices = @transform_0, window_bounds = array<i64: 1, 128, 128>}, {transform_indices = @transform_1, window_bounds = array<i64: 1, 128, 128>}, {transform_indices = @transform_2, window_bounds = array<i64: 1, 128, 128>}, {transform_indices = @transform_3, window_bounds = array<i64: 1, 128, 128>}, {transform_indices = @transform_4, window_bounds = array<i64: 1, 128, 128>}, {transform_indices = @transform_5, window_bounds = array<i64: 1, 128, 128>}, {transform_indices = @transform_6, window_bounds = array<i64: 1, 128, 128>}, {transform_indices = @transform_7, window_bounds = array<i64: 1, 128, 128>}, {transform_indices = @transform_8, window_bounds = array<i64: 1, 128, 128>}, {transform_indices = @transform_9, window_bounds = array<i64: 1, 1, 1, 128>}, {transform_indices = @transform_10, window_bounds = array<i64: 1, 1, 1, 128>}, {transform_indices = @transform_11, window_bounds = array<i64: 1, 1, 1, 128>}, {transform_indices = @transform_12, window_bounds = array<i64: 1, 1, 1, 128>}, {transform_indices = @transform_13, window_bounds = array<i64: 1, 1, 1, 128>}, {transform_indices = @transform_14, window_bounds = array<i64: 1, 1, 1, 128>}, {transform_indices = @transform_15, window_bounds = array<i64: 1, 1, 1, 128>}, {transform_indices = @transform_16, window_bounds = array<i64: 1, 1, 1, 128>}, {transform_indices = @transform_17, window_bounds = array<i64: 1, 1, 1, 128>}, {transform_indices = @transform_18, window_bounds = array<i64: 1, 1, 128, 1>}, {transform_indices = @transform_19, window_bounds = array<i64: 1, 1, 128, 1>}, {transform_indices = @transform_20, window_bounds = array<i64: 1, 1, 128, 1>}, {transform_indices = @transform_21, window_bounds = array<i64: 1, 1, 128, 1>}, {transform_indices = @transform_22, window_bounds = array<i64: 1, 1, 128, 1>}, {transform_indices = @transform_23, window_bounds = array<i64: 1, 1, 128, 1>}, {transform_indices = @transform_24, window_bounds = array<i64: 1, 1, 128, 1>}, {transform_indices = @transform_25, window_bounds = array<i64: 1, 1, 128, 1>}, {transform_indices = @transform_26, window_bounds = array<i64: 1, 8, 128, 128>}]} {
    %get3A = arith.constant 0 : index
    %get3A_0 = arith.constant 0 : index
    %get3A_1 = arith.constant 0 : index
    %get3A_2 = vector.load %arg2[%get3A, %get3A_0, %get3A_1] : memref<1x128x128xf32, #tpu.memory_space<vmem>>, vector<1x128x128xf32>
    %get3A_3 = vector.shape_cast %get3A_2 : vector<1x128x128xf32> to vector<128x128xf32>
    %slice3A = vector.extract_strided_slice %get3A_3 {offsets = [0, 0], sizes = [128, 64], strides = [1, 1]} : vector<128x128xf32> to vector<128x64xf32>
    %mul3A = arith.mulf %slice3A, %slice3A : vector<128x64xf32>
    %reduce_sum3A = arith.constant dense<0.000000e+00> : vector<128xf32>
    %reduce_sum3A_4 = vector.multi_reduction <add>, %mul3A, %reduce_sum3A [1] : vector<128x64xf32> to vector<128xf32>
    %broadcast_in_dim3A = vector.shape_cast %reduce_sum3A_4 : vector<128xf32> to vector<128x1xf32>
    %div3A = arith.constant 6.400000e+01 : f32
    %div3A_5 = vector.broadcast %div3A : f32 to vector<128x1xf32>
    %div3A_6 = arith.divf %broadcast_in_dim3A, %div3A_5 : vector<128x1xf32>
    %add3A = arith.constant 9.99999997E-7 : f32
    %add3A_7 = vector.broadcast %add3A : f32 to vector<128x1xf32>
    %add3A_8 = arith.addf %div3A_6, %add3A_7 : vector<128x1xf32>
    %rsqrt3A = math.rsqrt %add3A_8 : vector<128x1xf32>
    %mul3A_9 = vector.broadcast %rsqrt3A : vector<128x1xf32> to vector<128x64xf32>
    %mul3A_10 = arith.mulf %slice3A, %mul3A_9 : vector<128x64xf32>
    %mul3A_11 = arith.constant 1.250000e-01 : f32
    %mul3A_12 = vector.broadcast %mul3A_11 : f32 to vector<128x64xf32>
    %mul3A_13 = arith.mulf %mul3A_10, %mul3A_12 : vector<128x64xf32>
    %get3A_14 = arith.constant 0 : index
    %get3A_15 = arith.constant 0 : index
    %get3A_16 = arith.constant 0 : index
    %get3A_17 = vector.load %arg3[%get3A_14, %get3A_15, %get3A_16] : memref<1x128x128xf32, #tpu.memory_space<vmem>>, vector<1x128x128xf32>
    %get3A_18 = vector.shape_cast %get3A_17 : vector<1x128x128xf32> to vector<128x128xf32>
    %slice3A_19 = vector.extract_strided_slice %get3A_18 {offsets = [0, 0], sizes = [128, 64], strides = [1, 1]} : vector<128x128xf32> to vector<128x64xf32>
    %mul3A_20 = arith.mulf %slice3A_19, %slice3A_19 : vector<128x64xf32>
    %reduce_sum3A_21 = arith.constant dense<0.000000e+00> : vector<128xf32>
    %reduce_sum3A_22 = vector.multi_reduction <add>, %mul3A_20, %reduce_sum3A_21 [1] : vector<128x64xf32> to vector<128xf32>
    %broadcast_in_dim3A_23 = vector.shape_cast %reduce_sum3A_22 : vector<128xf32> to vector<128x1xf32>
    %div3A_24 = arith.constant 6.400000e+01 : f32
    %div3A_25 = vector.broadcast %div3A_24 : f32 to vector<128x1xf32>
    %div3A_26 = arith.divf %broadcast_in_dim3A_23, %div3A_25 : vector<128x1xf32>
    %add3A_27 = arith.constant 9.99999997E-7 : f32
    %add3A_28 = vector.broadcast %add3A_27 : f32 to vector<128x1xf32>
    %add3A_29 = arith.addf %div3A_26, %add3A_28 : vector<128x1xf32>
    %rsqrt3A_30 = math.rsqrt %add3A_29 : vector<128x1xf32>
    %mul3A_31 = vector.broadcast %rsqrt3A_30 : vector<128x1xf32> to vector<128x64xf32>
    %mul3A_32 = arith.mulf %slice3A_19, %mul3A_31 : vector<128x64xf32>
    %mul3A_33 = arith.constant 1.250000e-01 : f32
    %mul3A_34 = vector.broadcast %mul3A_33 : f32 to vector<128x64xf32>
    %mul3A_35 = arith.mulf %mul3A_32, %mul3A_34 : vector<128x64xf32>
    %get3A_36 = arith.constant 0 : index
    %get3A_37 = arith.constant 0 : index
    %get3A_38 = arith.constant 0 : index
    %get3A_39 = vector.load %arg4[%get3A_36, %get3A_37, %get3A_38] : memref<1x128x128xf32, #tpu.memory_space<vmem>>, vector<1x128x128xf32>
    %get3A_40 = vector.shape_cast %get3A_39 : vector<1x128x128xf32> to vector<128x128xf32>
    %slice3A_41 = vector.extract_strided_slice %get3A_40 {offsets = [0, 0], sizes = [128, 64], strides = [1, 1]} : vector<128x128xf32> to vector<128x64xf32>
    %mul3A_42 = arith.mulf %slice3A_41, %slice3A_41 : vector<128x64xf32>
    %reduce_sum3A_43 = arith.constant dense<0.000000e+00> : vector<128xf32>
    %reduce_sum3A_44 = vector.multi_reduction <add>, %mul3A_42, %reduce_sum3A_43 [1] : vector<128x64xf32> to vector<128xf32>
    %broadcast_in_dim3A_45 = vector.shape_cast %reduce_sum3A_44 : vector<128xf32> to vector<128x1xf32>
    %div3A_46 = arith.constant 6.400000e+01 : f32
    %div3A_47 = vector.broadcast %div3A_46 : f32 to vector<128x1xf32>
    %div3A_48 = arith.divf %broadcast_in_dim3A_45, %div3A_47 : vector<128x1xf32>
    %add3A_49 = arith.constant 9.99999997E-7 : f32
    %add3A_50 = vector.broadcast %add3A_49 : f32 to vector<128x1xf32>
    %add3A_51 = arith.addf %div3A_48, %add3A_50 : vector<128x1xf32>
    %rsqrt3A_52 = math.rsqrt %add3A_51 : vector<128x1xf32>
    %mul3A_53 = vector.broadcast %rsqrt3A_52 : vector<128x1xf32> to vector<128x64xf32>
    %mul3A_54 = arith.mulf %slice3A_41, %mul3A_53 : vector<128x64xf32>
    %mul3A_55 = arith.constant 1.250000e-01 : f32
    %mul3A_56 = vector.broadcast %mul3A_55 : f32 to vector<128x64xf32>
    %mul3A_57 = arith.mulf %mul3A_54, %mul3A_56 : vector<128x64xf32>
    %get3A_58 = arith.constant 0 : index
    %get3A_59 = arith.constant 0 : index
    %get3A_60 = arith.constant 0 : index
    %get3A_61 = vector.load %arg5[%get3A_58, %get3A_59, %get3A_60] : memref<1x128x128xf32, #tpu.memory_space<vmem>>, vector<1x128x128xf32>
    %get3A_62 = vector.shape_cast %get3A_61 : vector<1x128x128xf32> to vector<128x128xf32>
    %slice3A_63 = vector.extract_strided_slice %get3A_62 {offsets = [0, 0], sizes = [128, 64], strides = [1, 1]} : vector<128x128xf32> to vector<128x64xf32>
    %mul3A_64 = arith.mulf %slice3A_63, %slice3A_63 : vector<128x64xf32>
    %reduce_sum3A_65 = arith.constant dense<0.000000e+00> : vector<128xf32>
    %reduce_sum3A_66 = vector.multi_reduction <add>, %mul3A_64, %reduce_sum3A_65 [1] : vector<128x64xf32> to vector<128xf32>
    %broadcast_in_dim3A_67 = vector.shape_cast %reduce_sum3A_66 : vector<128xf32> to vector<128x1xf32>
    %div3A_68 = arith.constant 6.400000e+01 : f32
    %div3A_69 = vector.broadcast %div3A_68 : f32 to vector<128x1xf32>
    %div3A_70 = arith.divf %broadcast_in_dim3A_67, %div3A_69 : vector<128x1xf32>
    %add3A_71 = arith.constant 9.99999997E-7 : f32
    %add3A_72 = vector.broadcast %add3A_71 : f32 to vector<128x1xf32>
    %add3A_73 = arith.addf %div3A_70, %add3A_72 : vector<128x1xf32>
    %rsqrt3A_74 = math.rsqrt %add3A_73 : vector<128x1xf32>
    %mul3A_75 = vector.broadcast %rsqrt3A_74 : vector<128x1xf32> to vector<128x64xf32>
    %mul3A_76 = arith.mulf %slice3A_63, %mul3A_75 : vector<128x64xf32>
    %mul3A_77 = arith.constant 1.250000e-01 : f32
    %mul3A_78 = vector.broadcast %mul3A_77 : f32 to vector<128x64xf32>
    %mul3A_79 = arith.mulf %mul3A_76, %mul3A_78 : vector<128x64xf32>
    %get3A_80 = arith.constant 0 : index
    %get3A_81 = arith.constant 0 : index
    %get3A_82 = arith.constant 0 : index
    %get3A_83 = vector.load %arg6[%get3A_80, %get3A_81, %get3A_82] : memref<1x128x128xf32, #tpu.memory_space<vmem>>, vector<1x128x128xf32>
    %get3A_84 = vector.shape_cast %get3A_83 : vector<1x128x128xf32> to vector<128x128xf32>
    %slice3A_85 = vector.extract_strided_slice %get3A_84 {offsets = [0, 0], sizes = [128, 64], strides = [1, 1]} : vector<128x128xf32> to vector<128x64xf32>
    %mul3A_86 = arith.mulf %slice3A_85, %slice3A_85 : vector<128x64xf32>
    %reduce_sum3A_87 = arith.constant dense<0.000000e+00> : vector<128xf32>
    %reduce_sum3A_88 = vector.multi_reduction <add>, %mul3A_86, %reduce_sum3A_87 [1] : vector<128x64xf32> to vector<128xf32>
    %broadcast_in_dim3A_89 = vector.shape_cast %reduce_sum3A_88 : vector<128xf32> to vector<128x1xf32>
    %div3A_90 = arith.constant 6.400000e+01 : f32
    %div3A_91 = vector.broadcast %div3A_90 : f32 to vector<128x1xf32>
    %div3A_92 = arith.divf %broadcast_in_dim3A_89, %div3A_91 : vector<128x1xf32>
    %add3A_93 = arith.constant 9.99999997E-7 : f32
    %add3A_94 = vector.broadcast %add3A_93 : f32 to vector<128x1xf32>
    %add3A_95 = arith.addf %div3A_92, %add3A_94 : vector<128x1xf32>
    %rsqrt3A_96 = math.rsqrt %add3A_95 : vector<128x1xf32>
    %mul3A_97 = vector.broadcast %rsqrt3A_96 : vector<128x1xf32> to vector<128x64xf32>
    %mul3A_98 = arith.mulf %slice3A_85, %mul3A_97 : vector<128x64xf32>
    %mul3A_99 = arith.constant 1.250000e-01 : f32
    %mul3A_100 = vector.broadcast %mul3A_99 : f32 to vector<128x64xf32>
    %mul3A_101 = arith.mulf %mul3A_98, %mul3A_100 : vector<128x64xf32>
    %get3A_102 = arith.constant 0 : index
    %get3A_103 = arith.constant 0 : index
    %get3A_104 = arith.constant 0 : index
    %get3A_105 = vector.load %arg7[%get3A_102, %get3A_103, %get3A_104] : memref<1x128x128xf32, #tpu.memory_space<vmem>>, vector<1x128x128xf32>
    %get3A_106 = vector.shape_cast %get3A_105 : vector<1x128x128xf32> to vector<128x128xf32>
    %slice3A_107 = vector.extract_strided_slice %get3A_106 {offsets = [0, 0], sizes = [128, 64], strides = [1, 1]} : vector<128x128xf32> to vector<128x64xf32>
    %mul3A_108 = arith.mulf %slice3A_107, %slice3A_107 : vector<128x64xf32>
    %reduce_sum3A_109 = arith.constant dense<0.000000e+00> : vector<128xf32>
    %reduce_sum3A_110 = vector.multi_reduction <add>, %mul3A_108, %reduce_sum3A_109 [1] : vector<128x64xf32> to vector<128xf32>
    %broadcast_in_dim3A_111 = vector.shape_cast %reduce_sum3A_110 : vector<128xf32> to vector<128x1xf32>
    %div3A_112 = arith.constant 6.400000e+01 : f32
    %div3A_113 = vector.broadcast %div3A_112 : f32 to vector<128x1xf32>
    %div3A_114 = arith.divf %broadcast_in_dim3A_111, %div3A_113 : vector<128x1xf32>
    %add3A_115 = arith.constant 9.99999997E-7 : f32
    %add3A_116 = vector.broadcast %add3A_115 : f32 to vector<128x1xf32>
    %add3A_117 = arith.addf %div3A_114, %add3A_116 : vector<128x1xf32>
    %rsqrt3A_118 = math.rsqrt %add3A_117 : vector<128x1xf32>
    %mul3A_119 = vector.broadcast %rsqrt3A_118 : vector<128x1xf32> to vector<128x64xf32>
    %mul3A_120 = arith.mulf %slice3A_107, %mul3A_119 : vector<128x64xf32>
    %mul3A_121 = arith.constant 1.250000e-01 : f32
    %mul3A_122 = vector.broadcast %mul3A_121 : f32 to vector<128x64xf32>
    %mul3A_123 = arith.mulf %mul3A_120, %mul3A_122 : vector<128x64xf32>
    %get3A_124 = arith.constant 0 : index
    %get3A_125 = arith.constant 0 : index
    %get3A_126 = arith.constant 0 : index
    %get3A_127 = vector.load %arg8[%get3A_124, %get3A_125, %get3A_126] : memref<1x128x128xf32, #tpu.memory_space<vmem>>, vector<1x128x128xf32>
    %get3A_128 = vector.shape_cast %get3A_127 : vector<1x128x128xf32> to vector<128x128xf32>
    %slice3A_129 = vector.extract_strided_slice %get3A_128 {offsets = [0, 0], sizes = [128, 64], strides = [1, 1]} : vector<128x128xf32> to vector<128x64xf32>
    %mul3A_130 = arith.mulf %slice3A_129, %slice3A_129 : vector<128x64xf32>
    %reduce_sum3A_131 = arith.constant dense<0.000000e+00> : vector<128xf32>
    %reduce_sum3A_132 = vector.multi_reduction <add>, %mul3A_130, %reduce_sum3A_131 [1] : vector<128x64xf32> to vector<128xf32>
    %broadcast_in_dim3A_133 = vector.shape_cast %reduce_sum3A_132 : vector<128xf32> to vector<128x1xf32>
    %div3A_134 = arith.constant 6.400000e+01 : f32
    %div3A_135 = vector.broadcast %div3A_134 : f32 to vector<128x1xf32>
    %div3A_136 = arith.divf %broadcast_in_dim3A_133, %div3A_135 : vector<128x1xf32>
    %add3A_137 = arith.constant 9.99999997E-7 : f32
    %add3A_138 = vector.broadcast %add3A_137 : f32 to vector<128x1xf32>
    %add3A_139 = arith.addf %div3A_136, %add3A_138 : vector<128x1xf32>
    %rsqrt3A_140 = math.rsqrt %add3A_139 : vector<128x1xf32>
    %mul3A_141 = vector.broadcast %rsqrt3A_140 : vector<128x1xf32> to vector<128x64xf32>
    %mul3A_142 = arith.mulf %slice3A_129, %mul3A_141 : vector<128x64xf32>
    %mul3A_143 = arith.constant 1.250000e-01 : f32
    %mul3A_144 = vector.broadcast %mul3A_143 : f32 to vector<128x64xf32>
    %mul3A_145 = arith.mulf %mul3A_142, %mul3A_144 : vector<128x64xf32>
    %get3A_146 = arith.constant 0 : index
    %get3A_147 = arith.constant 0 : index
    %get3A_148 = arith.constant 0 : index
    %get3A_149 = vector.load %arg9[%get3A_146, %get3A_147, %get3A_148] : memref<1x128x128xf32, #tpu.memory_space<vmem>>, vector<1x128x128xf32>
    %get3A_150 = vector.shape_cast %get3A_149 : vector<1x128x128xf32> to vector<128x128xf32>
    %slice3A_151 = vector.extract_strided_slice %get3A_150 {offsets = [0, 0], sizes = [128, 64], strides = [1, 1]} : vector<128x128xf32> to vector<128x64xf32>
    %mul3A_152 = arith.mulf %slice3A_151, %slice3A_151 : vector<128x64xf32>
    %reduce_sum3A_153 = arith.constant dense<0.000000e+00> : vector<128xf32>
    %reduce_sum3A_154 = vector.multi_reduction <add>, %mul3A_152, %reduce_sum3A_153 [1] : vector<128x64xf32> to vector<128xf32>
    %broadcast_in_dim3A_155 = vector.shape_cast %reduce_sum3A_154 : vector<128xf32> to vector<128x1xf32>
    %div3A_156 = arith.constant 6.400000e+01 : f32
    %div3A_157 = vector.broadcast %div3A_156 : f32 to vector<128x1xf32>
    %div3A_158 = arith.divf %broadcast_in_dim3A_155, %div3A_157 : vector<128x1xf32>
    %add3A_159 = arith.constant 9.99999997E-7 : f32
    %add3A_160 = vector.broadcast %add3A_159 : f32 to vector<128x1xf32>
    %add3A_161 = arith.addf %div3A_158, %add3A_160 : vector<128x1xf32>
    %rsqrt3A_162 = math.rsqrt %add3A_161 : vector<128x1xf32>
    %mul3A_163 = vector.broadcast %rsqrt3A_162 : vector<128x1xf32> to vector<128x64xf32>
    %mul3A_164 = arith.mulf %slice3A_151, %mul3A_163 : vector<128x64xf32>
    %mul3A_165 = arith.constant 1.250000e-01 : f32
    %mul3A_166 = vector.broadcast %mul3A_165 : f32 to vector<128x64xf32>
    %mul3A_167 = arith.mulf %mul3A_164, %mul3A_166 : vector<128x64xf32>
    %get3A_168 = arith.constant 0 : index
    %get3A_169 = arith.constant 0 : index
    %get3A_170 = arith.constant 0 : index
    %get3A_171 = vector.load %arg10[%get3A_168, %get3A_169, %get3A_170] : memref<1x128x128xf32, #tpu.memory_space<vmem>>, vector<1x128x128xf32>
    %get3A_172 = vector.shape_cast %get3A_171 : vector<1x128x128xf32> to vector<128x128xf32>
    %slice3A_173 = vector.extract_strided_slice %get3A_172 {offsets = [0, 0], sizes = [128, 64], strides = [1, 1]} : vector<128x128xf32> to vector<128x64xf32>
    %mul3A_174 = arith.mulf %slice3A_173, %slice3A_173 : vector<128x64xf32>
    %reduce_sum3A_175 = arith.constant dense<0.000000e+00> : vector<128xf32>
    %reduce_sum3A_176 = vector.multi_reduction <add>, %mul3A_174, %reduce_sum3A_175 [1] : vector<128x64xf32> to vector<128xf32>
    %broadcast_in_dim3A_177 = vector.shape_cast %reduce_sum3A_176 : vector<128xf32> to vector<128x1xf32>
    %div3A_178 = arith.constant 6.400000e+01 : f32
    %div3A_179 = vector.broadcast %div3A_178 : f32 to vector<128x1xf32>
    %div3A_180 = arith.divf %broadcast_in_dim3A_177, %div3A_179 : vector<128x1xf32>
    %add3A_181 = arith.constant 9.99999997E-7 : f32
    %add3A_182 = vector.broadcast %add3A_181 : f32 to vector<128x1xf32>
    %add3A_183 = arith.addf %div3A_180, %add3A_182 : vector<128x1xf32>
    %rsqrt3A_184 = math.rsqrt %add3A_183 : vector<128x1xf32>
    %mul3A_185 = vector.broadcast %rsqrt3A_184 : vector<128x1xf32> to vector<128x64xf32>
    %mul3A_186 = arith.mulf %slice3A_173, %mul3A_185 : vector<128x64xf32>
    %mul3A_187 = arith.constant 1.250000e-01 : f32
    %mul3A_188 = vector.broadcast %mul3A_187 : f32 to vector<128x64xf32>
    %mul3A_189 = arith.mulf %mul3A_186, %mul3A_188 : vector<128x64xf32>
    %get3A_190 = arith.constant 0 : index
    %get3A_191 = arith.constant 0 : index
    %get3A_192 = arith.constant 0 : index
    %get3A_193 = vector.load %arg3[%get3A_190, %get3A_191, %get3A_192] : memref<1x128x128xf32, #tpu.memory_space<vmem>>, vector<1x128x128xf32>
    %get3A_194 = vector.shape_cast %get3A_193 : vector<1x128x128xf32> to vector<128x128xf32>
    %slice3A_195 = vector.extract_strided_slice %get3A_194 {offsets = [0, 0], sizes = [128, 64], strides = [1, 1]} : vector<128x128xf32> to vector<128x64xf32>
    %concatenate3A = tpu.concatenate %mul3A_13, %mul3A_35 in 0 : vector<128x64xf32>, vector<128x64xf32> -> vector<256x64xf32>
    %get3A_196 = arith.constant 0 : index
    %get3A_197 = arith.constant 0 : index
    %get3A_198 = arith.constant 0 : index
    %get3A_199 = vector.load %arg2[%get3A_196, %get3A_197, %get3A_198] : memref<1x128x128xf32, #tpu.memory_space<vmem>>, vector<1x128x128xf32>
    %get3A_200 = vector.shape_cast %get3A_199 : vector<1x128x128xf32> to vector<128x128xf32>
    %slice3A_201 = vector.extract_strided_slice %get3A_200 {offsets = [0, 64], sizes = [128, 64], strides = [1, 1]} : vector<128x128xf32> to vector<128x64xf32>
    %get3A_202 = arith.constant 0 : index
    %get3A_203 = arith.constant 0 : index
    %get3A_204 = arith.constant 0 : index
    %get3A_205 = vector.load %arg3[%get3A_202, %get3A_203, %get3A_204] : memref<1x128x128xf32, #tpu.memory_space<vmem>>, vector<1x128x128xf32>
    %get3A_206 = vector.shape_cast %get3A_205 : vector<1x128x128xf32> to vector<128x128xf32>
    %slice3A_207 = vector.extract_strided_slice %get3A_206 {offsets = [0, 64], sizes = [128, 64], strides = [1, 1]} : vector<128x128xf32> to vector<128x64xf32>
    %concatenate3A_208 = tpu.concatenate %slice3A_201, %slice3A_207 in 0 : vector<128x64xf32>, vector<128x64xf32> -> vector<256x64xf32>
    %dot_general3A = arith.constant dense<0.000000e+00> : vector<128x256xf32>
    %dot_general3A_209 = tpu.matmul %slice3A_195, %concatenate3A, %dot_general3A {dimension_numbers = #tpu.dot_dimension_numbers<[1], [1], [0], [0], [0, 0, 1, 0], [], []>, transpose_lhs_hint = false} : vector<128x64xf32>, vector<256x64xf32>, vector<128x256xf32> -> vector<128x256xf32>
    %get3A_210 = arith.constant 0 : index
    %get3A_211 = arith.constant 0 : index
    %get3A_212 = arith.constant 0 : index
    %get3A_213 = arith.constant 0 : index
    %get3A_214 = vector.load %arg20[%get3A_210, %get3A_211, %get3A_212, %get3A_213] : memref<1x1x128x1xf32, #tpu.memory_space<vmem>>, vector<1x1x128x1xf32>
    %get3A_215 = vector.shape_cast %get3A_214 : vector<1x1x128x1xf32> to vector<128x1xf32>
    %get3A_216 = arith.constant 0 : index
    %get3A_217 = arith.constant 0 : index
    %get3A_218 = arith.constant 0 : index
    %get3A_219 = arith.constant 0 : index
    %get3A_220 = vector.load %arg11[%get3A_216, %get3A_217, %get3A_218, %get3A_219] : memref<1x1x1x128xf32, #tpu.memory_space<vmem>>, vector<1x1x1x128xf32>
    %get3A_221 = vector.shape_cast %get3A_220 : vector<1x1x1x128xf32> to vector<1x128xf32>
    %get3A_222 = arith.constant 0 : index
    %get3A_223 = arith.constant 0 : index
    %get3A_224 = arith.constant 0 : index
    %get3A_225 = arith.constant 0 : index
    %get3A_226 = vector.load %arg12[%get3A_222, %get3A_223, %get3A_224, %get3A_225] : memref<1x1x1x128xf32, #tpu.memory_space<vmem>>, vector<1x1x1x128xf32>
    %get3A_227 = vector.shape_cast %get3A_226 : vector<1x1x1x128xf32> to vector<1x128xf32>
    %concatenate3A_228 = tpu.concatenate %get3A_221, %get3A_227 in 1 : vector<1x128xf32>, vector<1x128xf32> -> vector<1x256xf32>
    %lt3A = vector.broadcast %get3A_215 : vector<128x1xf32> to vector<128x256xf32>
    %lt3A_229 = vector.broadcast %concatenate3A_228 : vector<1x256xf32> to vector<128x256xf32>
    %lt3A_230 = arith.cmpf olt, %lt3A, %lt3A_229 : vector<128x256xf32>
    %eq3A = vector.broadcast %get3A_215 : vector<128x1xf32> to vector<128x256xf32>
    %eq3A_231 = vector.broadcast %concatenate3A_228 : vector<1x256xf32> to vector<128x256xf32>
    %eq3A_232 = arith.cmpf oeq, %eq3A, %eq3A_231 : vector<128x256xf32>
    %jit3A = arith.constant -1.000000e+05 : f32
    %jit3A_233 = arith.constant 0.000000e+00 : f32
    %broadcast_in_dim3A_234 = vector.broadcast %jit3A : f32 to vector<128x256xf32>
    %broadcast_in_dim3A_235 = vector.broadcast %jit3A_233 : f32 to vector<128x256xf32>
    %select_n3A = arith.select %eq3A_232, %broadcast_in_dim3A_234, %broadcast_in_dim3A_235 : vector<128x256xi1>, vector<128x256xf32>
    %jit3A_236 = arith.constant -1.000000e+09 : f32
    %broadcast_in_dim3A_237 = vector.broadcast %jit3A_236 : f32 to vector<128x256xf32>
    %select_n3A_238 = arith.select %lt3A_230, %broadcast_in_dim3A_237, %select_n3A : vector<128x256xi1>, vector<128x256xf32>
    %add3A_239 = arith.addf %dot_general3A_209, %select_n3A_238 : vector<128x256xf32>
    %reduce_max3A = arith.constant dense<0xFF800000> : vector<128xf32>
    %reduce_max3A_240 = vector.multi_reduction <maximumf>, %add3A_239, %reduce_max3A [1] : vector<128x256xf32> to vector<128xf32>
    %broadcast_in_dim3A_241 = vector.shape_cast %reduce_max3A_240 : vector<128xf32> to vector<128x1xf32>
    %sub3A = vector.broadcast %broadcast_in_dim3A_241 : vector<128x1xf32> to vector<128x256xf32>
    %sub3A_242 = arith.subf %add3A_239, %sub3A : vector<128x256xf32>
    %exp3A = math.exp %sub3A_242 : vector<128x256xf32>
    %reduce_sum3A_243 = arith.constant dense<0.000000e+00> : vector<128xf32>
    %reduce_sum3A_244 = vector.multi_reduction <add>, %exp3A, %reduce_sum3A_243 [1] : vector<128x256xf32> to vector<128xf32>
    %broadcast_in_dim3A_245 = vector.shape_cast %reduce_sum3A_244 : vector<128xf32> to vector<128x1xf32>
    %div3A_246 = arith.constant 1.000000e+00 : f32
    %div3A_247 = vector.broadcast %div3A_246 : f32 to vector<128x1xf32>
    %div3A_248 = arith.divf %div3A_247, %broadcast_in_dim3A_245 : vector<128x1xf32>
    %dot_general3A_249 = arith.constant dense<0.000000e+00> : vector<128x64xf32>
    %dot_general3A_250 = tpu.matmul %exp3A, %concatenate3A_208, %dot_general3A_249 {dimension_numbers = #tpu.dot_dimension_numbers<[1], [0], [0], [1], [0, 0, 1, 1], [], []>, transpose_lhs_hint = false} : vector<128x256xf32>, vector<256x64xf32>, vector<128x64xf32> -> vector<128x64xf32>
    %mul3A_251 = vector.broadcast %div3A_248 : vector<128x1xf32> to vector<128x64xf32>
    %mul3A_252 = arith.mulf %dot_general3A_250, %mul3A_251 : vector<128x64xf32>
    %log3A = math.log %broadcast_in_dim3A_245 : vector<128x1xf32>
    %add3A_253 = arith.addf %broadcast_in_dim3A_241, %log3A : vector<128x1xf32>
    %swap3A = arith.constant 0 : index
    %swap3A_254 = arith.constant 0 : index
    %swap3A_255 = arith.constant 0 : index
    %swap3A_256 = arith.constant 0 : index
    %swap3A_257 = vector.load %arg28[%swap3A, %swap3A_254, %swap3A_255, %swap3A_256] : memref<1x8x128x128xf32, #tpu.memory_space<vmem>>, vector<1x1x128x64xf32>
    %swap3A_258 = vector.shape_cast %swap3A_257 : vector<1x1x128x64xf32> to vector<128x64xf32>
    %swap3A_259 = vector.shape_cast %mul3A_252 : vector<128x64xf32> to vector<1x1x128x64xf32>
    tpu.vector_store %arg28[%swap3A, %swap3A_254, %swap3A_255, %swap3A_256], %swap3A_259 {strides = array<i32>} : memref<1x8x128x128xf32, #tpu.memory_space<vmem>>, vector<1x1x128x64xf32>,
    %broadcast_in_dim3A_260 = vector.shape_cast %add3A_253 : vector<128x1xf32> to vector<128x1xf32>
    %broadcast_in_dim3A_261 = vector.broadcast %broadcast_in_dim3A_260 : vector<128x1xf32> to vector<128x8xf32>
    %swap3A_262 = arith.constant 0 : index
    %swap3A_263 = arith.constant 0 : index
    %swap3A_264 = arith.constant 0 : index
    %swap3A_265 = arith.constant 64 : index
    %swap3A_266 = vector.load %arg28[%swap3A_262, %swap3A_263, %swap3A_264, %swap3A_265] : memref<1x8x128x128xf32, #tpu.memory_space<vmem>>, vector<1x1x128x8xf32>
    %swap3A_267 = vector.shape_cast %swap3A_266 : vector<1x1x128x8xf32> to vector<128x8xf32>
    %swap3A_268 = vector.shape_cast %broadcast_in_dim3A_261 : vector<128x8xf32> to vector<1x1x128x8xf32>
    tpu.vector_store %arg28[%swap3A_262, %swap3A_263, %swap3A_264, %swap3A_265], %swap3A_268 {strides = array<i32>} : memref<1x8x128x128xf32, #tpu.memory_space<vmem>>, vector<1x1x128x8xf32>,
    %get3A_269 = arith.constant 0 : index
    %get3A_270 = arith.constant 0 : index
    %get3A_271 = arith.constant 0 : index
    %get3A_272 = vector.load %arg4[%get3A_269, %get3A_270, %get3A_271] : memref<1x128x128xf32, #tpu.memory_space<vmem>>, vector<1x128x128xf32>
    %get3A_273 = vector.shape_cast %get3A_272 : vector<1x128x128xf32> to vector<128x128xf32>
    %slice3A_274 = vector.extract_strided_slice %get3A_273 {offsets = [0, 0], sizes = [128, 64], strides = [1, 1]} : vector<128x128xf32> to vector<128x64xf32>
    %concatenate3A_275 = tpu.concatenate %mul3A_35, %mul3A_57 in 0 : vector<128x64xf32>, vector<128x64xf32> -> vector<256x64xf32>
    %get3A_276 = arith.constant 0 : index
    %get3A_277 = arith.constant 0 : index
    %get3A_278 = arith.constant 0 : index
    %get3A_279 = vector.load %arg3[%get3A_276, %get3A_277, %get3A_278] : memref<1x128x128xf32, #tpu.memory_space<vmem>>, vector<1x128x128xf32>
    %get3A_280 = vector.shape_cast %get3A_279 : vector<1x128x128xf32> to vector<128x128xf32>
    %slice3A_281 = vector.extract_strided_slice %get3A_280 {offsets = [0, 64], sizes = [128, 64], strides = [1, 1]} : vector<128x128xf32> to vector<128x64xf32>
    %get3A_282 = arith.constant 0 : index
    %get3A_283 = arith.constant 0 : index
    %get3A_284 = arith.constant 0 : index
    %get3A_285 = vector.load %arg4[%get3A_282, %get3A_283, %get3A_284] : memref<1x128x128xf32, #tpu.memory_space<vmem>>, vector<1x128x128xf32>
    %get3A_286 = vector.shape_cast %get3A_285 : vector<1x128x128xf32> to vector<128x128xf32>
    %slice3A_287 = vector.extract_strided_slice %get3A_286 {offsets = [0, 64], sizes = [128, 64], strides = [1, 1]} : vector<128x128xf32> to vector<128x64xf32>
    %concatenate3A_288 = tpu.concatenate %slice3A_281, %slice3A_287 in 0 : vector<128x64xf32>, vector<128x64xf32> -> vector<256x64xf32>
    %dot_general3A_289 = arith.constant dense<0.000000e+00> : vector<128x256xf32>
    %dot_general3A_290 = tpu.matmul %slice3A_274, %concatenate3A_275, %dot_general3A_289 {dimension_numbers = #tpu.dot_dimension_numbers<[1], [1], [0], [0], [0, 0, 1, 0], [], []>, transpose_lhs_hint = false} : vector<128x64xf32>, vector<256x64xf32>, vector<128x256xf32> -> vector<128x256xf32>
    %get3A_291 = arith.constant 0 : index
    %get3A_292 = arith.constant 0 : index
    %get3A_293 = arith.constant 0 : index
    %get3A_294 = arith.constant 0 : index
    %get3A_295 = vector.load %arg21[%get3A_291, %get3A_292, %get3A_293, %get3A_294] : memref<1x1x128x1xf32, #tpu.memory_space<vmem>>, vector<1x1x128x1xf32>
    %get3A_296 = vector.shape_cast %get3A_295 : vector<1x1x128x1xf32> to vector<128x1xf32>
    %get3A_297 = arith.constant 0 : index
    %get3A_298 = arith.constant 0 : index
    %get3A_299 = arith.constant 0 : index
    %get3A_300 = arith.constant 0 : index
    %get3A_301 = vector.load %arg12[%get3A_297, %get3A_298, %get3A_299, %get3A_300] : memref<1x1x1x128xf32, #tpu.memory_space<vmem>>, vector<1x1x1x128xf32>
    %get3A_302 = vector.shape_cast %get3A_301 : vector<1x1x1x128xf32> to vector<1x128xf32>
    %get3A_303 = arith.constant 0 : index
    %get3A_304 = arith.constant 0 : index
    %get3A_305 = arith.constant 0 : index
    %get3A_306 = arith.constant 0 : index
    %get3A_307 = vector.load %arg13[%get3A_303, %get3A_304, %get3A_305, %get3A_306] : memref<1x1x1x128xf32, #tpu.memory_space<vmem>>, vector<1x1x1x128xf32>
    %get3A_308 = vector.shape_cast %get3A_307 : vector<1x1x1x128xf32> to vector<1x128xf32>
    %concatenate3A_309 = tpu.concatenate %get3A_302, %get3A_308 in 1 : vector<1x128xf32>, vector<1x128xf32> -> vector<1x256xf32>
    %lt3A_310 = vector.broadcast %get3A_296 : vector<128x1xf32> to vector<128x256xf32>
    %lt3A_311 = vector.broadcast %concatenate3A_309 : vector<1x256xf32> to vector<128x256xf32>
    %lt3A_312 = arith.cmpf olt, %lt3A_310, %lt3A_311 : vector<128x256xf32>
    %eq3A_313 = vector.broadcast %get3A_296 : vector<128x1xf32> to vector<128x256xf32>
    %eq3A_314 = vector.broadcast %concatenate3A_309 : vector<1x256xf32> to vector<128x256xf32>
    %eq3A_315 = arith.cmpf oeq, %eq3A_313, %eq3A_314 : vector<128x256xf32>
    %jit3A_316 = arith.constant -1.000000e+05 : f32
    %jit3A_317 = arith.constant 0.000000e+00 : f32
    %broadcast_in_dim3A_318 = vector.broadcast %jit3A_316 : f32 to vector<128x256xf32>
    %broadcast_in_dim3A_319 = vector.broadcast %jit3A_317 : f32 to vector<128x256xf32>
    %select_n3A_320 = arith.select %eq3A_315, %broadcast_in_dim3A_318, %broadcast_in_dim3A_319 : vector<128x256xi1>, vector<128x256xf32>
    %jit3A_321 = arith.constant -1.000000e+09 : f32
    %broadcast_in_dim3A_322 = vector.broadcast %jit3A_321 : f32 to vector<128x256xf32>
    %select_n3A_323 = arith.select %lt3A_312, %broadcast_in_dim3A_322, %select_n3A_320 : vector<128x256xi1>, vector<128x256xf32>
    %add3A_324 = arith.addf %dot_general3A_290, %select_n3A_323 : vector<128x256xf32>
    %reduce_max3A_325 = arith.constant dense<0xFF800000> : vector<128xf32>
    %reduce_max3A_326 = vector.multi_reduction <maximumf>, %add3A_324, %reduce_max3A_325 [1] : vector<128x256xf32> to vector<128xf32>
    %broadcast_in_dim3A_327 = vector.shape_cast %reduce_max3A_326 : vector<128xf32> to vector<128x1xf32>
    %sub3A_328 = vector.broadcast %broadcast_in_dim3A_327 : vector<128x1xf32> to vector<128x256xf32>
    %sub3A_329 = arith.subf %add3A_324, %sub3A_328 : vector<128x256xf32>
    %exp3A_330 = math.exp %sub3A_329 : vector<128x256xf32>
    %reduce_sum3A_331 = arith.constant dense<0.000000e+00> : vector<128xf32>
    %reduce_sum3A_332 = vector.multi_reduction <add>, %exp3A_330, %reduce_sum3A_331 [1] : vector<128x256xf32> to vector<128xf32>
    %broadcast_in_dim3A_333 = vector.shape_cast %reduce_sum3A_332 : vector<128xf32> to vector<128x1xf32>
    %div3A_334 = arith.constant 1.000000e+00 : f32
    %div3A_335 = vector.broadcast %div3A_334 : f32 to vector<128x1xf32>
    %div3A_336 = arith.divf %div3A_335, %broadcast_in_dim3A_333 : vector<128x1xf32>
    %dot_general3A_337 = arith.constant dense<0.000000e+00> : vector<128x64xf32>
    %dot_general3A_338 = tpu.matmul %exp3A_330, %concatenate3A_288, %dot_general3A_337 {dimension_numbers = #tpu.dot_dimension_numbers<[1], [0], [0], [1], [0, 0, 1, 1], [], []>, transpose_lhs_hint = false} : vector<128x256xf32>, vector<256x64xf32>, vector<128x64xf32> -> vector<128x64xf32>
    %mul3A_339 = vector.broadcast %div3A_336 : vector<128x1xf32> to vector<128x64xf32>
    %mul3A_340 = arith.mulf %dot_general3A_338, %mul3A_339 : vector<128x64xf32>
    %log3A_341 = math.log %broadcast_in_dim3A_333 : vector<128x1xf32>
    %add3A_342 = arith.addf %broadcast_in_dim3A_327, %log3A_341 : vector<128x1xf32>
    %swap3A_343 = arith.constant 0 : index
    %swap3A_344 = arith.constant 1 : index
    %swap3A_345 = arith.constant 0 : index
    %swap3A_346 = arith.constant 0 : index
    %swap3A_347 = vector.load %arg28[%swap3A_343, %swap3A_344, %swap3A_345, %swap3A_346] : memref<1x8x128x128xf32, #tpu.memory_space<vmem>>, vector<1x1x128x64xf32>
    %swap3A_348 = vector.shape_cast %swap3A_347 : vector<1x1x128x64xf32> to vector<128x64xf32>
    %swap3A_349 = vector.shape_cast %mul3A_340 : vector<128x64xf32> to vector<1x1x128x64xf32>
    tpu.vector_store %arg28[%swap3A_343, %swap3A_344, %swap3A_345, %swap3A_346], %swap3A_349 {strides = array<i32>} : memref<1x8x128x128xf32, #tpu.memory_space<vmem>>, vector<1x1x128x64xf32>,
    %broadcast_in_dim3A_350 = vector.shape_cast %add3A_342 : vector<128x1xf32> to vector<128x1xf32>
    %broadcast_in_dim3A_351 = vector.broadcast %broadcast_in_dim3A_350 : vector<128x1xf32> to vector<128x8xf32>
    %swap3A_352 = arith.constant 0 : index
    %swap3A_353 = arith.constant 1 : index
    %swap3A_354 = arith.constant 0 : index
    %swap3A_355 = arith.constant 64 : index
    %swap3A_356 = vector.load %arg28[%swap3A_352, %swap3A_353, %swap3A_354, %swap3A_355] : memref<1x8x128x128xf32, #tpu.memory_space<vmem>>, vector<1x1x128x8xf32>
    %swap3A_357 = vector.shape_cast %swap3A_356 : vector<1x1x128x8xf32> to vector<128x8xf32>
    %swap3A_358 = vector.shape_cast %broadcast_in_dim3A_351 : vector<128x8xf32> to vector<1x1x128x8xf32>
    tpu.vector_store %arg28[%swap3A_352, %swap3A_353, %swap3A_354, %swap3A_355], %swap3A_358 {strides = array<i32>} : memref<1x8x128x128xf32, #tpu.memory_space<vmem>>, vector<1x1x128x8xf32>,
    %get3A_359 = arith.constant 0 : index
    %get3A_360 = arith.constant 0 : index
    %get3A_361 = arith.constant 0 : index
    %get3A_362 = vector.load %arg5[%get3A_359, %get3A_360, %get3A_361] : memref<1x128x128xf32, #tpu.memory_space<vmem>>, vector<1x128x128xf32>
    %get3A_363 = vector.shape_cast %get3A_362 : vector<1x128x128xf32> to vector<128x128xf32>
    %slice3A_364 = vector.extract_strided_slice %get3A_363 {offsets = [0, 0], sizes = [128, 64], strides = [1, 1]} : vector<128x128xf32> to vector<128x64xf32>
    %concatenate3A_365 = tpu.concatenate %mul3A_57, %mul3A_79 in 0 : vector<128x64xf32>, vector<128x64xf32> -> vector<256x64xf32>
    %get3A_366 = arith.constant 0 : index
    %get3A_367 = arith.constant 0 : index
    %get3A_368 = arith.constant 0 : index
    %get3A_369 = vector.load %arg4[%get3A_366, %get3A_367, %get3A_368] : memref<1x128x128xf32, #tpu.memory_space<vmem>>, vector<1x128x128xf32>
    %get3A_370 = vector.shape_cast %get3A_369 : vector<1x128x128xf32> to vector<128x128xf32>
    %slice3A_371 = vector.extract_strided_slice %get3A_370 {offsets = [0, 64], sizes = [128, 64], strides = [1, 1]} : vector<128x128xf32> to vector<128x64xf32>
    %get3A_372 = arith.constant 0 : index
    %get3A_373 = arith.constant 0 : index
    %get3A_374 = arith.constant 0 : index
    %get3A_375 = vector.load %arg5[%get3A_372, %get3A_373, %get3A_374] : memref<1x128x128xf32, #tpu.memory_space<vmem>>, vector<1x128x128xf32>
    %get3A_376 = vector.shape_cast %get3A_375 : vector<1x128x128xf32> to vector<128x128xf32>
    %slice3A_377 = vector.extract_strided_slice %get3A_376 {offsets = [0, 64], sizes = [128, 64], strides = [1, 1]} : vector<128x128xf32> to vector<128x64xf32>
    %concatenate3A_378 = tpu.concatenate %slice3A_371, %slice3A_377 in 0 : vector<128x64xf32>, vector<128x64xf32> -> vector<256x64xf32>
    %dot_general3A_379 = arith.constant dense<0.000000e+00> : vector<128x256xf32>
    %dot_general3A_380 = tpu.matmul %slice3A_364, %concatenate3A_365, %dot_general3A_379 {dimension_numbers = #tpu.dot_dimension_numbers<[1], [1], [0], [0], [0, 0, 1, 0], [], []>, transpose_lhs_hint = false} : vector<128x64xf32>, vector<256x64xf32>, vector<128x256xf32> -> vector<128x256xf32>
    %get3A_381 = arith.constant 0 : index
    %get3A_382 = arith.constant 0 : index
    %get3A_383 = arith.constant 0 : index
    %get3A_384 = arith.constant 0 : index
    %get3A_385 = vector.load %arg22[%get3A_381, %get3A_382, %get3A_383, %get3A_384] : memref<1x1x128x1xf32, #tpu.memory_space<vmem>>, vector<1x1x128x1xf32>
    %get3A_386 = vector.shape_cast %get3A_385 : vector<1x1x128x1xf32> to vector<128x1xf32>
    %get3A_387 = arith.constant 0 : index
    %get3A_388 = arith.constant 0 : index
    %get3A_389 = arith.constant 0 : index
    %get3A_390 = arith.constant 0 : index
    %get3A_391 = vector.load %arg13[%get3A_387, %get3A_388, %get3A_389, %get3A_390] : memref<1x1x1x128xf32, #tpu.memory_space<vmem>>, vector<1x1x1x128xf32>
    %get3A_392 = vector.shape_cast %get3A_391 : vector<1x1x1x128xf32> to vector<1x128xf32>
    %get3A_393 = arith.constant 0 : index
    %get3A_394 = arith.constant 0 : index
    %get3A_395 = arith.constant 0 : index
    %get3A_396 = arith.constant 0 : index
    %get3A_397 = vector.load %arg14[%get3A_393, %get3A_394, %get3A_395, %get3A_396] : memref<1x1x1x128xf32, #tpu.memory_space<vmem>>, vector<1x1x1x128xf32>
    %get3A_398 = vector.shape_cast %get3A_397 : vector<1x1x1x128xf32> to vector<1x128xf32>
    %concatenate3A_399 = tpu.concatenate %get3A_392, %get3A_398 in 1 : vector<1x128xf32>, vector<1x128xf32> -> vector<1x256xf32>
    %lt3A_400 = vector.broadcast %get3A_386 : vector<128x1xf32> to vector<128x256xf32>
    %lt3A_401 = vector.broadcast %concatenate3A_399 : vector<1x256xf32> to vector<128x256xf32>
    %lt3A_402 = arith.cmpf olt, %lt3A_400, %lt3A_401 : vector<128x256xf32>
    %eq3A_403 = vector.broadcast %get3A_386 : vector<128x1xf32> to vector<128x256xf32>
    %eq3A_404 = vector.broadcast %concatenate3A_399 : vector<1x256xf32> to vector<128x256xf32>
    %eq3A_405 = arith.cmpf oeq, %eq3A_403, %eq3A_404 : vector<128x256xf32>
    %jit3A_406 = arith.constant -1.000000e+05 : f32
    %jit3A_407 = arith.constant 0.000000e+00 : f32
    %broadcast_in_dim3A_408 = vector.broadcast %jit3A_406 : f32 to vector<128x256xf32>
    %broadcast_in_dim3A_409 = vector.broadcast %jit3A_407 : f32 to vector<128x256xf32>
    %select_n3A_410 = arith.select %eq3A_405, %broadcast_in_dim3A_408, %broadcast_in_dim3A_409 : vector<128x256xi1>, vector<128x256xf32>
    %jit3A_411 = arith.constant -1.000000e+09 : f32
    %broadcast_in_dim3A_412 = vector.broadcast %jit3A_411 : f32 to vector<128x256xf32>
    %select_n3A_413 = arith.select %lt3A_402, %broadcast_in_dim3A_412, %select_n3A_410 : vector<128x256xi1>, vector<128x256xf32>
    %add3A_414 = arith.addf %dot_general3A_380, %select_n3A_413 : vector<128x256xf32>
    %reduce_max3A_415 = arith.constant dense<0xFF800000> : vector<128xf32>
    %reduce_max3A_416 = vector.multi_reduction <maximumf>, %add3A_414, %reduce_max3A_415 [1] : vector<128x256xf32> to vector<128xf32>
    %broadcast_in_dim3A_417 = vector.shape_cast %reduce_max3A_416 : vector<128xf32> to vector<128x1xf32>
    %sub3A_418 = vector.broadcast %broadcast_in_dim3A_417 : vector<128x1xf32> to vector<128x256xf32>
    %sub3A_419 = arith.subf %add3A_414, %sub3A_418 : vector<128x256xf32>
    %exp3A_420 = math.exp %sub3A_419 : vector<128x256xf32>
    %reduce_sum3A_421 = arith.constant dense<0.000000e+00> : vector<128xf32>
    %reduce_sum3A_422 = vector.multi_reduction <add>, %exp3A_420, %reduce_sum3A_421 [1] : vector<128x256xf32> to vector<128xf32>
    %broadcast_in_dim3A_423 = vector.shape_cast %reduce_sum3A_422 : vector<128xf32> to vector<128x1xf32>
    %div3A_424 = arith.constant 1.000000e+00 : f32
    %div3A_425 = vector.broadcast %div3A_424 : f32 to vector<128x1xf32>
    %div3A_426 = arith.divf %div3A_425, %broadcast_in_dim3A_423 : vector<128x1xf32>
    %dot_general3A_427 = arith.constant dense<0.000000e+00> : vector<128x64xf32>
    %dot_general3A_428 = tpu.matmul %exp3A_420, %concatenate3A_378, %dot_general3A_427 {dimension_numbers = #tpu.dot_dimension_numbers<[1], [0], [0], [1], [0, 0, 1, 1], [], []>, transpose_lhs_hint = false} : vector<128x256xf32>, vector<256x64xf32>, vector<128x64xf32> -> vector<128x64xf32>
    %mul3A_429 = vector.broadcast %div3A_426 : vector<128x1xf32> to vector<128x64xf32>
    %mul3A_430 = arith.mulf %dot_general3A_428, %mul3A_429 : vector<128x64xf32>
    %log3A_431 = math.log %broadcast_in_dim3A_423 : vector<128x1xf32>
    %add3A_432 = arith.addf %broadcast_in_dim3A_417, %log3A_431 : vector<128x1xf32>
    %swap3A_433 = arith.constant 0 : index
    %swap3A_434 = arith.constant 2 : index
    %swap3A_435 = arith.constant 0 : index
    %swap3A_436 = arith.constant 0 : index
    %swap3A_437 = vector.load %arg28[%swap3A_433, %swap3A_434, %swap3A_435, %swap3A_436] : memref<1x8x128x128xf32, #tpu.memory_space<vmem>>, vector<1x1x128x64xf32>
    %swap3A_438 = vector.shape_cast %swap3A_437 : vector<1x1x128x64xf32> to vector<128x64xf32>
    %swap3A_439 = vector.shape_cast %mul3A_430 : vector<128x64xf32> to vector<1x1x128x64xf32>
    tpu.vector_store %arg28[%swap3A_433, %swap3A_434, %swap3A_435, %swap3A_436], %swap3A_439 {strides = array<i32>} : memref<1x8x128x128xf32, #tpu.memory_space<vmem>>, vector<1x1x128x64xf32>,
    %broadcast_in_dim3A_440 = vector.shape_cast %add3A_432 : vector<128x1xf32> to vector<128x1xf32>
    %broadcast_in_dim3A_441 = vector.broadcast %broadcast_in_dim3A_440 : vector<128x1xf32> to vector<128x8xf32>
    %swap3A_442 = arith.constant 0 : index
    %swap3A_443 = arith.constant 2 : index
    %swap3A_444 = arith.constant 0 : index
    %swap3A_445 = arith.constant 64 : index
    %swap3A_446 = vector.load %arg28[%swap3A_442, %swap3A_443, %swap3A_444, %swap3A_445] : memref<1x8x128x128xf32, #tpu.memory_space<vmem>>, vector<1x1x128x8xf32>
    %swap3A_447 = vector.shape_cast %swap3A_446 : vector<1x1x128x8xf32> to vector<128x8xf32>
    %swap3A_448 = vector.shape_cast %broadcast_in_dim3A_441 : vector<128x8xf32> to vector<1x1x128x8xf32>
    tpu.vector_store %arg28[%swap3A_442, %swap3A_443, %swap3A_444, %swap3A_445], %swap3A_448 {strides = array<i32>} : memref<1x8x128x128xf32, #tpu.memory_space<vmem>>, vector<1x1x128x8xf32>,
    %get3A_449 = arith.constant 0 : index
    %get3A_450 = arith.constant 0 : index
    %get3A_451 = arith.constant 0 : index
    %get3A_452 = vector.load %arg6[%get3A_449, %get3A_450, %get3A_451] : memref<1x128x128xf32, #tpu.memory_space<vmem>>, vector<1x128x128xf32>
    %get3A_453 = vector.shape_cast %get3A_452 : vector<1x128x128xf32> to vector<128x128xf32>
    %slice3A_454 = vector.extract_strided_slice %get3A_453 {offsets = [0, 0], sizes = [128, 64], strides = [1, 1]} : vector<128x128xf32> to vector<128x64xf32>
    %concatenate3A_455 = tpu.concatenate %mul3A_79, %mul3A_101 in 0 : vector<128x64xf32>, vector<128x64xf32> -> vector<256x64xf32>
    %get3A_456 = arith.constant 0 : index
    %get3A_457 = arith.constant 0 : index
    %get3A_458 = arith.constant 0 : index
    %get3A_459 = vector.load %arg5[%get3A_456, %get3A_457, %get3A_458] : memref<1x128x128xf32, #tpu.memory_space<vmem>>, vector<1x128x128xf32>
    %get3A_460 = vector.shape_cast %get3A_459 : vector<1x128x128xf32> to vector<128x128xf32>
    %slice3A_461 = vector.extract_strided_slice %get3A_460 {offsets = [0, 64], sizes = [128, 64], strides = [1, 1]} : vector<128x128xf32> to vector<128x64xf32>
    %get3A_462 = arith.constant 0 : index
    %get3A_463 = arith.constant 0 : index
    %get3A_464 = arith.constant 0 : index
    %get3A_465 = vector.load %arg6[%get3A_462, %get3A_463, %get3A_464] : memref<1x128x128xf32, #tpu.memory_space<vmem>>, vector<1x128x128xf32>
    %get3A_466 = vector.shape_cast %get3A_465 : vector<1x128x128xf32> to vector<128x128xf32>
    %slice3A_467 = vector.extract_strided_slice %get3A_466 {offsets = [0, 64], sizes = [128, 64], strides = [1, 1]} : vector<128x128xf32> to vector<128x64xf32>
    %concatenate3A_468 = tpu.concatenate %slice3A_461, %slice3A_467 in 0 : vector<128x64xf32>, vector<128x64xf32> -> vector<256x64xf32>
    %dot_general3A_469 = arith.constant dense<0.000000e+00> : vector<128x256xf32>
    %dot_general3A_470 = tpu.matmul %slice3A_454, %concatenate3A_455, %dot_general3A_469 {dimension_numbers = #tpu.dot_dimension_numbers<[1], [1], [0], [0], [0, 0, 1, 0], [], []>, transpose_lhs_hint = false} : vector<128x64xf32>, vector<256x64xf32>, vector<128x256xf32> -> vector<128x256xf32>
    %get3A_471 = arith.constant 0 : index
    %get3A_472 = arith.constant 0 : index
    %get3A_473 = arith.constant 0 : index
    %get3A_474 = arith.constant 0 : index
    %get3A_475 = vector.load %arg23[%get3A_471, %get3A_472, %get3A_473, %get3A_474] : memref<1x1x128x1xf32, #tpu.memory_space<vmem>>, vector<1x1x128x1xf32>
    %get3A_476 = vector.shape_cast %get3A_475 : vector<1x1x128x1xf32> to vector<128x1xf32>
    %get3A_477 = arith.constant 0 : index
    %get3A_478 = arith.constant 0 : index
    %get3A_479 = arith.constant 0 : index
    %get3A_480 = arith.constant 0 : index
    %get3A_481 = vector.load %arg14[%get3A_477, %get3A_478, %get3A_479, %get3A_480] : memref<1x1x1x128xf32, #tpu.memory_space<vmem>>, vector<1x1x1x128xf32>
    %get3A_482 = vector.shape_cast %get3A_481 : vector<1x1x1x128xf32> to vector<1x128xf32>
    %get3A_483 = arith.constant 0 : index
    %get3A_484 = arith.constant 0 : index
    %get3A_485 = arith.constant 0 : index
    %get3A_486 = arith.constant 0 : index
    %get3A_487 = vector.load %arg15[%get3A_483, %get3A_484, %get3A_485, %get3A_486] : memref<1x1x1x128xf32, #tpu.memory_space<vmem>>, vector<1x1x1x128xf32>
    %get3A_488 = vector.shape_cast %get3A_487 : vector<1x1x1x128xf32> to vector<1x128xf32>
    %concatenate3A_489 = tpu.concatenate %get3A_482, %get3A_488 in 1 : vector<1x128xf32>, vector<1x128xf32> -> vector<1x256xf32>
    %lt3A_490 = vector.broadcast %get3A_476 : vector<128x1xf32> to vector<128x256xf32>
    %lt3A_491 = vector.broadcast %concatenate3A_489 : vector<1x256xf32> to vector<128x256xf32>
    %lt3A_492 = arith.cmpf olt, %lt3A_490, %lt3A_491 : vector<128x256xf32>
    %eq3A_493 = vector.broadcast %get3A_476 : vector<128x1xf32> to vector<128x256xf32>
    %eq3A_494 = vector.broadcast %concatenate3A_489 : vector<1x256xf32> to vector<128x256xf32>
    %eq3A_495 = arith.cmpf oeq, %eq3A_493, %eq3A_494 : vector<128x256xf32>
    %jit3A_496 = arith.constant -1.000000e+05 : f32
    %jit3A_497 = arith.constant 0.000000e+00 : f32
    %broadcast_in_dim3A_498 = vector.broadcast %jit3A_496 : f32 to vector<128x256xf32>
    %broadcast_in_dim3A_499 = vector.broadcast %jit3A_497 : f32 to vector<128x256xf32>
    %select_n3A_500 = arith.select %eq3A_495, %broadcast_in_dim3A_498, %broadcast_in_dim3A_499 : vector<128x256xi1>, vector<128x256xf32>
    %jit3A_501 = arith.constant -1.000000e+09 : f32
    %broadcast_in_dim3A_502 = vector.broadcast %jit3A_501 : f32 to vector<128x256xf32>
    %select_n3A_503 = arith.select %lt3A_492, %broadcast_in_dim3A_502, %select_n3A_500 : vector<128x256xi1>, vector<128x256xf32>
    %add3A_504 = arith.addf %dot_general3A_470, %select_n3A_503 : vector<128x256xf32>
    %reduce_max3A_505 = arith.constant dense<0xFF800000> : vector<128xf32>
    %reduce_max3A_506 = vector.multi_reduction <maximumf>, %add3A_504, %reduce_max3A_505 [1] : vector<128x256xf32> to vector<128xf32>
    %broadcast_in_dim3A_507 = vector.shape_cast %reduce_max3A_506 : vector<128xf32> to vector<128x1xf32>
    %sub3A_508 = vector.broadcast %broadcast_in_dim3A_507 : vector<128x1xf32> to vector<128x256xf32>
    %sub3A_509 = arith.subf %add3A_504, %sub3A_508 : vector<128x256xf32>
    %exp3A_510 = math.exp %sub3A_509 : vector<128x256xf32>
    %reduce_sum3A_511 = arith.constant dense<0.000000e+00> : vector<128xf32>
    %reduce_sum3A_512 = vector.multi_reduction <add>, %exp3A_510, %reduce_sum3A_511 [1] : vector<128x256xf32> to vector<128xf32>
    %broadcast_in_dim3A_513 = vector.shape_cast %reduce_sum3A_512 : vector<128xf32> to vector<128x1xf32>
    %div3A_514 = arith.constant 1.000000e+00 : f32
    %div3A_515 = vector.broadcast %div3A_514 : f32 to vector<128x1xf32>
    %div3A_516 = arith.divf %div3A_515, %broadcast_in_dim3A_513 : vector<128x1xf32>
    %dot_general3A_517 = arith.constant dense<0.000000e+00> : vector<128x64xf32>
    %dot_general3A_518 = tpu.matmul %exp3A_510, %concatenate3A_468, %dot_general3A_517 {dimension_numbers = #tpu.dot_dimension_numbers<[1], [0], [0], [1], [0, 0, 1, 1], [], []>, transpose_lhs_hint = false} : vector<128x256xf32>, vector<256x64xf32>, vector<128x64xf32> -> vector<128x64xf32>
    %mul3A_519 = vector.broadcast %div3A_516 : vector<128x1xf32> to vector<128x64xf32>
    %mul3A_520 = arith.mulf %dot_general3A_518, %mul3A_519 : vector<128x64xf32>
    %log3A_521 = math.log %broadcast_in_dim3A_513 : vector<128x1xf32>
    %add3A_522 = arith.addf %broadcast_in_dim3A_507, %log3A_521 : vector<128x1xf32>
    %swap3A_523 = arith.constant 0 : index
    %swap3A_524 = arith.constant 3 : index
    %swap3A_525 = arith.constant 0 : index
    %swap3A_526 = arith.constant 0 : index
    %swap3A_527 = vector.load %arg28[%swap3A_523, %swap3A_524, %swap3A_525, %swap3A_526] : memref<1x8x128x128xf32, #tpu.memory_space<vmem>>, vector<1x1x128x64xf32>
    %swap3A_528 = vector.shape_cast %swap3A_527 : vector<1x1x128x64xf32> to vector<128x64xf32>
    %swap3A_529 = vector.shape_cast %mul3A_520 : vector<128x64xf32> to vector<1x1x128x64xf32>
    tpu.vector_store %arg28[%swap3A_523, %swap3A_524, %swap3A_525, %swap3A_526], %swap3A_529 {strides = array<i32>} : memref<1x8x128x128xf32, #tpu.memory_space<vmem>>, vector<1x1x128x64xf32>,
    %broadcast_in_dim3A_530 = vector.shape_cast %add3A_522 : vector<128x1xf32> to vector<128x1xf32>
    %broadcast_in_dim3A_531 = vector.broadcast %broadcast_in_dim3A_530 : vector<128x1xf32> to vector<128x8xf32>
    %swap3A_532 = arith.constant 0 : index
    %swap3A_533 = arith.constant 3 : index
    %swap3A_534 = arith.constant 0 : index
    %swap3A_535 = arith.constant 64 : index
    %swap3A_536 = vector.load %arg28[%swap3A_532, %swap3A_533, %swap3A_534, %swap3A_535] : memref<1x8x128x128xf32, #tpu.memory_space<vmem>>, vector<1x1x128x8xf32>
    %swap3A_537 = vector.shape_cast %swap3A_536 : vector<1x1x128x8xf32> to vector<128x8xf32>
    %swap3A_538 = vector.shape_cast %broadcast_in_dim3A_531 : vector<128x8xf32> to vector<1x1x128x8xf32>
    tpu.vector_store %arg28[%swap3A_532, %swap3A_533, %swap3A_534, %swap3A_535], %swap3A_538 {strides = array<i32>} : memref<1x8x128x128xf32, #tpu.memory_space<vmem>>, vector<1x1x128x8xf32>,
    %get3A_539 = arith.constant 0 : index
    %get3A_540 = arith.constant 0 : index
    %get3A_541 = arith.constant 0 : index
    %get3A_542 = vector.load %arg7[%get3A_539, %get3A_540, %get3A_541] : memref<1x128x128xf32, #tpu.memory_space<vmem>>, vector<1x128x128xf32>
    %get3A_543 = vector.shape_cast %get3A_542 : vector<1x128x128xf32> to vector<128x128xf32>
    %slice3A_544 = vector.extract_strided_slice %get3A_543 {offsets = [0, 0], sizes = [128, 64], strides = [1, 1]} : vector<128x128xf32> to vector<128x64xf32>
    %concatenate3A_545 = tpu.concatenate %mul3A_101, %mul3A_123 in 0 : vector<128x64xf32>, vector<128x64xf32> -> vector<256x64xf32>
    %get3A_546 = arith.constant 0 : index
    %get3A_547 = arith.constant 0 : index
    %get3A_548 = arith.constant 0 : index
    %get3A_549 = vector.load %arg6[%get3A_546, %get3A_547, %get3A_548] : memref<1x128x128xf32, #tpu.memory_space<vmem>>, vector<1x128x128xf32>
    %get3A_550 = vector.shape_cast %get3A_549 : vector<1x128x128xf32> to vector<128x128xf32>
    %slice3A_551 = vector.extract_strided_slice %get3A_550 {offsets = [0, 64], sizes = [128, 64], strides = [1, 1]} : vector<128x128xf32> to vector<128x64xf32>
    %get3A_552 = arith.constant 0 : index
    %get3A_553 = arith.constant 0 : index
    %get3A_554 = arith.constant 0 : index
    %get3A_555 = vector.load %arg7[%get3A_552, %get3A_553, %get3A_554] : memref<1x128x128xf32, #tpu.memory_space<vmem>>, vector<1x128x128xf32>
    %get3A_556 = vector.shape_cast %get3A_555 : vector<1x128x128xf32> to vector<128x128xf32>
    %slice3A_557 = vector.extract_strided_slice %get3A_556 {offsets = [0, 64], sizes = [128, 64], strides = [1, 1]} : vector<128x128xf32> to vector<128x64xf32>
    %concatenate3A_558 = tpu.concatenate %slice3A_551, %slice3A_557 in 0 : vector<128x64xf32>, vector<128x64xf32> -> vector<256x64xf32>
    %dot_general3A_559 = arith.constant dense<0.000000e+00> : vector<128x256xf32>
    %dot_general3A_560 = tpu.matmul %slice3A_544, %concatenate3A_545, %dot_general3A_559 {dimension_numbers = #tpu.dot_dimension_numbers<[1], [1], [0], [0], [0, 0, 1, 0], [], []>, transpose_lhs_hint = false} : vector<128x64xf32>, vector<256x64xf32>, vector<128x256xf32> -> vector<128x256xf32>
    %get3A_561 = arith.constant 0 : index
    %get3A_562 = arith.constant 0 : index
    %get3A_563 = arith.constant 0 : index
    %get3A_564 = arith.constant 0 : index
    %get3A_565 = vector.load %arg24[%get3A_561, %get3A_562, %get3A_563, %get3A_564] : memref<1x1x128x1xf32, #tpu.memory_space<vmem>>, vector<1x1x128x1xf32>
    %get3A_566 = vector.shape_cast %get3A_565 : vector<1x1x128x1xf32> to vector<128x1xf32>
    %get3A_567 = arith.constant 0 : index
    %get3A_568 = arith.constant 0 : index
    %get3A_569 = arith.constant 0 : index
    %get3A_570 = arith.constant 0 : index
    %get3A_571 = vector.load %arg15[%get3A_567, %get3A_568, %get3A_569, %get3A_570] : memref<1x1x1x128xf32, #tpu.memory_space<vmem>>, vector<1x1x1x128xf32>
    %get3A_572 = vector.shape_cast %get3A_571 : vector<1x1x1x128xf32> to vector<1x128xf32>
    %get3A_573 = arith.constant 0 : index
    %get3A_574 = arith.constant 0 : index
    %get3A_575 = arith.constant 0 : index
    %get3A_576 = arith.constant 0 : index
    %get3A_577 = vector.load %arg16[%get3A_573, %get3A_574, %get3A_575, %get3A_576] : memref<1x1x1x128xf32, #tpu.memory_space<vmem>>, vector<1x1x1x128xf32>
    %get3A_578 = vector.shape_cast %get3A_577 : vector<1x1x1x128xf32> to vector<1x128xf32>
    %concatenate3A_579 = tpu.concatenate %get3A_572, %get3A_578 in 1 : vector<1x128xf32>, vector<1x128xf32> -> vector<1x256xf32>
    %lt3A_580 = vector.broadcast %get3A_566 : vector<128x1xf32> to vector<128x256xf32>
    %lt3A_581 = vector.broadcast %concatenate3A_579 : vector<1x256xf32> to vector<128x256xf32>
    %lt3A_582 = arith.cmpf olt, %lt3A_580, %lt3A_581 : vector<128x256xf32>
    %eq3A_583 = vector.broadcast %get3A_566 : vector<128x1xf32> to vector<128x256xf32>
    %eq3A_584 = vector.broadcast %concatenate3A_579 : vector<1x256xf32> to vector<128x256xf32>
    %eq3A_585 = arith.cmpf oeq, %eq3A_583, %eq3A_584 : vector<128x256xf32>
    %jit3A_586 = arith.constant -1.000000e+05 : f32
    %jit3A_587 = arith.constant 0.000000e+00 : f32
    %broadcast_in_dim3A_588 = vector.broadcast %jit3A_586 : f32 to vector<128x256xf32>
    %broadcast_in_dim3A_589 = vector.broadcast %jit3A_587 : f32 to vector<128x256xf32>
    %select_n3A_590 = arith.select %eq3A_585, %broadcast_in_dim3A_588, %broadcast_in_dim3A_589 : vector<128x256xi1>, vector<128x256xf32>
    %jit3A_591 = arith.constant -1.000000e+09 : f32
    %broadcast_in_dim3A_592 = vector.broadcast %jit3A_591 : f32 to vector<128x256xf32>
    %select_n3A_593 = arith.select %lt3A_582, %broadcast_in_dim3A_592, %select_n3A_590 : vector<128x256xi1>, vector<128x256xf32>
    %add3A_594 = arith.addf %dot_general3A_560, %select_n3A_593 : vector<128x256xf32>
    %reduce_max3A_595 = arith.constant dense<0xFF800000> : vector<128xf32>
    %reduce_max3A_596 = vector.multi_reduction <maximumf>, %add3A_594, %reduce_max3A_595 [1] : vector<128x256xf32> to vector<128xf32>
    %broadcast_in_dim3A_597 = vector.shape_cast %reduce_max3A_596 : vector<128xf32> to vector<128x1xf32>
    %sub3A_598 = vector.broadcast %broadcast_in_dim3A_597 : vector<128x1xf32> to vector<128x256xf32>
    %sub3A_599 = arith.subf %add3A_594, %sub3A_598 : vector<128x256xf32>
    %exp3A_600 = math.exp %sub3A_599 : vector<128x256xf32>
    %reduce_sum3A_601 = arith.constant dense<0.000000e+00> : vector<128xf32>
    %reduce_sum3A_602 = vector.multi_reduction <add>, %exp3A_600, %reduce_sum3A_601 [1] : vector<128x256xf32> to vector<128xf32>
    %broadcast_in_dim3A_603 = vector.shape_cast %reduce_sum3A_602 : vector<128xf32> to vector<128x1xf32>
    %div3A_604 = arith.constant 1.000000e+00 : f32
    %div3A_605 = vector.broadcast %div3A_604 : f32 to vector<128x1xf32>
    %div3A_606 = arith.divf %div3A_605, %broadcast_in_dim3A_603 : vector<128x1xf32>
    %dot_general3A_607 = arith.constant dense<0.000000e+00> : vector<128x64xf32>
    %dot_general3A_608 = tpu.matmul %exp3A_600, %concatenate3A_558, %dot_general3A_607 {dimension_numbers = #tpu.dot_dimension_numbers<[1], [0], [0], [1], [0, 0, 1, 1], [], []>, transpose_lhs_hint = false} : vector<128x256xf32>, vector<256x64xf32>, vector<128x64xf32> -> vector<128x64xf32>
    %mul3A_609 = vector.broadcast %div3A_606 : vector<128x1xf32> to vector<128x64xf32>
    %mul3A_610 = arith.mulf %dot_general3A_608, %mul3A_609 : vector<128x64xf32>
    %log3A_611 = math.log %broadcast_in_dim3A_603 : vector<128x1xf32>
    %add3A_612 = arith.addf %broadcast_in_dim3A_597, %log3A_611 : vector<128x1xf32>
    %swap3A_613 = arith.constant 0 : index
    %swap3A_614 = arith.constant 4 : index
    %swap3A_615 = arith.constant 0 : index
    %swap3A_616 = arith.constant 0 : index
    %swap3A_617 = vector.load %arg28[%swap3A_613, %swap3A_614, %swap3A_615, %swap3A_616] : memref<1x8x128x128xf32, #tpu.memory_space<vmem>>, vector<1x1x128x64xf32>
    %swap3A_618 = vector.shape_cast %swap3A_617 : vector<1x1x128x64xf32> to vector<128x64xf32>
    %swap3A_619 = vector.shape_cast %mul3A_610 : vector<128x64xf32> to vector<1x1x128x64xf32>
    tpu.vector_store %arg28[%swap3A_613, %swap3A_614, %swap3A_615, %swap3A_616], %swap3A_619 {strides = array<i32>} : memref<1x8x128x128xf32, #tpu.memory_space<vmem>>, vector<1x1x128x64xf32>,
    %broadcast_in_dim3A_620 = vector.shape_cast %add3A_612 : vector<128x1xf32> to vector<128x1xf32>
    %broadcast_in_dim3A_621 = vector.broadcast %broadcast_in_dim3A_620 : vector<128x1xf32> to vector<128x8xf32>
    %swap3A_622 = arith.constant 0 : index
    %swap3A_623 = arith.constant 4 : index
    %swap3A_624 = arith.constant 0 : index
    %swap3A_625 = arith.constant 64 : index
    %swap3A_626 = vector.load %arg28[%swap3A_622, %swap3A_623, %swap3A_624, %swap3A_625] : memref<1x8x128x128xf32, #tpu.memory_space<vmem>>, vector<1x1x128x8xf32>
    %swap3A_627 = vector.shape_cast %swap3A_626 : vector<1x1x128x8xf32> to vector<128x8xf32>
    %swap3A_628 = vector.shape_cast %broadcast_in_dim3A_621 : vector<128x8xf32> to vector<1x1x128x8xf32>
    tpu.vector_store %arg28[%swap3A_622, %swap3A_623, %swap3A_624, %swap3A_625], %swap3A_628 {strides = array<i32>} : memref<1x8x128x128xf32, #tpu.memory_space<vmem>>, vector<1x1x128x8xf32>,
    %get3A_629 = arith.constant 0 : index
    %get3A_630 = arith.constant 0 : index
    %get3A_631 = arith.constant 0 : index
    %get3A_632 = vector.load %arg8[%get3A_629, %get3A_630, %get3A_631] : memref<1x128x128xf32, #tpu.memory_space<vmem>>, vector<1x128x128xf32>
    %get3A_633 = vector.shape_cast %get3A_632 : vector<1x128x128xf32> to vector<128x128xf32>
    %slice3A_634 = vector.extract_strided_slice %get3A_633 {offsets = [0, 0], sizes = [128, 64], strides = [1, 1]} : vector<128x128xf32> to vector<128x64xf32>
    %concatenate3A_635 = tpu.concatenate %mul3A_123, %mul3A_145 in 0 : vector<128x64xf32>, vector<128x64xf32> -> vector<256x64xf32>
    %get3A_636 = arith.constant 0 : index
    %get3A_637 = arith.constant 0 : index
    %get3A_638 = arith.constant 0 : index
    %get3A_639 = vector.load %arg7[%get3A_636, %get3A_637, %get3A_638] : memref<1x128x128xf32, #tpu.memory_space<vmem>>, vector<1x128x128xf32>
    %get3A_640 = vector.shape_cast %get3A_639 : vector<1x128x128xf32> to vector<128x128xf32>
    %slice3A_641 = vector.extract_strided_slice %get3A_640 {offsets = [0, 64], sizes = [128, 64], strides = [1, 1]} : vector<128x128xf32> to vector<128x64xf32>
    %get3A_642 = arith.constant 0 : index
    %get3A_643 = arith.constant 0 : index
    %get3A_644 = arith.constant 0 : index
    %get3A_645 = vector.load %arg8[%get3A_642, %get3A_643, %get3A_644] : memref<1x128x128xf32, #tpu.memory_space<vmem>>, vector<1x128x128xf32>
    %get3A_646 = vector.shape_cast %get3A_645 : vector<1x128x128xf32> to vector<128x128xf32>
    %slice3A_647 = vector.extract_strided_slice %get3A_646 {offsets = [0, 64], sizes = [128, 64], strides = [1, 1]} : vector<128x128xf32> to vector<128x64xf32>
    %concatenate3A_648 = tpu.concatenate %slice3A_641, %slice3A_647 in 0 : vector<128x64xf32>, vector<128x64xf32> -> vector<256x64xf32>
    %dot_general3A_649 = arith.constant dense<0.000000e+00> : vector<128x256xf32>
    %dot_general3A_650 = tpu.matmul %slice3A_634, %concatenate3A_635, %dot_general3A_649 {dimension_numbers = #tpu.dot_dimension_numbers<[1], [1], [0], [0], [0, 0, 1, 0], [], []>, transpose_lhs_hint = false} : vector<128x64xf32>, vector<256x64xf32>, vector<128x256xf32> -> vector<128x256xf32>
    %get3A_651 = arith.constant 0 : index
    %get3A_652 = arith.constant 0 : index
    %get3A_653 = arith.constant 0 : index
    %get3A_654 = arith.constant 0 : index
    %get3A_655 = vector.load %arg25[%get3A_651, %get3A_652, %get3A_653, %get3A_654] : memref<1x1x128x1xf32, #tpu.memory_space<vmem>>, vector<1x1x128x1xf32>
    %get3A_656 = vector.shape_cast %get3A_655 : vector<1x1x128x1xf32> to vector<128x1xf32>
    %get3A_657 = arith.constant 0 : index
    %get3A_658 = arith.constant 0 : index
    %get3A_659 = arith.constant 0 : index
    %get3A_660 = arith.constant 0 : index
    %get3A_661 = vector.load %arg16[%get3A_657, %get3A_658, %get3A_659, %get3A_660] : memref<1x1x1x128xf32, #tpu.memory_space<vmem>>, vector<1x1x1x128xf32>
    %get3A_662 = vector.shape_cast %get3A_661 : vector<1x1x1x128xf32> to vector<1x128xf32>
    %get3A_663 = arith.constant 0 : index
    %get3A_664 = arith.constant 0 : index
    %get3A_665 = arith.constant 0 : index
    %get3A_666 = arith.constant 0 : index
    %get3A_667 = vector.load %arg17[%get3A_663, %get3A_664, %get3A_665, %get3A_666] : memref<1x1x1x128xf32, #tpu.memory_space<vmem>>, vector<1x1x1x128xf32>
    %get3A_668 = vector.shape_cast %get3A_667 : vector<1x1x1x128xf32> to vector<1x128xf32>
    %concatenate3A_669 = tpu.concatenate %get3A_662, %get3A_668 in 1 : vector<1x128xf32>, vector<1x128xf32> -> vector<1x256xf32>
    %lt3A_670 = vector.broadcast %get3A_656 : vector<128x1xf32> to vector<128x256xf32>
    %lt3A_671 = vector.broadcast %concatenate3A_669 : vector<1x256xf32> to vector<128x256xf32>
    %lt3A_672 = arith.cmpf olt, %lt3A_670, %lt3A_671 : vector<128x256xf32>
    %eq3A_673 = vector.broadcast %get3A_656 : vector<128x1xf32> to vector<128x256xf32>
    %eq3A_674 = vector.broadcast %concatenate3A_669 : vector<1x256xf32> to vector<128x256xf32>
    %eq3A_675 = arith.cmpf oeq, %eq3A_673, %eq3A_674 : vector<128x256xf32>
    %jit3A_676 = arith.constant -1.000000e+05 : f32
    %jit3A_677 = arith.constant 0.000000e+00 : f32
    %broadcast_in_dim3A_678 = vector.broadcast %jit3A_676 : f32 to vector<128x256xf32>
    %broadcast_in_dim3A_679 = vector.broadcast %jit3A_677 : f32 to vector<128x256xf32>
    %select_n3A_680 = arith.select %eq3A_675, %broadcast_in_dim3A_678, %broadcast_in_dim3A_679 : vector<128x256xi1>, vector<128x256xf32>
    %jit3A_681 = arith.constant -1.000000e+09 : f32
    %broadcast_in_dim3A_682 = vector.broadcast %jit3A_681 : f32 to vector<128x256xf32>
    %select_n3A_683 = arith.select %lt3A_672, %broadcast_in_dim3A_682, %select_n3A_680 : vector<128x256xi1>, vector<128x256xf32>
    %add3A_684 = arith.addf %dot_general3A_650, %select_n3A_683 : vector<128x256xf32>
    %reduce_max3A_685 = arith.constant dense<0xFF800000> : vector<128xf32>
    %reduce_max3A_686 = vector.multi_reduction <maximumf>, %add3A_684, %reduce_max3A_685 [1] : vector<128x256xf32> to vector<128xf32>
    %broadcast_in_dim3A_687 = vector.shape_cast %reduce_max3A_686 : vector<128xf32> to vector<128x1xf32>
    %sub3A_688 = vector.broadcast %broadcast_in_dim3A_687 : vector<128x1xf32> to vector<128x256xf32>
    %sub3A_689 = arith.subf %add3A_684, %sub3A_688 : vector<128x256xf32>
    %exp3A_690 = math.exp %sub3A_689 : vector<128x256xf32>
    %reduce_sum3A_691 = arith.constant dense<0.000000e+00> : vector<128xf32>
    %reduce_sum3A_692 = vector.multi_reduction <add>, %exp3A_690, %reduce_sum3A_691 [1] : vector<128x256xf32> to vector<128xf32>
    %broadcast_in_dim3A_693 = vector.shape_cast %reduce_sum3A_692 : vector<128xf32> to vector<128x1xf32>
    %div3A_694 = arith.constant 1.000000e+00 : f32
    %div3A_695 = vector.broadcast %div3A_694 : f32 to vector<128x1xf32>
    %div3A_696 = arith.divf %div3A_695, %broadcast_in_dim3A_693 : vector<128x1xf32>
    %dot_general3A_697 = arith.constant dense<0.000000e+00> : vector<128x64xf32>
    %dot_general3A_698 = tpu.matmul %exp3A_690, %concatenate3A_648, %dot_general3A_697 {dimension_numbers = #tpu.dot_dimension_numbers<[1], [0], [0], [1], [0, 0, 1, 1], [], []>, transpose_lhs_hint = false} : vector<128x256xf32>, vector<256x64xf32>, vector<128x64xf32> -> vector<128x64xf32>
    %mul3A_699 = vector.broadcast %div3A_696 : vector<128x1xf32> to vector<128x64xf32>
    %mul3A_700 = arith.mulf %dot_general3A_698, %mul3A_699 : vector<128x64xf32>
    %log3A_701 = math.log %broadcast_in_dim3A_693 : vector<128x1xf32>
    %add3A_702 = arith.addf %broadcast_in_dim3A_687, %log3A_701 : vector<128x1xf32>
    %swap3A_703 = arith.constant 0 : index
    %swap3A_704 = arith.constant 5 : index
    %swap3A_705 = arith.constant 0 : index
    %swap3A_706 = arith.constant 0 : index
    %swap3A_707 = vector.load %arg28[%swap3A_703, %swap3A_704, %swap3A_705, %swap3A_706] : memref<1x8x128x128xf32, #tpu.memory_space<vmem>>, vector<1x1x128x64xf32>
    %swap3A_708 = vector.shape_cast %swap3A_707 : vector<1x1x128x64xf32> to vector<128x64xf32>
    %swap3A_709 = vector.shape_cast %mul3A_700 : vector<128x64xf32> to vector<1x1x128x64xf32>
    tpu.vector_store %arg28[%swap3A_703, %swap3A_704, %swap3A_705, %swap3A_706], %swap3A_709 {strides = array<i32>} : memref<1x8x128x128xf32, #tpu.memory_space<vmem>>, vector<1x1x128x64xf32>,
    %broadcast_in_dim3A_710 = vector.shape_cast %add3A_702 : vector<128x1xf32> to vector<128x1xf32>
    %broadcast_in_dim3A_711 = vector.broadcast %broadcast_in_dim3A_710 : vector<128x1xf32> to vector<128x8xf32>
    %swap3A_712 = arith.constant 0 : index
    %swap3A_713 = arith.constant 5 : index
    %swap3A_714 = arith.constant 0 : index
    %swap3A_715 = arith.constant 64 : index
    %swap3A_716 = vector.load %arg28[%swap3A_712, %swap3A_713, %swap3A_714, %swap3A_715] : memref<1x8x128x128xf32, #tpu.memory_space<vmem>>, vector<1x1x128x8xf32>
    %swap3A_717 = vector.shape_cast %swap3A_716 : vector<1x1x128x8xf32> to vector<128x8xf32>
    %swap3A_718 = vector.shape_cast %broadcast_in_dim3A_711 : vector<128x8xf32> to vector<1x1x128x8xf32>
    tpu.vector_store %arg28[%swap3A_712, %swap3A_713, %swap3A_714, %swap3A_715], %swap3A_718 {strides = array<i32>} : memref<1x8x128x128xf32, #tpu.memory_space<vmem>>, vector<1x1x128x8xf32>,
    %get3A_719 = arith.constant 0 : index
    %get3A_720 = arith.constant 0 : index
    %get3A_721 = arith.constant 0 : index
    %get3A_722 = vector.load %arg9[%get3A_719, %get3A_720, %get3A_721] : memref<1x128x128xf32, #tpu.memory_space<vmem>>, vector<1x128x128xf32>
    %get3A_723 = vector.shape_cast %get3A_722 : vector<1x128x128xf32> to vector<128x128xf32>
    %slice3A_724 = vector.extract_strided_slice %get3A_723 {offsets = [0, 0], sizes = [128, 64], strides = [1, 1]} : vector<128x128xf32> to vector<128x64xf32>
    %concatenate3A_725 = tpu.concatenate %mul3A_145, %mul3A_167 in 0 : vector<128x64xf32>, vector<128x64xf32> -> vector<256x64xf32>
    %get3A_726 = arith.constant 0 : index
    %get3A_727 = arith.constant 0 : index
    %get3A_728 = arith.constant 0 : index
    %get3A_729 = vector.load %arg8[%get3A_726, %get3A_727, %get3A_728] : memref<1x128x128xf32, #tpu.memory_space<vmem>>, vector<1x128x128xf32>
    %get3A_730 = vector.shape_cast %get3A_729 : vector<1x128x128xf32> to vector<128x128xf32>
    %slice3A_731 = vector.extract_strided_slice %get3A_730 {offsets = [0, 64], sizes = [128, 64], strides = [1, 1]} : vector<128x128xf32> to vector<128x64xf32>
    %get3A_732 = arith.constant 0 : index
    %get3A_733 = arith.constant 0 : index
    %get3A_734 = arith.constant 0 : index
    %get3A_735 = vector.load %arg9[%get3A_732, %get3A_733, %get3A_734] : memref<1x128x128xf32, #tpu.memory_space<vmem>>, vector<1x128x128xf32>
    %get3A_736 = vector.shape_cast %get3A_735 : vector<1x128x128xf32> to vector<128x128xf32>
    %slice3A_737 = vector.extract_strided_slice %get3A_736 {offsets = [0, 64], sizes = [128, 64], strides = [1, 1]} : vector<128x128xf32> to vector<128x64xf32>
    %concatenate3A_738 = tpu.concatenate %slice3A_731, %slice3A_737 in 0 : vector<128x64xf32>, vector<128x64xf32> -> vector<256x64xf32>
    %dot_general3A_739 = arith.constant dense<0.000000e+00> : vector<128x256xf32>
    %dot_general3A_740 = tpu.matmul %slice3A_724, %concatenate3A_725, %dot_general3A_739 {dimension_numbers = #tpu.dot_dimension_numbers<[1], [1], [0], [0], [0, 0, 1, 0], [], []>, transpose_lhs_hint = false} : vector<128x64xf32>, vector<256x64xf32>, vector<128x256xf32> -> vector<128x256xf32>
    %get3A_741 = arith.constant 0 : index
    %get3A_742 = arith.constant 0 : index
    %get3A_743 = arith.constant 0 : index
    %get3A_744 = arith.constant 0 : index
    %get3A_745 = vector.load %arg26[%get3A_741, %get3A_742, %get3A_743, %get3A_744] : memref<1x1x128x1xf32, #tpu.memory_space<vmem>>, vector<1x1x128x1xf32>
    %get3A_746 = vector.shape_cast %get3A_745 : vector<1x1x128x1xf32> to vector<128x1xf32>
    %get3A_747 = arith.constant 0 : index
    %get3A_748 = arith.constant 0 : index
    %get3A_749 = arith.constant 0 : index
    %get3A_750 = arith.constant 0 : index
    %get3A_751 = vector.load %arg17[%get3A_747, %get3A_748, %get3A_749, %get3A_750] : memref<1x1x1x128xf32, #tpu.memory_space<vmem>>, vector<1x1x1x128xf32>
    %get3A_752 = vector.shape_cast %get3A_751 : vector<1x1x1x128xf32> to vector<1x128xf32>
    %get3A_753 = arith.constant 0 : index
    %get3A_754 = arith.constant 0 : index
    %get3A_755 = arith.constant 0 : index
    %get3A_756 = arith.constant 0 : index
    %get3A_757 = vector.load %arg18[%get3A_753, %get3A_754, %get3A_755, %get3A_756] : memref<1x1x1x128xf32, #tpu.memory_space<vmem>>, vector<1x1x1x128xf32>
    %get3A_758 = vector.shape_cast %get3A_757 : vector<1x1x1x128xf32> to vector<1x128xf32>
    %concatenate3A_759 = tpu.concatenate %get3A_752, %get3A_758 in 1 : vector<1x128xf32>, vector<1x128xf32> -> vector<1x256xf32>
    %lt3A_760 = vector.broadcast %get3A_746 : vector<128x1xf32> to vector<128x256xf32>
    %lt3A_761 = vector.broadcast %concatenate3A_759 : vector<1x256xf32> to vector<128x256xf32>
    %lt3A_762 = arith.cmpf olt, %lt3A_760, %lt3A_761 : vector<128x256xf32>
    %eq3A_763 = vector.broadcast %get3A_746 : vector<128x1xf32> to vector<128x256xf32>
    %eq3A_764 = vector.broadcast %concatenate3A_759 : vector<1x256xf32> to vector<128x256xf32>
    %eq3A_765 = arith.cmpf oeq, %eq3A_763, %eq3A_764 : vector<128x256xf32>
    %jit3A_766 = arith.constant -1.000000e+05 : f32
    %jit3A_767 = arith.constant 0.000000e+00 : f32
    %broadcast_in_dim3A_768 = vector.broadcast %jit3A_766 : f32 to vector<128x256xf32>
    %broadcast_in_dim3A_769 = vector.broadcast %jit3A_767 : f32 to vector<128x256xf32>
    %select_n3A_770 = arith.select %eq3A_765, %broadcast_in_dim3A_768, %broadcast_in_dim3A_769 : vector<128x256xi1>, vector<128x256xf32>
    %jit3A_771 = arith.constant -1.000000e+09 : f32
    %broadcast_in_dim3A_772 = vector.broadcast %jit3A_771 : f32 to vector<128x256xf32>
    %select_n3A_773 = arith.select %lt3A_762, %broadcast_in_dim3A_772, %select_n3A_770 : vector<128x256xi1>, vector<128x256xf32>
    %add3A_774 = arith.addf %dot_general3A_740, %select_n3A_773 : vector<128x256xf32>
    %reduce_max3A_775 = arith.constant dense<0xFF800000> : vector<128xf32>
    %reduce_max3A_776 = vector.multi_reduction <maximumf>, %add3A_774, %reduce_max3A_775 [1] : vector<128x256xf32> to vector<128xf32>
    %broadcast_in_dim3A_777 = vector.shape_cast %reduce_max3A_776 : vector<128xf32> to vector<128x1xf32>
    %sub3A_778 = vector.broadcast %broadcast_in_dim3A_777 : vector<128x1xf32> to vector<128x256xf32>
    %sub3A_779 = arith.subf %add3A_774, %sub3A_778 : vector<128x256xf32>
    %exp3A_780 = math.exp %sub3A_779 : vector<128x256xf32>
    %reduce_sum3A_781 = arith.constant dense<0.000000e+00> : vector<128xf32>
    %reduce_sum3A_782 = vector.multi_reduction <add>, %exp3A_780, %reduce_sum3A_781 [1] : vector<128x256xf32> to vector<128xf32>
    %broadcast_in_dim3A_783 = vector.shape_cast %reduce_sum3A_782 : vector<128xf32> to vector<128x1xf32>
    %div3A_784 = arith.constant 1.000000e+00 : f32
    %div3A_785 = vector.broadcast %div3A_784 : f32 to vector<128x1xf32>
    %div3A_786 = arith.divf %div3A_785, %broadcast_in_dim3A_783 : vector<128x1xf32>
    %dot_general3A_787 = arith.constant dense<0.000000e+00> : vector<128x64xf32>
    %dot_general3A_788 = tpu.matmul %exp3A_780, %concatenate3A_738, %dot_general3A_787 {dimension_numbers = #tpu.dot_dimension_numbers<[1], [0], [0], [1], [0, 0, 1, 1], [], []>, transpose_lhs_hint = false} : vector<128x256xf32>, vector<256x64xf32>, vector<128x64xf32> -> vector<128x64xf32>
    %mul3A_789 = vector.broadcast %div3A_786 : vector<128x1xf32> to vector<128x64xf32>
    %mul3A_790 = arith.mulf %dot_general3A_788, %mul3A_789 : vector<128x64xf32>
    %log3A_791 = math.log %broadcast_in_dim3A_783 : vector<128x1xf32>
    %add3A_792 = arith.addf %broadcast_in_dim3A_777, %log3A_791 : vector<128x1xf32>
    %swap3A_793 = arith.constant 0 : index
    %swap3A_794 = arith.constant 6 : index
    %swap3A_795 = arith.constant 0 : index
    %swap3A_796 = arith.constant 0 : index
    %swap3A_797 = vector.load %arg28[%swap3A_793, %swap3A_794, %swap3A_795, %swap3A_796] : memref<1x8x128x128xf32, #tpu.memory_space<vmem>>, vector<1x1x128x64xf32>
    %swap3A_798 = vector.shape_cast %swap3A_797 : vector<1x1x128x64xf32> to vector<128x64xf32>
    %swap3A_799 = vector.shape_cast %mul3A_790 : vector<128x64xf32> to vector<1x1x128x64xf32>
    tpu.vector_store %arg28[%swap3A_793, %swap3A_794, %swap3A_795, %swap3A_796], %swap3A_799 {strides = array<i32>} : memref<1x8x128x128xf32, #tpu.memory_space<vmem>>, vector<1x1x128x64xf32>,
    %broadcast_in_dim3A_800 = vector.shape_cast %add3A_792 : vector<128x1xf32> to vector<128x1xf32>
    %broadcast_in_dim3A_801 = vector.broadcast %broadcast_in_dim3A_800 : vector<128x1xf32> to vector<128x8xf32>
    %swap3A_802 = arith.constant 0 : index
    %swap3A_803 = arith.constant 6 : index
    %swap3A_804 = arith.constant 0 : index
    %swap3A_805 = arith.constant 64 : index
    %swap3A_806 = vector.load %arg28[%swap3A_802, %swap3A_803, %swap3A_804, %swap3A_805] : memref<1x8x128x128xf32, #tpu.memory_space<vmem>>, vector<1x1x128x8xf32>
    %swap3A_807 = vector.shape_cast %swap3A_806 : vector<1x1x128x8xf32> to vector<128x8xf32>
    %swap3A_808 = vector.shape_cast %broadcast_in_dim3A_801 : vector<128x8xf32> to vector<1x1x128x8xf32>
    tpu.vector_store %arg28[%swap3A_802, %swap3A_803, %swap3A_804, %swap3A_805], %swap3A_808 {strides = array<i32>} : memref<1x8x128x128xf32, #tpu.memory_space<vmem>>, vector<1x1x128x8xf32>,
    %get3A_809 = arith.constant 0 : index
    %get3A_810 = arith.constant 0 : index
    %get3A_811 = arith.constant 0 : index
    %get3A_812 = vector.load %arg10[%get3A_809, %get3A_810, %get3A_811] : memref<1x128x128xf32, #tpu.memory_space<vmem>>, vector<1x128x128xf32>
    %get3A_813 = vector.shape_cast %get3A_812 : vector<1x128x128xf32> to vector<128x128xf32>
    %slice3A_814 = vector.extract_strided_slice %get3A_813 {offsets = [0, 0], sizes = [128, 64], strides = [1, 1]} : vector<128x128xf32> to vector<128x64xf32>
    %concatenate3A_815 = tpu.concatenate %mul3A_167, %mul3A_189 in 0 : vector<128x64xf32>, vector<128x64xf32> -> vector<256x64xf32>
    %get3A_816 = arith.constant 0 : index
    %get3A_817 = arith.constant 0 : index
    %get3A_818 = arith.constant 0 : index
    %get3A_819 = vector.load %arg9[%get3A_816, %get3A_817, %get3A_818] : memref<1x128x128xf32, #tpu.memory_space<vmem>>, vector<1x128x128xf32>
    %get3A_820 = vector.shape_cast %get3A_819 : vector<1x128x128xf32> to vector<128x128xf32>
    %slice3A_821 = vector.extract_strided_slice %get3A_820 {offsets = [0, 64], sizes = [128, 64], strides = [1, 1]} : vector<128x128xf32> to vector<128x64xf32>
    %get3A_822 = arith.constant 0 : index
    %get3A_823 = arith.constant 0 : index
    %get3A_824 = arith.constant 0 : index
    %get3A_825 = vector.load %arg10[%get3A_822, %get3A_823, %get3A_824] : memref<1x128x128xf32, #tpu.memory_space<vmem>>, vector<1x128x128xf32>
    %get3A_826 = vector.shape_cast %get3A_825 : vector<1x128x128xf32> to vector<128x128xf32>
    %slice3A_827 = vector.extract_strided_slice %get3A_826 {offsets = [0, 64], sizes = [128, 64], strides = [1, 1]} : vector<128x128xf32> to vector<128x64xf32>
    %concatenate3A_828 = tpu.concatenate %slice3A_821, %slice3A_827 in 0 : vector<128x64xf32>, vector<128x64xf32> -> vector<256x64xf32>
    %dot_general3A_829 = arith.constant dense<0.000000e+00> : vector<128x256xf32>
    %dot_general3A_830 = tpu.matmul %slice3A_814, %concatenate3A_815, %dot_general3A_829 {dimension_numbers = #tpu.dot_dimension_numbers<[1], [1], [0], [0], [0, 0, 1, 0], [], []>, transpose_lhs_hint = false} : vector<128x64xf32>, vector<256x64xf32>, vector<128x256xf32> -> vector<128x256xf32>
    %get3A_831 = arith.constant 0 : index
    %get3A_832 = arith.constant 0 : index
    %get3A_833 = arith.constant 0 : index
    %get3A_834 = arith.constant 0 : index
    %get3A_835 = vector.load %arg27[%get3A_831, %get3A_832, %get3A_833, %get3A_834] : memref<1x1x128x1xf32, #tpu.memory_space<vmem>>, vector<1x1x128x1xf32>
    %get3A_836 = vector.shape_cast %get3A_835 : vector<1x1x128x1xf32> to vector<128x1xf32>
    %get3A_837 = arith.constant 0 : index
    %get3A_838 = arith.constant 0 : index
    %get3A_839 = arith.constant 0 : index
    %get3A_840 = arith.constant 0 : index
    %get3A_841 = vector.load %arg18[%get3A_837, %get3A_838, %get3A_839, %get3A_840] : memref<1x1x1x128xf32, #tpu.memory_space<vmem>>, vector<1x1x1x128xf32>
    %get3A_842 = vector.shape_cast %get3A_841 : vector<1x1x1x128xf32> to vector<1x128xf32>
    %get3A_843 = arith.constant 0 : index
    %get3A_844 = arith.constant 0 : index
    %get3A_845 = arith.constant 0 : index
    %get3A_846 = arith.constant 0 : index
    %get3A_847 = vector.load %arg19[%get3A_843, %get3A_844, %get3A_845, %get3A_846] : memref<1x1x1x128xf32, #tpu.memory_space<vmem>>, vector<1x1x1x128xf32>
    %get3A_848 = vector.shape_cast %get3A_847 : vector<1x1x1x128xf32> to vector<1x128xf32>
    %concatenate3A_849 = tpu.concatenate %get3A_842, %get3A_848 in 1 : vector<1x128xf32>, vector<1x128xf32> -> vector<1x256xf32>
    %lt3A_850 = vector.broadcast %get3A_836 : vector<128x1xf32> to vector<128x256xf32>
    %lt3A_851 = vector.broadcast %concatenate3A_849 : vector<1x256xf32> to vector<128x256xf32>
    %lt3A_852 = arith.cmpf olt, %lt3A_850, %lt3A_851 : vector<128x256xf32>
    %eq3A_853 = vector.broadcast %get3A_836 : vector<128x1xf32> to vector<128x256xf32>
    %eq3A_854 = vector.broadcast %concatenate3A_849 : vector<1x256xf32> to vector<128x256xf32>
    %eq3A_855 = arith.cmpf oeq, %eq3A_853, %eq3A_854 : vector<128x256xf32>
    %jit3A_856 = arith.constant -1.000000e+05 : f32
    %jit3A_857 = arith.constant 0.000000e+00 : f32
    %broadcast_in_dim3A_858 = vector.broadcast %jit3A_856 : f32 to vector<128x256xf32>
    %broadcast_in_dim3A_859 = vector.broadcast %jit3A_857 : f32 to vector<128x256xf32>
    %select_n3A_860 = arith.select %eq3A_855, %broadcast_in_dim3A_858, %broadcast_in_dim3A_859 : vector<128x256xi1>, vector<128x256xf32>
    %jit3A_861 = arith.constant -1.000000e+09 : f32
    %broadcast_in_dim3A_862 = vector.broadcast %jit3A_861 : f32 to vector<128x256xf32>
    %select_n3A_863 = arith.select %lt3A_852, %broadcast_in_dim3A_862, %select_n3A_860 : vector<128x256xi1>, vector<128x256xf32>
    %add3A_864 = arith.addf %dot_general3A_830, %select_n3A_863 : vector<128x256xf32>
    %reduce_max3A_865 = arith.constant dense<0xFF800000> : vector<128xf32>
    %reduce_max3A_866 = vector.multi_reduction <maximumf>, %add3A_864, %reduce_max3A_865 [1] : vector<128x256xf32> to vector<128xf32>
    %broadcast_in_dim3A_867 = vector.shape_cast %reduce_max3A_866 : vector<128xf32> to vector<128x1xf32>
    %sub3A_868 = vector.broadcast %broadcast_in_dim3A_867 : vector<128x1xf32> to vector<128x256xf32>
    %sub3A_869 = arith.subf %add3A_864, %sub3A_868 : vector<128x256xf32>
    %exp3A_870 = math.exp %sub3A_869 : vector<128x256xf32>
    %reduce_sum3A_871 = arith.constant dense<0.000000e+00> : vector<128xf32>
    %reduce_sum3A_872 = vector.multi_reduction <add>, %exp3A_870, %reduce_sum3A_871 [1] : vector<128x256xf32> to vector<128xf32>
    %broadcast_in_dim3A_873 = vector.shape_cast %reduce_sum3A_872 : vector<128xf32> to vector<128x1xf32>
    %div3A_874 = arith.constant 1.000000e+00 : f32
    %div3A_875 = vector.broadcast %div3A_874 : f32 to vector<128x1xf32>
    %div3A_876 = arith.divf %div3A_875, %broadcast_in_dim3A_873 : vector<128x1xf32>
    %dot_general3A_877 = arith.constant dense<0.000000e+00> : vector<128x64xf32>
    %dot_general3A_878 = tpu.matmul %exp3A_870, %concatenate3A_828, %dot_general3A_877 {dimension_numbers = #tpu.dot_dimension_numbers<[1], [0], [0], [1], [0, 0, 1, 1], [], []>, transpose_lhs_hint = false} : vector<128x256xf32>, vector<256x64xf32>, vector<128x64xf32> -> vector<128x64xf32>
    %mul3A_879 = vector.broadcast %div3A_876 : vector<128x1xf32> to vector<128x64xf32>
    %mul3A_880 = arith.mulf %dot_general3A_878, %mul3A_879 : vector<128x64xf32>
    %log3A_881 = math.log %broadcast_in_dim3A_873 : vector<128x1xf32>
    %add3A_882 = arith.addf %broadcast_in_dim3A_867, %log3A_881 : vector<128x1xf32>
    %swap3A_883 = arith.constant 0 : index
    %swap3A_884 = arith.constant 7 : index
    %swap3A_885 = arith.constant 0 : index
    %swap3A_886 = arith.constant 0 : index
    %swap3A_887 = vector.load %arg28[%swap3A_883, %swap3A_884, %swap3A_885, %swap3A_886] : memref<1x8x128x128xf32, #tpu.memory_space<vmem>>, vector<1x1x128x64xf32>
    %swap3A_888 = vector.shape_cast %swap3A_887 : vector<1x1x128x64xf32> to vector<128x64xf32>
    %swap3A_889 = vector.shape_cast %mul3A_880 : vector<128x64xf32> to vector<1x1x128x64xf32>
    tpu.vector_store %arg28[%swap3A_883, %swap3A_884, %swap3A_885, %swap3A_886], %swap3A_889 {strides = array<i32>} : memref<1x8x128x128xf32, #tpu.memory_space<vmem>>, vector<1x1x128x64xf32>,
    %broadcast_in_dim3A_890 = vector.shape_cast %add3A_882 : vector<128x1xf32> to vector<128x1xf32>
    %broadcast_in_dim3A_891 = vector.broadcast %broadcast_in_dim3A_890 : vector<128x1xf32> to vector<128x8xf32>
    %swap3A_892 = arith.constant 0 : index
    %swap3A_893 = arith.constant 7 : index
    %swap3A_894 = arith.constant 0 : index
    %swap3A_895 = arith.constant 64 : index
    %swap3A_896 = vector.load %arg28[%swap3A_892, %swap3A_893, %swap3A_894, %swap3A_895] : memref<1x8x128x128xf32, #tpu.memory_space<vmem>>, vector<1x1x128x8xf32>
    %swap3A_897 = vector.shape_cast %swap3A_896 : vector<1x1x128x8xf32> to vector<128x8xf32>
    %swap3A_898 = vector.shape_cast %broadcast_in_dim3A_891 : vector<128x8xf32> to vector<1x1x128x8xf32>
    tpu.vector_store %arg28[%swap3A_892, %swap3A_893, %swap3A_894, %swap3A_895], %swap3A_898 {strides = array<i32>} : memref<1x8x128x128xf32, #tpu.memory_space<vmem>>, vector<1x1x128x8xf32>,
    return
  }
  func.func @transform_0(%arg0: i32, %arg1: i32) -> (i32, i32, i32) {
    %mul3A = arith.constant 8 : i32
    %mul3A_0 = arith.muli %mul3A, %arg1 : i32
    %add3A = arith.constant -1 : i32
    %add3A_1 = arith.addi %mul3A_0, %add3A : i32
    %jit3A = arith.constant 32 : i32
    %eq3A = arith.constant 0 : i32
    %eq3A_2 = arith.cmpi eq, %jit3A, %eq3A : i32
    %jit3A_3 = arith.constant 1 : i32
    %select_n3A = arith.select %eq3A_2, %jit3A_3, %jit3A : i32
    %rem3A = arith.remsi %add3A_1, %select_n3A : i32
    %ne3A = arith.constant 0 : i32
    %ne3A_4 = arith.cmpi ne, %rem3A, %ne3A : i32
    %lt3A = arith.constant 0 : i32
    %lt3A_5 = arith.cmpi slt, %rem3A, %lt3A : i32
    %lt3A_6 = arith.constant 0 : i32
    %lt3A_7 = arith.cmpi slt, %select_n3A, %lt3A_6 : i32
    %ne3A_8 = arith.xori %lt3A_5, %lt3A_7 : i1
    %and3A = arith.andi %ne3A_8, %ne3A_4 : i1
    %add3A_9 = arith.addi %rem3A, %select_n3A : i32
    %select_n3A_10 = arith.select %and3A, %add3A_9, %rem3A : i32
    %c0_i32 = arith.constant 0 : i32
    %c0_i32_11 = arith.constant 0 : i32
    return %arg0, %select_n3A_10, %c0_i32 : i32, i32, i32
  }
  func.func @transform_1(%arg0: i32, %arg1: i32) -> (i32, i32, i32) {
    %mul3A = arith.constant 8 : i32
    %mul3A_0 = arith.muli %mul3A, %arg1 : i32
    %add3A = arith.constant 0 : i32
    %add3A_1 = arith.addi %mul3A_0, %add3A : i32
    %jit3A = arith.constant 32 : i32
    %eq3A = arith.constant 0 : i32
    %eq3A_2 = arith.cmpi eq, %jit3A, %eq3A : i32
    %jit3A_3 = arith.constant 1 : i32
    %select_n3A = arith.select %eq3A_2, %jit3A_3, %jit3A : i32
    %rem3A = arith.remsi %add3A_1, %select_n3A : i32
    %ne3A = arith.constant 0 : i32
    %ne3A_4 = arith.cmpi ne, %rem3A, %ne3A : i32
    %lt3A = arith.constant 0 : i32
    %lt3A_5 = arith.cmpi slt, %rem3A, %lt3A : i32
    %lt3A_6 = arith.constant 0 : i32
    %lt3A_7 = arith.cmpi slt, %select_n3A, %lt3A_6 : i32
    %ne3A_8 = arith.xori %lt3A_5, %lt3A_7 : i1
    %and3A = arith.andi %ne3A_8, %ne3A_4 : i1
    %add3A_9 = arith.addi %rem3A, %select_n3A : i32
    %select_n3A_10 = arith.select %and3A, %add3A_9, %rem3A : i32
    %c0_i32 = arith.constant 0 : i32
    %c0_i32_11 = arith.constant 0 : i32
    return %arg0, %select_n3A_10, %c0_i32 : i32, i32, i32
  }
  func.func @transform_2(%arg0: i32, %arg1: i32) -> (i32, i32, i32) {
    %mul3A = arith.constant 8 : i32
    %mul3A_0 = arith.muli %mul3A, %arg1 : i32
    %add3A = arith.constant 1 : i32
    %add3A_1 = arith.addi %mul3A_0, %add3A : i32
    %jit3A = arith.constant 32 : i32
    %eq3A = arith.constant 0 : i32
    %eq3A_2 = arith.cmpi eq, %jit3A, %eq3A : i32
    %jit3A_3 = arith.constant 1 : i32
    %select_n3A = arith.select %eq3A_2, %jit3A_3, %jit3A : i32
    %rem3A = arith.remsi %add3A_1, %select_n3A : i32
    %ne3A = arith.constant 0 : i32
    %ne3A_4 = arith.cmpi ne, %rem3A, %ne3A : i32
    %lt3A = arith.constant 0 : i32
    %lt3A_5 = arith.cmpi slt, %rem3A, %lt3A : i32
    %lt3A_6 = arith.constant 0 : i32
    %lt3A_7 = arith.cmpi slt, %select_n3A, %lt3A_6 : i32
    %ne3A_8 = arith.xori %lt3A_5, %lt3A_7 : i1
    %and3A = arith.andi %ne3A_8, %ne3A_4 : i1
    %add3A_9 = arith.addi %rem3A, %select_n3A : i32
    %select_n3A_10 = arith.select %and3A, %add3A_9, %rem3A : i32
    %c0_i32 = arith.constant 0 : i32
    %c0_i32_11 = arith.constant 0 : i32
    return %arg0, %select_n3A_10, %c0_i32 : i32, i32, i32
  }
  func.func @transform_3(%arg0: i32, %arg1: i32) -> (i32, i32, i32) {
    %mul3A = arith.constant 8 : i32
    %mul3A_0 = arith.muli %mul3A, %arg1 : i32
    %add3A = arith.constant 2 : i32
    %add3A_1 = arith.addi %mul3A_0, %add3A : i32
    %jit3A = arith.constant 32 : i32
    %eq3A = arith.constant 0 : i32
    %eq3A_2 = arith.cmpi eq, %jit3A, %eq3A : i32
    %jit3A_3 = arith.constant 1 : i32
    %select_n3A = arith.select %eq3A_2, %jit3A_3, %jit3A : i32
    %rem3A = arith.remsi %add3A_1, %select_n3A : i32
    %ne3A = arith.constant 0 : i32
    %ne3A_4 = arith.cmpi ne, %rem3A, %ne3A : i32
    %lt3A = arith.constant 0 : i32
    %lt3A_5 = arith.cmpi slt, %rem3A, %lt3A : i32
    %lt3A_6 = arith.constant 0 : i32
    %lt3A_7 = arith.cmpi slt, %select_n3A, %lt3A_6 : i32
    %ne3A_8 = arith.xori %lt3A_5, %lt3A_7 : i1
    %and3A = arith.andi %ne3A_8, %ne3A_4 : i1
    %add3A_9 = arith.addi %rem3A, %select_n3A : i32
    %select_n3A_10 = arith.select %and3A, %add3A_9, %rem3A : i32
    %c0_i32 = arith.constant 0 : i32
    %c0_i32_11 = arith.constant 0 : i32
    return %arg0, %select_n3A_10, %c0_i32 : i32, i32, i32
  }
  func.func @transform_4(%arg0: i32, %arg1: i32) -> (i32, i32, i32) {
    %mul3A = arith.constant 8 : i32
    %mul3A_0 = arith.muli %mul3A, %arg1 : i32
    %add3A = arith.constant 3 : i32
    %add3A_1 = arith.addi %mul3A_0, %add3A : i32
    %jit3A = arith.constant 32 : i32
    %eq3A = arith.constant 0 : i32
    %eq3A_2 = arith.cmpi eq, %jit3A, %eq3A : i32
    %jit3A_3 = arith.constant 1 : i32
    %select_n3A = arith.select %eq3A_2, %jit3A_3, %jit3A : i32
    %rem3A = arith.remsi %add3A_1, %select_n3A : i32
    %ne3A = arith.constant 0 : i32
    %ne3A_4 = arith.cmpi ne, %rem3A, %ne3A : i32
    %lt3A = arith.constant 0 : i32
    %lt3A_5 = arith.cmpi slt, %rem3A, %lt3A : i32
    %lt3A_6 = arith.constant 0 : i32
    %lt3A_7 = arith.cmpi slt, %select_n3A, %lt3A_6 : i32
    %ne3A_8 = arith.xori %lt3A_5, %lt3A_7 : i1
    %and3A = arith.andi %ne3A_8, %ne3A_4 : i1
    %add3A_9 = arith.addi %rem3A, %select_n3A : i32
    %select_n3A_10 = arith.select %and3A, %add3A_9, %rem3A : i32
    %c0_i32 = arith.constant 0 : i32
    %c0_i32_11 = arith.constant 0 : i32
    return %arg0, %select_n3A_10, %c0_i32 : i32, i32, i32
  }
  func.func @transform_5(%arg0: i32, %arg1: i32) -> (i32, i32, i32) {
    %mul3A = arith.constant 8 : i32
    %mul3A_0 = arith.muli %mul3A, %arg1 : i32
    %add3A = arith.constant 4 : i32
    %add3A_1 = arith.addi %mul3A_0, %add3A : i32
    %jit3A = arith.constant 32 : i32
    %eq3A = arith.constant 0 : i32
    %eq3A_2 = arith.cmpi eq, %jit3A, %eq3A : i32
    %jit3A_3 = arith.constant 1 : i32
    %select_n3A = arith.select %eq3A_2, %jit3A_3, %jit3A : i32
    %rem3A = arith.remsi %add3A_1, %select_n3A : i32
    %ne3A = arith.constant 0 : i32
    %ne3A_4 = arith.cmpi ne, %rem3A, %ne3A : i32
    %lt3A = arith.constant 0 : i32
    %lt3A_5 = arith.cmpi slt, %rem3A, %lt3A : i32
    %lt3A_6 = arith.constant 0 : i32
    %lt3A_7 = arith.cmpi slt, %select_n3A, %lt3A_6 : i32
    %ne3A_8 = arith.xori %lt3A_5, %lt3A_7 : i1
    %and3A = arith.andi %ne3A_8, %ne3A_4 : i1
    %add3A_9 = arith.addi %rem3A, %select_n3A : i32
    %select_n3A_10 = arith.select %and3A, %add3A_9, %rem3A : i32
    %c0_i32 = arith.constant 0 : i32
    %c0_i32_11 = arith.constant 0 : i32
    return %arg0, %select_n3A_10, %c0_i32 : i32, i32, i32
  }
  func.func @transform_6(%arg0: i32, %arg1: i32) -> (i32, i32, i32) {
    %mul3A = arith.constant 8 : i32
    %mul3A_0 = arith.muli %mul3A, %arg1 : i32
    %add3A = arith.constant 5 : i32
    %add3A_1 = arith.addi %mul3A_0, %add3A : i32
    %jit3A = arith.constant 32 : i32
    %eq3A = arith.constant 0 : i32
    %eq3A_2 = arith.cmpi eq, %jit3A, %eq3A : i32
    %jit3A_3 = arith.constant 1 : i32
    %select_n3A = arith.select %eq3A_2, %jit3A_3, %jit3A : i32
    %rem3A = arith.remsi %add3A_1, %select_n3A : i32
    %ne3A = arith.constant 0 : i32
    %ne3A_4 = arith.cmpi ne, %rem3A, %ne3A : i32
    %lt3A = arith.constant 0 : i32
    %lt3A_5 = arith.cmpi slt, %rem3A, %lt3A : i32
    %lt3A_6 = arith.constant 0 : i32
    %lt3A_7 = arith.cmpi slt, %select_n3A, %lt3A_6 : i32
    %ne3A_8 = arith.xori %lt3A_5, %lt3A_7 : i1
    %and3A = arith.andi %ne3A_8, %ne3A_4 : i1
    %add3A_9 = arith.addi %rem3A, %select_n3A : i32
    %select_n3A_10 = arith.select %and3A, %add3A_9, %rem3A : i32
    %c0_i32 = arith.constant 0 : i32
    %c0_i32_11 = arith.constant 0 : i32
    return %arg0, %select_n3A_10, %c0_i32 : i32, i32, i32
  }
  func.func @transform_7(%arg0: i32, %arg1: i32) -> (i32, i32, i32) {
    %mul3A = arith.constant 8 : i32
    %mul3A_0 = arith.muli %mul3A, %arg1 : i32
    %add3A = arith.constant 6 : i32
    %add3A_1 = arith.addi %mul3A_0, %add3A : i32
    %jit3A = arith.constant 32 : i32
    %eq3A = arith.constant 0 : i32
    %eq3A_2 = arith.cmpi eq, %jit3A, %eq3A : i32
    %jit3A_3 = arith.constant 1 : i32
    %select_n3A = arith.select %eq3A_2, %jit3A_3, %jit3A : i32
    %rem3A = arith.remsi %add3A_1, %select_n3A : i32
    %ne3A = arith.constant 0 : i32
    %ne3A_4 = arith.cmpi ne, %rem3A, %ne3A : i32
    %lt3A = arith.constant 0 : i32
    %lt3A_5 = arith.cmpi slt, %rem3A, %lt3A : i32
    %lt3A_6 = arith.constant 0 : i32
    %lt3A_7 = arith.cmpi slt, %select_n3A, %lt3A_6 : i32
    %ne3A_8 = arith.xori %lt3A_5, %lt3A_7 : i1
    %and3A = arith.andi %ne3A_8, %ne3A_4 : i1
    %add3A_9 = arith.addi %rem3A, %select_n3A : i32
    %select_n3A_10 = arith.select %and3A, %add3A_9, %rem3A : i32
    %c0_i32 = arith.constant 0 : i32
    %c0_i32_11 = arith.constant 0 : i32
    return %arg0, %select_n3A_10, %c0_i32 : i32, i32, i32
  }
  func.func @transform_8(%arg0: i32, %arg1: i32) -> (i32, i32, i32) {
    %mul3A = arith.constant 8 : i32
    %mul3A_0 = arith.muli %mul3A, %arg1 : i32
    %add3A = arith.constant 7 : i32
    %add3A_1 = arith.addi %mul3A_0, %add3A : i32
    %jit3A = arith.constant 32 : i32
    %eq3A = arith.constant 0 : i32
    %eq3A_2 = arith.cmpi eq, %jit3A, %eq3A : i32
    %jit3A_3 = arith.constant 1 : i32
    %select_n3A = arith.select %eq3A_2, %jit3A_3, %jit3A : i32
    %rem3A = arith.remsi %add3A_1, %select_n3A : i32
    %ne3A = arith.constant 0 : i32
    %ne3A_4 = arith.cmpi ne, %rem3A, %ne3A : i32
    %lt3A = arith.constant 0 : i32
    %lt3A_5 = arith.cmpi slt, %rem3A, %lt3A : i32
    %lt3A_6 = arith.constant 0 : i32
    %lt3A_7 = arith.cmpi slt, %select_n3A, %lt3A_6 : i32
    %ne3A_8 = arith.xori %lt3A_5, %lt3A_7 : i1
    %and3A = arith.andi %ne3A_8, %ne3A_4 : i1
    %add3A_9 = arith.addi %rem3A, %select_n3A : i32
    %select_n3A_10 = arith.select %and3A, %add3A_9, %rem3A : i32
    %c0_i32 = arith.constant 0 : i32
    %c0_i32_11 = arith.constant 0 : i32
    return %arg0, %select_n3A_10, %c0_i32 : i32, i32, i32
  }
  func.func @transform_9(%arg0: i32, %arg1: i32) -> (i32, i32, i32, i32) {
    %mul3A = arith.constant 8 : i32
    %mul3A_0 = arith.muli %mul3A, %arg1 : i32
    %add3A = arith.constant -1 : i32
    %add3A_1 = arith.addi %mul3A_0, %add3A : i32
    %jit3A = arith.constant 32 : i32
    %eq3A = arith.constant 0 : i32
    %eq3A_2 = arith.cmpi eq, %jit3A, %eq3A : i32
    %jit3A_3 = arith.constant 1 : i32
    %select_n3A = arith.select %eq3A_2, %jit3A_3, %jit3A : i32
    %rem3A = arith.remsi %add3A_1, %select_n3A : i32
    %ne3A = arith.constant 0 : i32
    %ne3A_4 = arith.cmpi ne, %rem3A, %ne3A : i32
    %lt3A = arith.constant 0 : i32
    %lt3A_5 = arith.cmpi slt, %rem3A, %lt3A : i32
    %lt3A_6 = arith.constant 0 : i32
    %lt3A_7 = arith.cmpi slt, %select_n3A, %lt3A_6 : i32
    %ne3A_8 = arith.xori %lt3A_5, %lt3A_7 : i1
    %and3A = arith.andi %ne3A_8, %ne3A_4 : i1
    %add3A_9 = arith.addi %rem3A, %select_n3A : i32
    %select_n3A_10 = arith.select %and3A, %add3A_9, %rem3A : i32
    %c0_i32 = arith.constant 0 : i32
    %c0_i32_11 = arith.constant 0 : i32
    %c0_i32_12 = arith.constant 0 : i32
    return %arg0, %select_n3A_10, %c0_i32, %c0_i32_11 : i32, i32, i32, i32
  }
  func.func @transform_10(%arg0: i32, %arg1: i32) -> (i32, i32, i32, i32) {
    %mul3A = arith.constant 8 : i32
    %mul3A_0 = arith.muli %mul3A, %arg1 : i32
    %add3A = arith.constant 0 : i32
    %add3A_1 = arith.addi %mul3A_0, %add3A : i32
    %jit3A = arith.constant 32 : i32
    %eq3A = arith.constant 0 : i32
    %eq3A_2 = arith.cmpi eq, %jit3A, %eq3A : i32
    %jit3A_3 = arith.constant 1 : i32
    %select_n3A = arith.select %eq3A_2, %jit3A_3, %jit3A : i32
    %rem3A = arith.remsi %add3A_1, %select_n3A : i32
    %ne3A = arith.constant 0 : i32
    %ne3A_4 = arith.cmpi ne, %rem3A, %ne3A : i32
    %lt3A = arith.constant 0 : i32
    %lt3A_5 = arith.cmpi slt, %rem3A, %lt3A : i32
    %lt3A_6 = arith.constant 0 : i32
    %lt3A_7 = arith.cmpi slt, %select_n3A, %lt3A_6 : i32
    %ne3A_8 = arith.xori %lt3A_5, %lt3A_7 : i1
    %and3A = arith.andi %ne3A_8, %ne3A_4 : i1
    %add3A_9 = arith.addi %rem3A, %select_n3A : i32
    %select_n3A_10 = arith.select %and3A, %add3A_9, %rem3A : i32
    %c0_i32 = arith.constant 0 : i32
    %c0_i32_11 = arith.constant 0 : i32
    %c0_i32_12 = arith.constant 0 : i32
    return %arg0, %select_n3A_10, %c0_i32, %c0_i32_11 : i32, i32, i32, i32
  }
  func.func @transform_11(%arg0: i32, %arg1: i32) -> (i32, i32, i32, i32) {
    %mul3A = arith.constant 8 : i32
    %mul3A_0 = arith.muli %mul3A, %arg1 : i32
    %add3A = arith.constant 1 : i32
    %add3A_1 = arith.addi %mul3A_0, %add3A : i32
    %jit3A = arith.constant 32 : i32
    %eq3A = arith.constant 0 : i32
    %eq3A_2 = arith.cmpi eq, %jit3A, %eq3A : i32
    %jit3A_3 = arith.constant 1 : i32
    %select_n3A = arith.select %eq3A_2, %jit3A_3, %jit3A : i32
    %rem3A = arith.remsi %add3A_1, %select_n3A : i32
    %ne3A = arith.constant 0 : i32
    %ne3A_4 = arith.cmpi ne, %rem3A, %ne3A : i32
    %lt3A = arith.constant 0 : i32
    %lt3A_5 = arith.cmpi slt, %rem3A, %lt3A : i32
    %lt3A_6 = arith.constant 0 : i32
    %lt3A_7 = arith.cmpi slt, %select_n3A, %lt3A_6 : i32
    %ne3A_8 = arith.xori %lt3A_5, %lt3A_7 : i1
    %and3A = arith.andi %ne3A_8, %ne3A_4 : i1
    %add3A_9 = arith.addi %rem3A, %select_n3A : i32
    %select_n3A_10 = arith.select %and3A, %add3A_9, %rem3A : i32
    %c0_i32 = arith.constant 0 : i32
    %c0_i32_11 = arith.constant 0 : i32
    %c0_i32_12 = arith.constant 0 : i32
    return %arg0, %select_n3A_10, %c0_i32, %c0_i32_11 : i32, i32, i32, i32
  }
  func.func @transform_12(%arg0: i32, %arg1: i32) -> (i32, i32, i32, i32) {
    %mul3A = arith.constant 8 : i32
    %mul3A_0 = arith.muli %mul3A, %arg1 : i32
    %add3A = arith.constant 2 : i32
    %add3A_1 = arith.addi %mul3A_0, %add3A : i32
    %jit3A = arith.constant 32 : i32
    %eq3A = arith.constant 0 : i32
    %eq3A_2 = arith.cmpi eq, %jit3A, %eq3A : i32
    %jit3A_3 = arith.constant 1 : i32
    %select_n3A = arith.select %eq3A_2, %jit3A_3, %jit3A : i32
    %rem3A = arith.remsi %add3A_1, %select_n3A : i32
    %ne3A = arith.constant 0 : i32
    %ne3A_4 = arith.cmpi ne, %rem3A, %ne3A : i32
    %lt3A = arith.constant 0 : i32
    %lt3A_5 = arith.cmpi slt, %rem3A, %lt3A : i32
    %lt3A_6 = arith.constant 0 : i32
    %lt3A_7 = arith.cmpi slt, %select_n3A, %lt3A_6 : i32
    %ne3A_8 = arith.xori %lt3A_5, %lt3A_7 : i1
    %and3A = arith.andi %ne3A_8, %ne3A_4 : i1
    %add3A_9 = arith.addi %rem3A, %select_n3A : i32
    %select_n3A_10 = arith.select %and3A, %add3A_9, %rem3A : i32
    %c0_i32 = arith.constant 0 : i32
    %c0_i32_11 = arith.constant 0 : i32
    %c0_i32_12 = arith.constant 0 : i32
    return %arg0, %select_n3A_10, %c0_i32, %c0_i32_11 : i32, i32, i32, i32
  }
  func.func @transform_13(%arg0: i32, %arg1: i32) -> (i32, i32, i32, i32) {
    %mul3A = arith.constant 8 : i32
    %mul3A_0 = arith.muli %mul3A, %arg1 : i32
    %add3A = arith.constant 3 : i32
    %add3A_1 = arith.addi %mul3A_0, %add3A : i32
    %jit3A = arith.constant 32 : i32
    %eq3A = arith.constant 0 : i32
    %eq3A_2 = arith.cmpi eq, %jit3A, %eq3A : i32
    %jit3A_3 = arith.constant 1 : i32
    %select_n3A = arith.select %eq3A_2, %jit3A_3, %jit3A : i32
    %rem3A = arith.remsi %add3A_1, %select_n3A : i32
    %ne3A = arith.constant 0 : i32
    %ne3A_4 = arith.cmpi ne, %rem3A, %ne3A : i32
    %lt3A = arith.constant 0 : i32
    %lt3A_5 = arith.cmpi slt, %rem3A, %lt3A : i32
    %lt3A_6 = arith.constant 0 : i32
    %lt3A_7 = arith.cmpi slt, %select_n3A, %lt3A_6 : i32
    %ne3A_8 = arith.xori %lt3A_5, %lt3A_7 : i1
    %and3A = arith.andi %ne3A_8, %ne3A_4 : i1
    %add3A_9 = arith.addi %rem3A, %select_n3A : i32
    %select_n3A_10 = arith.select %and3A, %add3A_9, %rem3A : i32
    %c0_i32 = arith.constant 0 : i32
    %c0_i32_11 = arith.constant 0 : i32
    %c0_i32_12 = arith.constant 0 : i32
    return %arg0, %select_n3A_10, %c0_i32, %c0_i32_11 : i32, i32, i32, i32
  }
  func.func @transform_14(%arg0: i32, %arg1: i32) -> (i32, i32, i32, i32) {
    %mul3A = arith.constant 8 : i32
    %mul3A_0 = arith.muli %mul3A, %arg1 : i32
    %add3A = arith.constant 4 : i32
    %add3A_1 = arith.addi %mul3A_0, %add3A : i32
    %jit3A = arith.constant 32 : i32
    %eq3A = arith.constant 0 : i32
    %eq3A_2 = arith.cmpi eq, %jit3A, %eq3A : i32
    %jit3A_3 = arith.constant 1 : i32
    %select_n3A = arith.select %eq3A_2, %jit3A_3, %jit3A : i32
    %rem3A = arith.remsi %add3A_1, %select_n3A : i32
    %ne3A = arith.constant 0 : i32
    %ne3A_4 = arith.cmpi ne, %rem3A, %ne3A : i32
    %lt3A = arith.constant 0 : i32
    %lt3A_5 = arith.cmpi slt, %rem3A, %lt3A : i32
    %lt3A_6 = arith.constant 0 : i32
    %lt3A_7 = arith.cmpi slt, %select_n3A, %lt3A_6 : i32
    %ne3A_8 = arith.xori %lt3A_5, %lt3A_7 : i1
    %and3A = arith.andi %ne3A_8, %ne3A_4 : i1
    %add3A_9 = arith.addi %rem3A, %select_n3A : i32
    %select_n3A_10 = arith.select %and3A, %add3A_9, %rem3A : i32
    %c0_i32 = arith.constant 0 : i32
    %c0_i32_11 = arith.constant 0 : i32
    %c0_i32_12 = arith.constant 0 : i32
    return %arg0, %select_n3A_10, %c0_i32, %c0_i32_11 : i32, i32, i32, i32
  }
  func.func @transform_15(%arg0: i32, %arg1: i32) -> (i32, i32, i32, i32) {
    %mul3A = arith.constant 8 : i32
    %mul3A_0 = arith.muli %mul3A, %arg1 : i32
    %add3A = arith.constant 5 : i32
    %add3A_1 = arith.addi %mul3A_0, %add3A : i32
    %jit3A = arith.constant 32 : i32
    %eq3A = arith.constant 0 : i32
    %eq3A_2 = arith.cmpi eq, %jit3A, %eq3A : i32
    %jit3A_3 = arith.constant 1 : i32
    %select_n3A = arith.select %eq3A_2, %jit3A_3, %jit3A : i32
    %rem3A = arith.remsi %add3A_1, %select_n3A : i32
    %ne3A = arith.constant 0 : i32
    %ne3A_4 = arith.cmpi ne, %rem3A, %ne3A : i32
    %lt3A = arith.constant 0 : i32
    %lt3A_5 = arith.cmpi slt, %rem3A, %lt3A : i32
    %lt3A_6 = arith.constant 0 : i32
    %lt3A_7 = arith.cmpi slt, %select_n3A, %lt3A_6 : i32
    %ne3A_8 = arith.xori %lt3A_5, %lt3A_7 : i1
    %and3A = arith.andi %ne3A_8, %ne3A_4 : i1
    %add3A_9 = arith.addi %rem3A, %select_n3A : i32
    %select_n3A_10 = arith.select %and3A, %add3A_9, %rem3A : i32
    %c0_i32 = arith.constant 0 : i32
    %c0_i32_11 = arith.constant 0 : i32
    %c0_i32_12 = arith.constant 0 : i32
    return %arg0, %select_n3A_10, %c0_i32, %c0_i32_11 : i32, i32, i32, i32
  }
  func.func @transform_16(%arg0: i32, %arg1: i32) -> (i32, i32, i32, i32) {
    %mul3A = arith.constant 8 : i32
    %mul3A_0 = arith.muli %mul3A, %arg1 : i32
    %add3A = arith.constant 6 : i32
    %add3A_1 = arith.addi %mul3A_0, %add3A : i32
    %jit3A = arith.constant 32 : i32
    %eq3A = arith.constant 0 : i32
    %eq3A_2 = arith.cmpi eq, %jit3A, %eq3A : i32
    %jit3A_3 = arith.constant 1 : i32
    %select_n3A = arith.select %eq3A_2, %jit3A_3, %jit3A : i32
    %rem3A = arith.remsi %add3A_1, %select_n3A : i32
    %ne3A = arith.constant 0 : i32
    %ne3A_4 = arith.cmpi ne, %rem3A, %ne3A : i32
    %lt3A = arith.constant 0 : i32
    %lt3A_5 = arith.cmpi slt, %rem3A, %lt3A : i32
    %lt3A_6 = arith.constant 0 : i32
    %lt3A_7 = arith.cmpi slt, %select_n3A, %lt3A_6 : i32
    %ne3A_8 = arith.xori %lt3A_5, %lt3A_7 : i1
    %and3A = arith.andi %ne3A_8, %ne3A_4 : i1
    %add3A_9 = arith.addi %rem3A, %select_n3A : i32
    %select_n3A_10 = arith.select %and3A, %add3A_9, %rem3A : i32
    %c0_i32 = arith.constant 0 : i32
    %c0_i32_11 = arith.constant 0 : i32
    %c0_i32_12 = arith.constant 0 : i32
    return %arg0, %select_n3A_10, %c0_i32, %c0_i32_11 : i32, i32, i32, i32
  }
  func.func @transform_17(%arg0: i32, %arg1: i32) -> (i32, i32, i32, i32) {
    %mul3A = arith.constant 8 : i32
    %mul3A_0 = arith.muli %mul3A, %arg1 : i32
    %add3A = arith.constant 7 : i32
    %add3A_1 = arith.addi %mul3A_0, %add3A : i32
    %jit3A = arith.constant 32 : i32
    %eq3A = arith.constant 0 : i32
    %eq3A_2 = arith.cmpi eq, %jit3A, %eq3A : i32
    %jit3A_3 = arith.constant 1 : i32
    %select_n3A = arith.select %eq3A_2, %jit3A_3, %jit3A : i32
    %rem3A = arith.remsi %add3A_1, %select_n3A : i32
    %ne3A = arith.constant 0 : i32
    %ne3A_4 = arith.cmpi ne, %rem3A, %ne3A : i32
    %lt3A = arith.constant 0 : i32
    %lt3A_5 = arith.cmpi slt, %rem3A, %lt3A : i32
    %lt3A_6 = arith.constant 0 : i32
    %lt3A_7 = arith.cmpi slt, %select_n3A, %lt3A_6 : i32
    %ne3A_8 = arith.xori %lt3A_5, %lt3A_7 : i1
    %and3A = arith.andi %ne3A_8, %ne3A_4 : i1
    %add3A_9 = arith.addi %rem3A, %select_n3A : i32
    %select_n3A_10 = arith.select %and3A, %add3A_9, %rem3A : i32
    %c0_i32 = arith.constant 0 : i32
    %c0_i32_11 = arith.constant 0 : i32
    %c0_i32_12 = arith.constant 0 : i32
    return %arg0, %select_n3A_10, %c0_i32, %c0_i32_11 : i32, i32, i32, i32
  }
  func.func @transform_18(%arg0: i32, %arg1: i32) -> (i32, i32, i32, i32) {
    %mul3A = arith.constant 8 : i32
    %mul3A_0 = arith.muli %mul3A, %arg1 : i32
    %add3A = arith.constant 0 : i32
    %add3A_1 = arith.addi %mul3A_0, %add3A : i32
    %jit3A = arith.constant 32 : i32
    %eq3A = arith.constant 0 : i32
    %eq3A_2 = arith.cmpi eq, %jit3A, %eq3A : i32
    %jit3A_3 = arith.constant 1 : i32
    %select_n3A = arith.select %eq3A_2, %jit3A_3, %jit3A : i32
    %rem3A = arith.remsi %add3A_1, %select_n3A : i32
    %ne3A = arith.constant 0 : i32
    %ne3A_4 = arith.cmpi ne, %rem3A, %ne3A : i32
    %lt3A = arith.constant 0 : i32
    %lt3A_5 = arith.cmpi slt, %rem3A, %lt3A : i32
    %lt3A_6 = arith.constant 0 : i32
    %lt3A_7 = arith.cmpi slt, %select_n3A, %lt3A_6 : i32
    %ne3A_8 = arith.xori %lt3A_5, %lt3A_7 : i1
    %and3A = arith.andi %ne3A_8, %ne3A_4 : i1
    %add3A_9 = arith.addi %rem3A, %select_n3A : i32
    %select_n3A_10 = arith.select %and3A, %add3A_9, %rem3A : i32
    %c0_i32 = arith.constant 0 : i32
    %c0_i32_11 = arith.constant 0 : i32
    %c0_i32_12 = arith.constant 0 : i32
    return %arg0, %select_n3A_10, %c0_i32, %c0_i32_11 : i32, i32, i32, i32
  }
  func.func @transform_19(%arg0: i32, %arg1: i32) -> (i32, i32, i32, i32) {
    %mul3A = arith.constant 8 : i32
    %mul3A_0 = arith.muli %mul3A, %arg1 : i32
    %add3A = arith.constant 1 : i32
    %add3A_1 = arith.addi %mul3A_0, %add3A : i32
    %jit3A = arith.constant 32 : i32
    %eq3A = arith.constant 0 : i32
    %eq3A_2 = arith.cmpi eq, %jit3A, %eq3A : i32
    %jit3A_3 = arith.constant 1 : i32
    %select_n3A = arith.select %eq3A_2, %jit3A_3, %jit3A : i32
    %rem3A = arith.remsi %add3A_1, %select_n3A : i32
    %ne3A = arith.constant 0 : i32
    %ne3A_4 = arith.cmpi ne, %rem3A, %ne3A : i32
    %lt3A = arith.constant 0 : i32
    %lt3A_5 = arith.cmpi slt, %rem3A, %lt3A : i32
    %lt3A_6 = arith.constant 0 : i32
    %lt3A_7 = arith.cmpi slt, %select_n3A, %lt3A_6 : i32
    %ne3A_8 = arith.xori %lt3A_5, %lt3A_7 : i1
    %and3A = arith.andi %ne3A_8, %ne3A_4 : i1
    %add3A_9 = arith.addi %rem3A, %select_n3A : i32
    %select_n3A_10 = arith.select %and3A, %add3A_9, %rem3A : i32
    %c0_i32 = arith.constant 0 : i32
    %c0_i32_11 = arith.constant 0 : i32
    %c0_i32_12 = arith.constant 0 : i32
    return %arg0, %select_n3A_10, %c0_i32, %c0_i32_11 : i32, i32, i32, i32
  }
  func.func @transform_20(%arg0: i32, %arg1: i32) -> (i32, i32, i32, i32) {
    %mul3A = arith.constant 8 : i32
    %mul3A_0 = arith.muli %mul3A, %arg1 : i32
    %add3A = arith.constant 2 : i32
    %add3A_1 = arith.addi %mul3A_0, %add3A : i32
    %jit3A = arith.constant 32 : i32
    %eq3A = arith.constant 0 : i32
    %eq3A_2 = arith.cmpi eq, %jit3A, %eq3A : i32
    %jit3A_3 = arith.constant 1 : i32
    %select_n3A = arith.select %eq3A_2, %jit3A_3, %jit3A : i32
    %rem3A = arith.remsi %add3A_1, %select_n3A : i32
    %ne3A = arith.constant 0 : i32
    %ne3A_4 = arith.cmpi ne, %rem3A, %ne3A : i32
    %lt3A = arith.constant 0 : i32
    %lt3A_5 = arith.cmpi slt, %rem3A, %lt3A : i32
    %lt3A_6 = arith.constant 0 : i32
    %lt3A_7 = arith.cmpi slt, %select_n3A, %lt3A_6 : i32
    %ne3A_8 = arith.xori %lt3A_5, %lt3A_7 : i1
    %and3A = arith.andi %ne3A_8, %ne3A_4 : i1
    %add3A_9 = arith.addi %rem3A, %select_n3A : i32
    %select_n3A_10 = arith.select %and3A, %add3A_9, %rem3A : i32
    %c0_i32 = arith.constant 0 : i32
    %c0_i32_11 = arith.constant 0 : i32
    %c0_i32_12 = arith.constant 0 : i32
    return %arg0, %select_n3A_10, %c0_i32, %c0_i32_11 : i32, i32, i32, i32
  }
  func.func @transform_21(%arg0: i32, %arg1: i32) -> (i32, i32, i32, i32) {
    %mul3A = arith.constant 8 : i32
    %mul3A_0 = arith.muli %mul3A, %arg1 : i32
    %add3A = arith.constant 3 : i32
    %add3A_1 = arith.addi %mul3A_0, %add3A : i32
    %jit3A = arith.constant 32 : i32
    %eq3A = arith.constant 0 : i32
    %eq3A_2 = arith.cmpi eq, %jit3A, %eq3A : i32
    %jit3A_3 = arith.constant 1 : i32
    %select_n3A = arith.select %eq3A_2, %jit3A_3, %jit3A : i32
    %rem3A = arith.remsi %add3A_1, %select_n3A : i32
    %ne3A = arith.constant 0 : i32
    %ne3A_4 = arith.cmpi ne, %rem3A, %ne3A : i32
    %lt3A = arith.constant 0 : i32
    %lt3A_5 = arith.cmpi slt, %rem3A, %lt3A : i32
    %lt3A_6 = arith.constant 0 : i32
    %lt3A_7 = arith.cmpi slt, %select_n3A, %lt3A_6 : i32
    %ne3A_8 = arith.xori %lt3A_5, %lt3A_7 : i1
    %and3A = arith.andi %ne3A_8, %ne3A_4 : i1
    %add3A_9 = arith.addi %rem3A, %select_n3A : i32
    %select_n3A_10 = arith.select %and3A, %add3A_9, %rem3A : i32
    %c0_i32 = arith.constant 0 : i32
    %c0_i32_11 = arith.constant 0 : i32
    %c0_i32_12 = arith.constant 0 : i32
    return %arg0, %select_n3A_10, %c0_i32, %c0_i32_11 : i32, i32, i32, i32
  }
  func.func @transform_22(%arg0: i32, %arg1: i32) -> (i32, i32, i32, i32) {
    %mul3A = arith.constant 8 : i32
    %mul3A_0 = arith.muli %mul3A, %arg1 : i32
    %add3A = arith.constant 4 : i32
    %add3A_1 = arith.addi %mul3A_0, %add3A : i32
    %jit3A = arith.constant 32 : i32
    %eq3A = arith.constant 0 : i32
    %eq3A_2 = arith.cmpi eq, %jit3A, %eq3A : i32
    %jit3A_3 = arith.constant 1 : i32
    %select_n3A = arith.select %eq3A_2, %jit3A_3, %jit3A : i32
    %rem3A = arith.remsi %add3A_1, %select_n3A : i32
    %ne3A = arith.constant 0 : i32
    %ne3A_4 = arith.cmpi ne, %rem3A, %ne3A : i32
    %lt3A = arith.constant 0 : i32
    %lt3A_5 = arith.cmpi slt, %rem3A, %lt3A : i32
    %lt3A_6 = arith.constant 0 : i32
    %lt3A_7 = arith.cmpi slt, %select_n3A, %lt3A_6 : i32
    %ne3A_8 = arith.xori %lt3A_5, %lt3A_7 : i1
    %and3A = arith.andi %ne3A_8, %ne3A_4 : i1
    %add3A_9 = arith.addi %rem3A, %select_n3A : i32
    %select_n3A_10 = arith.select %and3A, %add3A_9, %rem3A : i32
    %c0_i32 = arith.constant 0 : i32
    %c0_i32_11 = arith.constant 0 : i32
    %c0_i32_12 = arith.constant 0 : i32
    return %arg0, %select_n3A_10, %c0_i32, %c0_i32_11 : i32, i32, i32, i32
  }
  func.func @transform_23(%arg0: i32, %arg1: i32) -> (i32, i32, i32, i32) {
    %mul3A = arith.constant 8 : i32
    %mul3A_0 = arith.muli %mul3A, %arg1 : i32
    %add3A = arith.constant 5 : i32
    %add3A_1 = arith.addi %mul3A_0, %add3A : i32
    %jit3A = arith.constant 32 : i32
    %eq3A = arith.constant 0 : i32
    %eq3A_2 = arith.cmpi eq, %jit3A, %eq3A : i32
    %jit3A_3 = arith.constant 1 : i32
    %select_n3A = arith.select %eq3A_2, %jit3A_3, %jit3A : i32
    %rem3A = arith.remsi %add3A_1, %select_n3A : i32
    %ne3A = arith.constant 0 : i32
    %ne3A_4 = arith.cmpi ne, %rem3A, %ne3A : i32
    %lt3A = arith.constant 0 : i32
    %lt3A_5 = arith.cmpi slt, %rem3A, %lt3A : i32
    %lt3A_6 = arith.constant 0 : i32
    %lt3A_7 = arith.cmpi slt, %select_n3A, %lt3A_6 : i32
    %ne3A_8 = arith.xori %lt3A_5, %lt3A_7 : i1
    %and3A = arith.andi %ne3A_8, %ne3A_4 : i1
    %add3A_9 = arith.addi %rem3A, %select_n3A : i32
    %select_n3A_10 = arith.select %and3A, %add3A_9, %rem3A : i32
    %c0_i32 = arith.constant 0 : i32
    %c0_i32_11 = arith.constant 0 : i32
    %c0_i32_12 = arith.constant 0 : i32
    return %arg0, %select_n3A_10, %c0_i32, %c0_i32_11 : i32, i32, i32, i32
  }
  func.func @transform_24(%arg0: i32, %arg1: i32) -> (i32, i32, i32, i32) {
    %mul3A = arith.constant 8 : i32
    %mul3A_0 = arith.muli %mul3A, %arg1 : i32
    %add3A = arith.constant 6 : i32
    %add3A_1 = arith.addi %mul3A_0, %add3A : i32
    %jit3A = arith.constant 32 : i32
    %eq3A = arith.constant 0 : i32
    %eq3A_2 = arith.cmpi eq, %jit3A, %eq3A : i32
    %jit3A_3 = arith.constant 1 : i32
    %select_n3A = arith.select %eq3A_2, %jit3A_3, %jit3A : i32
    %rem3A = arith.remsi %add3A_1, %select_n3A : i32
    %ne3A = arith.constant 0 : i32
    %ne3A_4 = arith.cmpi ne, %rem3A, %ne3A : i32
    %lt3A = arith.constant 0 : i32
    %lt3A_5 = arith.cmpi slt, %rem3A, %lt3A : i32
    %lt3A_6 = arith.constant 0 : i32
    %lt3A_7 = arith.cmpi slt, %select_n3A, %lt3A_6 : i32
    %ne3A_8 = arith.xori %lt3A_5, %lt3A_7 : i1
    %and3A = arith.andi %ne3A_8, %ne3A_4 : i1
    %add3A_9 = arith.addi %rem3A, %select_n3A : i32
    %select_n3A_10 = arith.select %and3A, %add3A_9, %rem3A : i32
    %c0_i32 = arith.constant 0 : i32
    %c0_i32_11 = arith.constant 0 : i32
    %c0_i32_12 = arith.constant 0 : i32
    return %arg0, %select_n3A_10, %c0_i32, %c0_i32_11 : i32, i32, i32, i32
  }
  func.func @transform_25(%arg0: i32, %arg1: i32) -> (i32, i32, i32, i32) {
    %mul3A = arith.constant 8 : i32
    %mul3A_0 = arith.muli %mul3A, %arg1 : i32
    %add3A = arith.constant 7 : i32
    %add3A_1 = arith.addi %mul3A_0, %add3A : i32
    %jit3A = arith.constant 32 : i32
    %eq3A = arith.constant 0 : i32
    %eq3A_2 = arith.cmpi eq, %jit3A, %eq3A : i32
    %jit3A_3 = arith.constant 1 : i32
    %select_n3A = arith.select %eq3A_2, %jit3A_3, %jit3A : i32
    %rem3A = arith.remsi %add3A_1, %select_n3A : i32
    %ne3A = arith.constant 0 : i32
    %ne3A_4 = arith.cmpi ne, %rem3A, %ne3A : i32
    %lt3A = arith.constant 0 : i32
    %lt3A_5 = arith.cmpi slt, %rem3A, %lt3A : i32
    %lt3A_6 = arith.constant 0 : i32
    %lt3A_7 = arith.cmpi slt, %select_n3A, %lt3A_6 : i32
    %ne3A_8 = arith.xori %lt3A_5, %lt3A_7 : i1
    %and3A = arith.andi %ne3A_8, %ne3A_4 : i1
    %add3A_9 = arith.addi %rem3A, %select_n3A : i32
    %select_n3A_10 = arith.select %and3A, %add3A_9, %rem3A : i32
    %c0_i32 = arith.constant 0 : i32
    %c0_i32_11 = arith.constant 0 : i32
    %c0_i32_12 = arith.constant 0 : i32
    return %arg0, %select_n3A_10, %c0_i32, %c0_i32_11 : i32, i32, i32, i32
  }
  func.func @transform_26(%arg0: i32, %arg1: i32) -> (i32, i32, i32, i32) {
    %c0_i32 = arith.constant 0 : i32
    %c0_i32_0 = arith.constant 0 : i32
    %c0_i32_1 = arith.constant 0 : i32
    return %arg0, %arg1, %c0_i32, %c0_i32_0 : i32, i32, i32, i32
  }
}

module attributes {stable_mosaic.version = 14 : i64} {
  func.func @_combine_body(%arg0: i32, %arg1: memref<1x2x2048x128xf32, #tpu.memory_space<vmem>>, %arg2: memref<1x64x1024xf32, #tpu.memory_space<vmem>>, %arg3: memref<2048x1024xf32, #tpu.memory_space<vmem>>) attributes {dimension_semantics = [#tpu.dimension_semantics<arbitrary>], iteration_bounds = array<i64: 16>, scalar_prefetch = 0 : i64, scratch_operands = 0 : i64, tpu.core_type = #tpu.core_type<tc>, window_params = [{transform_indices = @transform_0, window_bounds = array<i64: 1, 2, 2048, 128>}, {transform_indices = @transform_1, window_bounds = array<i64: 1, 64, 1024>}, {pipeline_mode = #tpu.pipeline_mode<synchronous>, transform_indices = @transform_2, window_bounds = array<i64: 2048, 1024>}]} {
    %get3A = arith.constant 0 : index
    %get3A_0 = arith.constant 0 : index
    %get3A_1 = arith.constant 0 : index
    %get3A_2 = arith.constant 64 : index
    %get3A_3 = vector.load %arg1[%get3A, %get3A_0, %get3A_1, %get3A_2] : memref<1x2x2048x128xf32, #tpu.memory_space<vmem>>, vector<1x1x2048x1xf32>
    %get3A_4 = vector.shape_cast %get3A_3 : vector<1x1x2048x1xf32> to vector<2048x1xf32>
    %get3A_5 = arith.constant 0 : index
    %get3A_6 = arith.constant 1 : index
    %get3A_7 = arith.constant 0 : index
    %get3A_8 = arith.constant 64 : index
    %get3A_9 = vector.load %arg1[%get3A_5, %get3A_6, %get3A_7, %get3A_8] : memref<1x2x2048x128xf32, #tpu.memory_space<vmem>>, vector<1x1x2048x1xf32>
    %get3A_10 = vector.shape_cast %get3A_9 : vector<1x1x2048x1xf32> to vector<2048x1xf32>
    %max3A = arith.maximumf %get3A_4, %get3A_10 : vector<2048x1xf32>
    %sub3A = arith.subf %get3A_4, %max3A : vector<2048x1xf32>
    %exp3A = math.exp %sub3A : vector<2048x1xf32>
    %sub3A_11 = arith.subf %get3A_10, %max3A : vector<2048x1xf32>
    %exp3A_12 = math.exp %sub3A_11 : vector<2048x1xf32>
    %add3A = arith.addf %exp3A, %exp3A_12 : vector<2048x1xf32>
    %log3A = math.log %add3A : vector<2048x1xf32>
    %add3A_13 = arith.addf %max3A, %log3A : vector<2048x1xf32>
    %sub3A_14 = arith.subf %get3A_4, %add3A_13 : vector<2048x1xf32>
    %exp3A_15 = math.exp %sub3A_14 : vector<2048x1xf32>
    %sub3A_16 = arith.subf %get3A_10, %add3A_13 : vector<2048x1xf32>
    %exp3A_17 = math.exp %sub3A_16 : vector<2048x1xf32>
    %get3A_18 = arith.constant 0 : index
    %get3A_19 = arith.constant 0 : index
    %get3A_20 = arith.constant 0 : index
    %get3A_21 = arith.constant 0 : index
    %get3A_22 = vector.load %arg1[%get3A_18, %get3A_19, %get3A_20, %get3A_21] : memref<1x2x2048x128xf32, #tpu.memory_space<vmem>>, vector<1x1x2048x64xf32>
    %get3A_23 = vector.shape_cast %get3A_22 : vector<1x1x2048x64xf32> to vector<2048x64xf32>
    %mul3A = vector.broadcast %exp3A_15 : vector<2048x1xf32> to vector<2048x64xf32>
    %mul3A_24 = arith.mulf %get3A_23, %mul3A : vector<2048x64xf32>
    %get3A_25 = arith.constant 0 : index
    %get3A_26 = arith.constant 1 : index
    %get3A_27 = arith.constant 0 : index
    %get3A_28 = arith.constant 0 : index
    %get3A_29 = vector.load %arg1[%get3A_25, %get3A_26, %get3A_27, %get3A_28] : memref<1x2x2048x128xf32, #tpu.memory_space<vmem>>, vector<1x1x2048x64xf32>
    %get3A_30 = vector.shape_cast %get3A_29 : vector<1x1x2048x64xf32> to vector<2048x64xf32>
    %mul3A_31 = vector.broadcast %exp3A_17 : vector<2048x1xf32> to vector<2048x64xf32>
    %mul3A_32 = arith.mulf %get3A_30, %mul3A_31 : vector<2048x64xf32>
    %add3A_33 = arith.addf %mul3A_24, %mul3A_32 : vector<2048x64xf32>
    %get3A_34 = arith.constant 0 : index
    %get3A_35 = arith.constant 0 : index
    %get3A_36 = arith.constant 0 : index
    %get3A_37 = vector.load %arg2[%get3A_34, %get3A_35, %get3A_36] : memref<1x64x1024xf32, #tpu.memory_space<vmem>>, vector<1x64x1024xf32>
    %get3A_38 = vector.shape_cast %get3A_37 : vector<1x64x1024xf32> to vector<64x1024xf32>
    %dot_general3A = arith.constant dense<0.000000e+00> : vector<2048x1024xf32>
    %dot_general3A_39 = tpu.matmul %add3A_33, %get3A_38, %dot_general3A {dimension_numbers = #tpu.dot_dimension_numbers<[1], [0], [0], [1], [0, 0, 1, 1], [], []>, transpose_lhs_hint = false} : vector<2048x64xf32>, vector<64x1024xf32>, vector<2048x1024xf32> -> vector<2048x1024xf32>
    %eq3A = arith.constant 0 : i32
    %eq3A_40 = arith.cmpi eq, %arg0, %eq3A : i32
    %convert_element_type3A = arith.extui %eq3A_40 : i1 to i32
    %cond3A = arith.constant 0 : i32
    %cond3A_41 = arith.cmpi ne, %convert_element_type3A, %cond3A : i32
    scf.if %cond3A_41 {
      %broadcast_in_dim3A = arith.constant 0.000000e+00 : f32
      %broadcast_in_dim3A_48 = vector.broadcast %broadcast_in_dim3A : f32 to vector<2048x1024xf32>
      %swap3A_49 = arith.constant 0 : index
      %swap3A_50 = arith.constant 0 : index
      %swap3A_51 = vector.load %arg3[%swap3A_49, %swap3A_50] : memref<2048x1024xf32, #tpu.memory_space<vmem>>, vector<2048x1024xf32>
      tpu.vector_store %arg3[%swap3A_49, %swap3A_50], %broadcast_in_dim3A_48 {strides = array<i32>} : memref<2048x1024xf32, #tpu.memory_space<vmem>>, vector<2048x1024xf32>,
    } else {
    }
    %get3A_42 = arith.constant 0 : index
    %get3A_43 = arith.constant 0 : index
    %get3A_44 = vector.load %arg3[%get3A_42, %get3A_43] : memref<2048x1024xf32, #tpu.memory_space<vmem>>, vector<2048x1024xf32>
    %add3A_45 = arith.addf %get3A_44, %dot_general3A_39 : vector<2048x1024xf32>
    %swap3A = arith.constant 0 : index
    %swap3A_46 = arith.constant 0 : index
    %swap3A_47 = vector.load %arg3[%swap3A, %swap3A_46] : memref<2048x1024xf32, #tpu.memory_space<vmem>>, vector<2048x1024xf32>
    tpu.vector_store %arg3[%swap3A, %swap3A_46], %add3A_45 {strides = array<i32>} : memref<2048x1024xf32, #tpu.memory_space<vmem>>, vector<2048x1024xf32>,
    return
  }
  func.func @transform_0(%arg0: i32) -> (i32, i32, i32, i32) {
    %c0_i32 = arith.constant 0 : i32
    %c0_i32_0 = arith.constant 0 : i32
    %c0_i32_1 = arith.constant 0 : i32
    %c0_i32_2 = arith.constant 0 : i32
    return %arg0, %c0_i32, %c0_i32_0, %c0_i32_1 : i32, i32, i32, i32
  }
  func.func @transform_1(%arg0: i32) -> (i32, i32, i32) {
    %c0_i32 = arith.constant 0 : i32
    %c0_i32_0 = arith.constant 0 : i32
    %c0_i32_1 = arith.constant 0 : i32
    return %arg0, %c0_i32, %c0_i32_0 : i32, i32, i32
  }
  func.func @transform_2(%arg0: i32) -> (i32, i32) {
    %c0_i32 = arith.constant 0 : i32
    %c0_i32_0 = arith.constant 0 : i32
    %c0_i32_1 = arith.constant 0 : i32
    return %c0_i32, %c0_i32_0 : i32, i32
  }
}

</mosaic_0001>

<sc_bundles>
// kernel: kernel.10.cloned.1.call-start
scs
__scs_entry_jumppad:
0x0: {  	(pc) =	sbr.rel $0x88, $3  }
0x1: {  	(tag) =	ssettag $0x0;
	lr =	simm.s32 $0x1  }
0x2: {  	[smem:$0x3F9D] =	sst lr;
	_ =	strace $0xD0000000  }
0x3: {  	_ = 	snop  }
0x4: {  	_ = 	snop  }
0x5: {  	_ = 	snop  }
0x6: {  	_ = 	snop  }
0x7: {  	_ = 	snop  }
__scs_overlays_trampoline_lowered:
0x8: {  	[smem:$0x3FAC] =	sst s0  }
0x9: {  	[smem:$0x3FAD] =	sst s1  }
0xa: {  	[smem:$0x3FAE] =	sst s2  }
0xb: {  	[smem:$0x3FAF] =	sst s3  }
0xc: {  	[smem:$0x3FB0] =	sst s4  }
0xd: {  	[smem:$0x3FB1] =	sst s5  }
0xe: {  	[smem:$0x3FB2] =	sst s6  }
0xf: {  	[smem:$0x3FB3] =	sst s7  }
0x10: {  	[smem:$0x3FB4] =	sst s8  }
0x11: {  	[smem:$0x3FB5] =	sst s9;
	s0 =	simm.s32 @!p0 $0x0  }
0x12: {  	s1 =	sld [smem:$0x3F9B];
	s0 =	simm.s32 @p0 $0x1  }
0x13: {  	[smem:$0x3FB6] =	sst s0;
	s0 =	simm.s32 @!p1 $0x0  }
0x14: {  	s2 =	sld [smem:$0x3F9A];
	s0 =	simm.s32 @p1 $0x1  }
0x15: {  	[smem:$0x3FB7] =	sst s0;
	s0 =	simm.s32 @!p2 $0x0  }
0x16: {  	s3 =	sld [smem:$0x3FDB];
	s0 =	simm.s32 @p2 $0x1  }
0x17: {  	s4 =	simm.s32 $0x1BF5;
	[smem:$0x3FB9] =	sst s0  }
0x18: {  	s0 =	sld [smem:$0x3F9C];
	_ =	swait.ge [sflag:s4], $0x0  }
0x19: {  	s7 =	sld [smem:$0x3F9D]  }
0x1a: {  	s8 =	sadd.s32 $0xFFFFE003, lr  }
0x1b: {  	s9 =	sadd.s32 $0xFFFFFEF7, lr;
	s5 =	simm.s32 $0xFFFFFFFF;
	p2 =	slt.u32 s8, $0xFFFFF086  }
0x1c: {  	p1 =	slt.u32 s9, $0xF7A;
	s5 =	simm.s32 @!p2 $0x0  }
0x1d: {  	s5 =	simm.s32 @p1 $0x1;
	p0 =	seq.s32 s7, s2  }
0x1e: {  	s7 =	smul.u32 @!p0 $0xF7A, s2;
	p2 =	seq.s32 @!p0 s5, $0x0  }
0x1f: {  	s9 =	smul.u32 $0xF7A, s1;
	s8 =	simm.s32 @!p0 $0x1BF5;
	p2 =	por !p2, p0  }
0x20: {  	[sflag:s8] =	ssyncset.s32 @!p0 $0xFFFFF086;
	s6 =	sadd.s32 @!p0 s3, s7;
	s7 =	simm.s32 @!p0 $0x108  }
0x21: {  	s3 =	sadd.s32 s3, s9;
	s6 =	sadd.s32 @!p0 $0x88, s6;
	s7 =	simm.s32 @p2 $0x1082  }
0x22: {  	[simem:s7], [sflag:s8] =	dma.local @!p0 [hbm:s6], $0xF7A  }
0x23: {  	s9 =	sor.u32 $0xD0000000, s2;
	s6 =	simm.s32 $0x108;
	_ =	swait.ge @!p0 [sflag:s8], $0x0  }
0x24: {  	s3 =	sadd.s32 $0x88, s3;
	s6 =	simm.s32 @!p1 $0x1082;
	[sflag:s4] =	ssyncset.s32 $0xFFFFF086  }
0x25: {  	[simem:s6], [sflag:s4] =	dma.local [hbm:s3], $0xF7A  }
0x26: {  	[smem:$0x3F9D] =	sst s1;
	(tag) =	ssettag s2;
	_ =	strace s9  }
0x27: {  	s1 =	sld [smem:$0x3FAD]  }
0x28: {  	s2 =	sld [smem:$0x3FAE]  }
0x29: {  	s4 =	sld [smem:$0x3FB0]  }
0x2a: {  	p0 =	seq.s32 s5, $0x0;
	s5 =	sld [smem:$0x3FB1]  }
0x2b: {  	s6 =	sld [smem:$0x3FB2]  }
0x2c: {  	s7 =	sld [smem:$0x3FB3]  }
0x2d: {  	s3 =	simm.s32 $0x108;
	s8 =	sld [smem:$0x3FB4]  }
0x2e: {  	s3 =	simm.s32 @!p0 $0x1082;
	s9 =	sld [smem:$0x3FB5]  }
0x2f: {  	lr =	sadd.s32 s0, s3;
	s0 =	sld [smem:$0x3FAC]  }
0x30: {  	s3 =	sld [smem:$0x3FAF]  }
0x31: {  	[smem:$0x3FB8] =	sst s10  }
0x32: {  	s10 =	sld [smem:$0x3FB6];
	_ =	sdelay $0x3  }
0x33: {  	p0 =	seq.s32 s10, $0x1;
	s10 =	sld [smem:$0x3FB8];
	_ =	sdelay $0x3  }
0x34: {  	[smem:$0x3FB8] =	sst s10  }
0x35: {  	s10 =	sld [smem:$0x3FB7];
	_ =	sdelay $0x3  }
0x36: {  	p1 =	seq.s32 s10, $0x1;
	s10 =	sld [smem:$0x3FB8];
	_ =	sdelay $0x3  }
0x37: {  	[smem:$0x3FB8] =	sst s10  }
0x38: {  	s10 =	sld [smem:$0x3FB9]  }
0x39: {  	_ = 	snop;
	(pc) =	sbr.ind lr, $3  }
0x3a: {  	_ = 	snop  }
0x3b: {  	_ = 	snop  }
0x3c: {  	p2 =	seq.s32 s10, $0x1;
	s10 =	sld [smem:$0x3FB8]  }
0x3d: {  	_ =	shalt  }
0x3e: {  	_ =	shalt  }
0x3f: {  	_ =	shalt  }
0x40: {  	_ =	shalt  }
0x41: {  	_ =	shalt  }
0x42: {  	_ =	shalt  }
0x43: {  	_ =	shalt  }
0x44: {  	_ =	shalt  }
0x45: {  	_ =	shalt  }
0x46: {  	_ =	shalt  }
0x47: {  	_ =	shalt  }
0x48: {  	_ =	shalt  }
0x49: {  	_ =	shalt  }
0x4a: {  	_ =	shalt  }
0x4b: {  	_ =	shalt  }
0x4c: {  	_ =	shalt  }
0x4d: {  	_ =	shalt  }
0x4e: {  	_ =	shalt  }
0x4f: {  	_ =	shalt  }
0x50: {  	_ =	shalt  }
0x51: {  	_ =	shalt  }
0x52: {  	_ =	shalt  }
0x53: {  	_ =	shalt  }
0x54: {  	_ =	shalt  }
0x55: {  	_ =	shalt  }
0x56: {  	_ =	shalt  }
0x57: {  	_ =	shalt  }
0x58: {  	_ =	shalt  }
0x59: {  	_ =	shalt  }
0x5a: {  	_ =	shalt  }
0x5b: {  	_ =	shalt  }
0x5c: {  	_ =	shalt  }
0x5d: {  	_ =	shalt  }
0x5e: {  	_ =	shalt  }
0x5f: {  	_ =	shalt  }
0x60: {  	_ =	shalt  }
0x61: {  	_ =	shalt  }
0x62: {  	_ =	shalt  }
0x63: {  	_ =	shalt  }
0x64: {  	_ =	shalt  }
0x65: {  	_ =	shalt  }
0x66: {  	_ =	shalt  }
0x67: {  	_ =	shalt  }
0x68: {  	_ =	shalt  }
0x69: {  	_ =	shalt  }
0x6a: {  	_ =	shalt  }
0x6b: {  	_ =	shalt  }
0x6c: {  	_ =	shalt  }
0x6d: {  	_ =	shalt  }
0x6e: {  	_ =	shalt  }
0x6f: {  	_ =	shalt  }
0x70: {  	_ =	shalt  }
0x71: {  	_ =	shalt  }
0x72: {  	_ =	shalt  }
0x73: {  	_ =	shalt  }
0x74: {  	_ =	shalt  }
0x75: {  	_ =	shalt  }
0x76: {  	_ =	shalt  }
0x77: {  	_ =	shalt  }
0x78: {  	_ =	shalt  }
0x79: {  	_ =	shalt  }
0x7a: {  	_ =	shalt  }
0x7b: {  	_ =	shalt  }
0x7c: {  	_ =	shalt  }
0x7d: {  	_ =	shalt  }
0x7e: {  	_ =	shalt  }
0x7f: {  	_ =	shalt  }
0x80: {  	_ =	shalt  }
0x81: {  	_ =	shalt  }
0x82: {  	_ =	shalt  }
0x83: {  	_ =	shalt  }
0x84: {  	_ =	shalt  }
0x85: {  	_ =	shalt  }
0x86: {  	_ =	shalt  }
0x87: {  	_ =	shalt  }
.Lfunc_end0:
.L_simem_size_0:
called_computation.1_lowered:
.L_overlay_start_0:
0x88: {  	s2 =	sld [smem:$0x3FD9]  }
0x89: {  	s3 =	sld [smem:$0x3FFE];
	_ =	sdelay $0x1  }
0x8a: {  	s1 =	srdreg.scid  }
0x8b: {  	s0 =	sand.u32 $0x1, s1  }
0x8c: {  	s16 =	sshll.u32 s0, $0xA;
	s2 =	sadd.s32 s3, s2  }
0x8d: {  	s2 =	sadd.s32 s2, s16  }
0x8e: {  	[smem:$0x3FC4] =	sst s2  }
0x8f: {  	_ = 	snop  }
0x90: {  	(tm) =	ssettm $0x1  }
0x91: {  	s17 =	sld [smem:$0x3FFB];
	_ =	sdelay $0x3  }
0x92: {  	_ =	strace s17  }
0x93: {  	s2 =	sld [smem:$0x3FFC];
	_ =	sdelay $0x3  }
0x94: {  	_ =	strace s2  }
0x95: {  	s2 =	sld [smem:$0x3FFD];
	_ =	sdelay $0x3  }
0x96: {  	_ =	strace s2  }
0x97: {  	_ =	strace $0x8FFFFFFF  }
0x98: {  	s18 =	sld [smem:$0x3FDB];
	_ =	sdelay $0x1  }
0x99: {  	s19 =	simm.s32 $_scs_section_size  }
0x9a: {  	s4 =	simm.s32 $_size__tile_overlayer_lowered;
	s5 =	simm.s32 $_tile_overlayer_lowered  }
0x9b: {  	s22 =	simm.s32 $0x1BFF;
	s21 =	sshll.u32 s5, $0x1;
	s2 =	sadd.s32 s19, s18  }
0x9c: {  	s6 =	simm.s32 $0x0;
	s20 =	sshll.u32 s4, $0x1;
	s4 =	sadd.s32 s21, s2  }
0x9d: {  	[timem:s6], [sflag:s22] =	dma.local [hbm:s4], s20  }
0x9e: {  	_ =	swait.ge [sflag:s22], s20  }
0x9f: {  	s3 =	ssub.s32 $0x0, s20;
	[sflag:s22] =	ssyncset.done $0x0  }
0xa0: {  	[sflag:s22] =	ssyncadd.s32 s3;
	_ =	sdelay $0x1  }
0xa1: {  	s23 =	simm.s32 $0x1B8B  }
0xa2: {  	_ =	swait.ge [sflag:s23], $0x1  }
0xa3: {  	[sflag:s23] =	ssyncset.done $0x0  }
0xa4: {  	s25 =	simm.s32 $0x1B8E;
	s24 =	sld [smem:$0x3FFE];
	[sflag:s23] =	ssyncadd.s32 $0xFFFFFFFF  }
0xa5: {  	s26 =	simm.s32 $execute0_lowered;
	[smem:$0x3FD2] =	sst s25  }
0xa6: {  	s4 =	sshll.u32 s26, $0x1;
	_ =	strace $0x80000049;
	[dreg:$0x1] =	wrdreg $0xFFFFFFFF  }
0xa7: {  	s28 =	simm.s32 $_size_execute0_lowered;
	s2 =	sadd.s32 s2, s4;
	[dreg:$0x0] =	wrdreg $0x0  }
0xa8: {  	s4 =	sshll.u32 s28, $0x1;
	[dreg:$0x2] =	wrdreg s2  }
0xa9: {  	[dreg:$0x3] =	wrdreg s4  }
0xaa: {  	[dreg:$0x4] =	wrdreg $0xC0  }
0xab: {  	_ =	task [dreg:s6], $0x5FFFF  }
0xac: {  	[dreg:$0x1] =	wrdreg $0xFFFFFFFF  }
0xad: {  	[dreg:$0x0] =	wrdreg $0x60  }
0xae: {  	[dreg:$0x2] =	wrdreg s24  }
0xaf: {  	[dreg:$0x3] =	wrdreg $0x9  }
0xb0: {  	_ =	task.clear_ibuf [dreg:s6], $0x4FFFF;
	_ =	strace $0x90000049  }
0xb1: {  	s29 =	simm.s32 $0x9;
	_ =	strace $0x8000004B  }
0xb2: {  	_ =	swait.ge [sflag:s29], $0x1  }
0xb3: {  	[sflag:s29] =	ssyncadd.s32 $0xFFFFFFFF  }
0xb4: {  	_ =	strace $0x9000004B  }
0xb5: {  	_ =	sfence  }
0xb6: {  	s30 =	sld [smem:$0x0];
	_ =	sdelay $0x2  }
0xb7: {  	s31 =	sshll.u32 s1, $0xD;
	s1 =	sshrl.u32 s1, $0x2  }
0xb8: {  	s3 =	sand.u32 $0x4000, s31;
	s1 =	sadd.s32 s1, s30  }
0xb9: {  	s0 =	sor.u32 s3, s0;
	s1 =	sshll.u32 s1, $0x11  }
0xba: {  	s0 =	sor.u32 s1, s0  }
0xbb: {  	s0 =	sadd.s32 $0x8F2B, s0  }
0xbc: {  	[sflag:s0] =	ssyncadd.remote.s32 $0x1  }
0xbd: {  	_ =	sfence.sel $0xFFFF  }
0xbe: {  	[dreg:$0x0] =	wrdreg $0xFFFFFFFF;
	(pc) =	sbr.abs _section_cstart, $3  }
0xbf: {  	[dreg:$0x1] =	wrdreg $0xFFFFFFFF  }
0xc0: {  	_ =	task.clear_ibuf [dreg:s6], $0x2FFFF;
	_ =	strace $0x9FFFFFFF  }
0xc1: {  	(tm) =	ssettm $0x7FFFFFFF  }
tec
execute0_lowered:
.L_overlay_start_1:
0x0: {  	(tag) =	ssettag $0x1  }
0x1: {  	s0 =	srdreg.scid  }
0x2: {  	s25 =	stileid.u32;
	s6 =	rddreg [dreg:$0x0]  }
0x3: {  	s4 =	simm.s32 $0x1;
	s15 =	simm.s32 $0x80;
	s16 =	simm.s32 $0x100  }
0x4: {  	s17 =	simm.s32 $0x3;
	s18 =	simm.s32 $0x800;
	s19 =	simm.s32 $0x1000  }
0x5: {  	s20 =	simm.s32 $0x900;
	s21 =	simm.s32 $0x9000;
	s22 =	simm.s32 $0xA00  }
0x6: {  	s23 =	simm.s32 $0x2;
	s24 =	simm.s32 $0xB00;
	s29 =	simm.s32 $0xF00  }
0x7: {  	s30 =	simm.s32 $0x0;
	s1 =	sand.u32 $0x1, s0;
	s5 =	sand.u32 $0x1, s25  }
0x8: {  	s2 =	sshll.u32 s1, $0x4;
	p1 =	seq.s32 s5, $0x1;
	s8 =	sshll.u32 s5, $0x7  }
0x9: {  	s10 =	sshll.u32 s5, $0x12;
	s1 =	ssub.s32 $0x2, s1;
	s3 =	sor.u32 s25, s2  }
0xa: {  	s31 =	sshll.u32 s5, $0xB;
	s2 =	simm.s32 $0x0;
	p0 =	seq.s32 s3, $0x0  }
0xb: {  	s26 =	sshrl.u32 s1, $0x1;
	s25 =	simm.s32 $0xC00;
	p0 =	por !p0, !p1  }
0xc: {  	[smem:$0x7FF] =	sst s2;
	s3 =	sshrl.u32 s3, $0x1;
	p0 =	por !p0, !p0  }
0xd: {  	s1 =	ssub.s32 s1, s26;
	s26 =	simm.s32 $0xD00;
	s4 =	simm.s32 @!p0 $0x0  }
0xe: {  	_ =	strace $0x8000004A;
	s14 =	smax.u32 s1, $0x1;
	s4 =	ssub.s32 s3, s4  }
0xf: {  	s3 =	sadd.s32 $0x301E00, s6;
	s7 =	sshll.u32 s4, $0xC;
	s9 =	sshll.u32 s4, $0x13  }
0x10: {  	s4 =	simm.s32 $0x1;
	s8 =	sor.u32 s8, s7;
	s9 =	sor.u32 s10, s9  }
0x11: {  	s28 =	sor.u32 s31, s7;
	s8 =	sshrl.u32 s8, $0x3;
	s9 =	sshrl.u32 s9, $0x3  }
0x12: {  	v0 =	vmov s28;
	s28 =	simm.s32 $0xE00;
	s8 =	sadd.s32 s8, s6;
	s13 =	sadd.s32 s9, s6  }
0x13: {  	s5 =	sadd.s32 $0x3E00, s8;
	s6 =	sadd.s32 $0x5E00, s13;
	s7 =	sadd.s32 $0x6E00, s13  }
0x14: {  	s8 =	sadd.s32 $0x7E00, s13;
	s9 =	sadd.s32 $0x8E00, s13;
	s10 =	sadd.s32 $0x9E00, s13  }
0x15: {  	s11 =	sadd.s32 $0xAE00, s13;
	s12 =	sadd.s32 $0xBE00, s13;
	s13 =	sadd.s32 $0xCE00, s13  }
.LBB2_1:
0x16: {  	[tilespmem:s2], [sflag:$0x3] =	stream.strided.gather [hbm4b:s5+s15], $0x800, s16, s15, $0x38;
	[tilespmem:$0x11000] =	vst v63  }
0x17: {  	_ =	swait.ge [sflag:s17], $0x800  }
0x18: {  	[sflag:s17] =	ssyncset.done $0x0  }
0x19: {  	s31 =	simm.s32 $0x0;
	[sflag:s17] =	ssyncadd.s32 $0xFFFFF800  }
0x1a: {  	s1 =	simm.s32 $0x40;
	v1 =	vld [tilespmem:s31+$0x0]  }
.LBB2_2:
0x1b: {  	p0 =	sne.s32 s1, $0x1FC0  }
.Ltmp0:
0x1c: {  	_ = 	snop;
	(pc) =	sbr.rel @p0 .LBB2_2-.Ltmp0, $3  }
0x1d: {  	_ =	sdelay $0x1  }
0x1e: {  	s0 =	sshra.s32 s1, $0x2;
	s1 =	sadd.s32 $0x40, s1;
	v2 =	vadd.s32 v0, v1  }
0x1f: {  	v1 =	vld [tilespmem:s0+$0x0];
	[tilespmem:s31+$0x800] =	vst v2;
	s31 =	smov.u32 s0  }
0x20: {  	_ =	sdelay $0x3  }
0x21: {  	v1 =	vadd.s32 v0, v1  }
0x22: {  	[tilespmem:s31+$0x800] =	vst v1  }
0x23: {  	[tilespmem:s19], [sflag:$0x1] =	stream.indirect.gather [hbm4b:s3+s16], $0x80, s18, s16, $0xb8;
	[tilespmem:$0x11000] =	vst v63  }
0x24: {  	_ = 	snop  }
0x25: {  	[tilespmem:s21], [sflag:$0x2] =	stream.indirect.gather [hbm4b:s3+s16], $0x80, s20, s16, $0xb8;
	[tilespmem:$0x11000] =	vst v63  }
0x26: {  	_ =	swait.ge [sflag:s4], $0x8000  }
0x27: {  	[sflag:s4] =	ssyncset.done $0x0  }
0x28: {  	[sflag:s4] =	ssyncadd.s32 $0xFFFF8000  }
0x29: {  	[hbm4b:s6+s2] =	stream.linear.scatter [tilespmem:s19], [sflag:$0x3], $0x8000, $0x38;
	[tilespmem:$0x11000] =	vst v63  }
0x2a: {  	_ =	swait.ge [sflag:s17], $0x8000  }
0x2b: {  	[sflag:s17] =	ssyncset.done $0x0  }
0x2c: {  	[sflag:s17] =	ssyncadd.s32 $0xFFFF8000  }
0x2d: {  	[tilespmem:s19], [sflag:$0x1] =	stream.indirect.gather [hbm4b:s3+s16], $0x80, s22, s16, $0xb8;
	[tilespmem:$0x11000] =	vst v63  }
0x2e: {  	_ =	swait.ge [sflag:s23], $0x8000  }
0x2f: {  	[sflag:s23] =	ssyncset.done $0x0  }
0x30: {  	[sflag:s23] =	ssyncadd.s32 $0xFFFF8000  }
0x31: {  	[hbm4b:s7+s2] =	stream.linear.scatter [tilespmem:s21], [sflag:$0x3], $0x8000, $0x38;
	[tilespmem:$0x11000] =	vst v63  }
0x32: {  	_ =	swait.ge [sflag:s17], $0x8000  }
0x33: {  	[sflag:s17] =	ssyncset.done $0x0  }
0x34: {  	[sflag:s17] =	ssyncadd.s32 $0xFFFF8000  }
0x35: {  	[tilespmem:s21], [sflag:$0x2] =	stream.indirect.gather [hbm4b:s3+s16], $0x80, s24, s16, $0xb8;
	[tilespmem:$0x11000] =	vst v63  }
0x36: {  	_ =	swait.ge [sflag:s4], $0x8000  }
0x37: {  	[sflag:s4] =	ssyncset.done $0x0  }
0x38: {  	[sflag:s4] =	ssyncadd.s32 $0xFFFF8000  }
0x39: {  	[hbm4b:s8+s2] =	stream.linear.scatter [tilespmem:s19], [sflag:$0x3], $0x8000, $0x38;
	[tilespmem:$0x11000] =	vst v63  }
0x3a: {  	_ =	swait.ge [sflag:s17], $0x8000  }
0x3b: {  	[sflag:s17] =	ssyncset.done $0x0  }
0x3c: {  	[sflag:s17] =	ssyncadd.s32 $0xFFFF8000  }
0x3d: {  	[tilespmem:s19], [sflag:$0x1] =	stream.indirect.gather [hbm4b:s3+s16], $0x80, s25, s16, $0xb8;
	[tilespmem:$0x11000] =	vst v63  }
0x3e: {  	_ =	swait.ge [sflag:s23], $0x8000  }
0x3f: {  	[sflag:s23] =	ssyncset.done $0x0  }
0x40: {  	[sflag:s23] =	ssyncadd.s32 $0xFFFF8000  }
0x41: {  	[hbm4b:s9+s2] =	stream.linear.scatter [tilespmem:s21], [sflag:$0x3], $0x8000, $0x38;
	[tilespmem:$0x11000] =	vst v63  }
0x42: {  	_ =	swait.ge [sflag:s17], $0x8000  }
0x43: {  	[sflag:s17] =	ssyncset.done $0x0  }
0x44: {  	[sflag:s17] =	ssyncadd.s32 $0xFFFF8000  }
0x45: {  	[tilespmem:s21], [sflag:$0x2] =	stream.indirect.gather [hbm4b:s3+s16], $0x80, s26, s16, $0xb8;
	[tilespmem:$0x11000] =	vst v63  }
0x46: {  	_ =	swait.ge [sflag:s4], $0x8000  }
0x47: {  	[sflag:s4] =	ssyncset.done $0x0  }
0x48: {  	[sflag:s4] =	ssyncadd.s32 $0xFFFF8000  }
0x49: {  	[hbm4b:s10+s2] =	stream.linear.scatter [tilespmem:s19], [sflag:$0x3], $0x8000, $0x38;
	[tilespmem:$0x11000] =	vst v63  }
0x4a: {  	_ =	swait.ge [sflag:s17], $0x8000  }
0x4b: {  	[sflag:s17] =	ssyncset.done $0x0  }
0x4c: {  	[sflag:s17] =	ssyncadd.s32 $0xFFFF8000  }
0x4d: {  	[tilespmem:s19], [sflag:$0x1] =	stream.indirect.gather [hbm4b:s3+s16], $0x80, s28, s16, $0xb8;
	[tilespmem:$0x11000] =	vst v63  }
0x4e: {  	_ =	swait.ge [sflag:s23], $0x8000  }
0x4f: {  	[sflag:s23] =	ssyncset.done $0x0  }
0x50: {  	[sflag:s23] =	ssyncadd.s32 $0xFFFF8000  }
0x51: {  	[hbm4b:s11+s2] =	stream.linear.scatter [tilespmem:s21], [sflag:$0x3], $0x8000, $0x38;
	[tilespmem:$0x11000] =	vst v63  }
0x52: {  	_ =	swait.ge [sflag:s17], $0x8000  }
0x53: {  	[sflag:s17] =	ssyncset.done $0x0  }
0x54: {  	[sflag:s17] =	ssyncadd.s32 $0xFFFF8000  }
0x55: {  	[tilespmem:s21], [sflag:$0x2] =	stream.indirect.gather [hbm4b:s3+s16], $0x80, s29, s16, $0xb8;
	[tilespmem:$0x11000] =	vst v63  }
0x56: {  	_ =	swait.ge [sflag:s4], $0x8000  }
0x57: {  	[sflag:s4] =	ssyncset.done $0x0  }
0x58: {  	[sflag:s4] =	ssyncadd.s32 $0xFFFF8000  }
0x59: {  	[hbm4b:s12+s2] =	stream.linear.scatter [tilespmem:s19], [sflag:$0x3], $0x8000, $0x38;
	[tilespmem:$0x11000] =	vst v63  }
0x5a: {  	_ =	swait.ge [sflag:s17], $0x8000  }
0x5b: {  	[sflag:s17] =	ssyncset.done $0x0  }
0x5c: {  	[sflag:s17] =	ssyncadd.s32 $0xFFFF8000  }
0x5d: {  	s30 =	sadd.s32 $0x1, s30;
	_ =	swait.ge [sflag:s23], $0x8000  }
0x5e: {  	p0 =	sne.s32 s30, s14;
	[sflag:s23] =	ssyncset.done $0x0  }
.Ltmp1:
0x5f: {  	[sflag:s23] =	ssyncadd.s32 $0xFFFF8000;
	(pc) =	sbr.rel @p0 .LBB2_1-.Ltmp1, $4  }
0x60: {  	[hbm4b:s13+s2] =	stream.linear.scatter [tilespmem:s21], [sflag:$0x3], $0x8000, $0x38;
	[tilespmem:$0x11000] =	vst v63  }
0x61: {  	_ =	swait.ge [sflag:s17], $0x8000  }
0x62: {  	[sflag:s17] =	ssyncset.done $0x0  }
0x63: {  	[sflag:s17] =	ssyncadd.s32 $0xFFFF8000  }
0x64: {  	_ =	sfence.sel $0x180000  }
0x65: {  	[bflag:$0x0] =	sbarrier.arrive $0xFFFF  }
0x66: {  	_ =	strace $0x9000004A  }
0x67: {  	s0 =	stileid.u32;
	[bflag:$0x2] =	sbarrier.arrive $0xFFFF  }
0x68: {  	p0 =	sne.s32 s0, $0x0;
	s0 =	rddreg [dreg:$0x1]  }
0x69: {  	s0 =	sadd.s32 @!p0 $0x100000, s0  }
0x6a: {  	[sflag:s0] =	ssyncadd.tile.s32 @!p0 $0x1;
	_ =	shalt  }
.Lfunc_end2:
_tile_overlayer_lowered:
.L_overlay_start_2:
0x6b: {  	(tag) =	ssettag $0x2  }
0x6c: {  	s0 =	rddreg [dreg:$0x0];
	s2 =	stileid.u32  }
0x6d: {  	s1 =	rddreg [dreg:$0x1];
	p0 =	sne.s32 s2, $0x0  }
0x6e: {  	s3 =	rddreg [dreg:$0x2];
	[bflag:$0x3] =	sbarrier.arrive $0xFFFF;
	s2 =	simm.s32 @!p0 $0x1C03  }
0x6f: {  	[timem:s3], [sflag:s2] =	dma.local @!p0 [hbm:s0], s1  }
0x70: {  	s0 =	simm.s32 @!p0 $0x3  }
0x71: {  	_ =	swait.ge @!p0 [sflag:s0], s1  }
0x72: {  	s1 =	ssub.s32 @!p0 $0x0, s1;
	[sflag:s0] =	ssyncset.done @!p0 $0x0  }
0x73: {  	[sflag:s0] =	ssyncadd.s32 @!p0 s1  }
0x74: {  	[bflag:$0x3] =	sbarrier.arrive $0xFFFF  }
0x75: {  	_ =	shalt  }

// kernel: kernel.7.cloned.1.call-start
scs
__scs_entry_jumppad:
0x0: {  	(pc) =	sbr.rel $0x88, $3  }
0x1: {  	(tag) =	ssettag $0x0;
	lr =	simm.s32 $0x1  }
0x2: {  	[smem:$0x3F9D] =	sst lr;
	_ =	strace $0xD0000000  }
0x3: {  	_ = 	snop  }
0x4: {  	_ = 	snop  }
0x5: {  	_ = 	snop  }
0x6: {  	_ = 	snop  }
0x7: {  	_ = 	snop  }
__scs_overlays_trampoline_lowered:
0x8: {  	[smem:$0x3FAC] =	sst s0  }
0x9: {  	[smem:$0x3FAD] =	sst s1  }
0xa: {  	[smem:$0x3FAE] =	sst s2  }
0xb: {  	[smem:$0x3FAF] =	sst s3  }
0xc: {  	[smem:$0x3FB0] =	sst s4  }
0xd: {  	[smem:$0x3FB1] =	sst s5  }
0xe: {  	[smem:$0x3FB2] =	sst s6  }
0xf: {  	[smem:$0x3FB3] =	sst s7  }
0x10: {  	[smem:$0x3FB4] =	sst s8  }
0x11: {  	[smem:$0x3FB5] =	sst s9;
	s0 =	simm.s32 @!p0 $0x0  }
0x12: {  	s1 =	sld [smem:$0x3F9B];
	s0 =	simm.s32 @p0 $0x1  }
0x13: {  	[smem:$0x3FB6] =	sst s0;
	s0 =	simm.s32 @!p1 $0x0  }
0x14: {  	s2 =	sld [smem:$0x3F9A];
	s0 =	simm.s32 @p1 $0x1  }
0x15: {  	[smem:$0x3FB7] =	sst s0;
	s0 =	simm.s32 @!p2 $0x0  }
0x16: {  	s3 =	sld [smem:$0x3FDB];
	s0 =	simm.s32 @p2 $0x1  }
0x17: {  	s4 =	simm.s32 $0x1BF5;
	[smem:$0x3FB9] =	sst s0  }
0x18: {  	s0 =	sld [smem:$0x3F9C];
	_ =	swait.ge [sflag:s4], $0x0  }
0x19: {  	s7 =	sld [smem:$0x3F9D]  }
0x1a: {  	s8 =	sadd.s32 $0xFFFFE003, lr  }
0x1b: {  	s9 =	sadd.s32 $0xFFFFFEF7, lr;
	s5 =	simm.s32 $0xFFFFFFFF;
	p2 =	slt.u32 s8, $0xFFFFF086  }
0x1c: {  	p1 =	slt.u32 s9, $0xF7A;
	s5 =	simm.s32 @!p2 $0x0  }
0x1d: {  	s5 =	simm.s32 @p1 $0x1;
	p0 =	seq.s32 s7, s2  }
0x1e: {  	s7 =	smul.u32 @!p0 $0xF7A, s2;
	p2 =	seq.s32 @!p0 s5, $0x0  }
0x1f: {  	s9 =	smul.u32 $0xF7A, s1;
	s8 =	simm.s32 @!p0 $0x1BF5;
	p2 =	por !p2, p0  }
0x20: {  	[sflag:s8] =	ssyncset.s32 @!p0 $0xFFFFF086;
	s6 =	sadd.s32 @!p0 s3, s7;
	s7 =	simm.s32 @!p0 $0x108  }
0x21: {  	s3 =	sadd.s32 s3, s9;
	s6 =	sadd.s32 @!p0 $0x88, s6;
	s7 =	simm.s32 @p2 $0x1082  }
0x22: {  	[simem:s7], [sflag:s8] =	dma.local @!p0 [hbm:s6], $0xF7A  }
0x23: {  	s9 =	sor.u32 $0xD0000000, s2;
	s6 =	simm.s32 $0x108;
	_ =	swait.ge @!p0 [sflag:s8], $0x0  }
0x24: {  	s3 =	sadd.s32 $0x88, s3;
	s6 =	simm.s32 @!p1 $0x1082;
	[sflag:s4] =	ssyncset.s32 $0xFFFFF086  }
0x25: {  	[simem:s6], [sflag:s4] =	dma.local [hbm:s3], $0xF7A  }
0x26: {  	[smem:$0x3F9D] =	sst s1;
	(tag) =	ssettag s2;
	_ =	strace s9  }
0x27: {  	s1 =	sld [smem:$0x3FAD]  }
0x28: {  	s2 =	sld [smem:$0x3FAE]  }
0x29: {  	s4 =	sld [smem:$0x3FB0]  }
0x2a: {  	p0 =	seq.s32 s5, $0x0;
	s5 =	sld [smem:$0x3FB1]  }
0x2b: {  	s6 =	sld [smem:$0x3FB2]  }
0x2c: {  	s7 =	sld [smem:$0x3FB3]  }
0x2d: {  	s3 =	simm.s32 $0x108;
	s8 =	sld [smem:$0x3FB4]  }
0x2e: {  	s3 =	simm.s32 @!p0 $0x1082;
	s9 =	sld [smem:$0x3FB5]  }
0x2f: {  	lr =	sadd.s32 s0, s3;
	s0 =	sld [smem:$0x3FAC]  }
0x30: {  	s3 =	sld [smem:$0x3FAF]  }
0x31: {  	[smem:$0x3FB8] =	sst s10  }
0x32: {  	s10 =	sld [smem:$0x3FB6];
	_ =	sdelay $0x3  }
0x33: {  	p0 =	seq.s32 s10, $0x1;
	s10 =	sld [smem:$0x3FB8];
	_ =	sdelay $0x3  }
0x34: {  	[smem:$0x3FB8] =	sst s10  }
0x35: {  	s10 =	sld [smem:$0x3FB7];
	_ =	sdelay $0x3  }
0x36: {  	p1 =	seq.s32 s10, $0x1;
	s10 =	sld [smem:$0x3FB8];
	_ =	sdelay $0x3  }
0x37: {  	[smem:$0x3FB8] =	sst s10  }
0x38: {  	s10 =	sld [smem:$0x3FB9]  }
0x39: {  	_ = 	snop;
	(pc) =	sbr.ind lr, $3  }
0x3a: {  	_ = 	snop  }
0x3b: {  	_ = 	snop  }
0x3c: {  	p2 =	seq.s32 s10, $0x1;
	s10 =	sld [smem:$0x3FB8]  }
0x3d: {  	_ =	shalt  }
0x3e: {  	_ =	shalt  }
0x3f: {  	_ =	shalt  }
0x40: {  	_ =	shalt  }
0x41: {  	_ =	shalt  }
0x42: {  	_ =	shalt  }
0x43: {  	_ =	shalt  }
0x44: {  	_ =	shalt  }
0x45: {  	_ =	shalt  }
0x46: {  	_ =	shalt  }
0x47: {  	_ =	shalt  }
0x48: {  	_ =	shalt  }
0x49: {  	_ =	shalt  }
0x4a: {  	_ =	shalt  }
0x4b: {  	_ =	shalt  }
0x4c: {  	_ =	shalt  }
0x4d: {  	_ =	shalt  }
0x4e: {  	_ =	shalt  }
0x4f: {  	_ =	shalt  }
0x50: {  	_ =	shalt  }
0x51: {  	_ =	shalt  }
0x52: {  	_ =	shalt  }
0x53: {  	_ =	shalt  }
0x54: {  	_ =	shalt  }
0x55: {  	_ =	shalt  }
0x56: {  	_ =	shalt  }
0x57: {  	_ =	shalt  }
0x58: {  	_ =	shalt  }
0x59: {  	_ =	shalt  }
0x5a: {  	_ =	shalt  }
0x5b: {  	_ =	shalt  }
0x5c: {  	_ =	shalt  }
0x5d: {  	_ =	shalt  }
0x5e: {  	_ =	shalt  }
0x5f: {  	_ =	shalt  }
0x60: {  	_ =	shalt  }
0x61: {  	_ =	shalt  }
0x62: {  	_ =	shalt  }
0x63: {  	_ =	shalt  }
0x64: {  	_ =	shalt  }
0x65: {  	_ =	shalt  }
0x66: {  	_ =	shalt  }
0x67: {  	_ =	shalt  }
0x68: {  	_ =	shalt  }
0x69: {  	_ =	shalt  }
0x6a: {  	_ =	shalt  }
0x6b: {  	_ =	shalt  }
0x6c: {  	_ =	shalt  }
0x6d: {  	_ =	shalt  }
0x6e: {  	_ =	shalt  }
0x6f: {  	_ =	shalt  }
0x70: {  	_ =	shalt  }
0x71: {  	_ =	shalt  }
0x72: {  	_ =	shalt  }
0x73: {  	_ =	shalt  }
0x74: {  	_ =	shalt  }
0x75: {  	_ =	shalt  }
0x76: {  	_ =	shalt  }
0x77: {  	_ =	shalt  }
0x78: {  	_ =	shalt  }
0x79: {  	_ =	shalt  }
0x7a: {  	_ =	shalt  }
0x7b: {  	_ =	shalt  }
0x7c: {  	_ =	shalt  }
0x7d: {  	_ =	shalt  }
0x7e: {  	_ =	shalt  }
0x7f: {  	_ =	shalt  }
0x80: {  	_ =	shalt  }
0x81: {  	_ =	shalt  }
0x82: {  	_ =	shalt  }
0x83: {  	_ =	shalt  }
0x84: {  	_ =	shalt  }
0x85: {  	_ =	shalt  }
0x86: {  	_ =	shalt  }
0x87: {  	_ =	shalt  }
.Lfunc_end0:
.L_simem_size_0:
called_computation_lowered:
.L_overlay_start_0:
0x88: {  	s2 =	sld [smem:$0x3FD9]  }
0x89: {  	s3 =	sld [smem:$0x3FFE];
	_ =	sdelay $0x1  }
0x8a: {  	s1 =	srdreg.scid  }
0x8b: {  	s0 =	sand.u32 $0x1, s1  }
0x8c: {  	s17 =	sshll.u32 s0, $0xA;
	s2 =	sadd.s32 s3, s2  }
0x8d: {  	s2 =	sadd.s32 s2, s17  }
0x8e: {  	[smem:$0x3FC4] =	sst s2  }
0x8f: {  	_ = 	snop  }
0x90: {  	s2 =	sld [smem:$0x3FD0];
	(tm) =	ssettm $0x1  }
0x91: {  	s18 =	sld [smem:$0x3FFB];
	_ =	sdelay $0x3  }
0x92: {  	_ =	strace s18  }
0x93: {  	s3 =	sld [smem:$0x3FFC];
	_ =	sdelay $0x3  }
0x94: {  	_ =	strace s3  }
0x95: {  	s3 =	sld [smem:$0x3FFD];
	_ =	sdelay $0x3  }
0x96: {  	_ =	strace s3  }
0x97: {  	_ =	strace $0x8FFFFFFF  }
0x98: {  	s19 =	sld [smem:$0x3FDB];
	_ =	sdelay $0x1  }
0x99: {  	s4 =	simm.s32 $_scs_section_size  }
0x9a: {  	s5 =	simm.s32 $_size__tile_overlayer_lowered;
	s6 =	simm.s32 $_tile_overlayer_lowered  }
0x9b: {  	s22 =	simm.s32 $0x1BFF;
	s21 =	sshll.u32 s6, $0x1;
	s3 =	sadd.s32 s4, s19  }
0x9c: {  	s7 =	simm.s32 $0x0;
	s20 =	sshll.u32 s5, $0x1;
	s5 =	sadd.s32 s21, s3  }
0x9d: {  	[timem:s7], [sflag:s22] =	dma.local [hbm:s5], s20  }
0x9e: {  	_ =	swait.ge [sflag:s22], s20  }
0x9f: {  	s4 =	ssub.s32 $0x0, s20;
	[sflag:s22] =	ssyncset.done $0x0  }
0xa0: {  	[sflag:s22] =	ssyncadd.s32 s4;
	_ =	sdelay $0x1  }
0xa1: {  	s23 =	simm.s32 $0x1B8B  }
0xa2: {  	_ =	swait.ge [sflag:s23], $0x1  }
0xa3: {  	[sflag:s23] =	ssyncset.done $0x0  }
0xa4: {  	s25 =	simm.s32 $0x1B8E;
	s24 =	sld [smem:$0x3FFE];
	[sflag:s23] =	ssyncadd.s32 $0xFFFFFFFF  }
0xa5: {  	s26 =	simm.s32 $execute0_lowered;
	[smem:$0x3FD2] =	sst s25  }
0xa6: {  	s5 =	sshll.u32 s26, $0x1;
	_ =	strace $0x80000046;
	[dreg:$0x1] =	wrdreg $0xFFFFFFFF  }
0xa7: {  	s28 =	simm.s32 $_size_execute0_lowered;
	s3 =	sadd.s32 s3, s5;
	[dreg:$0x0] =	wrdreg $0x0  }
0xa8: {  	s5 =	sshll.u32 s28, $0x1;
	[dreg:$0x2] =	wrdreg s3  }
0xa9: {  	[dreg:$0x3] =	wrdreg s5  }
0xaa: {  	[dreg:$0x4] =	wrdreg $0xC0  }
0xab: {  	_ =	task [dreg:s7], $0x5FFFF  }
0xac: {  	[dreg:$0x1] =	wrdreg $0xFFFFFFFF  }
0xad: {  	[dreg:$0x0] =	wrdreg $0x60  }
0xae: {  	[dreg:$0x2] =	wrdreg s2  }
0xaf: {  	[dreg:$0x3] =	wrdreg s24  }
0xb0: {  	[dreg:$0x4] =	wrdreg $0x9  }
0xb1: {  	_ =	task.clear_ibuf [dreg:s7], $0x5FFFF;
	_ =	strace $0x90000046  }
0xb2: {  	s29 =	simm.s32 $0x9;
	_ =	strace $0x80000048  }
0xb3: {  	_ =	swait.ge [sflag:s29], $0x1  }
0xb4: {  	[sflag:s29] =	ssyncadd.s32 $0xFFFFFFFF  }
0xb5: {  	_ =	strace $0x90000048  }
0xb6: {  	_ =	sfence  }
0xb7: {  	s30 =	sld [smem:$0x0];
	_ =	sdelay $0x2  }
0xb8: {  	s31 =	sshll.u32 s1, $0xD;
	s1 =	sshrl.u32 s1, $0x2  }
0xb9: {  	s3 =	sand.u32 $0x4000, s31;
	s1 =	sadd.s32 s1, s30  }
0xba: {  	s0 =	sor.u32 s3, s0;
	s1 =	sshll.u32 s1, $0x11  }
0xbb: {  	s0 =	sor.u32 s1, s0  }
0xbc: {  	s0 =	sadd.s32 $0x8F2B, s0  }
0xbd: {  	[sflag:s0] =	ssyncadd.remote.s32 $0x1  }
0xbe: {  	_ =	sfence.sel $0xFFFF  }
0xbf: {  	[dreg:$0x0] =	wrdreg $0xFFFFFFFF;
	(pc) =	sbr.abs _section_cstart, $3  }
0xc0: {  	[dreg:$0x1] =	wrdreg $0xFFFFFFFF  }
0xc1: {  	_ =	task.clear_ibuf [dreg:s7], $0x2FFFF;
	_ =	strace $0x9FFFFFFF  }
0xc2: {  	(tm) =	ssettm $0x7FFFFFFF  }
0xc3: {  	_ =	shalt  }
tec
execute0_lowered:
.L_overlay_start_1:
0x0: {  	(tag) =	ssettag $0x1  }
0x1: {  	s0 =	srdreg.scid  }
0x2: {  	s2 =	stileid.u32;
	s6 =	rddreg [dreg:$0x0];
	s0 =	sand.u32 $0x1, s0  }
0x3: {  	s5 =	rddreg [dreg:$0x1];
	s4 =	sand.u32 $0x1, s2;
	s1 =	sshll.u32 s0, $0x4  }
0x4: {  	s3 =	simm.s32 $0x1;
	p1 =	seq.s32 s4, $0x1;
	s1 =	sor.u32 s2, s1  }
0x5: {  	s17 =	sshll.u32 s4, $0x12;
	s4 =	sshll.u32 s4, $0x7;
	p0 =	seq.s32 s1, $0x0  }
0x6: {  	s0 =	ssub.s32 $0x2, s0;
	s2 =	simm.s32 $0x0;
	p0 =	por !p0, !p1  }
0x7: {  	s20 =	sshrl.u32 s0, $0x1;
	s1 =	sshrl.u32 s1, $0x1;
	p0 =	por !p0, !p0  }
0x8: {  	[smem:$0x7FF] =	sst s2;
	s0 =	ssub.s32 s0, s20;
	s3 =	simm.s32 @!p0 $0x0  }
0x9: {  	_ =	strace $0x80000047;
	s0 =	smax.u32 s0, $0x1;
	s1 =	ssub.s32 s1, s3  }
0xa: {  	s7 =	sshll.u32 s1, $0x4;
	s8 =	sshll.u32 s1, $0x13;
	s1 =	sshll.u32 s1, $0xC  }
0xb: {  	[dreg:$0xe] =	wrdreg s0;
	s7 =	sand.u32 $0x1FFFFFF0, s7;
	s1 =	sor.u32 s4, s1  }
0xc: {  	s3 =	sor.u32 s17, s8;
	s7 =	sadd.s32 s7, s5;
	s1 =	sshrl.u32 s1, $0x3  }
0xd: {  	s18 =	sshrl.u32 s3, $0x3;
	s19 =	sadd.s32 s1, s5;
	s1 =	sadd.s32 s6, s1  }
0xe: {  	s4 =	sadd.s32 s18, s5;
	s5 =	sadd.s32 $0x1E00, s19;
	[dreg:$0xa] =	wrdreg s1  }
0xf: {  	s21 =	sadd.s32 $0x101E00, s4;
	[dreg:$0x3] =	wrdreg s5  }
0x10: {  	s24 =	simm.s32 $0x1;
	s22 =	sadd.s32 $0x3E00, s19;
	[dreg:$0x4] =	wrdreg s21  }
0x11: {  	s10 =	simm.s32 $0x2080;
	s23 =	sadd.s32 $0x102E00, s4;
	[dreg:$0x5] =	wrdreg s22  }
0x12: {  	s20 =	simm.s32 $0x2000;
	s25 =	sadd.s32 $0x103E00, s4;
	[dreg:$0x6] =	wrdreg s23  }
0x13: {  	s0 =	simm.s32 $0x0;
	s26 =	sadd.s32 $0x104E00, s4;
	[dreg:$0x7] =	wrdreg s25  }
0x14: {  	s6 =	simm.s32 $0x80;
	s28 =	sadd.s32 $0x105E00, s4;
	[dreg:$0x8] =	wrdreg s26  }
0x15: {  	s29 =	sadd.s32 $0x106E00, s4;
	s30 =	sadd.s32 $0x107E00, s4;
	[dreg:$0x9] =	wrdreg s28  }
0x16: {  	s31 =	sadd.s32 $0x108E00, s4;
	s19 =	simm.s32 $0x3;
	[dreg:$0xb] =	wrdreg s29  }
0x17: {  	s1 =	simm.s32 $0x2;
	s5 =	sadd.s32 $0x81E00, s7;
	[dreg:$0xc] =	wrdreg s30  }
0x18: {  	v0 =	vimm.s32 $0x0;
	v1 =	vlaneseq.u32;
	vm0 =	vmmov $0xffff;
	[dreg:$0xd] =	wrdreg s31;
	s7 =	simm.s32 $0x100;
	s21 =	simm.s32 $0x800  }
.LBB2_1:
0x19: {  	s4 =	rddreg [dreg:$0xa]  }
0x1a: {  	[tilespmem:s2], [sflag:$0x3] =	stream.strided.gather [hbm4b:s4+s6], $0x800, s7, s6, $0x38;
	[tilespmem:$0x12080] =	vst v63  }
0x1b: {  	_ =	swait.ge [sflag:s19], $0x800  }
0x1c: {  	[sflag:s19] =	ssyncset.done $0x0  }
0x1d: {  	[sflag:s19] =	ssyncadd.s32 $0xFFFFF800  }
0x1e: {  	[tilespmem:$0x2000] =	vst v0  }
0x1f: {  	s22 =	simm.s32 $0x0;
	s4 =	simm.s32 $0x40;
	[tilespmem:$0x2010] =	vst v0  }
.LBB2_2:
0x20: {  	p0 =	sne.s32 s4, $0x1FC0;
	v2 =	vld [tilespmem:s22+$0x0];
	_ =	sdelay $0x4  }
0x21: {  	(xrf1) =	vunique.msk.u32 $0xffff, v2;
	_ =	sdelay $0x2  }
0x22: {  	v3 =	vld.idx.msk [tilespmem:v2+s20+$0x0], $0xffff;
	_ =	sdelay $0xa  }
0x23: {  	_, v4, vm1 =	vpop (xrf1);
	_ =	sdelay $0x1  }
.Ltmp0:
0x24: {  	(pc) =	sbr.rel @p0 .LBB2_2-.Ltmp0, $4  }
0x25: {  	v3 =	vadd.s32 v3, v4  }
0x26: {  	v4 =	vadd.s32 $0xFFFFFFFF, v3  }
0x27: {  	[tilespmem:s22+$0x1800] =	vst v4  }
0x28: {  	s22 =	sshra.s32 s4, $0x2;
	s4 =	sadd.s32 $0x40, s4;
	[tilespmem:v2+s20+$0x0] =	vst.idx.msk vm1, v3  }
0x29: {  	v2 =	vld [tilespmem:s22+$0x0];
	_ =	sdelay $0x4  }
0x2a: {  	(xrf1) =	vunique.msk.u32 $0xffff, v2;
	_ =	sdelay $0xb  }
0x2b: {  	v3 =	vld.idx.msk [tilespmem:v2+s20+$0x0], $0xffff;
	_ =	sdelay $0x1  }
0x2c: {  	_, v4, vm1 =	vpop (xrf1);
	_ =	sdelay $0x2  }
0x2d: {  	v3 =	vadd.s32 v3, v4  }
0x2e: {  	v4 =	vadd.s32 $0xFFFFFFFF, v3  }
0x2f: {  	[tilespmem:s22+$0x1800] =	vst v4  }
0x30: {  	[tilespmem:v2+s20+$0x0] =	vst.idx.msk vm1, v3  }
0x31: {  	v2 =	vld [tilespmem:$0x2000]  }
0x32: {  	v3 =	vld [tilespmem:$0x2010];
	_ =	sdelay $0x3  }
0x33: {  	(xrf0) =	vadd.scan.msk.s32 $0xffff, v2  }
0x34: {  	(xrf0) =	vadd.scan.msk.s32 $0xffff, v3;
	_ =	sdelay $0x4  }
0x35: {  	v63, _, _ =	vpop (xrf0)  }
0x36: {  	v5, _, _ =	vpop (xrf0);
	v6 =	vbroadcast v63, $0xF  }
0x37: {  	v2 =	vsub.s32 v63, v2;
	v3 =	vsub.s32 v5, v3  }
0x38: {  	s4 =	simm.s32 $0x0;
	[tilespmem:$0x2000] =	vst v2;
	v3 =	vadd.s32 v6, v3  }
0x39: {  	s6 =	simm.s32 $0x1000;
	s7 =	simm.s32 $0x0;
	s22 =	simm.s32 $0x1800;
	[tilespmem:$0x2010] =	vst v3  }
.LBB2_4:
0x3a: {  	v2 =	vld [tilespmem:s4+$0x0];
	_ =	sdelay $0x6  }
0x3b: {  	v3 =	vld [tilespmem:s22+$0x0]  }
0x3c: {  	v2 =	vld.idx.msk [tilespmem:v2+s20+$0x0], $0xffff;
	_ =	sdelay $0x4  }
0x3d: {  	p0 =	sne.s32 s7, $0x7F0;
	v2 =	vadd.s32 v2, v3  }
.Ltmp1:
0x3e: {  	_ = 	snop;
	(pc) =	sbr.rel @p0 .LBB2_4-.Ltmp1, $3  }
0x3f: {  	_ =	sdelay $0x1  }
0x40: {  	s4 =	sadd.s32 $0x10, s4;
	v3 =	vor.u32 s7, v1;
	[tilespmem:s6+$0x0] =	vst v2  }
0x41: {  	s22 =	sadd.s32 $0x10, s22;
	s7 =	sadd.s32 $0x10, s7;
	s6 =	sadd.s32 $0x10, s6;
	[tilespmem:v2+s21+$0x0] =	vst.idx.msk $0xffff, v3  }
0x42: {  	s4 =	rddreg [dreg:$0x3];
	s6 =	simm.s32 $0x80;
	s7 =	simm.s32 $0x100  }
0x43: {  	[hbm4b:s4+s6] =	stream.strided.scatter [tilespmem:s21], [sflag:$0x3], $0x800, s7, s6, $0x38;
	[tilespmem:$0x12080] =	vst v63  }
0x44: {  	_ =	swait.ge [sflag:s19], $0x800  }
0x45: {  	[sflag:s19] =	ssyncset.done $0x0  }
0x46: {  	s22 =	simm.s32 $0x1000;
	s30 =	rddreg [dreg:$0x5];
	[sflag:s19] =	ssyncadd.s32 $0xFFFFF800  }
0x47: {  	[hbm4b:s30+s6] =	stream.strided.scatter [tilespmem:s22], [sflag:$0x3], $0x800, s7, s6, $0x38;
	[tilespmem:$0x12080] =	vst v63  }
0x48: {  	_ =	swait.ge [sflag:s19], $0x800  }
0x49: {  	[sflag:s19] =	ssyncset.done $0x0  }
0x4a: {  	[sflag:s19] =	ssyncadd.s32 $0xFFFFF800  }
0x4b: {  	v2 =	vld [tilespmem:$0x800];
	_ =	sdelay $0x4  }
0x4c: {  	v2 =	vshll.u32 v2, $0xB  }
0x4d: {  	v2 =	vperm.xlane v2, v1;
	_ =	sdelay $0x5  }
0x4e: {  	[tilespmem:s10], [sflag:$0x1] =	stream.indirect_vreg.gather [hbm4b:s5+s2], $0x80, v2, vm0, $0x38;
	[tilespmem:$0x12080] =	vst v63  }
0x4f: {  	v2 =	vld [tilespmem:$0x810];
	_ =	sdelay $0x4  }
0x50: {  	v2 =	vshll.u32 v2, $0xB  }
0x51: {  	v2 =	vperm.xlane v2, v1;
	_ =	sdelay $0x4  }
0x52: {  	s3 =	simm.s32 $0x2880  }
0x53: {  	[tilespmem:s3], [sflag:$0x1] =	stream.indirect_vreg.gather [hbm4b:s5+s2], $0x80, v2, vm0, $0x38;
	[tilespmem:$0x12080] =	vst v63  }
0x54: {  	v2 =	vld [tilespmem:$0x820];
	_ =	sdelay $0x4  }
0x55: {  	v2 =	vshll.u32 v2, $0xB  }
0x56: {  	v2 =	vperm.xlane v2, v1;
	_ =	sdelay $0x4  }
0x57: {  	s31 =	simm.s32 $0x3080  }
0x58: {  	[tilespmem:s31], [sflag:$0x1] =	stream.indirect_vreg.gather [hbm4b:s5+s2], $0x80, v2, vm0, $0x38;
	[tilespmem:$0x12080] =	vst v63  }
0x59: {  	v2 =	vld [tilespmem:$0x830];
	_ =	sdelay $0x4  }
0x5a: {  	v2 =	vshll.u32 v2, $0xB  }
0x5b: {  	v2 =	vperm.xlane v2, v1;
	_ =	sdelay $0x4  }
0x5c: {  	s4 =	simm.s32 $0x3880  }
0x5d: {  	[tilespmem:s4], [sflag:$0x1] =	stream.indirect_vreg.gather [hbm4b:s5+s2], $0x80, v2, vm0, $0x38;
	[tilespmem:$0x12080] =	vst v63  }
0x5e: {  	v2 =	vld [tilespmem:$0x840];
	_ =	sdelay $0x4  }
0x5f: {  	v2 =	vshll.u32 v2, $0xB  }
0x60: {  	v2 =	vperm.xlane v2, v1;
	_ =	sdelay $0x4  }
0x61: {  	s8 =	simm.s32 $0x4080  }
0x62: {  	[tilespmem:s8], [sflag:$0x1] =	stream.indirect_vreg.gather [hbm4b:s5+s2], $0x80, v2, vm0, $0x38;
	[tilespmem:$0x12080] =	vst v63  }
0x63: {  	v2 =	vld [tilespmem:$0x850];
	_ =	sdelay $0x4  }
0x64: {  	v2 =	vshll.u32 v2, $0xB  }
0x65: {  	v2 =	vperm.xlane v2, v1;
	_ =	sdelay $0x4  }
0x66: {  	s9 =	simm.s32 $0x4880  }
0x67: {  	[tilespmem:s9], [sflag:$0x1] =	stream.indirect_vreg.gather [hbm4b:s5+s2], $0x80, v2, vm0, $0x38;
	[tilespmem:$0x12080] =	vst v63  }
0x68: {  	v2 =	vld [tilespmem:$0x860];
	_ =	sdelay $0x4  }
0x69: {  	v2 =	vshll.u32 v2, $0xB  }
0x6a: {  	v2 =	vperm.xlane v2, v1;
	_ =	sdelay $0x4  }
0x6b: {  	s11 =	simm.s32 $0x5080  }
0x6c: {  	[tilespmem:s11], [sflag:$0x1] =	stream.indirect_vreg.gather [hbm4b:s5+s2], $0x80, v2, vm0, $0x38;
	[tilespmem:$0x12080] =	vst v63  }
0x6d: {  	v2 =	vld [tilespmem:$0x870];
	_ =	sdelay $0x4  }
0x6e: {  	v2 =	vshll.u32 v2, $0xB  }
0x6f: {  	v2 =	vperm.xlane v2, v1;
	_ =	sdelay $0x4  }
0x70: {  	s12 =	simm.s32 $0x5880  }
0x71: {  	[tilespmem:s12], [sflag:$0x1] =	stream.indirect_vreg.gather [hbm4b:s5+s2], $0x80, v2, vm0, $0x38;
	[tilespmem:$0x12080] =	vst v63  }
0x72: {  	v2 =	vld [tilespmem:$0x880];
	_ =	sdelay $0x4  }
0x73: {  	v2 =	vshll.u32 v2, $0xB  }
0x74: {  	v2 =	vperm.xlane v2, v1;
	_ =	sdelay $0x4  }
0x75: {  	s13 =	simm.s32 $0x6080  }
0x76: {  	[tilespmem:s13], [sflag:$0x1] =	stream.indirect_vreg.gather [hbm4b:s5+s2], $0x80, v2, vm0, $0x38;
	[tilespmem:$0x12080] =	vst v63  }
0x77: {  	v2 =	vld [tilespmem:$0x890];
	_ =	sdelay $0x4  }
0x78: {  	v2 =	vshll.u32 v2, $0xB  }
0x79: {  	v2 =	vperm.xlane v2, v1;
	_ =	sdelay $0x4  }
0x7a: {  	s14 =	simm.s32 $0x6880  }
0x7b: {  	[tilespmem:s14], [sflag:$0x1] =	stream.indirect_vreg.gather [hbm4b:s5+s2], $0x80, v2, vm0, $0x38;
	[tilespmem:$0x12080] =	vst v63  }
0x7c: {  	v2 =	vld [tilespmem:$0x8A0];
	_ =	sdelay $0x4  }
0x7d: {  	v2 =	vshll.u32 v2, $0xB  }
0x7e: {  	v2 =	vperm.xlane v2, v1;
	_ =	sdelay $0x4  }
0x7f: {  	s15 =	simm.s32 $0x7080  }
0x80: {  	[tilespmem:s15], [sflag:$0x1] =	stream.indirect_vreg.gather [hbm4b:s5+s2], $0x80, v2, vm0, $0x38;
	[tilespmem:$0x12080] =	vst v63  }
0x81: {  	v2 =	vld [tilespmem:$0x8B0];
	_ =	sdelay $0x4  }
0x82: {  	v2 =	vshll.u32 v2, $0xB  }
0x83: {  	v2 =	vperm.xlane v2, v1;
	_ =	sdelay $0x4  }
0x84: {  	s16 =	simm.s32 $0x7880  }
0x85: {  	[tilespmem:s16], [sflag:$0x1] =	stream.indirect_vreg.gather [hbm4b:s5+s2], $0x80, v2, vm0, $0x38;
	[tilespmem:$0x12080] =	vst v63  }
0x86: {  	v2 =	vld [tilespmem:$0x8C0];
	_ =	sdelay $0x4  }
0x87: {  	v2 =	vshll.u32 v2, $0xB  }
0x88: {  	v2 =	vperm.xlane v2, v1;
	_ =	sdelay $0x4  }
0x89: {  	s17 =	simm.s32 $0x8080  }
0x8a: {  	[tilespmem:s17], [sflag:$0x1] =	stream.indirect_vreg.gather [hbm4b:s5+s2], $0x80, v2, vm0, $0x38;
	[tilespmem:$0x12080] =	vst v63  }
0x8b: {  	v2 =	vld [tilespmem:$0x8D0];
	_ =	sdelay $0x4  }
0x8c: {  	v2 =	vshll.u32 v2, $0xB  }
0x8d: {  	v2 =	vperm.xlane v2, v1;
	_ =	sdelay $0x4  }
0x8e: {  	s18 =	simm.s32 $0x8880  }
0x8f: {  	[tilespmem:s18], [sflag:$0x1] =	stream.indirect_vreg.gather [hbm4b:s5+s2], $0x80, v2, vm0, $0x38;
	[tilespmem:$0x12080] =	vst v63  }
0x90: {  	v2 =	vld [tilespmem:$0x8E0];
	_ =	sdelay $0x4  }
0x91: {  	v2 =	vshll.u32 v2, $0xB  }
0x92: {  	v2 =	vperm.xlane v2, v1;
	_ =	sdelay $0x4  }
0x93: {  	s22 =	simm.s32 $0x9080  }
0x94: {  	[tilespmem:s22], [sflag:$0x1] =	stream.indirect_vreg.gather [hbm4b:s5+s2], $0x80, v2, vm0, $0x38;
	[tilespmem:$0x12080] =	vst v63  }
0x95: {  	v2 =	vld [tilespmem:$0x8F0];
	_ =	sdelay $0x4  }
0x96: {  	v2 =	vshll.u32 v2, $0xB  }
0x97: {  	v2 =	vperm.xlane v2, v1;
	_ =	sdelay $0x4  }
0x98: {  	s23 =	simm.s32 $0x9880  }
0x99: {  	[tilespmem:s23], [sflag:$0x1] =	stream.indirect_vreg.gather [hbm4b:s5+s2], $0x80, v2, vm0, $0x38;
	[tilespmem:$0x12080] =	vst v63  }
0x9a: {  	v2 =	vld [tilespmem:$0x900];
	_ =	sdelay $0x4  }
0x9b: {  	v2 =	vshll.u32 v2, $0xB  }
0x9c: {  	v2 =	vperm.xlane v2, v1;
	_ =	sdelay $0x4  }
0x9d: {  	s3 =	simm.s32 $0xA080  }
0x9e: {  	[tilespmem:s3], [sflag:$0x2] =	stream.indirect_vreg.gather [hbm4b:s5+s2], $0x80, v2, vm0, $0x38;
	[tilespmem:$0x12080] =	vst v63  }
0x9f: {  	v2 =	vld [tilespmem:$0x910];
	_ =	sdelay $0x4  }
0xa0: {  	v2 =	vshll.u32 v2, $0xB  }
0xa1: {  	v2 =	vperm.xlane v2, v1;
	_ =	sdelay $0x4  }
0xa2: {  	s25 =	simm.s32 $0xA880  }
0xa3: {  	[tilespmem:s25], [sflag:$0x2] =	stream.indirect_vreg.gather [hbm4b:s5+s2], $0x80, v2, vm0, $0x38;
	[tilespmem:$0x12080] =	vst v63  }
0xa4: {  	v2 =	vld [tilespmem:$0x920];
	_ =	sdelay $0x4  }
0xa5: {  	v2 =	vshll.u32 v2, $0xB  }
0xa6: {  	v2 =	vperm.xlane v2, v1;
	_ =	sdelay $0x4  }
0xa7: {  	s26 =	simm.s32 $0xB080  }
0xa8: {  	[tilespmem:s26], [sflag:$0x2] =	stream.indirect_vreg.gather [hbm4b:s5+s2], $0x80, v2, vm0, $0x38;
	[tilespmem:$0x12080] =	vst v63  }
0xa9: {  	v2 =	vld [tilespmem:$0x930];
	_ =	sdelay $0x4  }
0xaa: {  	v2 =	vshll.u32 v2, $0xB  }
0xab: {  	v2 =	vperm.xlane v2, v1;
	_ =	sdelay $0x4  }
0xac: {  	s28 =	simm.s32 $0xB880  }
0xad: {  	[tilespmem:s28], [sflag:$0x2] =	stream.indirect_vreg.gather [hbm4b:s5+s2], $0x80, v2, vm0, $0x38;
	[tilespmem:$0x12080] =	vst v63  }
0xae: {  	v2 =	vld [tilespmem:$0x940];
	_ =	sdelay $0x4  }
0xaf: {  	v2 =	vshll.u32 v2, $0xB  }
0xb0: {  	v2 =	vperm.xlane v2, v1;
	_ =	sdelay $0x4  }
0xb1: {  	s29 =	simm.s32 $0xC080  }
0xb2: {  	[tilespmem:s29], [sflag:$0x2] =	stream.indirect_vreg.gather [hbm4b:s5+s2], $0x80, v2, vm0, $0x38;
	[tilespmem:$0x12080] =	vst v63  }
0xb3: {  	v2 =	vld [tilespmem:$0x950];
	_ =	sdelay $0x4  }
0xb4: {  	v2 =	vshll.u32 v2, $0xB  }
0xb5: {  	v2 =	vperm.xlane v2, v1;
	_ =	sdelay $0x4  }
0xb6: {  	s30 =	simm.s32 $0xC880  }
0xb7: {  	[tilespmem:s30], [sflag:$0x2] =	stream.indirect_vreg.gather [hbm4b:s5+s2], $0x80, v2, vm0, $0x38;
	[tilespmem:$0x12080] =	vst v63  }
0xb8: {  	v2 =	vld [tilespmem:$0x960];
	_ =	sdelay $0x4  }
0xb9: {  	v2 =	vshll.u32 v2, $0xB  }
0xba: {  	v2 =	vperm.xlane v2, v1;
	_ =	sdelay $0x4  }
0xbb: {  	s31 =	simm.s32 $0xD080  }
0xbc: {  	[tilespmem:s31], [sflag:$0x2] =	stream.indirect_vreg.gather [hbm4b:s5+s2], $0x80, v2, vm0, $0x38;
	[tilespmem:$0x12080] =	vst v63  }
0xbd: {  	v2 =	vld [tilespmem:$0x970];
	_ =	sdelay $0x4  }
0xbe: {  	v2 =	vshll.u32 v2, $0xB  }
0xbf: {  	v2 =	vperm.xlane v2, v1;
	_ =	sdelay $0x4  }
0xc0: {  	s8 =	simm.s32 $0xD880  }
0xc1: {  	[tilespmem:s8], [sflag:$0x2] =	stream.indirect_vreg.gather [hbm4b:s5+s2], $0x80, v2, vm0, $0x38;
	[tilespmem:$0x12080] =	vst v63  }
0xc2: {  	v2 =	vld [tilespmem:$0x980];
	_ =	sdelay $0x4  }
0xc3: {  	v2 =	vshll.u32 v2, $0xB  }
0xc4: {  	v2 =	vperm.xlane v2, v1;
	_ =	sdelay $0x4  }
0xc5: {  	s9 =	simm.s32 $0xE080  }
0xc6: {  	[tilespmem:s9], [sflag:$0x2] =	stream.indirect_vreg.gather [hbm4b:s5+s2], $0x80, v2, vm0, $0x38;
	[tilespmem:$0x12080] =	vst v63  }
0xc7: {  	v2 =	vld [tilespmem:$0x990];
	_ =	sdelay $0x4  }
0xc8: {  	v2 =	vshll.u32 v2, $0xB  }
0xc9: {  	v2 =	vperm.xlane v2, v1;
	_ =	sdelay $0x4  }
0xca: {  	s11 =	simm.s32 $0xE880  }
0xcb: {  	[tilespmem:s11], [sflag:$0x2] =	stream.indirect_vreg.gather [hbm4b:s5+s2], $0x80, v2, vm0, $0x38;
	[tilespmem:$0x12080] =	vst v63  }
0xcc: {  	v2 =	vld [tilespmem:$0x9A0];
	_ =	sdelay $0x4  }
0xcd: {  	v2 =	vshll.u32 v2, $0xB  }
0xce: {  	v2 =	vperm.xlane v2, v1;
	_ =	sdelay $0x4  }
0xcf: {  	s12 =	simm.s32 $0xF080  }
0xd0: {  	[tilespmem:s12], [sflag:$0x2] =	stream.indirect_vreg.gather [hbm4b:s5+s2], $0x80, v2, vm0, $0x38;
	[tilespmem:$0x12080] =	vst v63  }
0xd1: {  	v2 =	vld [tilespmem:$0x9B0];
	_ =	sdelay $0x4  }
0xd2: {  	v2 =	vshll.u32 v2, $0xB  }
0xd3: {  	v2 =	vperm.xlane v2, v1;
	_ =	sdelay $0x4  }
0xd4: {  	s13 =	simm.s32 $0xF880  }
0xd5: {  	[tilespmem:s13], [sflag:$0x2] =	stream.indirect_vreg.gather [hbm4b:s5+s2], $0x80, v2, vm0, $0x38;
	[tilespmem:$0x12080] =	vst v63  }
0xd6: {  	v2 =	vld [tilespmem:$0x9C0];
	_ =	sdelay $0x4  }
0xd7: {  	v2 =	vshll.u32 v2, $0xB  }
0xd8: {  	v2 =	vperm.xlane v2, v1;
	_ =	sdelay $0x4  }
0xd9: {  	s14 =	simm.s32 $0x10080  }
0xda: {  	[tilespmem:s14], [sflag:$0x2] =	stream.indirect_vreg.gather [hbm4b:s5+s2], $0x80, v2, vm0, $0x38;
	[tilespmem:$0x12080] =	vst v63  }
0xdb: {  	v2 =	vld [tilespmem:$0x9D0];
	_ =	sdelay $0x4  }
0xdc: {  	v2 =	vshll.u32 v2, $0xB  }
0xdd: {  	v2 =	vperm.xlane v2, v1;
	_ =	sdelay $0x4  }
0xde: {  	s15 =	simm.s32 $0x10880  }
0xdf: {  	[tilespmem:s15], [sflag:$0x2] =	stream.indirect_vreg.gather [hbm4b:s5+s2], $0x80, v2, vm0, $0x38;
	[tilespmem:$0x12080] =	vst v63  }
0xe0: {  	v2 =	vld [tilespmem:$0x9E0];
	_ =	sdelay $0x4  }
0xe1: {  	v2 =	vshll.u32 v2, $0xB  }
0xe2: {  	v2 =	vperm.xlane v2, v1;
	_ =	sdelay $0x4  }
0xe3: {  	s16 =	simm.s32 $0x11080  }
0xe4: {  	[tilespmem:s16], [sflag:$0x2] =	stream.indirect_vreg.gather [hbm4b:s5+s2], $0x80, v2, vm0, $0x38;
	[tilespmem:$0x12080] =	vst v63  }
0xe5: {  	v2 =	vld [tilespmem:$0x9F0];
	_ =	sdelay $0x4  }
0xe6: {  	v2 =	vshll.u32 v2, $0xB  }
0xe7: {  	v2 =	vperm.xlane v2, v1;
	_ =	sdelay $0x4  }
0xe8: {  	s17 =	simm.s32 $0x11880  }
0xe9: {  	[tilespmem:s17], [sflag:$0x2] =	stream.indirect_vreg.gather [hbm4b:s5+s2], $0x80, v2, vm0, $0x38;
	[tilespmem:$0x12080] =	vst v63  }
0xea: {  	_ =	swait.ge [sflag:s24], $0x8000  }
0xeb: {  	[sflag:s24] =	ssyncset.done $0x0  }
0xec: {  	s18 =	rddreg [dreg:$0x4];
	[sflag:s24] =	ssyncadd.s32 $0xFFFF8000  }
0xed: {  	[hbm4b:s18+s2] =	stream.linear.scatter [tilespmem:s10], [sflag:$0x3], $0x8000, $0x38;
	[tilespmem:$0x12080] =	vst v63  }
0xee: {  	_ =	swait.ge [sflag:s19], $0x8000  }
0xef: {  	[sflag:s19] =	ssyncset.done $0x0  }
0xf0: {  	[sflag:s19] =	ssyncadd.s32 $0xFFFF8000  }
0xf1: {  	v2 =	vld [tilespmem:$0xA00];
	_ =	sdelay $0x4  }
0xf2: {  	v2 =	vshll.u32 v2, $0xB  }
0xf3: {  	v2 =	vperm.xlane v2, v1;
	_ =	sdelay $0x5  }
0xf4: {  	[tilespmem:s10], [sflag:$0x1] =	stream.indirect_vreg.gather [hbm4b:s5+s2], $0x80, v2, vm0, $0x38;
	[tilespmem:$0x12080] =	vst v63  }
0xf5: {  	v2 =	vld [tilespmem:$0xA10];
	_ =	sdelay $0x4  }
0xf6: {  	v2 =	vshll.u32 v2, $0xB  }
0xf7: {  	v2 =	vperm.xlane v2, v1;
	_ =	sdelay $0x4  }
0xf8: {  	s8 =	simm.s32 $0x2880  }
0xf9: {  	[tilespmem:s8], [sflag:$0x1] =	stream.indirect_vreg.gather [hbm4b:s5+s2], $0x80, v2, vm0, $0x38;
	[tilespmem:$0x12080] =	vst v63  }
0xfa: {  	v2 =	vld [tilespmem:$0xA20];
	_ =	sdelay $0x4  }
0xfb: {  	v2 =	vshll.u32 v2, $0xB  }
0xfc: {  	v2 =	vperm.xlane v2, v1;
	_ =	sdelay $0x4  }
0xfd: {  	s25 =	simm.s32 $0x3080  }
0xfe: {  	[tilespmem:s25], [sflag:$0x1] =	stream.indirect_vreg.gather [hbm4b:s5+s2], $0x80, v2, vm0, $0x38;
	[tilespmem:$0x12080] =	vst v63  }
0xff: {  	v2 =	vld [tilespmem:$0xA30];
	_ =	sdelay $0x4  }
0x100: {  	v2 =	vshll.u32 v2, $0xB  }
0x101: {  	v2 =	vperm.xlane v2, v1;
	_ =	sdelay $0x4  }
0x102: {  	s26 =	simm.s32 $0x3880  }
0x103: {  	[tilespmem:s26], [sflag:$0x1] =	stream.indirect_vreg.gather [hbm4b:s5+s2], $0x80, v2, vm0, $0x38;
	[tilespmem:$0x12080] =	vst v63  }
0x104: {  	v2 =	vld [tilespmem:$0xA40];
	_ =	sdelay $0x4  }
0x105: {  	v2 =	vshll.u32 v2, $0xB  }
0x106: {  	v2 =	vperm.xlane v2, v1;
	_ =	sdelay $0x4  }
0x107: {  	s28 =	simm.s32 $0x4080  }
0x108: {  	[tilespmem:s28], [sflag:$0x1] =	stream.indirect_vreg.gather [hbm4b:s5+s2], $0x80, v2, vm0, $0x38;
	[tilespmem:$0x12080] =	vst v63  }
0x109: {  	v2 =	vld [tilespmem:$0xA50];
	_ =	sdelay $0x4  }
0x10a: {  	v2 =	vshll.u32 v2, $0xB  }
0x10b: {  	v2 =	vperm.xlane v2, v1;
	_ =	sdelay $0x4  }
0x10c: {  	s9 =	simm.s32 $0x4880  }
0x10d: {  	[tilespmem:s9], [sflag:$0x1] =	stream.indirect_vreg.gather [hbm4b:s5+s2], $0x80, v2, vm0, $0x38;
	[tilespmem:$0x12080] =	vst v63  }
0x10e: {  	v2 =	vld [tilespmem:$0xA60];
	_ =	sdelay $0x4  }
0x10f: {  	v2 =	vshll.u32 v2, $0xB  }
0x110: {  	v2 =	vperm.xlane v2, v1;
	_ =	sdelay $0x4  }
0x111: {  	s11 =	simm.s32 $0x5080  }
0x112: {  	[tilespmem:s11], [sflag:$0x1] =	stream.indirect_vreg.gather [hbm4b:s5+s2], $0x80, v2, vm0, $0x38;
	[tilespmem:$0x12080] =	vst v63  }
0x113: {  	v2 =	vld [tilespmem:$0xA70];
	_ =	sdelay $0x4  }
0x114: {  	v2 =	vshll.u32 v2, $0xB  }
0x115: {  	v2 =	vperm.xlane v2, v1;
	_ =	sdelay $0x4  }
0x116: {  	s12 =	simm.s32 $0x5880  }
0x117: {  	[tilespmem:s12], [sflag:$0x1] =	stream.indirect_vreg.gather [hbm4b:s5+s2], $0x80, v2, vm0, $0x38;
	[tilespmem:$0x12080] =	vst v63  }
0x118: {  	v2 =	vld [tilespmem:$0xA80];
	_ =	sdelay $0x4  }
0x119: {  	v2 =	vshll.u32 v2, $0xB  }
0x11a: {  	v2 =	vperm.xlane v2, v1;
	_ =	sdelay $0x4  }
0x11b: {  	s13 =	simm.s32 $0x6080  }
0x11c: {  	[tilespmem:s13], [sflag:$0x1] =	stream.indirect_vreg.gather [hbm4b:s5+s2], $0x80, v2, vm0, $0x38;
	[tilespmem:$0x12080] =	vst v63  }
0x11d: {  	v2 =	vld [tilespmem:$0xA90];
	_ =	sdelay $0x4  }
0x11e: {  	v2 =	vshll.u32 v2, $0xB  }
0x11f: {  	v2 =	vperm.xlane v2, v1;
	_ =	sdelay $0x4  }
0x120: {  	s14 =	simm.s32 $0x6880  }
0x121: {  	[tilespmem:s14], [sflag:$0x1] =	stream.indirect_vreg.gather [hbm4b:s5+s2], $0x80, v2, vm0, $0x38;
	[tilespmem:$0x12080] =	vst v63  }
0x122: {  	v2 =	vld [tilespmem:$0xAA0];
	_ =	sdelay $0x4  }
0x123: {  	v2 =	vshll.u32 v2, $0xB  }
0x124: {  	v2 =	vperm.xlane v2, v1;
	_ =	sdelay $0x4  }
0x125: {  	s15 =	simm.s32 $0x7080  }
0x126: {  	[tilespmem:s15], [sflag:$0x1] =	stream.indirect_vreg.gather [hbm4b:s5+s2], $0x80, v2, vm0, $0x38;
	[tilespmem:$0x12080] =	vst v63  }
0x127: {  	v2 =	vld [tilespmem:$0xAB0];
	_ =	sdelay $0x4  }
0x128: {  	v2 =	vshll.u32 v2, $0xB  }
0x129: {  	v2 =	vperm.xlane v2, v1;
	_ =	sdelay $0x4  }
0x12a: {  	s16 =	simm.s32 $0x7880  }
0x12b: {  	[tilespmem:s16], [sflag:$0x1] =	stream.indirect_vreg.gather [hbm4b:s5+s2], $0x80, v2, vm0, $0x38;
	[tilespmem:$0x12080] =	vst v63  }
0x12c: {  	v2 =	vld [tilespmem:$0xAC0];
	_ =	sdelay $0x4  }
0x12d: {  	v2 =	vshll.u32 v2, $0xB  }
0x12e: {  	v2 =	vperm.xlane v2, v1;
	_ =	sdelay $0x4  }
0x12f: {  	s17 =	simm.s32 $0x8080  }
0x130: {  	[tilespmem:s17], [sflag:$0x1] =	stream.indirect_vreg.gather [hbm4b:s5+s2], $0x80, v2, vm0, $0x38;
	[tilespmem:$0x12080] =	vst v63  }
0x131: {  	v2 =	vld [tilespmem:$0xAD0];
	_ =	sdelay $0x4  }
0x132: {  	v2 =	vshll.u32 v2, $0xB  }
0x133: {  	v2 =	vperm.xlane v2, v1;
	_ =	sdelay $0x4  }
0x134: {  	s18 =	simm.s32 $0x8880  }
0x135: {  	[tilespmem:s18], [sflag:$0x1] =	stream.indirect_vreg.gather [hbm4b:s5+s2], $0x80, v2, vm0, $0x38;
	[tilespmem:$0x12080] =	vst v63  }
0x136: {  	v2 =	vld [tilespmem:$0xAE0];
	_ =	sdelay $0x4  }
0x137: {  	v2 =	vshll.u32 v2, $0xB  }
0x138: {  	v2 =	vperm.xlane v2, v1;
	_ =	sdelay $0x4  }
0x139: {  	s23 =	simm.s32 $0x9080  }
0x13a: {  	[tilespmem:s23], [sflag:$0x1] =	stream.indirect_vreg.gather [hbm4b:s5+s2], $0x80, v2, vm0, $0x38;
	[tilespmem:$0x12080] =	vst v63  }
0x13b: {  	v2 =	vld [tilespmem:$0xAF0];
	_ =	sdelay $0x4  }
0x13c: {  	v2 =	vshll.u32 v2, $0xB  }
0x13d: {  	v2 =	vperm.xlane v2, v1;
	_ =	sdelay $0x4  }
0x13e: {  	s22 =	simm.s32 $0x9880  }
0x13f: {  	[tilespmem:s22], [sflag:$0x1] =	stream.indirect_vreg.gather [hbm4b:s5+s2], $0x80, v2, vm0, $0x38;
	[tilespmem:$0x12080] =	vst v63  }
0x140: {  	_ =	swait.ge [sflag:s1], $0x8000  }
0x141: {  	[sflag:s1] =	ssyncset.done $0x0  }
0x142: {  	s22 =	rddreg [dreg:$0x6];
	[sflag:s1] =	ssyncadd.s32 $0xFFFF8000  }
0x143: {  	[hbm4b:s22+s2] =	stream.linear.scatter [tilespmem:s3], [sflag:$0x3], $0x8000, $0x38;
	[tilespmem:$0x12080] =	vst v63  }
0x144: {  	_ =	swait.ge [sflag:s19], $0x8000  }
0x145: {  	[sflag:s19] =	ssyncset.done $0x0  }
0x146: {  	[sflag:s19] =	ssyncadd.s32 $0xFFFF8000  }
0x147: {  	v2 =	vld [tilespmem:$0xB00];
	_ =	sdelay $0x4  }
0x148: {  	v2 =	vshll.u32 v2, $0xB  }
0x149: {  	v2 =	vperm.xlane v2, v1;
	_ =	sdelay $0x5  }
0x14a: {  	[tilespmem:s3], [sflag:$0x2] =	stream.indirect_vreg.gather [hbm4b:s5+s2], $0x80, v2, vm0, $0x38;
	[tilespmem:$0x12080] =	vst v63  }
0x14b: {  	v2 =	vld [tilespmem:$0xB10];
	_ =	sdelay $0x4  }
0x14c: {  	v2 =	vshll.u32 v2, $0xB  }
0x14d: {  	v2 =	vperm.xlane v2, v1;
	_ =	sdelay $0x4  }
0x14e: {  	s22 =	simm.s32 $0xA880  }
0x14f: {  	[tilespmem:s22], [sflag:$0x2] =	stream.indirect_vreg.gather [hbm4b:s5+s2], $0x80, v2, vm0, $0x38;
	[tilespmem:$0x12080] =	vst v63  }
0x150: {  	v2 =	vld [tilespmem:$0xB20];
	_ =	sdelay $0x4  }
0x151: {  	v2 =	vshll.u32 v2, $0xB  }
0x152: {  	v2 =	vperm.xlane v2, v1;
	_ =	sdelay $0x4  }
0x153: {  	s22 =	simm.s32 $0xB080  }
0x154: {  	[tilespmem:s22], [sflag:$0x2] =	stream.indirect_vreg.gather [hbm4b:s5+s2], $0x80, v2, vm0, $0x38;
	[tilespmem:$0x12080] =	vst v63  }
0x155: {  	v2 =	vld [tilespmem:$0xB30];
	_ =	sdelay $0x4  }
0x156: {  	v2 =	vshll.u32 v2, $0xB  }
0x157: {  	v2 =	vperm.xlane v2, v1;
	_ =	sdelay $0x4  }
0x158: {  	s22 =	simm.s32 $0xB880  }
0x159: {  	[tilespmem:s22], [sflag:$0x2] =	stream.indirect_vreg.gather [hbm4b:s5+s2], $0x80, v2, vm0, $0x38;
	[tilespmem:$0x12080] =	vst v63  }
0x15a: {  	v2 =	vld [tilespmem:$0xB40];
	_ =	sdelay $0x4  }
0x15b: {  	v2 =	vshll.u32 v2, $0xB  }
0x15c: {  	v2 =	vperm.xlane v2, v1;
	_ =	sdelay $0x4  }
0x15d: {  	s22 =	simm.s32 $0xC080  }
0x15e: {  	[tilespmem:s22], [sflag:$0x2] =	stream.indirect_vreg.gather [hbm4b:s5+s2], $0x80, v2, vm0, $0x38;
	[tilespmem:$0x12080] =	vst v63  }
0x15f: {  	v2 =	vld [tilespmem:$0xB50];
	_ =	sdelay $0x4  }
0x160: {  	v2 =	vshll.u32 v2, $0xB  }
0x161: {  	v2 =	vperm.xlane v2, v1;
	_ =	sdelay $0x4  }
0x162: {  	s29 =	simm.s32 $0xC880  }
0x163: {  	[tilespmem:s29], [sflag:$0x2] =	stream.indirect_vreg.gather [hbm4b:s5+s2], $0x80, v2, vm0, $0x38;
	[tilespmem:$0x12080] =	vst v63  }
0x164: {  	v2 =	vld [tilespmem:$0xB60];
	_ =	sdelay $0x4  }
0x165: {  	v2 =	vshll.u32 v2, $0xB  }
0x166: {  	v2 =	vperm.xlane v2, v1;
	_ =	sdelay $0x4  }
0x167: {  	s30 =	simm.s32 $0xD080  }
0x168: {  	[tilespmem:s30], [sflag:$0x2] =	stream.indirect_vreg.gather [hbm4b:s5+s2], $0x80, v2, vm0, $0x38;
	[tilespmem:$0x12080] =	vst v63  }
0x169: {  	v2 =	vld [tilespmem:$0xB70];
	_ =	sdelay $0x4  }
0x16a: {  	v2 =	vshll.u32 v2, $0xB  }
0x16b: {  	v2 =	vperm.xlane v2, v1;
	_ =	sdelay $0x4  }
0x16c: {  	s31 =	simm.s32 $0xD880  }
0x16d: {  	[tilespmem:s31], [sflag:$0x2] =	stream.indirect_vreg.gather [hbm4b:s5+s2], $0x80, v2, vm0, $0x38;
	[tilespmem:$0x12080] =	vst v63  }
0x16e: {  	v2 =	vld [tilespmem:$0xB80];
	_ =	sdelay $0x4  }
0x16f: {  	v2 =	vshll.u32 v2, $0xB  }
0x170: {  	v2 =	vperm.xlane v2, v1;
	_ =	sdelay $0x4  }
0x171: {  	s22 =	simm.s32 $0xE080  }
0x172: {  	[tilespmem:s22], [sflag:$0x2] =	stream.indirect_vreg.gather [hbm4b:s5+s2], $0x80, v2, vm0, $0x38;
	[tilespmem:$0x12080] =	vst v63  }
0x173: {  	v2 =	vld [tilespmem:$0xB90];
	_ =	sdelay $0x4  }
0x174: {  	v2 =	vshll.u32 v2, $0xB  }
0x175: {  	v2 =	vperm.xlane v2, v1;
	_ =	sdelay $0x4  }
0x176: {  	s22 =	simm.s32 $0xE880  }
0x177: {  	[tilespmem:s22], [sflag:$0x2] =	stream.indirect_vreg.gather [hbm4b:s5+s2], $0x80, v2, vm0, $0x38;
	[tilespmem:$0x12080] =	vst v63  }
0x178: {  	v2 =	vld [tilespmem:$0xBA0];
	_ =	sdelay $0x4  }
0x179: {  	v2 =	vshll.u32 v2, $0xB  }
0x17a: {  	v2 =	vperm.xlane v2, v1;
	_ =	sdelay $0x4  }
0x17b: {  	s22 =	simm.s32 $0xF080  }
0x17c: {  	[tilespmem:s22], [sflag:$0x2] =	stream.indirect_vreg.gather [hbm4b:s5+s2], $0x80, v2, vm0, $0x38;
	[tilespmem:$0x12080] =	vst v63  }
0x17d: {  	v2 =	vld [tilespmem:$0xBB0];
	_ =	sdelay $0x4  }
0x17e: {  	v2 =	vshll.u32 v2, $0xB  }
0x17f: {  	v2 =	vperm.xlane v2, v1;
	_ =	sdelay $0x4  }
0x180: {  	s22 =	simm.s32 $0xF880  }
0x181: {  	[tilespmem:s22], [sflag:$0x2] =	stream.indirect_vreg.gather [hbm4b:s5+s2], $0x80, v2, vm0, $0x38;
	[tilespmem:$0x12080] =	vst v63  }
0x182: {  	v2 =	vld [tilespmem:$0xBC0];
	_ =	sdelay $0x4  }
0x183: {  	v2 =	vshll.u32 v2, $0xB  }
0x184: {  	v2 =	vperm.xlane v2, v1;
	_ =	sdelay $0x4  }
0x185: {  	s22 =	simm.s32 $0x10080  }
0x186: {  	[tilespmem:s22], [sflag:$0x2] =	stream.indirect_vreg.gather [hbm4b:s5+s2], $0x80, v2, vm0, $0x38;
	[tilespmem:$0x12080] =	vst v63  }
0x187: {  	v2 =	vld [tilespmem:$0xBD0];
	_ =	sdelay $0x4  }
0x188: {  	v2 =	vshll.u32 v2, $0xB  }
0x189: {  	v2 =	vperm.xlane v2, v1;
	_ =	sdelay $0x4  }
0x18a: {  	s22 =	simm.s32 $0x10880  }
0x18b: {  	[tilespmem:s22], [sflag:$0x2] =	stream.indirect_vreg.gather [hbm4b:s5+s2], $0x80, v2, vm0, $0x38;
	[tilespmem:$0x12080] =	vst v63  }
0x18c: {  	v2 =	vld [tilespmem:$0xBE0];
	_ =	sdelay $0x4  }
0x18d: {  	v2 =	vshll.u32 v2, $0xB  }
0x18e: {  	v2 =	vperm.xlane v2, v1;
	_ =	sdelay $0x4  }
0x18f: {  	s22 =	simm.s32 $0x11080  }
0x190: {  	[tilespmem:s22], [sflag:$0x2] =	stream.indirect_vreg.gather [hbm4b:s5+s2], $0x80, v2, vm0, $0x38;
	[tilespmem:$0x12080] =	vst v63  }
0x191: {  	v2 =	vld [tilespmem:$0xBF0];
	_ =	sdelay $0x4  }
0x192: {  	v2 =	vshll.u32 v2, $0xB  }
0x193: {  	v2 =	vperm.xlane v2, v1;
	_ =	sdelay $0x4  }
0x194: {  	s22 =	simm.s32 $0x11880  }
0x195: {  	[tilespmem:s22], [sflag:$0x2] =	stream.indirect_vreg.gather [hbm4b:s5+s2], $0x80, v2, vm0, $0x38;
	[tilespmem:$0x12080] =	vst v63  }
0x196: {  	_ =	swait.ge [sflag:s24], $0x8000  }
0x197: {  	[sflag:s24] =	ssyncset.done $0x0  }
0x198: {  	s22 =	rddreg [dreg:$0x7];
	[sflag:s24] =	ssyncadd.s32 $0xFFFF8000  }
0x199: {  	[hbm4b:s22+s2] =	stream.linear.scatter [tilespmem:s10], [sflag:$0x3], $0x8000, $0x38;
	[tilespmem:$0x12080] =	vst v63  }
0x19a: {  	_ =	swait.ge [sflag:s19], $0x8000  }
0x19b: {  	[sflag:s19] =	ssyncset.done $0x0  }
0x19c: {  	[sflag:s19] =	ssyncadd.s32 $0xFFFF8000  }
0x19d: {  	v2 =	vld [tilespmem:$0xC00];
	_ =	sdelay $0x4  }
0x19e: {  	v2 =	vshll.u32 v2, $0xB  }
0x19f: {  	v2 =	vperm.xlane v2, v1;
	_ =	sdelay $0x5  }
0x1a0: {  	[tilespmem:s10], [sflag:$0x1] =	stream.indirect_vreg.gather [hbm4b:s5+s2], $0x80, v2, vm0, $0x38;
	[tilespmem:$0x12080] =	vst v63  }
0x1a1: {  	v2 =	vld [tilespmem:$0xC10];
	_ =	sdelay $0x4  }
0x1a2: {  	v2 =	vshll.u32 v2, $0xB  }
0x1a3: {  	v2 =	vperm.xlane v2, v1;
	_ =	sdelay $0x5  }
0x1a4: {  	[tilespmem:s8], [sflag:$0x1] =	stream.indirect_vreg.gather [hbm4b:s5+s2], $0x80, v2, vm0, $0x38;
	[tilespmem:$0x12080] =	vst v63  }
0x1a5: {  	v2 =	vld [tilespmem:$0xC20];
	_ =	sdelay $0x4  }
0x1a6: {  	v2 =	vshll.u32 v2, $0xB  }
0x1a7: {  	v2 =	vperm.xlane v2, v1;
	_ =	sdelay $0x5  }
0x1a8: {  	[tilespmem:s25], [sflag:$0x1] =	stream.indirect_vreg.gather [hbm4b:s5+s2], $0x80, v2, vm0, $0x38;
	[tilespmem:$0x12080] =	vst v63  }
0x1a9: {  	v2 =	vld [tilespmem:$0xC30];
	_ =	sdelay $0x4  }
0x1aa: {  	v2 =	vshll.u32 v2, $0xB  }
0x1ab: {  	v2 =	vperm.xlane v2, v1;
	_ =	sdelay $0x5  }
0x1ac: {  	[tilespmem:s26], [sflag:$0x1] =	stream.indirect_vreg.gather [hbm4b:s5+s2], $0x80, v2, vm0, $0x38;
	[tilespmem:$0x12080] =	vst v63  }
0x1ad: {  	v2 =	vld [tilespmem:$0xC40];
	_ =	sdelay $0x4  }
0x1ae: {  	v2 =	vshll.u32 v2, $0xB  }
0x1af: {  	v2 =	vperm.xlane v2, v1;
	_ =	sdelay $0x5  }
0x1b0: {  	[tilespmem:s28], [sflag:$0x1] =	stream.indirect_vreg.gather [hbm4b:s5+s2], $0x80, v2, vm0, $0x38;
	[tilespmem:$0x12080] =	vst v63  }
0x1b1: {  	v2 =	vld [tilespmem:$0xC50];
	_ =	sdelay $0x4  }
0x1b2: {  	v2 =	vshll.u32 v2, $0xB  }
0x1b3: {  	v2 =	vperm.xlane v2, v1;
	_ =	sdelay $0x5  }
0x1b4: {  	[tilespmem:s9], [sflag:$0x1] =	stream.indirect_vreg.gather [hbm4b:s5+s2], $0x80, v2, vm0, $0x38;
	[tilespmem:$0x12080] =	vst v63  }
0x1b5: {  	v2 =	vld [tilespmem:$0xC60];
	_ =	sdelay $0x4  }
0x1b6: {  	v2 =	vshll.u32 v2, $0xB  }
0x1b7: {  	v2 =	vperm.xlane v2, v1;
	_ =	sdelay $0x5  }
0x1b8: {  	[tilespmem:s11], [sflag:$0x1] =	stream.indirect_vreg.gather [hbm4b:s5+s2], $0x80, v2, vm0, $0x38;
	[tilespmem:$0x12080] =	vst v63  }
0x1b9: {  	v2 =	vld [tilespmem:$0xC70];
	_ =	sdelay $0x4  }
0x1ba: {  	v2 =	vshll.u32 v2, $0xB  }
0x1bb: {  	v2 =	vperm.xlane v2, v1;
	_ =	sdelay $0x5  }
0x1bc: {  	[tilespmem:s12], [sflag:$0x1] =	stream.indirect_vreg.gather [hbm4b:s5+s2], $0x80, v2, vm0, $0x38;
	[tilespmem:$0x12080] =	vst v63  }
0x1bd: {  	v2 =	vld [tilespmem:$0xC80];
	_ =	sdelay $0x4  }
0x1be: {  	v2 =	vshll.u32 v2, $0xB  }
0x1bf: {  	v2 =	vperm.xlane v2, v1;
	_ =	sdelay $0x5  }
0x1c0: {  	[tilespmem:s13], [sflag:$0x1] =	stream.indirect_vreg.gather [hbm4b:s5+s2], $0x80, v2, vm0, $0x38;
	[tilespmem:$0x12080] =	vst v63  }
0x1c1: {  	v2 =	vld [tilespmem:$0xC90];
	_ =	sdelay $0x4  }
0x1c2: {  	v2 =	vshll.u32 v2, $0xB  }
0x1c3: {  	v2 =	vperm.xlane v2, v1;
	_ =	sdelay $0x5  }
0x1c4: {  	[tilespmem:s14], [sflag:$0x1] =	stream.indirect_vreg.gather [hbm4b:s5+s2], $0x80, v2, vm0, $0x38;
	[tilespmem:$0x12080] =	vst v63  }
0x1c5: {  	v2 =	vld [tilespmem:$0xCA0];
	_ =	sdelay $0x4  }
0x1c6: {  	v2 =	vshll.u32 v2, $0xB  }
0x1c7: {  	v2 =	vperm.xlane v2, v1;
	_ =	sdelay $0x5  }
0x1c8: {  	[tilespmem:s15], [sflag:$0x1] =	stream.indirect_vreg.gather [hbm4b:s5+s2], $0x80, v2, vm0, $0x38;
	[tilespmem:$0x12080] =	vst v63  }
0x1c9: {  	v2 =	vld [tilespmem:$0xCB0];
	_ =	sdelay $0x4  }
0x1ca: {  	v2 =	vshll.u32 v2, $0xB  }
0x1cb: {  	v2 =	vperm.xlane v2, v1;
	_ =	sdelay $0x5  }
0x1cc: {  	[tilespmem:s16], [sflag:$0x1] =	stream.indirect_vreg.gather [hbm4b:s5+s2], $0x80, v2, vm0, $0x38;
	[tilespmem:$0x12080] =	vst v63  }
0x1cd: {  	v2 =	vld [tilespmem:$0xCC0];
	_ =	sdelay $0x4  }
0x1ce: {  	v2 =	vshll.u32 v2, $0xB  }
0x1cf: {  	v2 =	vperm.xlane v2, v1;
	_ =	sdelay $0x5  }
0x1d0: {  	[tilespmem:s17], [sflag:$0x1] =	stream.indirect_vreg.gather [hbm4b:s5+s2], $0x80, v2, vm0, $0x38;
	[tilespmem:$0x12080] =	vst v63  }
0x1d1: {  	v2 =	vld [tilespmem:$0xCD0];
	_ =	sdelay $0x4  }
0x1d2: {  	v2 =	vshll.u32 v2, $0xB  }
0x1d3: {  	v2 =	vperm.xlane v2, v1;
	_ =	sdelay $0x5  }
0x1d4: {  	[tilespmem:s18], [sflag:$0x1] =	stream.indirect_vreg.gather [hbm4b:s5+s2], $0x80, v2, vm0, $0x38;
	[tilespmem:$0x12080] =	vst v63  }
0x1d5: {  	v2 =	vld [tilespmem:$0xCE0];
	_ =	sdelay $0x4  }
0x1d6: {  	v2 =	vshll.u32 v2, $0xB  }
0x1d7: {  	v2 =	vperm.xlane v2, v1;
	_ =	sdelay $0x5  }
0x1d8: {  	[tilespmem:s23], [sflag:$0x1] =	stream.indirect_vreg.gather [hbm4b:s5+s2], $0x80, v2, vm0, $0x38;
	[tilespmem:$0x12080] =	vst v63  }
0x1d9: {  	v2 =	vld [tilespmem:$0xCF0];
	_ =	sdelay $0x4  }
0x1da: {  	v2 =	vshll.u32 v2, $0xB  }
0x1db: {  	v2 =	vperm.xlane v2, v1;
	_ =	sdelay $0x4  }
0x1dc: {  	s28 =	simm.s32 $0x9880  }
0x1dd: {  	[tilespmem:s28], [sflag:$0x1] =	stream.indirect_vreg.gather [hbm4b:s5+s2], $0x80, v2, vm0, $0x38;
	[tilespmem:$0x12080] =	vst v63  }
0x1de: {  	_ =	swait.ge [sflag:s1], $0x8000  }
0x1df: {  	[sflag:s1] =	ssyncset.done $0x0  }
0x1e0: {  	s28 =	rddreg [dreg:$0x8];
	[sflag:s1] =	ssyncadd.s32 $0xFFFF8000  }
0x1e1: {  	[hbm4b:s28+s2] =	stream.linear.scatter [tilespmem:s3], [sflag:$0x3], $0x8000, $0x38;
	[tilespmem:$0x12080] =	vst v63  }
0x1e2: {  	_ =	swait.ge [sflag:s19], $0x8000  }
0x1e3: {  	[sflag:s19] =	ssyncset.done $0x0  }
0x1e4: {  	[sflag:s19] =	ssyncadd.s32 $0xFFFF8000  }
0x1e5: {  	v2 =	vld [tilespmem:$0xD00];
	_ =	sdelay $0x4  }
0x1e6: {  	v2 =	vshll.u32 v2, $0xB  }
0x1e7: {  	v2 =	vperm.xlane v2, v1;
	_ =	sdelay $0x5  }
0x1e8: {  	[tilespmem:s3], [sflag:$0x2] =	stream.indirect_vreg.gather [hbm4b:s5+s2], $0x80, v2, vm0, $0x38;
	[tilespmem:$0x12080] =	vst v63  }
0x1e9: {  	v2 =	vld [tilespmem:$0xD10];
	_ =	sdelay $0x4  }
0x1ea: {  	v2 =	vshll.u32 v2, $0xB  }
0x1eb: {  	v2 =	vperm.xlane v2, v1;
	_ =	sdelay $0x4  }
0x1ec: {  	s28 =	simm.s32 $0xA880  }
0x1ed: {  	[tilespmem:s28], [sflag:$0x2] =	stream.indirect_vreg.gather [hbm4b:s5+s2], $0x80, v2, vm0, $0x38;
	[tilespmem:$0x12080] =	vst v63  }
0x1ee: {  	v2 =	vld [tilespmem:$0xD20];
	_ =	sdelay $0x4  }
0x1ef: {  	v2 =	vshll.u32 v2, $0xB  }
0x1f0: {  	v2 =	vperm.xlane v2, v1;
	_ =	sdelay $0x4  }
0x1f1: {  	s28 =	simm.s32 $0xB080  }
0x1f2: {  	[tilespmem:s28], [sflag:$0x2] =	stream.indirect_vreg.gather [hbm4b:s5+s2], $0x80, v2, vm0, $0x38;
	[tilespmem:$0x12080] =	vst v63  }
0x1f3: {  	v2 =	vld [tilespmem:$0xD30];
	_ =	sdelay $0x4  }
0x1f4: {  	v2 =	vshll.u32 v2, $0xB  }
0x1f5: {  	v2 =	vperm.xlane v2, v1;
	_ =	sdelay $0x4  }
0x1f6: {  	s28 =	simm.s32 $0xB880  }
0x1f7: {  	[tilespmem:s28], [sflag:$0x2] =	stream.indirect_vreg.gather [hbm4b:s5+s2], $0x80, v2, vm0, $0x38;
	[tilespmem:$0x12080] =	vst v63  }
0x1f8: {  	v2 =	vld [tilespmem:$0xD40];
	_ =	sdelay $0x4  }
0x1f9: {  	v2 =	vshll.u32 v2, $0xB  }
0x1fa: {  	v2 =	vperm.xlane v2, v1;
	_ =	sdelay $0x4  }
0x1fb: {  	s28 =	simm.s32 $0xC080  }
0x1fc: {  	[tilespmem:s28], [sflag:$0x2] =	stream.indirect_vreg.gather [hbm4b:s5+s2], $0x80, v2, vm0, $0x38;
	[tilespmem:$0x12080] =	vst v63  }
0x1fd: {  	v2 =	vld [tilespmem:$0xD50];
	_ =	sdelay $0x4  }
0x1fe: {  	v2 =	vshll.u32 v2, $0xB  }
0x1ff: {  	v2 =	vperm.xlane v2, v1;
	_ =	sdelay $0x4  }
0x200: {  	s29 =	simm.s32 $0xC880  }
0x201: {  	[tilespmem:s29], [sflag:$0x2] =	stream.indirect_vreg.gather [hbm4b:s5+s2], $0x80, v2, vm0, $0x38;
	[tilespmem:$0x12080] =	vst v63  }
0x202: {  	v2 =	vld [tilespmem:$0xD60];
	_ =	sdelay $0x4  }
0x203: {  	v2 =	vshll.u32 v2, $0xB  }
0x204: {  	v2 =	vperm.xlane v2, v1;
	_ =	sdelay $0x4  }
0x205: {  	s30 =	simm.s32 $0xD080  }
0x206: {  	[tilespmem:s30], [sflag:$0x2] =	stream.indirect_vreg.gather [hbm4b:s5+s2], $0x80, v2, vm0, $0x38;
	[tilespmem:$0x12080] =	vst v63  }
0x207: {  	v2 =	vld [tilespmem:$0xD70];
	_ =	sdelay $0x4  }
0x208: {  	v2 =	vshll.u32 v2, $0xB  }
0x209: {  	v2 =	vperm.xlane v2, v1;
	_ =	sdelay $0x4  }
0x20a: {  	s31 =	simm.s32 $0xD880  }
0x20b: {  	[tilespmem:s31], [sflag:$0x2] =	stream.indirect_vreg.gather [hbm4b:s5+s2], $0x80, v2, vm0, $0x38;
	[tilespmem:$0x12080] =	vst v63  }
0x20c: {  	v2 =	vld [tilespmem:$0xD80];
	_ =	sdelay $0x4  }
0x20d: {  	v2 =	vshll.u32 v2, $0xB  }
0x20e: {  	v2 =	vperm.xlane v2, v1;
	_ =	sdelay $0x4  }
0x20f: {  	s4 =	simm.s32 $0xE080  }
0x210: {  	[tilespmem:s4], [sflag:$0x2] =	stream.indirect_vreg.gather [hbm4b:s5+s2], $0x80, v2, vm0, $0x38;
	[tilespmem:$0x12080] =	vst v63  }
0x211: {  	v2 =	vld [tilespmem:$0xD90];
	_ =	sdelay $0x4  }
0x212: {  	v2 =	vshll.u32 v2, $0xB  }
0x213: {  	v2 =	vperm.xlane v2, v1;
	_ =	sdelay $0x4  }
0x214: {  	s4 =	simm.s32 $0xE880  }
0x215: {  	[tilespmem:s4], [sflag:$0x2] =	stream.indirect_vreg.gather [hbm4b:s5+s2], $0x80, v2, vm0, $0x38;
	[tilespmem:$0x12080] =	vst v63  }
0x216: {  	v2 =	vld [tilespmem:$0xDA0];
	_ =	sdelay $0x4  }
0x217: {  	v2 =	vshll.u32 v2, $0xB  }
0x218: {  	v2 =	vperm.xlane v2, v1;
	_ =	sdelay $0x4  }
0x219: {  	s4 =	simm.s32 $0xF080  }
0x21a: {  	[tilespmem:s4], [sflag:$0x2] =	stream.indirect_vreg.gather [hbm4b:s5+s2], $0x80, v2, vm0, $0x38;
	[tilespmem:$0x12080] =	vst v63  }
0x21b: {  	v2 =	vld [tilespmem:$0xDB0];
	_ =	sdelay $0x4  }
0x21c: {  	v2 =	vshll.u32 v2, $0xB  }
0x21d: {  	v2 =	vperm.xlane v2, v1;
	_ =	sdelay $0x4  }
0x21e: {  	s4 =	simm.s32 $0xF880  }
0x21f: {  	[tilespmem:s4], [sflag:$0x2] =	stream.indirect_vreg.gather [hbm4b:s5+s2], $0x80, v2, vm0, $0x38;
	[tilespmem:$0x12080] =	vst v63  }
0x220: {  	v2 =	vld [tilespmem:$0xDC0];
	_ =	sdelay $0x4  }
0x221: {  	v2 =	vshll.u32 v2, $0xB  }
0x222: {  	v2 =	vperm.xlane v2, v1;
	_ =	sdelay $0x4  }
0x223: {  	s4 =	simm.s32 $0x10080  }
0x224: {  	[tilespmem:s4], [sflag:$0x2] =	stream.indirect_vreg.gather [hbm4b:s5+s2], $0x80, v2, vm0, $0x38;
	[tilespmem:$0x12080] =	vst v63  }
0x225: {  	v2 =	vld [tilespmem:$0xDD0];
	_ =	sdelay $0x4  }
0x226: {  	v2 =	vshll.u32 v2, $0xB  }
0x227: {  	v2 =	vperm.xlane v2, v1;
	_ =	sdelay $0x4  }
0x228: {  	s4 =	simm.s32 $0x10880  }
0x229: {  	[tilespmem:s4], [sflag:$0x2] =	stream.indirect_vreg.gather [hbm4b:s5+s2], $0x80, v2, vm0, $0x38;
	[tilespmem:$0x12080] =	vst v63  }
0x22a: {  	v2 =	vld [tilespmem:$0xDE0];
	_ =	sdelay $0x4  }
0x22b: {  	v2 =	vshll.u32 v2, $0xB  }
0x22c: {  	v2 =	vperm.xlane v2, v1;
	_ =	sdelay $0x4  }
0x22d: {  	s4 =	simm.s32 $0x11080  }
0x22e: {  	[tilespmem:s4], [sflag:$0x2] =	stream.indirect_vreg.gather [hbm4b:s5+s2], $0x80, v2, vm0, $0x38;
	[tilespmem:$0x12080] =	vst v63  }
0x22f: {  	v2 =	vld [tilespmem:$0xDF0];
	_ =	sdelay $0x4  }
0x230: {  	v2 =	vshll.u32 v2, $0xB  }
0x231: {  	v2 =	vperm.xlane v2, v1;
	_ =	sdelay $0x4  }
0x232: {  	s4 =	simm.s32 $0x11880  }
0x233: {  	[tilespmem:s4], [sflag:$0x2] =	stream.indirect_vreg.gather [hbm4b:s5+s2], $0x80, v2, vm0, $0x38;
	[tilespmem:$0x12080] =	vst v63  }
0x234: {  	_ =	swait.ge [sflag:s24], $0x8000  }
0x235: {  	[sflag:s24] =	ssyncset.done $0x0  }
0x236: {  	s4 =	rddreg [dreg:$0x9];
	[sflag:s24] =	ssyncadd.s32 $0xFFFF8000  }
0x237: {  	[hbm4b:s4+s2] =	stream.linear.scatter [tilespmem:s10], [sflag:$0x3], $0x8000, $0x38;
	[tilespmem:$0x12080] =	vst v63  }
0x238: {  	_ =	swait.ge [sflag:s19], $0x8000  }
0x239: {  	[sflag:s19] =	ssyncset.done $0x0  }
0x23a: {  	[sflag:s19] =	ssyncadd.s32 $0xFFFF8000  }
0x23b: {  	v2 =	vld [tilespmem:$0xE00];
	_ =	sdelay $0x4  }
0x23c: {  	v2 =	vshll.u32 v2, $0xB  }
0x23d: {  	v2 =	vperm.xlane v2, v1;
	_ =	sdelay $0x5  }
0x23e: {  	[tilespmem:s10], [sflag:$0x1] =	stream.indirect_vreg.gather [hbm4b:s5+s2], $0x80, v2, vm0, $0x38;
	[tilespmem:$0x12080] =	vst v63  }
0x23f: {  	v2 =	vld [tilespmem:$0xE10];
	_ =	sdelay $0x4  }
0x240: {  	v2 =	vshll.u32 v2, $0xB  }
0x241: {  	v2 =	vperm.xlane v2, v1;
	_ =	sdelay $0x4  }
0x242: {  	s8 =	simm.s32 $0x2880  }
0x243: {  	[tilespmem:s8], [sflag:$0x1] =	stream.indirect_vreg.gather [hbm4b:s5+s2], $0x80, v2, vm0, $0x38;
	[tilespmem:$0x12080] =	vst v63  }
0x244: {  	v2 =	vld [tilespmem:$0xE20];
	_ =	sdelay $0x4  }
0x245: {  	v2 =	vshll.u32 v2, $0xB  }
0x246: {  	v2 =	vperm.xlane v2, v1;
	_ =	sdelay $0x4  }
0x247: {  	s22 =	simm.s32 $0x3080  }
0x248: {  	[tilespmem:s22], [sflag:$0x1] =	stream.indirect_vreg.gather [hbm4b:s5+s2], $0x80, v2, vm0, $0x38;
	[tilespmem:$0x12080] =	vst v63  }
0x249: {  	v2 =	vld [tilespmem:$0xE30];
	_ =	sdelay $0x4  }
0x24a: {  	v2 =	vshll.u32 v2, $0xB  }
0x24b: {  	v2 =	vperm.xlane v2, v1;
	_ =	sdelay $0x4  }
0x24c: {  	s26 =	simm.s32 $0x3880  }
0x24d: {  	[tilespmem:s26], [sflag:$0x1] =	stream.indirect_vreg.gather [hbm4b:s5+s2], $0x80, v2, vm0, $0x38;
	[tilespmem:$0x12080] =	vst v63  }
0x24e: {  	v2 =	vld [tilespmem:$0xE40];
	_ =	sdelay $0x4  }
0x24f: {  	v2 =	vshll.u32 v2, $0xB  }
0x250: {  	v2 =	vperm.xlane v2, v1;
	_ =	sdelay $0x4  }
0x251: {  	s25 =	simm.s32 $0x4080  }
0x252: {  	[tilespmem:s25], [sflag:$0x1] =	stream.indirect_vreg.gather [hbm4b:s5+s2], $0x80, v2, vm0, $0x38;
	[tilespmem:$0x12080] =	vst v63  }
0x253: {  	v2 =	vld [tilespmem:$0xE50];
	_ =	sdelay $0x4  }
0x254: {  	v2 =	vshll.u32 v2, $0xB  }
0x255: {  	v2 =	vperm.xlane v2, v1;
	_ =	sdelay $0x4  }
0x256: {  	s9 =	simm.s32 $0x4880  }
0x257: {  	[tilespmem:s9], [sflag:$0x1] =	stream.indirect_vreg.gather [hbm4b:s5+s2], $0x80, v2, vm0, $0x38;
	[tilespmem:$0x12080] =	vst v63  }
0x258: {  	v2 =	vld [tilespmem:$0xE60];
	_ =	sdelay $0x4  }
0x259: {  	v2 =	vshll.u32 v2, $0xB  }
0x25a: {  	v2 =	vperm.xlane v2, v1;
	_ =	sdelay $0x4  }
0x25b: {  	s11 =	simm.s32 $0x5080  }
0x25c: {  	[tilespmem:s11], [sflag:$0x1] =	stream.indirect_vreg.gather [hbm4b:s5+s2], $0x80, v2, vm0, $0x38;
	[tilespmem:$0x12080] =	vst v63  }
0x25d: {  	v2 =	vld [tilespmem:$0xE70];
	_ =	sdelay $0x4  }
0x25e: {  	v2 =	vshll.u32 v2, $0xB  }
0x25f: {  	v2 =	vperm.xlane v2, v1;
	_ =	sdelay $0x4  }
0x260: {  	s12 =	simm.s32 $0x5880  }
0x261: {  	[tilespmem:s12], [sflag:$0x1] =	stream.indirect_vreg.gather [hbm4b:s5+s2], $0x80, v2, vm0, $0x38;
	[tilespmem:$0x12080] =	vst v63  }
0x262: {  	v2 =	vld [tilespmem:$0xE80];
	_ =	sdelay $0x4  }
0x263: {  	v2 =	vshll.u32 v2, $0xB  }
0x264: {  	v2 =	vperm.xlane v2, v1;
	_ =	sdelay $0x4  }
0x265: {  	s13 =	simm.s32 $0x6080  }
0x266: {  	[tilespmem:s13], [sflag:$0x1] =	stream.indirect_vreg.gather [hbm4b:s5+s2], $0x80, v2, vm0, $0x38;
	[tilespmem:$0x12080] =	vst v63  }
0x267: {  	v2 =	vld [tilespmem:$0xE90];
	_ =	sdelay $0x4  }
0x268: {  	v2 =	vshll.u32 v2, $0xB  }
0x269: {  	v2 =	vperm.xlane v2, v1;
	_ =	sdelay $0x4  }
0x26a: {  	s14 =	simm.s32 $0x6880  }
0x26b: {  	[tilespmem:s14], [sflag:$0x1] =	stream.indirect_vreg.gather [hbm4b:s5+s2], $0x80, v2, vm0, $0x38;
	[tilespmem:$0x12080] =	vst v63  }
0x26c: {  	v2 =	vld [tilespmem:$0xEA0];
	_ =	sdelay $0x4  }
0x26d: {  	v2 =	vshll.u32 v2, $0xB  }
0x26e: {  	v2 =	vperm.xlane v2, v1;
	_ =	sdelay $0x4  }
0x26f: {  	s15 =	simm.s32 $0x7080  }
0x270: {  	[tilespmem:s15], [sflag:$0x1] =	stream.indirect_vreg.gather [hbm4b:s5+s2], $0x80, v2, vm0, $0x38;
	[tilespmem:$0x12080] =	vst v63  }
0x271: {  	v2 =	vld [tilespmem:$0xEB0];
	_ =	sdelay $0x4  }
0x272: {  	v2 =	vshll.u32 v2, $0xB  }
0x273: {  	v2 =	vperm.xlane v2, v1;
	_ =	sdelay $0x4  }
0x274: {  	s16 =	simm.s32 $0x7880  }
0x275: {  	[tilespmem:s16], [sflag:$0x1] =	stream.indirect_vreg.gather [hbm4b:s5+s2], $0x80, v2, vm0, $0x38;
	[tilespmem:$0x12080] =	vst v63  }
0x276: {  	v2 =	vld [tilespmem:$0xEC0];
	_ =	sdelay $0x4  }
0x277: {  	v2 =	vshll.u32 v2, $0xB  }
0x278: {  	v2 =	vperm.xlane v2, v1;
	_ =	sdelay $0x4  }
0x279: {  	s17 =	simm.s32 $0x8080  }
0x27a: {  	[tilespmem:s17], [sflag:$0x1] =	stream.indirect_vreg.gather [hbm4b:s5+s2], $0x80, v2, vm0, $0x38;
	[tilespmem:$0x12080] =	vst v63  }
0x27b: {  	v2 =	vld [tilespmem:$0xED0];
	_ =	sdelay $0x4  }
0x27c: {  	v2 =	vshll.u32 v2, $0xB  }
0x27d: {  	v2 =	vperm.xlane v2, v1;
	_ =	sdelay $0x4  }
0x27e: {  	s18 =	simm.s32 $0x8880  }
0x27f: {  	[tilespmem:s18], [sflag:$0x1] =	stream.indirect_vreg.gather [hbm4b:s5+s2], $0x80, v2, vm0, $0x38;
	[tilespmem:$0x12080] =	vst v63  }
0x280: {  	v2 =	vld [tilespmem:$0xEE0];
	_ =	sdelay $0x4  }
0x281: {  	v2 =	vshll.u32 v2, $0xB  }
0x282: {  	v2 =	vperm.xlane v2, v1;
	_ =	sdelay $0x4  }
0x283: {  	s23 =	simm.s32 $0x9080  }
0x284: {  	[tilespmem:s23], [sflag:$0x1] =	stream.indirect_vreg.gather [hbm4b:s5+s2], $0x80, v2, vm0, $0x38;
	[tilespmem:$0x12080] =	vst v63  }
0x285: {  	v2 =	vld [tilespmem:$0xEF0];
	_ =	sdelay $0x4  }
0x286: {  	v2 =	vshll.u32 v2, $0xB  }
0x287: {  	v2 =	vperm.xlane v2, v1;
	_ =	sdelay $0x4  }
0x288: {  	s11 =	simm.s32 $0x9880  }
0x289: {  	[tilespmem:s11], [sflag:$0x1] =	stream.indirect_vreg.gather [hbm4b:s5+s2], $0x80, v2, vm0, $0x38;
	[tilespmem:$0x12080] =	vst v63  }
0x28a: {  	_ =	swait.ge [sflag:s1], $0x8000  }
0x28b: {  	[sflag:s1] =	ssyncset.done $0x0  }
0x28c: {  	s12 =	rddreg [dreg:$0xb];
	[sflag:s1] =	ssyncadd.s32 $0xFFFF8000  }
0x28d: {  	[hbm4b:s12+s2] =	stream.linear.scatter [tilespmem:s3], [sflag:$0x3], $0x8000, $0x38;
	[tilespmem:$0x12080] =	vst v63  }
0x28e: {  	_ =	swait.ge [sflag:s19], $0x8000  }
0x28f: {  	[sflag:s19] =	ssyncset.done $0x0  }
0x290: {  	[sflag:s19] =	ssyncadd.s32 $0xFFFF8000  }
0x291: {  	v2 =	vld [tilespmem:$0xF00];
	_ =	sdelay $0x4  }
0x292: {  	v2 =	vshll.u32 v2, $0xB  }
0x293: {  	v2 =	vperm.xlane v2, v1;
	_ =	sdelay $0x5  }
0x294: {  	[tilespmem:s3], [sflag:$0x2] =	stream.indirect_vreg.gather [hbm4b:s5+s2], $0x80, v2, vm0, $0x38;
	[tilespmem:$0x12080] =	vst v63  }
0x295: {  	v2 =	vld [tilespmem:$0xF10];
	_ =	sdelay $0x4  }
0x296: {  	v2 =	vshll.u32 v2, $0xB  }
0x297: {  	v2 =	vperm.xlane v2, v1;
	_ =	sdelay $0x4  }
0x298: {  	s13 =	simm.s32 $0xA880  }
0x299: {  	[tilespmem:s13], [sflag:$0x2] =	stream.indirect_vreg.gather [hbm4b:s5+s2], $0x80, v2, vm0, $0x38;
	[tilespmem:$0x12080] =	vst v63  }
0x29a: {  	v2 =	vld [tilespmem:$0xF20];
	_ =	sdelay $0x4  }
0x29b: {  	v2 =	vshll.u32 v2, $0xB  }
0x29c: {  	v2 =	vperm.xlane v2, v1;
	_ =	sdelay $0x4  }
0x29d: {  	s14 =	simm.s32 $0xB080  }
0x29e: {  	[tilespmem:s14], [sflag:$0x2] =	stream.indirect_vreg.gather [hbm4b:s5+s2], $0x80, v2, vm0, $0x38;
	[tilespmem:$0x12080] =	vst v63  }
0x29f: {  	v2 =	vld [tilespmem:$0xF30];
	_ =	sdelay $0x4  }
0x2a0: {  	v2 =	vshll.u32 v2, $0xB  }
0x2a1: {  	v2 =	vperm.xlane v2, v1;
	_ =	sdelay $0x4  }
0x2a2: {  	s15 =	simm.s32 $0xB880  }
0x2a3: {  	[tilespmem:s15], [sflag:$0x2] =	stream.indirect_vreg.gather [hbm4b:s5+s2], $0x80, v2, vm0, $0x38;
	[tilespmem:$0x12080] =	vst v63  }
0x2a4: {  	v2 =	vld [tilespmem:$0xF40];
	_ =	sdelay $0x4  }
0x2a5: {  	v2 =	vshll.u32 v2, $0xB  }
0x2a6: {  	v2 =	vperm.xlane v2, v1;
	_ =	sdelay $0x4  }
0x2a7: {  	s28 =	simm.s32 $0xC080  }
0x2a8: {  	[tilespmem:s28], [sflag:$0x2] =	stream.indirect_vreg.gather [hbm4b:s5+s2], $0x80, v2, vm0, $0x38;
	[tilespmem:$0x12080] =	vst v63  }
0x2a9: {  	v2 =	vld [tilespmem:$0xF50];
	_ =	sdelay $0x4  }
0x2aa: {  	v2 =	vshll.u32 v2, $0xB  }
0x2ab: {  	v2 =	vperm.xlane v2, v1;
	_ =	sdelay $0x4  }
0x2ac: {  	s29 =	simm.s32 $0xC880  }
0x2ad: {  	[tilespmem:s29], [sflag:$0x2] =	stream.indirect_vreg.gather [hbm4b:s5+s2], $0x80, v2, vm0, $0x38;
	[tilespmem:$0x12080] =	vst v63  }
0x2ae: {  	v2 =	vld [tilespmem:$0xF60];
	_ =	sdelay $0x4  }
0x2af: {  	v2 =	vshll.u32 v2, $0xB  }
0x2b0: {  	v2 =	vperm.xlane v2, v1;
	_ =	sdelay $0x4  }
0x2b1: {  	s30 =	simm.s32 $0xD080  }
0x2b2: {  	[tilespmem:s30], [sflag:$0x2] =	stream.indirect_vreg.gather [hbm4b:s5+s2], $0x80, v2, vm0, $0x38;
	[tilespmem:$0x12080] =	vst v63  }
0x2b3: {  	v2 =	vld [tilespmem:$0xF70];
	_ =	sdelay $0x4  }
0x2b4: {  	v2 =	vshll.u32 v2, $0xB  }
0x2b5: {  	v2 =	vperm.xlane v2, v1;
	_ =	sdelay $0x4  }
0x2b6: {  	s31 =	simm.s32 $0xD880  }
0x2b7: {  	[tilespmem:s31], [sflag:$0x2] =	stream.indirect_vreg.gather [hbm4b:s5+s2], $0x80, v2, vm0, $0x38;
	[tilespmem:$0x12080] =	vst v63  }
0x2b8: {  	v2 =	vld [tilespmem:$0xF80];
	_ =	sdelay $0x4  }
0x2b9: {  	v2 =	vshll.u32 v2, $0xB  }
0x2ba: {  	v2 =	vperm.xlane v2, v1;
	_ =	sdelay $0x4  }
0x2bb: {  	s16 =	simm.s32 $0xE080  }
0x2bc: {  	[tilespmem:s16], [sflag:$0x2] =	stream.indirect_vreg.gather [hbm4b:s5+s2], $0x80, v2, vm0, $0x38;
	[tilespmem:$0x12080] =	vst v63  }
0x2bd: {  	v2 =	vld [tilespmem:$0xF90];
	_ =	sdelay $0x4  }
0x2be: {  	v2 =	vshll.u32 v2, $0xB  }
0x2bf: {  	v2 =	vperm.xlane v2, v1;
	_ =	sdelay $0x4  }
0x2c0: {  	s17 =	simm.s32 $0xE880  }
0x2c1: {  	[tilespmem:s17], [sflag:$0x2] =	stream.indirect_vreg.gather [hbm4b:s5+s2], $0x80, v2, vm0, $0x38;
	[tilespmem:$0x12080] =	vst v63  }
0x2c2: {  	v2 =	vld [tilespmem:$0xFA0];
	_ =	sdelay $0x4  }
0x2c3: {  	v2 =	vshll.u32 v2, $0xB  }
0x2c4: {  	v2 =	vperm.xlane v2, v1;
	_ =	sdelay $0x4  }
0x2c5: {  	s18 =	simm.s32 $0xF080  }
0x2c6: {  	[tilespmem:s18], [sflag:$0x2] =	stream.indirect_vreg.gather [hbm4b:s5+s2], $0x80, v2, vm0, $0x38;
	[tilespmem:$0x12080] =	vst v63  }
0x2c7: {  	v2 =	vld [tilespmem:$0xFB0];
	_ =	sdelay $0x4  }
0x2c8: {  	v2 =	vshll.u32 v2, $0xB  }
0x2c9: {  	v2 =	vperm.xlane v2, v1;
	_ =	sdelay $0x4  }
0x2ca: {  	s22 =	simm.s32 $0xF880  }
0x2cb: {  	[tilespmem:s22], [sflag:$0x2] =	stream.indirect_vreg.gather [hbm4b:s5+s2], $0x80, v2, vm0, $0x38;
	[tilespmem:$0x12080] =	vst v63  }
0x2cc: {  	v2 =	vld [tilespmem:$0xFC0];
	_ =	sdelay $0x4  }
0x2cd: {  	v2 =	vshll.u32 v2, $0xB  }
0x2ce: {  	v2 =	vperm.xlane v2, v1;
	_ =	sdelay $0x4  }
0x2cf: {  	s23 =	simm.s32 $0x10080  }
0x2d0: {  	[tilespmem:s23], [sflag:$0x2] =	stream.indirect_vreg.gather [hbm4b:s5+s2], $0x80, v2, vm0, $0x38;
	[tilespmem:$0x12080] =	vst v63  }
0x2d1: {  	v2 =	vld [tilespmem:$0xFD0];
	_ =	sdelay $0x4  }
0x2d2: {  	v2 =	vshll.u32 v2, $0xB  }
0x2d3: {  	v2 =	vperm.xlane v2, v1;
	_ =	sdelay $0x4  }
0x2d4: {  	s25 =	simm.s32 $0x10880  }
0x2d5: {  	[tilespmem:s25], [sflag:$0x2] =	stream.indirect_vreg.gather [hbm4b:s5+s2], $0x80, v2, vm0, $0x38;
	[tilespmem:$0x12080] =	vst v63  }
0x2d6: {  	v2 =	vld [tilespmem:$0xFE0];
	_ =	sdelay $0x4  }
0x2d7: {  	v2 =	vshll.u32 v2, $0xB  }
0x2d8: {  	v2 =	vperm.xlane v2, v1;
	_ =	sdelay $0x4  }
0x2d9: {  	s26 =	simm.s32 $0x11080  }
0x2da: {  	[tilespmem:s26], [sflag:$0x2] =	stream.indirect_vreg.gather [hbm4b:s5+s2], $0x80, v2, vm0, $0x38;
	[tilespmem:$0x12080] =	vst v63  }
0x2db: {  	v2 =	vld [tilespmem:$0xFF0];
	_ =	sdelay $0x4  }
0x2dc: {  	v2 =	vshll.u32 v2, $0xB  }
0x2dd: {  	v2 =	vperm.xlane v2, v1;
	_ =	sdelay $0x4  }
0x2de: {  	s28 =	simm.s32 $0x11880  }
0x2df: {  	[tilespmem:s28], [sflag:$0x2] =	stream.indirect_vreg.gather [hbm4b:s5+s2], $0x80, v2, vm0, $0x38;
	[tilespmem:$0x12080] =	vst v63  }
0x2e0: {  	_ =	swait.ge [sflag:s24], $0x8000  }
0x2e1: {  	[sflag:s24] =	ssyncset.done $0x0  }
0x2e2: {  	s29 =	rddreg [dreg:$0xc];
	[sflag:s24] =	ssyncadd.s32 $0xFFFF8000  }
0x2e3: {  	[hbm4b:s29+s2] =	stream.linear.scatter [tilespmem:s10], [sflag:$0x3], $0x8000, $0x38;
	[tilespmem:$0x12080] =	vst v63  }
0x2e4: {  	_ =	swait.ge [sflag:s19], $0x8000  }
0x2e5: {  	[sflag:s19] =	ssyncset.done $0x0  }
0x2e6: {  	[sflag:s19] =	ssyncadd.s32 $0xFFFF8000  }
0x2e7: {  	_ =	swait.ge [sflag:s1], $0x8000  }
0x2e8: {  	[sflag:s1] =	ssyncset.done $0x0  }
0x2e9: {  	s30 =	rddreg [dreg:$0xd];
	[sflag:s1] =	ssyncadd.s32 $0xFFFF8000  }
0x2ea: {  	[hbm4b:s30+s2] =	stream.linear.scatter [tilespmem:s3], [sflag:$0x3], $0x8000, $0x38;
	[tilespmem:$0x12080] =	vst v63  }
0x2eb: {  	_ =	swait.ge [sflag:s19], $0x8000  }
0x2ec: {  	s0 =	sadd.s32 $0x1, s0;
	s31 =	rddreg [dreg:$0xe]  }
0x2ed: {  	p0 =	sne.s32 s0, s31  }
.Ltmp2:
0x2ee: {  	_ = 	snop;
	(pc) =	sbr.rel @p0 .LBB2_1-.Ltmp2, $3  }
0x2ef: {  	_ =	sdelay $0x1  }
0x2f0: {  	[sflag:s19] =	ssyncset.done $0x0  }
0x2f1: {  	[sflag:s19] =	ssyncadd.s32 $0xFFFF8000  }
0x2f2: {  	_ =	sfence.sel $0x180000  }
0x2f3: {  	[bflag:$0x0] =	sbarrier.arrive $0xFFFF  }
0x2f4: {  	_ =	strace $0x90000047  }
0x2f5: {  	s0 =	stileid.u32;
	[bflag:$0x2] =	sbarrier.arrive $0xFFFF  }
0x2f6: {  	p0 =	sne.s32 s0, $0x0;
	s0 =	rddreg [dreg:$0x2]  }
0x2f7: {  	s0 =	sadd.s32 @!p0 $0x100000, s0  }
0x2f8: {  	[sflag:s0] =	ssyncadd.tile.s32 @!p0 $0x1;
	_ =	shalt  }
.Lfunc_end2:
_tile_overlayer_lowered:
.L_overlay_start_2:
0x2f9: {  	(tag) =	ssettag $0x2  }
0x2fa: {  	s0 =	rddreg [dreg:$0x0];
	s2 =	stileid.u32  }
0x2fb: {  	s1 =	rddreg [dreg:$0x1];
	p0 =	sne.s32 s2, $0x0  }
0x2fc: {  	s3 =	rddreg [dreg:$0x2];
	[bflag:$0x3] =	sbarrier.arrive $0xFFFF;
	s2 =	simm.s32 @!p0 $0x1C03  }
0x2fd: {  	[timem:s3], [sflag:s2] =	dma.local @!p0 [hbm:s0], s1  }
0x2fe: {  	s0 =	simm.s32 @!p0 $0x3  }
0x2ff: {  	_ =	swait.ge @!p0 [sflag:s0], s1  }
0x300: {  	s1 =	ssub.s32 @!p0 $0x0, s1;
	[sflag:s0] =	ssyncset.done @!p0 $0x0  }
0x301: {  	[sflag:s0] =	ssyncadd.s32 @!p0 s1  }
0x302: {  	[bflag:$0x3] =	sbarrier.arrive $0xFFFF  }
0x303: {  	_ =	shalt  }

</sc_bundles>
